<compile_context>
chip_gen: v7x
topology: tpu7x:2x2x1
jax: 0.10.2.dev20260603
libtpu: 0.0.44.dev20260713+nightly
codegen_flags: <defaults>
</compile_context>

<pallas_src>
import functools

import jax
import jax.numpy as jnp
from jax import lax
from jax.experimental import pallas as pl
from jax.experimental.pallas import tpu as pltpu
from jax.experimental.pallas import tpu_sc as plsc

N = 10000
E = 160000
D = 256
H = 128
NC, NS = 2, 16
KC = 128
EPAD = 163840
CPT = EPAD // (NS * KC)
NB = 2
NQ = 4
KCC = 128
CPT2 = EPAD // (NC * NS * KCC)
NPAD = 16
RPT = 640
LAST = N - (NS - 1) * RPT
ZR = 40

_f32 = jnp.float32
_mesh = plsc.VectorSubcoreMesh(core_axis_name="c", subcore_axis_name="s")
_cp = pltpu.CompilerParams(use_tc_tiling_on_sc=True)


@functools.partial(
    pl.kernel, mesh=_mesh, compiler_params=_cp,
    out_type=jax.ShapeDtypeStruct((NC, N, H), _f32),
    scratch_types=(
        [pltpu.VMEM((KC,), jnp.int32)] * NQ
        + [pltpu.VMEM((KC,), jnp.int32)] * NQ
        + [pltpu.VMEM((KC, H), _f32)] * NB
        + [
            pltpu.VMEM((ZR, H), _f32),
            pltpu.VMEM_SHARED((N + NPAD, H), _f32),
        ]
        + [pltpu.SemaphoreType.DMA] * NQ
        + [pltpu.SemaphoreType.DMA] * NB
        + [pltpu.SemaphoreType.DMA] * NB
    ))
def _agg(table_hbm, src_hbm, dst_hbm, out_hbm, *rest):
  srcb = rest[0:NQ]
  dstb = rest[NQ:2 * NQ]
  rows = rest[2 * NQ:2 * NQ + NB]
  zrows = rest[2 * NQ + NB]
  acc = rest[2 * NQ + NB + 1]
  isem = rest[2 * NQ + NB + 2:2 * NQ + NB + 2 + NQ]
  gsem = rest[2 * NQ + NB + 2 + NQ:2 * NQ + NB + 2 + NQ + NB]
  ssem = rest[2 * NQ + NB + 2 + NQ + NB:]
  cid = lax.axis_index("c")
  sid = lax.axis_index("s")
  z16 = jnp.zeros((1, 16), _f32)

  @pl.loop(0, ZR)
  def _(r):
    @pl.loop(0, H // 16)
    def _(c):
      zrows.at[pl.ds(r, 1), pl.ds(c * 16, 16)][...] = z16

  row0 = sid * RPT

  @pl.when(sid < NS - 1)
  def _():
    for j in range(RPT // ZR):
      pltpu.sync_copy(zrows, acc.at[pl.ds(row0 + j * ZR, ZR)])

  @pl.when(sid == NS - 1)
  def _():
    for j in range(LAST // ZR):
      pltpu.sync_copy(zrows, acc.at[pl.ds(row0 + j * ZR, ZR)])
    pltpu.sync_copy(zrows.at[pl.ds(0, NPAD)], acc.at[pl.ds(N, NPAD)])

  plsc.subcore_barrier()

  table = table_hbm
  src_c = src_hbm.at[cid]
  e0 = sid * CPT * KC

  def idx_fetch(i, q):
    pltpu.async_copy(src_c.at[pl.ds(e0 + i * KC, KC)], srcb[q], isem[q])
    pltpu.async_copy(dst_hbm.at[pl.ds(e0 + i * KC, KC)], dstb[q], isem[q])

  def idx_wait(q):
    pltpu.make_async_copy(src_c.at[pl.ds(e0, KC)], srcb[q], isem[q]).wait()
    pltpu.make_async_copy(dst_hbm.at[pl.ds(e0, KC)], dstb[q], isem[q]).wait()

  def gather_issue(i, q, b):
    pltpu.async_copy(table.at[srcb[q]], rows[b], gsem[b])

  def gather_wait(b):
    pltpu.make_async_copy(table.at[srcb[0]], rows[b], gsem[b]).wait()

  def scat_issue(q, b):
    pltpu.async_copy(rows[b], acc.at[dstb[q]], add=True, sem=ssem[b])

  def scat_wait(b):
    pltpu.make_async_copy(rows[b], acc.at[dstb[0]], ssem[b]).wait()

  idx_fetch(0, 0)
  idx_fetch(1, 1)

  @pl.loop(0, CPT // NQ)
  def _(t):
    for k in range(NQ):
      j = t * NQ + k
      b, q, f = k % NB, k, (k + 2) % NQ

      @pl.when(j >= NB)
      def _():
        scat_wait(b)

      @pl.when(j + 2 < CPT)
      def _():
        idx_fetch(j + 2, f)

      idx_wait(q)
      gather_issue(j, q, b)

      bp, qp = (k - 1) % NB, (k - 1) % NQ

      @pl.when(j >= 1)
      def _():
        gather_wait(bp)
        scat_issue(qp, bp)

  gather_wait((CPT - 1) % NB)
  scat_issue((CPT - 1) % NQ, (CPT - 1) % NB)
  for b in range(NB):
    scat_wait(b)

  plsc.subcore_barrier()

  @pl.when(sid < NS - 1)
  def _():
    pltpu.sync_copy(acc.at[pl.ds(row0, RPT)],
                    out_hbm.at[cid].at[pl.ds(row0, RPT)])

  @pl.when(sid == NS - 1)
  def _():
    pltpu.sync_copy(acc.at[pl.ds(row0, LAST)],
                    out_hbm.at[cid].at[pl.ds(row0, LAST)])


NQ2 = 8


@functools.partial(
    pl.kernel, mesh=_mesh, compiler_params=_cp,
    out_type=jax.ShapeDtypeStruct((NC, N, H), _f32),
    scratch_types=(
        [pltpu.VMEM((KCC,), jnp.int32)] * NQ2
        + [
            pltpu.VMEM((KCC, H), _f32),
            pltpu.VMEM((ZR, H), _f32),
            pltpu.VMEM_SHARED((N + NPAD, H), _f32),
        ]
        + [pltpu.SemaphoreType.DMA] * NQ2
        + [pltpu.SemaphoreType.DMA] * NQ2
    ))
def _count(dst_hbm, out_hbm, *rest):
  dstb = rest[0:NQ2]
  oneb = rest[NQ2]
  zrows = rest[NQ2 + 1]
  cntacc = rest[NQ2 + 2]
  isem = rest[NQ2 + 3:NQ2 + 3 + NQ2]
  ssem = rest[NQ2 + 3 + NQ2:]
  cid = lax.axis_index("c")
  sid = lax.axis_index("s")
  z16 = jnp.zeros((1, 16), _f32)
  one16 = jnp.ones((1, 16), _f32)

  @pl.loop(0, ZR)
  def _(r):
    @pl.loop(0, H // 16)
    def _(c):
      zrows.at[pl.ds(r, 1), pl.ds(c * 16, 16)][...] = z16

  @pl.loop(0, KCC)
  def _(r):
    @pl.loop(0, H // 16)
    def _(c):
      oneb.at[pl.ds(r, 1), pl.ds(c * 16, 16)][...] = one16

  row0 = sid * RPT

  @pl.when(sid < NS - 1)
  def _():
    for j in range(RPT // ZR):
      pltpu.sync_copy(zrows, cntacc.at[pl.ds(row0 + j * ZR, ZR)])

  @pl.when(sid == NS - 1)
  def _():
    for j in range(LAST // ZR):
      pltpu.sync_copy(zrows, cntacc.at[pl.ds(row0 + j * ZR, ZR)])
    pltpu.sync_copy(zrows.at[pl.ds(0, NPAD)], cntacc.at[pl.ds(N, NPAD)])

  plsc.subcore_barrier()

  e0 = (cid * NS + sid) * CPT2 * KCC

  def idx_fetch(i, q):
    pltpu.async_copy(dst_hbm.at[pl.ds(e0 + i * KCC, KCC)], dstb[q], isem[q])

  def idx_wait(q):
    pltpu.make_async_copy(dst_hbm.at[pl.ds(e0, KCC)], dstb[q], isem[q]).wait()

  def scat_issue(q):
    pltpu.async_copy(oneb, cntacc.at[dstb[q]], add=True, sem=ssem[q])

  def scat_wait(q):
    pltpu.make_async_copy(oneb, cntacc.at[dstb[0]], ssem[q]).wait()

  idx_fetch(0, 0)
  idx_fetch(1, 1)

  @pl.loop(0, CPT2 // NQ2)
  def _(t):
    for k in range(NQ2):
      i = t * NQ2 + k
      q, f = k, (k + 2) % NQ2

      @pl.when(i >= 6)
      def _():
        scat_wait(f)

      @pl.when(i + 2 < CPT2)
      def _():
        idx_fetch(i + 2, f)

      idx_wait(q)
      scat_issue(q)

  for x in range(CPT2 - 6, CPT2):
    scat_wait(x % NQ2)

  plsc.subcore_barrier()

  @pl.when(sid < NS - 1)
  def _():
    pltpu.sync_copy(cntacc.at[pl.ds(row0, RPT)],
                    out_hbm.at[cid].at[pl.ds(row0, RPT)])

  @pl.when(sid == NS - 1)
  def _():
    pltpu.sync_copy(cntacc.at[pl.ds(row0, LAST)],
                    out_hbm.at[cid].at[pl.ds(row0, LAST)])


R = 1000
_CT = (((1,), (1,)), ((), ()))


def _dense_body(agg_ref, cnt_ref, xmat, wl_ref, wr_ref, b_ref):
  cnt = cnt_ref[0][:, 0:1] + cnt_ref[1][:, 0:1]
  inv = 1.0 / jnp.maximum(cnt, 1.0)
  wl = wl_ref[...]
  z = lax.dot_general(agg_ref[0] * inv, wl[:, :H], _CT,
                      preferred_element_type=_f32)
  z += lax.dot_general(agg_ref[1] * inv, wl[:, H:], _CT,
                       preferred_element_type=_f32)
  z += lax.dot_general(xmat, wr_ref[...], _CT, preferred_element_type=_f32)
  return z + b_ref[...]


def _dense1_kernel(agg_ref, cnt_ref, x_ref, wl_ref, wr_ref, b_ref, out_ref):
  h = jnp.maximum(
      _dense_body(agg_ref, cnt_ref, x_ref[...], wl_ref, wr_ref, b_ref), 0.0)
  out_ref[...] = jnp.reshape(h, (2 * R, H))


def _dense2_kernel(agg_ref, cnt_ref, x_ref, wl_ref, wr_ref, b_ref, out_ref):
  xmat = jnp.reshape(x_ref[...], (R, D))
  z = _dense_body(agg_ref, cnt_ref, xmat, wl_ref, wr_ref, b_ref)
  nrm = jnp.sqrt(jnp.sum(z * z, axis=1, keepdims=True))
  out_ref[...] = z / jnp.maximum(nrm, 1e-12)


_split_spec = pl.BlockSpec((2, R, H), lambda i: (0, i, 0))
_cnt_spec = pl.BlockSpec((2, R, 8), lambda i: (0, i, 0))
_row_spec = pl.BlockSpec((R, D), lambda i: (i, 0))
_pair_spec = pl.BlockSpec((2 * R, H), lambda i: (i, 0))
_w_spec = pl.BlockSpec((D, D), lambda i: (0, 0))
_b_spec = pl.BlockSpec((1, D), lambda i: (0, 0))

_dense1 = pl.pallas_call(
    _dense1_kernel,
    grid=(N // R,),
    in_specs=[_split_spec, _cnt_spec, _row_spec, _w_spec, _w_spec, _b_spec],
    out_specs=_pair_spec,
    out_shape=jax.ShapeDtypeStruct((2 * N, H), _f32),
)

_dense2 = pl.pallas_call(
    _dense2_kernel,
    grid=(N // R,),
    in_specs=[_split_spec, _cnt_spec, _pair_spec, _w_spec, _w_spec, _b_spec],
    out_specs=_row_spec,
    out_shape=jax.ShapeDtypeStruct((N, D), _f32),
)


def kernel(x, edge_index, W1_l, b1, W1_r, W2_l, b2, W2_r):
  src = edge_index[0]
  dst = edge_index[1]
  pad = jnp.arange(EPAD - E, dtype=jnp.int32)
  srcp = jnp.concatenate([src, pad % N])
  dstp = jnp.concatenate([dst, N + (pad % NPAD)])
  src2 = jnp.stack([2 * srcp, 2 * srcp + 1])
  b1r = b1.reshape(1, D)
  b2r = b2.reshape(1, D)
  cnt = _count(dstp)
  cnt8 = cnt[:, :, :8]
  xv = x.reshape(2 * N, H)
  dstp_dep = dstp + (0.0 * cnt[0, 0, 0]).astype(jnp.int32)
  agg1 = _agg(xv, src2, dstp_dep)
  h1v = _dense1(agg1, cnt8, x, W1_l, W1_r, b1r)
  agg2 = _agg(h1v, src2, dstp)
  return _dense2(agg2, cnt8, h1v, W2_l, W2_r, b2r)

# --- scband reference (transcript-rebuilt; emitter-appended) ---
"""Pipeline reference for scband-graph-sage-47571057770996 (READ-ONLY COPY).

The authoritative reference and input builder live on the scoring server;
editing this copy changes nothing except your own understanding.
"""

import jax, jax.numpy as jnp
import numpy as np

N, E, D_IN, D_HID, D_OUT = 10000, 160000, 256, 256, 256

def setup_inputs(seed: int = 0) -> dict:
    key = jax.random.key(seed)
    ks = jax.random.split(key, 10)
    x = jax.random.normal(ks[0], (N, D_IN), dtype=jnp.float32)
    edge_index = jax.random.randint(ks[1], (2, E), 0, N, dtype=jnp.int32)
    s1 = 1.0 / np.sqrt(D_IN)
    s2 = 1.0 / np.sqrt(D_HID)
    W1_l = jax.random.normal(ks[2], (D_HID, D_IN), dtype=jnp.float32) * s1
    W1_r = jax.random.normal(ks[3], (D_HID, D_IN), dtype=jnp.float32) * s1
    b1 = jnp.zeros((D_HID,), dtype=jnp.float32)
    W2_l = jax.random.normal(ks[4], (D_OUT, D_HID), dtype=jnp.float32) * s2
    W2_r = jax.random.normal(ks[5], (D_OUT, D_HID), dtype=jnp.float32) * s2
    b2 = jnp.zeros((D_OUT,), dtype=jnp.float32)
    return {"x": x, "edge_index": edge_index, "W1_l": W1_l, "b1": b1, "W1_r": W1_r, "W2_l": W2_l, "b2": b2, "W2_r": W2_r}

def _sage_conv(h, src, dst, n_nodes, W_l, b_l, W_r):
    # mean aggregation of neighbor (src) features at dst nodes
    msgs = jnp.take(h, src, axis=0)
    agg = jax.ops.segment_sum(msgs, dst, num_segments=n_nodes)
    cnt = jax.ops.segment_sum(jnp.ones((src.shape[0], 1), h.dtype), dst, num_segments=n_nodes)
    mean = agg / jnp.maximum(cnt, 1.0)
    # lin_l on aggregated neighbors (with bias) + lin_r on root (no bias), PyG SAGEConv convention
    return mean @ W_l.T + b_l + h @ W_r.T

def reference(x, edge_index, W1_l, b1, W1_r, W2_l, b2, W2_r):
    src = edge_index[0]
    dst = edge_index[1]
    n_nodes = x.shape[0]
    h = _sage_conv(x, src, dst, n_nodes, W1_l, b1, W1_r)
    h = jax.nn.relu(h)
    # dropout is identity in eval mode
    h = _sage_conv(h, src, dst, n_nodes, W2_l, b2, W2_r)
    norm = jnp.linalg.norm(h, ord=2, axis=1, keepdims=True)
    return h / jnp.maximum(norm, 1e-12)

if __name__ == "__main__":
    import jax
    _d = setup_inputs()
    print(jax.jit(kernel)(*tuple(_d.values())))

</pallas_src>

<mosaic_0001>
#map = affine_map<(d0, d1) -> (0)>
#map1 = affine_map<(d0, d1) -> (0, 0, 0)>
module attributes {stable_mosaic.version = 14 : i64} {
  func.func @_count(%arg0: i32, %arg1: i32, %arg2: memref<163840xi32, #tpu.memory_space<hbm>>, %arg3: memref<2x10000x128xf32, #tpu.memory_space<hbm>>, %arg4: memref<128xi32, #tpu.memory_space<vmem>>, %arg5: memref<128xi32, #tpu.memory_space<vmem>>, %arg6: memref<128xi32, #tpu.memory_space<vmem>>, %arg7: memref<128xi32, #tpu.memory_space<vmem>>, %arg8: memref<128xi32, #tpu.memory_space<vmem>>, %arg9: memref<128xi32, #tpu.memory_space<vmem>>, %arg10: memref<128xi32, #tpu.memory_space<vmem>>, %arg11: memref<128xi32, #tpu.memory_space<vmem>>, %arg12: memref<128x128xf32, #tpu.memory_space<vmem>>, %arg13: memref<40x128xf32, #tpu.memory_space<vmem>>, %arg14: memref<10016x128xf32, #tpu.memory_space<vmem_shared>>, %arg15: memref<!tpu.dma_semaphore, #tpu.memory_space<semaphore_mem>>, %arg16: memref<!tpu.dma_semaphore, #tpu.memory_space<semaphore_mem>>, %arg17: memref<!tpu.dma_semaphore, #tpu.memory_space<semaphore_mem>>, %arg18: memref<!tpu.dma_semaphore, #tpu.memory_space<semaphore_mem>>, %arg19: memref<!tpu.dma_semaphore, #tpu.memory_space<semaphore_mem>>, %arg20: memref<!tpu.dma_semaphore, #tpu.memory_space<semaphore_mem>>, %arg21: memref<!tpu.dma_semaphore, #tpu.memory_space<semaphore_mem>>, %arg22: memref<!tpu.dma_semaphore, #tpu.memory_space<semaphore_mem>>, %arg23: memref<!tpu.dma_semaphore, #tpu.memory_space<semaphore_mem>>, %arg24: memref<!tpu.dma_semaphore, #tpu.memory_space<semaphore_mem>>, %arg25: memref<!tpu.dma_semaphore, #tpu.memory_space<semaphore_mem>>, %arg26: memref<!tpu.dma_semaphore, #tpu.memory_space<semaphore_mem>>, %arg27: memref<!tpu.dma_semaphore, #tpu.memory_space<semaphore_mem>>, %arg28: memref<!tpu.dma_semaphore, #tpu.memory_space<semaphore_mem>>, %arg29: memref<!tpu.dma_semaphore, #tpu.memory_space<semaphore_mem>>, %arg30: memref<!tpu.dma_semaphore, #tpu.memory_space<semaphore_mem>>) attributes {dimension_semantics = [#tpu.dimension_semantics<core_parallel>, #tpu.dimension_semantics<subcore_parallel>], iteration_bounds = array<i64: 2, 16>, scalar_prefetch = 0 : i64, scratch_operands = 27 : i64, tpu.core_type = #tpu.core_type<sc_vector_subcore>, window_params = [{transform_indices = #map}, {transform_indices = #map1}]} {
    %broadcast_in_dim3A = arith.constant 0.000000e+00 : f32
    %broadcast_in_dim3A_0 = vector.broadcast %broadcast_in_dim3A : f32 to vector<1x16xf32>
    %broadcast_in_dim3A_1 = arith.constant 1.000000e+00 : f32
    %broadcast_in_dim3A_2 = vector.broadcast %broadcast_in_dim3A_1 : f32 to vector<1x16xf32>
    %scan3A = arith.constant 0 : i32
    %scan3A_3 = arith.constant 40 : i32
    %scan3A_4 = arith.addi %scan3A, %scan3A_3 : i32
    %scan3A_5 = arith.constant 1 : i32
    scf.for %scan3A_65 = %scan3A to %scan3A_4 step %scan3A_5  : i32 {
      %mul3A_66 = arith.constant 1 : i32
      %mul3A_67 = arith.muli %scan3A_65, %mul3A_66 : i32
      %add3A_68 = arith.constant 0 : i32
      %add3A_69 = arith.addi %add3A_68, %mul3A_67 : i32
      %scan3A_70 = arith.constant 0 : i32
      %scan3A_71 = arith.constant 8 : i32
      %scan3A_72 = arith.addi %scan3A_70, %scan3A_71 : i32
      %scan3A_73 = arith.constant 1 : i32
      scf.for %scan3A_75 = %scan3A_70 to %scan3A_72 step %scan3A_73  : i32 {
        %mul3A_76 = arith.constant 1 : i32
        %mul3A_77 = arith.muli %scan3A_75, %mul3A_76 : i32
        %add3A_78 = arith.constant 0 : i32
        %add3A_79 = arith.addi %add3A_78, %mul3A_77 : i32
        %mul3A_80 = arith.constant 16 : i32
        %mul3A_81 = arith.muli %add3A_79, %mul3A_80 : i32
        %swap3A = arith.index_cast %add3A_69 : i32 to index
        %swap3A_82 = arith.index_cast %mul3A_81 : i32 to index
        %swap3A_83 = tpu.vector_load %arg13[%swap3A, %swap3A_82] {strides = array<i32>} : memref<40x128xf32, #tpu.memory_space<vmem>>, vector<1x16xf32>,
        %swap3A_84 = vector.shape_cast %swap3A_83 : vector<1x16xf32> to vector<1x16xf32>
        %swap3A_85 = vector.shape_cast %broadcast_in_dim3A_0 : vector<1x16xf32> to vector<1x16xf32>
        tpu.vector_store %arg13[%swap3A, %swap3A_82], %swap3A_85 {strides = array<i32>} : memref<40x128xf32, #tpu.memory_space<vmem>>, vector<1x16xf32>,
      }
      %scan3A_74 = arith.constant 8 : i32
    }
    %scan3A_6 = arith.constant 40 : i32
    %scan3A_7 = arith.constant 0 : i32
    %scan3A_8 = arith.constant 128 : i32
    %scan3A_9 = arith.addi %scan3A_7, %scan3A_8 : i32
    %scan3A_10 = arith.constant 1 : i32
    scf.for %scan3A_65 = %scan3A_7 to %scan3A_9 step %scan3A_10  : i32 {
      %mul3A_66 = arith.constant 1 : i32
      %mul3A_67 = arith.muli %scan3A_65, %mul3A_66 : i32
      %add3A_68 = arith.constant 0 : i32
      %add3A_69 = arith.addi %add3A_68, %mul3A_67 : i32
      %scan3A_70 = arith.constant 0 : i32
      %scan3A_71 = arith.constant 8 : i32
      %scan3A_72 = arith.addi %scan3A_70, %scan3A_71 : i32
      %scan3A_73 = arith.constant 1 : i32
      scf.for %scan3A_75 = %scan3A_70 to %scan3A_72 step %scan3A_73  : i32 {
        %mul3A_76 = arith.constant 1 : i32
        %mul3A_77 = arith.muli %scan3A_75, %mul3A_76 : i32
        %add3A_78 = arith.constant 0 : i32
        %add3A_79 = arith.addi %add3A_78, %mul3A_77 : i32
        %mul3A_80 = arith.constant 16 : i32
        %mul3A_81 = arith.muli %add3A_79, %mul3A_80 : i32
        %swap3A = arith.index_cast %add3A_69 : i32 to index
        %swap3A_82 = arith.index_cast %mul3A_81 : i32 to index
        %swap3A_83 = tpu.vector_load %arg12[%swap3A, %swap3A_82] {strides = array<i32>} : memref<128x128xf32, #tpu.memory_space<vmem>>, vector<1x16xf32>,
        %swap3A_84 = vector.shape_cast %swap3A_83 : vector<1x16xf32> to vector<1x16xf32>
        %swap3A_85 = vector.shape_cast %broadcast_in_dim3A_2 : vector<1x16xf32> to vector<1x16xf32>
        tpu.vector_store %arg12[%swap3A, %swap3A_82], %swap3A_85 {strides = array<i32>} : memref<128x128xf32, #tpu.memory_space<vmem>>, vector<1x16xf32>,
      }
      %scan3A_74 = arith.constant 8 : i32
    }
    %scan3A_11 = arith.constant 128 : i32
    %mul3A = arith.constant 640 : i32
    %mul3A_12 = arith.muli %arg1, %mul3A : i32
    %lt3A = arith.constant 15 : i32
    %lt3A_13 = arith.cmpi slt, %arg1, %lt3A : i32
    %convert_element_type3A = arith.extui %lt3A_13 : i1 to i32
    %cond3A = arith.constant 0 : i32
    %cond3A_14 = arith.cmpi ne, %convert_element_type3A, %cond3A : i32
    scf.if %cond3A_14 {
      %add3A_65 = arith.constant 0 : i32
      %add3A_66 = arith.addi %mul3A_12, %add3A_65 : i32
      "tpu.region"() ({
        %run_scoped3A = tpu.sem_alloc : memref<!tpu.dma_semaphore, #tpu.memory_space<semaphore_mem>>
        %dma_start3A_97 = arith.constant 0 : i32
        %dma_start3A_98 = tpu.memref_slice %arg14[%add3A_66, %dma_start3A_97] : memref<10016x128xf32, #tpu.memory_space<vmem_shared>> -> memref<40x128xf32, #tpu.memory_space<vmem_shared>>
        %dma_start3A_99 = arith.constant 0 : i32
        %dma_start3A_100 = tpu.memref_slice %arg14[%add3A_66, %dma_start3A_99] : memref<10016x128xf32, #tpu.memory_space<vmem_shared>> -> memref<40x128xf32, #tpu.memory_space<vmem_shared>>
        tpu.enqueue_dma source(%arg13 : memref<40x128xf32, #tpu.memory_space<vmem>>) target(%dma_start3A_100 : memref<40x128xf32, #tpu.memory_space<vmem_shared>>) target_semaphore(%run_scoped3A : memref<!tpu.dma_semaphore, #tpu.memory_space<semaphore_mem>>)
        %dma_wait3A_101 = arith.constant 0 : i32
        %dma_wait3A_102 = tpu.memref_slice %arg14[%add3A_66, %dma_wait3A_101] : memref<10016x128xf32, #tpu.memory_space<vmem_shared>> -> memref<40x128xf32, #tpu.memory_space<vmem_shared>>
        %dma_wait3A_103 = arith.constant 0 : i32
        %dma_wait3A_104 = tpu.memref_slice %arg14[%add3A_66, %dma_wait3A_103] : memref<10016x128xf32, #tpu.memory_space<vmem_shared>> -> memref<40x128xf32, #tpu.memory_space<vmem_shared>>
        tpu.wait_dma2 semaphore(%run_scoped3A : memref<!tpu.dma_semaphore, #tpu.memory_space<semaphore_mem>>) src(%arg13 : memref<40x128xf32, #tpu.memory_space<vmem>>) dst(%dma_wait3A_104 : memref<40x128xf32, #tpu.memory_space<vmem_shared>>)
        tpu.yield
      }) : () -> ()
      %add3A_67 = arith.constant 40 : i32
      %add3A_68 = arith.addi %mul3A_12, %add3A_67 : i32
      "tpu.region"() ({
        %run_scoped3A = tpu.sem_alloc : memref<!tpu.dma_semaphore, #tpu.memory_space<semaphore_mem>>
        %dma_start3A_97 = arith.constant 0 : i32
        %dma_start3A_98 = tpu.memref_slice %arg14[%add3A_68, %dma_start3A_97] : memref<10016x128xf32, #tpu.memory_space<vmem_shared>> -> memref<40x128xf32, #tpu.memory_space<vmem_shared>>
        %dma_start3A_99 = arith.constant 0 : i32
        %dma_start3A_100 = tpu.memref_slice %arg14[%add3A_68, %dma_start3A_99] : memref<10016x128xf32, #tpu.memory_space<vmem_shared>> -> memref<40x128xf32, #tpu.memory_space<vmem_shared>>
        tpu.enqueue_dma source(%arg13 : memref<40x128xf32, #tpu.memory_space<vmem>>) target(%dma_start3A_100 : memref<40x128xf32, #tpu.memory_space<vmem_shared>>) target_semaphore(%run_scoped3A : memref<!tpu.dma_semaphore, #tpu.memory_space<semaphore_mem>>)
        %dma_wait3A_101 = arith.constant 0 : i32
        %dma_wait3A_102 = tpu.memref_slice %arg14[%add3A_68, %dma_wait3A_101] : memref<10016x128xf32, #tpu.memory_space<vmem_shared>> -> memref<40x128xf32, #tpu.memory_space<vmem_shared>>
        %dma_wait3A_103 = arith.constant 0 : i32
        %dma_wait3A_104 = tpu.memref_slice %arg14[%add3A_68, %dma_wait3A_103] : memref<10016x128xf32, #tpu.memory_space<vmem_shared>> -> memref<40x128xf32, #tpu.memory_space<vmem_shared>>
        tpu.wait_dma2 semaphore(%run_scoped3A : memref<!tpu.dma_semaphore, #tpu.memory_space<semaphore_mem>>) src(%arg13 : memref<40x128xf32, #tpu.memory_space<vmem>>) dst(%dma_wait3A_104 : memref<40x128xf32, #tpu.memory_space<vmem_shared>>)
        tpu.yield
      }) : () -> ()
      %add3A_69 = arith.constant 80 : i32
      %add3A_70 = arith.addi %mul3A_12, %add3A_69 : i32
      "tpu.region"() ({
        %run_scoped3A = tpu.sem_alloc : memref<!tpu.dma_semaphore, #tpu.memory_space<semaphore_mem>>
        %dma_start3A_97 = arith.constant 0 : i32
        %dma_start3A_98 = tpu.memref_slice %arg14[%add3A_70, %dma_start3A_97] : memref<10016x128xf32, #tpu.memory_space<vmem_shared>> -> memref<40x128xf32, #tpu.memory_space<vmem_shared>>
        %dma_start3A_99 = arith.constant 0 : i32
        %dma_start3A_100 = tpu.memref_slice %arg14[%add3A_70, %dma_start3A_99] : memref<10016x128xf32, #tpu.memory_space<vmem_shared>> -> memref<40x128xf32, #tpu.memory_space<vmem_shared>>
        tpu.enqueue_dma source(%arg13 : memref<40x128xf32, #tpu.memory_space<vmem>>) target(%dma_start3A_100 : memref<40x128xf32, #tpu.memory_space<vmem_shared>>) target_semaphore(%run_scoped3A : memref<!tpu.dma_semaphore, #tpu.memory_space<semaphore_mem>>)
        %dma_wait3A_101 = arith.constant 0 : i32
        %dma_wait3A_102 = tpu.memref_slice %arg14[%add3A_70, %dma_wait3A_101] : memref<10016x128xf32, #tpu.memory_space<vmem_shared>> -> memref<40x128xf32, #tpu.memory_space<vmem_shared>>
        %dma_wait3A_103 = arith.constant 0 : i32
        %dma_wait3A_104 = tpu.memref_slice %arg14[%add3A_70, %dma_wait3A_103] : memref<10016x128xf32, #tpu.memory_space<vmem_shared>> -> memref<40x128xf32, #tpu.memory_space<vmem_shared>>
        tpu.wait_dma2 semaphore(%run_scoped3A : memref<!tpu.dma_semaphore, #tpu.memory_space<semaphore_mem>>) src(%arg13 : memref<40x128xf32, #tpu.memory_space<vmem>>) dst(%dma_wait3A_104 : memref<40x128xf32, #tpu.memory_space<vmem_shared>>)
        tpu.yield
      }) : () -> ()
      %add3A_71 = arith.constant 120 : i32
      %add3A_72 = arith.addi %mul3A_12, %add3A_71 : i32
      "tpu.region"() ({
        %run_scoped3A = tpu.sem_alloc : memref<!tpu.dma_semaphore, #tpu.memory_space<semaphore_mem>>
        %dma_start3A_97 = arith.constant 0 : i32
        %dma_start3A_98 = tpu.memref_slice %arg14[%add3A_72, %dma_start3A_97] : memref<10016x128xf32, #tpu.memory_space<vmem_shared>> -> memref<40x128xf32, #tpu.memory_space<vmem_shared>>
        %dma_start3A_99 = arith.constant 0 : i32
        %dma_start3A_100 = tpu.memref_slice %arg14[%add3A_72, %dma_start3A_99] : memref<10016x128xf32, #tpu.memory_space<vmem_shared>> -> memref<40x128xf32, #tpu.memory_space<vmem_shared>>
        tpu.enqueue_dma source(%arg13 : memref<40x128xf32, #tpu.memory_space<vmem>>) target(%dma_start3A_100 : memref<40x128xf32, #tpu.memory_space<vmem_shared>>) target_semaphore(%run_scoped3A : memref<!tpu.dma_semaphore, #tpu.memory_space<semaphore_mem>>)
        %dma_wait3A_101 = arith.constant 0 : i32
        %dma_wait3A_102 = tpu.memref_slice %arg14[%add3A_72, %dma_wait3A_101] : memref<10016x128xf32, #tpu.memory_space<vmem_shared>> -> memref<40x128xf32, #tpu.memory_space<vmem_shared>>
        %dma_wait3A_103 = arith.constant 0 : i32
        %dma_wait3A_104 = tpu.memref_slice %arg14[%add3A_72, %dma_wait3A_103] : memref<10016x128xf32, #tpu.memory_space<vmem_shared>> -> memref<40x128xf32, #tpu.memory_space<vmem_shared>>
        tpu.wait_dma2 semaphore(%run_scoped3A : memref<!tpu.dma_semaphore, #tpu.memory_space<semaphore_mem>>) src(%arg13 : memref<40x128xf32, #tpu.memory_space<vmem>>) dst(%dma_wait3A_104 : memref<40x128xf32, #tpu.memory_space<vmem_shared>>)
        tpu.yield
      }) : () -> ()
      %add3A_73 = arith.constant 160 : i32
      %add3A_74 = arith.addi %mul3A_12, %add3A_73 : i32
      "tpu.region"() ({
        %run_scoped3A = tpu.sem_alloc : memref<!tpu.dma_semaphore, #tpu.memory_space<semaphore_mem>>
        %dma_start3A_97 = arith.constant 0 : i32
        %dma_start3A_98 = tpu.memref_slice %arg14[%add3A_74, %dma_start3A_97] : memref<10016x128xf32, #tpu.memory_space<vmem_shared>> -> memref<40x128xf32, #tpu.memory_space<vmem_shared>>
        %dma_start3A_99 = arith.constant 0 : i32
        %dma_start3A_100 = tpu.memref_slice %arg14[%add3A_74, %dma_start3A_99] : memref<10016x128xf32, #tpu.memory_space<vmem_shared>> -> memref<40x128xf32, #tpu.memory_space<vmem_shared>>
        tpu.enqueue_dma source(%arg13 : memref<40x128xf32, #tpu.memory_space<vmem>>) target(%dma_start3A_100 : memref<40x128xf32, #tpu.memory_space<vmem_shared>>) target_semaphore(%run_scoped3A : memref<!tpu.dma_semaphore, #tpu.memory_space<semaphore_mem>>)
        %dma_wait3A_101 = arith.constant 0 : i32
        %dma_wait3A_102 = tpu.memref_slice %arg14[%add3A_74, %dma_wait3A_101] : memref<10016x128xf32, #tpu.memory_space<vmem_shared>> -> memref<40x128xf32, #tpu.memory_space<vmem_shared>>
        %dma_wait3A_103 = arith.constant 0 : i32
        %dma_wait3A_104 = tpu.memref_slice %arg14[%add3A_74, %dma_wait3A_103] : memref<10016x128xf32, #tpu.memory_space<vmem_shared>> -> memref<40x128xf32, #tpu.memory_space<vmem_shared>>
        tpu.wait_dma2 semaphore(%run_scoped3A : memref<!tpu.dma_semaphore, #tpu.memory_space<semaphore_mem>>) src(%arg13 : memref<40x128xf32, #tpu.memory_space<vmem>>) dst(%dma_wait3A_104 : memref<40x128xf32, #tpu.memory_space<vmem_shared>>)
        tpu.yield
      }) : () -> ()
      %add3A_75 = arith.constant 200 : i32
      %add3A_76 = arith.addi %mul3A_12, %add3A_75 : i32
      "tpu.region"() ({
        %run_scoped3A = tpu.sem_alloc : memref<!tpu.dma_semaphore, #tpu.memory_space<semaphore_mem>>
        %dma_start3A_97 = arith.constant 0 : i32
        %dma_start3A_98 = tpu.memref_slice %arg14[%add3A_76, %dma_start3A_97] : memref<10016x128xf32, #tpu.memory_space<vmem_shared>> -> memref<40x128xf32, #tpu.memory_space<vmem_shared>>
        %dma_start3A_99 = arith.constant 0 : i32
        %dma_start3A_100 = tpu.memref_slice %arg14[%add3A_76, %dma_start3A_99] : memref<10016x128xf32, #tpu.memory_space<vmem_shared>> -> memref<40x128xf32, #tpu.memory_space<vmem_shared>>
        tpu.enqueue_dma source(%arg13 : memref<40x128xf32, #tpu.memory_space<vmem>>) target(%dma_start3A_100 : memref<40x128xf32, #tpu.memory_space<vmem_shared>>) target_semaphore(%run_scoped3A : memref<!tpu.dma_semaphore, #tpu.memory_space<semaphore_mem>>)
        %dma_wait3A_101 = arith.constant 0 : i32
        %dma_wait3A_102 = tpu.memref_slice %arg14[%add3A_76, %dma_wait3A_101] : memref<10016x128xf32, #tpu.memory_space<vmem_shared>> -> memref<40x128xf32, #tpu.memory_space<vmem_shared>>
        %dma_wait3A_103 = arith.constant 0 : i32
        %dma_wait3A_104 = tpu.memref_slice %arg14[%add3A_76, %dma_wait3A_103] : memref<10016x128xf32, #tpu.memory_space<vmem_shared>> -> memref<40x128xf32, #tpu.memory_space<vmem_shared>>
        tpu.wait_dma2 semaphore(%run_scoped3A : memref<!tpu.dma_semaphore, #tpu.memory_space<semaphore_mem>>) src(%arg13 : memref<40x128xf32, #tpu.memory_space<vmem>>) dst(%dma_wait3A_104 : memref<40x128xf32, #tpu.memory_space<vmem_shared>>)
        tpu.yield
      }) : () -> ()
      %add3A_77 = arith.constant 240 : i32
      %add3A_78 = arith.addi %mul3A_12, %add3A_77 : i32
      "tpu.region"() ({
        %run_scoped3A = tpu.sem_alloc : memref<!tpu.dma_semaphore, #tpu.memory_space<semaphore_mem>>
        %dma_start3A_97 = arith.constant 0 : i32
        %dma_start3A_98 = tpu.memref_slice %arg14[%add3A_78, %dma_start3A_97] : memref<10016x128xf32, #tpu.memory_space<vmem_shared>> -> memref<40x128xf32, #tpu.memory_space<vmem_shared>>
        %dma_start3A_99 = arith.constant 0 : i32
        %dma_start3A_100 = tpu.memref_slice %arg14[%add3A_78, %dma_start3A_99] : memref<10016x128xf32, #tpu.memory_space<vmem_shared>> -> memref<40x128xf32, #tpu.memory_space<vmem_shared>>
        tpu.enqueue_dma source(%arg13 : memref<40x128xf32, #tpu.memory_space<vmem>>) target(%dma_start3A_100 : memref<40x128xf32, #tpu.memory_space<vmem_shared>>) target_semaphore(%run_scoped3A : memref<!tpu.dma_semaphore, #tpu.memory_space<semaphore_mem>>)
        %dma_wait3A_101 = arith.constant 0 : i32
        %dma_wait3A_102 = tpu.memref_slice %arg14[%add3A_78, %dma_wait3A_101] : memref<10016x128xf32, #tpu.memory_space<vmem_shared>> -> memref<40x128xf32, #tpu.memory_space<vmem_shared>>
        %dma_wait3A_103 = arith.constant 0 : i32
        %dma_wait3A_104 = tpu.memref_slice %arg14[%add3A_78, %dma_wait3A_103] : memref<10016x128xf32, #tpu.memory_space<vmem_shared>> -> memref<40x128xf32, #tpu.memory_space<vmem_shared>>
        tpu.wait_dma2 semaphore(%run_scoped3A : memref<!tpu.dma_semaphore, #tpu.memory_space<semaphore_mem>>) src(%arg13 : memref<40x128xf32, #tpu.memory_space<vmem>>) dst(%dma_wait3A_104 : memref<40x128xf32, #tpu.memory_space<vmem_shared>>)
        tpu.yield
      }) : () -> ()
      %add3A_79 = arith.constant 280 : i32
      %add3A_80 = arith.addi %mul3A_12, %add3A_79 : i32
      "tpu.region"() ({
        %run_scoped3A = tpu.sem_alloc : memref<!tpu.dma_semaphore, #tpu.memory_space<semaphore_mem>>
        %dma_start3A_97 = arith.constant 0 : i32
        %dma_start3A_98 = tpu.memref_slice %arg14[%add3A_80, %dma_start3A_97] : memref<10016x128xf32, #tpu.memory_space<vmem_shared>> -> memref<40x128xf32, #tpu.memory_space<vmem_shared>>
        %dma_start3A_99 = arith.constant 0 : i32
        %dma_start3A_100 = tpu.memref_slice %arg14[%add3A_80, %dma_start3A_99] : memref<10016x128xf32, #tpu.memory_space<vmem_shared>> -> memref<40x128xf32, #tpu.memory_space<vmem_shared>>
        tpu.enqueue_dma source(%arg13 : memref<40x128xf32, #tpu.memory_space<vmem>>) target(%dma_start3A_100 : memref<40x128xf32, #tpu.memory_space<vmem_shared>>) target_semaphore(%run_scoped3A : memref<!tpu.dma_semaphore, #tpu.memory_space<semaphore_mem>>)
        %dma_wait3A_101 = arith.constant 0 : i32
        %dma_wait3A_102 = tpu.memref_slice %arg14[%add3A_80, %dma_wait3A_101] : memref<10016x128xf32, #tpu.memory_space<vmem_shared>> -> memref<40x128xf32, #tpu.memory_space<vmem_shared>>
        %dma_wait3A_103 = arith.constant 0 : i32
        %dma_wait3A_104 = tpu.memref_slice %arg14[%add3A_80, %dma_wait3A_103] : memref<10016x128xf32, #tpu.memory_space<vmem_shared>> -> memref<40x128xf32, #tpu.memory_space<vmem_shared>>
        tpu.wait_dma2 semaphore(%run_scoped3A : memref<!tpu.dma_semaphore, #tpu.memory_space<semaphore_mem>>) src(%arg13 : memref<40x128xf32, #tpu.memory_space<vmem>>) dst(%dma_wait3A_104 : memref<40x128xf32, #tpu.memory_space<vmem_shared>>)
        tpu.yield
      }) : () -> ()
      %add3A_81 = arith.constant 320 : i32
      %add3A_82 = arith.addi %mul3A_12, %add3A_81 : i32
      "tpu.region"() ({
        %run_scoped3A = tpu.sem_alloc : memref<!tpu.dma_semaphore, #tpu.memory_space<semaphore_mem>>
        %dma_start3A_97 = arith.constant 0 : i32
        %dma_start3A_98 = tpu.memref_slice %arg14[%add3A_82, %dma_start3A_97] : memref<10016x128xf32, #tpu.memory_space<vmem_shared>> -> memref<40x128xf32, #tpu.memory_space<vmem_shared>>
        %dma_start3A_99 = arith.constant 0 : i32
        %dma_start3A_100 = tpu.memref_slice %arg14[%add3A_82, %dma_start3A_99] : memref<10016x128xf32, #tpu.memory_space<vmem_shared>> -> memref<40x128xf32, #tpu.memory_space<vmem_shared>>
        tpu.enqueue_dma source(%arg13 : memref<40x128xf32, #tpu.memory_space<vmem>>) target(%dma_start3A_100 : memref<40x128xf32, #tpu.memory_space<vmem_shared>>) target_semaphore(%run_scoped3A : memref<!tpu.dma_semaphore, #tpu.memory_space<semaphore_mem>>)
        %dma_wait3A_101 = arith.constant 0 : i32
        %dma_wait3A_102 = tpu.memref_slice %arg14[%add3A_82, %dma_wait3A_101] : memref<10016x128xf32, #tpu.memory_space<vmem_shared>> -> memref<40x128xf32, #tpu.memory_space<vmem_shared>>
        %dma_wait3A_103 = arith.constant 0 : i32
        %dma_wait3A_104 = tpu.memref_slice %arg14[%add3A_82, %dma_wait3A_103] : memref<10016x128xf32, #tpu.memory_space<vmem_shared>> -> memref<40x128xf32, #tpu.memory_space<vmem_shared>>
        tpu.wait_dma2 semaphore(%run_scoped3A : memref<!tpu.dma_semaphore, #tpu.memory_space<semaphore_mem>>) src(%arg13 : memref<40x128xf32, #tpu.memory_space<vmem>>) dst(%dma_wait3A_104 : memref<40x128xf32, #tpu.memory_space<vmem_shared>>)
        tpu.yield
      }) : () -> ()
      %add3A_83 = arith.constant 360 : i32
      %add3A_84 = arith.addi %mul3A_12, %add3A_83 : i32
      "tpu.region"() ({
        %run_scoped3A = tpu.sem_alloc : memref<!tpu.dma_semaphore, #tpu.memory_space<semaphore_mem>>
        %dma_start3A_97 = arith.constant 0 : i32
        %dma_start3A_98 = tpu.memref_slice %arg14[%add3A_84, %dma_start3A_97] : memref<10016x128xf32, #tpu.memory_space<vmem_shared>> -> memref<40x128xf32, #tpu.memory_space<vmem_shared>>
        %dma_start3A_99 = arith.constant 0 : i32
        %dma_start3A_100 = tpu.memref_slice %arg14[%add3A_84, %dma_start3A_99] : memref<10016x128xf32, #tpu.memory_space<vmem_shared>> -> memref<40x128xf32, #tpu.memory_space<vmem_shared>>
        tpu.enqueue_dma source(%arg13 : memref<40x128xf32, #tpu.memory_space<vmem>>) target(%dma_start3A_100 : memref<40x128xf32, #tpu.memory_space<vmem_shared>>) target_semaphore(%run_scoped3A : memref<!tpu.dma_semaphore, #tpu.memory_space<semaphore_mem>>)
        %dma_wait3A_101 = arith.constant 0 : i32
        %dma_wait3A_102 = tpu.memref_slice %arg14[%add3A_84, %dma_wait3A_101] : memref<10016x128xf32, #tpu.memory_space<vmem_shared>> -> memref<40x128xf32, #tpu.memory_space<vmem_shared>>
        %dma_wait3A_103 = arith.constant 0 : i32
        %dma_wait3A_104 = tpu.memref_slice %arg14[%add3A_84, %dma_wait3A_103] : memref<10016x128xf32, #tpu.memory_space<vmem_shared>> -> memref<40x128xf32, #tpu.memory_space<vmem_shared>>
        tpu.wait_dma2 semaphore(%run_scoped3A : memref<!tpu.dma_semaphore, #tpu.memory_space<semaphore_mem>>) src(%arg13 : memref<40x128xf32, #tpu.memory_space<vmem>>) dst(%dma_wait3A_104 : memref<40x128xf32, #tpu.memory_space<vmem_shared>>)
        tpu.yield
      }) : () -> ()
      %add3A_85 = arith.constant 400 : i32
      %add3A_86 = arith.addi %mul3A_12, %add3A_85 : i32
      "tpu.region"() ({
        %run_scoped3A = tpu.sem_alloc : memref<!tpu.dma_semaphore, #tpu.memory_space<semaphore_mem>>
        %dma_start3A_97 = arith.constant 0 : i32
        %dma_start3A_98 = tpu.memref_slice %arg14[%add3A_86, %dma_start3A_97] : memref<10016x128xf32, #tpu.memory_space<vmem_shared>> -> memref<40x128xf32, #tpu.memory_space<vmem_shared>>
        %dma_start3A_99 = arith.constant 0 : i32
        %dma_start3A_100 = tpu.memref_slice %arg14[%add3A_86, %dma_start3A_99] : memref<10016x128xf32, #tpu.memory_space<vmem_shared>> -> memref<40x128xf32, #tpu.memory_space<vmem_shared>>
        tpu.enqueue_dma source(%arg13 : memref<40x128xf32, #tpu.memory_space<vmem>>) target(%dma_start3A_100 : memref<40x128xf32, #tpu.memory_space<vmem_shared>>) target_semaphore(%run_scoped3A : memref<!tpu.dma_semaphore, #tpu.memory_space<semaphore_mem>>)
        %dma_wait3A_101 = arith.constant 0 : i32
        %dma_wait3A_102 = tpu.memref_slice %arg14[%add3A_86, %dma_wait3A_101] : memref<10016x128xf32, #tpu.memory_space<vmem_shared>> -> memref<40x128xf32, #tpu.memory_space<vmem_shared>>
        %dma_wait3A_103 = arith.constant 0 : i32
        %dma_wait3A_104 = tpu.memref_slice %arg14[%add3A_86, %dma_wait3A_103] : memref<10016x128xf32, #tpu.memory_space<vmem_shared>> -> memref<40x128xf32, #tpu.memory_space<vmem_shared>>
        tpu.wait_dma2 semaphore(%run_scoped3A : memref<!tpu.dma_semaphore, #tpu.memory_space<semaphore_mem>>) src(%arg13 : memref<40x128xf32, #tpu.memory_space<vmem>>) dst(%dma_wait3A_104 : memref<40x128xf32, #tpu.memory_space<vmem_shared>>)
        tpu.yield
      }) : () -> ()
      %add3A_87 = arith.constant 440 : i32
      %add3A_88 = arith.addi %mul3A_12, %add3A_87 : i32
      "tpu.region"() ({
        %run_scoped3A = tpu.sem_alloc : memref<!tpu.dma_semaphore, #tpu.memory_space<semaphore_mem>>
        %dma_start3A_97 = arith.constant 0 : i32
        %dma_start3A_98 = tpu.memref_slice %arg14[%add3A_88, %dma_start3A_97] : memref<10016x128xf32, #tpu.memory_space<vmem_shared>> -> memref<40x128xf32, #tpu.memory_space<vmem_shared>>
        %dma_start3A_99 = arith.constant 0 : i32
        %dma_start3A_100 = tpu.memref_slice %arg14[%add3A_88, %dma_start3A_99] : memref<10016x128xf32, #tpu.memory_space<vmem_shared>> -> memref<40x128xf32, #tpu.memory_space<vmem_shared>>
        tpu.enqueue_dma source(%arg13 : memref<40x128xf32, #tpu.memory_space<vmem>>) target(%dma_start3A_100 : memref<40x128xf32, #tpu.memory_space<vmem_shared>>) target_semaphore(%run_scoped3A : memref<!tpu.dma_semaphore, #tpu.memory_space<semaphore_mem>>)
        %dma_wait3A_101 = arith.constant 0 : i32
        %dma_wait3A_102 = tpu.memref_slice %arg14[%add3A_88, %dma_wait3A_101] : memref<10016x128xf32, #tpu.memory_space<vmem_shared>> -> memref<40x128xf32, #tpu.memory_space<vmem_shared>>
        %dma_wait3A_103 = arith.constant 0 : i32
        %dma_wait3A_104 = tpu.memref_slice %arg14[%add3A_88, %dma_wait3A_103] : memref<10016x128xf32, #tpu.memory_space<vmem_shared>> -> memref<40x128xf32, #tpu.memory_space<vmem_shared>>
        tpu.wait_dma2 semaphore(%run_scoped3A : memref<!tpu.dma_semaphore, #tpu.memory_space<semaphore_mem>>) src(%arg13 : memref<40x128xf32, #tpu.memory_space<vmem>>) dst(%dma_wait3A_104 : memref<40x128xf32, #tpu.memory_space<vmem_shared>>)
        tpu.yield
      }) : () -> ()
      %add3A_89 = arith.constant 480 : i32
      %add3A_90 = arith.addi %mul3A_12, %add3A_89 : i32
      "tpu.region"() ({
        %run_scoped3A = tpu.sem_alloc : memref<!tpu.dma_semaphore, #tpu.memory_space<semaphore_mem>>
        %dma_start3A_97 = arith.constant 0 : i32
        %dma_start3A_98 = tpu.memref_slice %arg14[%add3A_90, %dma_start3A_97] : memref<10016x128xf32, #tpu.memory_space<vmem_shared>> -> memref<40x128xf32, #tpu.memory_space<vmem_shared>>
        %dma_start3A_99 = arith.constant 0 : i32
        %dma_start3A_100 = tpu.memref_slice %arg14[%add3A_90, %dma_start3A_99] : memref<10016x128xf32, #tpu.memory_space<vmem_shared>> -> memref<40x128xf32, #tpu.memory_space<vmem_shared>>
        tpu.enqueue_dma source(%arg13 : memref<40x128xf32, #tpu.memory_space<vmem>>) target(%dma_start3A_100 : memref<40x128xf32, #tpu.memory_space<vmem_shared>>) target_semaphore(%run_scoped3A : memref<!tpu.dma_semaphore, #tpu.memory_space<semaphore_mem>>)
        %dma_wait3A_101 = arith.constant 0 : i32
        %dma_wait3A_102 = tpu.memref_slice %arg14[%add3A_90, %dma_wait3A_101] : memref<10016x128xf32, #tpu.memory_space<vmem_shared>> -> memref<40x128xf32, #tpu.memory_space<vmem_shared>>
        %dma_wait3A_103 = arith.constant 0 : i32
        %dma_wait3A_104 = tpu.memref_slice %arg14[%add3A_90, %dma_wait3A_103] : memref<10016x128xf32, #tpu.memory_space<vmem_shared>> -> memref<40x128xf32, #tpu.memory_space<vmem_shared>>
        tpu.wait_dma2 semaphore(%run_scoped3A : memref<!tpu.dma_semaphore, #tpu.memory_space<semaphore_mem>>) src(%arg13 : memref<40x128xf32, #tpu.memory_space<vmem>>) dst(%dma_wait3A_104 : memref<40x128xf32, #tpu.memory_space<vmem_shared>>)
        tpu.yield
      }) : () -> ()
      %add3A_91 = arith.constant 520 : i32
      %add3A_92 = arith.addi %mul3A_12, %add3A_91 : i32
      "tpu.region"() ({
        %run_scoped3A = tpu.sem_alloc : memref<!tpu.dma_semaphore, #tpu.memory_space<semaphore_mem>>
        %dma_start3A_97 = arith.constant 0 : i32
        %dma_start3A_98 = tpu.memref_slice %arg14[%add3A_92, %dma_start3A_97] : memref<10016x128xf32, #tpu.memory_space<vmem_shared>> -> memref<40x128xf32, #tpu.memory_space<vmem_shared>>
        %dma_start3A_99 = arith.constant 0 : i32
        %dma_start3A_100 = tpu.memref_slice %arg14[%add3A_92, %dma_start3A_99] : memref<10016x128xf32, #tpu.memory_space<vmem_shared>> -> memref<40x128xf32, #tpu.memory_space<vmem_shared>>
        tpu.enqueue_dma source(%arg13 : memref<40x128xf32, #tpu.memory_space<vmem>>) target(%dma_start3A_100 : memref<40x128xf32, #tpu.memory_space<vmem_shared>>) target_semaphore(%run_scoped3A : memref<!tpu.dma_semaphore, #tpu.memory_space<semaphore_mem>>)
        %dma_wait3A_101 = arith.constant 0 : i32
        %dma_wait3A_102 = tpu.memref_slice %arg14[%add3A_92, %dma_wait3A_101] : memref<10016x128xf32, #tpu.memory_space<vmem_shared>> -> memref<40x128xf32, #tpu.memory_space<vmem_shared>>
        %dma_wait3A_103 = arith.constant 0 : i32
        %dma_wait3A_104 = tpu.memref_slice %arg14[%add3A_92, %dma_wait3A_103] : memref<10016x128xf32, #tpu.memory_space<vmem_shared>> -> memref<40x128xf32, #tpu.memory_space<vmem_shared>>
        tpu.wait_dma2 semaphore(%run_scoped3A : memref<!tpu.dma_semaphore, #tpu.memory_space<semaphore_mem>>) src(%arg13 : memref<40x128xf32, #tpu.memory_space<vmem>>) dst(%dma_wait3A_104 : memref<40x128xf32, #tpu.memory_space<vmem_shared>>)
        tpu.yield
      }) : () -> ()
      %add3A_93 = arith.constant 560 : i32
      %add3A_94 = arith.addi %mul3A_12, %add3A_93 : i32
      "tpu.region"() ({
        %run_scoped3A = tpu.sem_alloc : memref<!tpu.dma_semaphore, #tpu.memory_space<semaphore_mem>>
        %dma_start3A_97 = arith.constant 0 : i32
        %dma_start3A_98 = tpu.memref_slice %arg14[%add3A_94, %dma_start3A_97] : memref<10016x128xf32, #tpu.memory_space<vmem_shared>> -> memref<40x128xf32, #tpu.memory_space<vmem_shared>>
        %dma_start3A_99 = arith.constant 0 : i32
        %dma_start3A_100 = tpu.memref_slice %arg14[%add3A_94, %dma_start3A_99] : memref<10016x128xf32, #tpu.memory_space<vmem_shared>> -> memref<40x128xf32, #tpu.memory_space<vmem_shared>>
        tpu.enqueue_dma source(%arg13 : memref<40x128xf32, #tpu.memory_space<vmem>>) target(%dma_start3A_100 : memref<40x128xf32, #tpu.memory_space<vmem_shared>>) target_semaphore(%run_scoped3A : memref<!tpu.dma_semaphore, #tpu.memory_space<semaphore_mem>>)
        %dma_wait3A_101 = arith.constant 0 : i32
        %dma_wait3A_102 = tpu.memref_slice %arg14[%add3A_94, %dma_wait3A_101] : memref<10016x128xf32, #tpu.memory_space<vmem_shared>> -> memref<40x128xf32, #tpu.memory_space<vmem_shared>>
        %dma_wait3A_103 = arith.constant 0 : i32
        %dma_wait3A_104 = tpu.memref_slice %arg14[%add3A_94, %dma_wait3A_103] : memref<10016x128xf32, #tpu.memory_space<vmem_shared>> -> memref<40x128xf32, #tpu.memory_space<vmem_shared>>
        tpu.wait_dma2 semaphore(%run_scoped3A : memref<!tpu.dma_semaphore, #tpu.memory_space<semaphore_mem>>) src(%arg13 : memref<40x128xf32, #tpu.memory_space<vmem>>) dst(%dma_wait3A_104 : memref<40x128xf32, #tpu.memory_space<vmem_shared>>)
        tpu.yield
      }) : () -> ()
      %add3A_95 = arith.constant 600 : i32
      %add3A_96 = arith.addi %mul3A_12, %add3A_95 : i32
      "tpu.region"() ({
        %run_scoped3A = tpu.sem_alloc : memref<!tpu.dma_semaphore, #tpu.memory_space<semaphore_mem>>
        %dma_start3A_97 = arith.constant 0 : i32
        %dma_start3A_98 = tpu.memref_slice %arg14[%add3A_96, %dma_start3A_97] : memref<10016x128xf32, #tpu.memory_space<vmem_shared>> -> memref<40x128xf32, #tpu.memory_space<vmem_shared>>
        %dma_start3A_99 = arith.constant 0 : i32
        %dma_start3A_100 = tpu.memref_slice %arg14[%add3A_96, %dma_start3A_99] : memref<10016x128xf32, #tpu.memory_space<vmem_shared>> -> memref<40x128xf32, #tpu.memory_space<vmem_shared>>
        tpu.enqueue_dma source(%arg13 : memref<40x128xf32, #tpu.memory_space<vmem>>) target(%dma_start3A_100 : memref<40x128xf32, #tpu.memory_space<vmem_shared>>) target_semaphore(%run_scoped3A : memref<!tpu.dma_semaphore, #tpu.memory_space<semaphore_mem>>)
        %dma_wait3A_101 = arith.constant 0 : i32
        %dma_wait3A_102 = tpu.memref_slice %arg14[%add3A_96, %dma_wait3A_101] : memref<10016x128xf32, #tpu.memory_space<vmem_shared>> -> memref<40x128xf32, #tpu.memory_space<vmem_shared>>
        %dma_wait3A_103 = arith.constant 0 : i32
        %dma_wait3A_104 = tpu.memref_slice %arg14[%add3A_96, %dma_wait3A_103] : memref<10016x128xf32, #tpu.memory_space<vmem_shared>> -> memref<40x128xf32, #tpu.memory_space<vmem_shared>>
        tpu.wait_dma2 semaphore(%run_scoped3A : memref<!tpu.dma_semaphore, #tpu.memory_space<semaphore_mem>>) src(%arg13 : memref<40x128xf32, #tpu.memory_space<vmem>>) dst(%dma_wait3A_104 : memref<40x128xf32, #tpu.memory_space<vmem_shared>>)
        tpu.yield
      }) : () -> ()
    } else {
    }
    %eq3A = arith.constant 15 : i32
    %eq3A_15 = arith.cmpi eq, %arg1, %eq3A : i32
    %convert_element_type3A_16 = arith.extui %eq3A_15 : i1 to i32
    %cond3A_17 = arith.constant 0 : i32
    %cond3A_18 = arith.cmpi ne, %convert_element_type3A_16, %cond3A_17 : i32
    scf.if %cond3A_18 {
      %add3A_65 = arith.constant 0 : i32
      %add3A_66 = arith.addi %mul3A_12, %add3A_65 : i32
      "tpu.region"() ({
        %run_scoped3A = tpu.sem_alloc : memref<!tpu.dma_semaphore, #tpu.memory_space<semaphore_mem>>
        %dma_start3A_85 = arith.constant 0 : i32
        %dma_start3A_86 = tpu.memref_slice %arg14[%add3A_66, %dma_start3A_85] : memref<10016x128xf32, #tpu.memory_space<vmem_shared>> -> memref<40x128xf32, #tpu.memory_space<vmem_shared>>
        %dma_start3A_87 = arith.constant 0 : i32
        %dma_start3A_88 = tpu.memref_slice %arg14[%add3A_66, %dma_start3A_87] : memref<10016x128xf32, #tpu.memory_space<vmem_shared>> -> memref<40x128xf32, #tpu.memory_space<vmem_shared>>
        tpu.enqueue_dma source(%arg13 : memref<40x128xf32, #tpu.memory_space<vmem>>) target(%dma_start3A_88 : memref<40x128xf32, #tpu.memory_space<vmem_shared>>) target_semaphore(%run_scoped3A : memref<!tpu.dma_semaphore, #tpu.memory_space<semaphore_mem>>)
        %dma_wait3A_89 = arith.constant 0 : i32
        %dma_wait3A_90 = tpu.memref_slice %arg14[%add3A_66, %dma_wait3A_89] : memref<10016x128xf32, #tpu.memory_space<vmem_shared>> -> memref<40x128xf32, #tpu.memory_space<vmem_shared>>
        %dma_wait3A_91 = arith.constant 0 : i32
        %dma_wait3A_92 = tpu.memref_slice %arg14[%add3A_66, %dma_wait3A_91] : memref<10016x128xf32, #tpu.memory_space<vmem_shared>> -> memref<40x128xf32, #tpu.memory_space<vmem_shared>>
        tpu.wait_dma2 semaphore(%run_scoped3A : memref<!tpu.dma_semaphore, #tpu.memory_space<semaphore_mem>>) src(%arg13 : memref<40x128xf32, #tpu.memory_space<vmem>>) dst(%dma_wait3A_92 : memref<40x128xf32, #tpu.memory_space<vmem_shared>>)
        tpu.yield
      }) : () -> ()
      %add3A_67 = arith.constant 40 : i32
      %add3A_68 = arith.addi %mul3A_12, %add3A_67 : i32
      "tpu.region"() ({
        %run_scoped3A = tpu.sem_alloc : memref<!tpu.dma_semaphore, #tpu.memory_space<semaphore_mem>>
        %dma_start3A_85 = arith.constant 0 : i32
        %dma_start3A_86 = tpu.memref_slice %arg14[%add3A_68, %dma_start3A_85] : memref<10016x128xf32, #tpu.memory_space<vmem_shared>> -> memref<40x128xf32, #tpu.memory_space<vmem_shared>>
        %dma_start3A_87 = arith.constant 0 : i32
        %dma_start3A_88 = tpu.memref_slice %arg14[%add3A_68, %dma_start3A_87] : memref<10016x128xf32, #tpu.memory_space<vmem_shared>> -> memref<40x128xf32, #tpu.memory_space<vmem_shared>>
        tpu.enqueue_dma source(%arg13 : memref<40x128xf32, #tpu.memory_space<vmem>>) target(%dma_start3A_88 : memref<40x128xf32, #tpu.memory_space<vmem_shared>>) target_semaphore(%run_scoped3A : memref<!tpu.dma_semaphore, #tpu.memory_space<semaphore_mem>>)
        %dma_wait3A_89 = arith.constant 0 : i32
        %dma_wait3A_90 = tpu.memref_slice %arg14[%add3A_68, %dma_wait3A_89] : memref<10016x128xf32, #tpu.memory_space<vmem_shared>> -> memref<40x128xf32, #tpu.memory_space<vmem_shared>>
        %dma_wait3A_91 = arith.constant 0 : i32
        %dma_wait3A_92 = tpu.memref_slice %arg14[%add3A_68, %dma_wait3A_91] : memref<10016x128xf32, #tpu.memory_space<vmem_shared>> -> memref<40x128xf32, #tpu.memory_space<vmem_shared>>
        tpu.wait_dma2 semaphore(%run_scoped3A : memref<!tpu.dma_semaphore, #tpu.memory_space<semaphore_mem>>) src(%arg13 : memref<40x128xf32, #tpu.memory_space<vmem>>) dst(%dma_wait3A_92 : memref<40x128xf32, #tpu.memory_space<vmem_shared>>)
        tpu.yield
      }) : () -> ()
      %add3A_69 = arith.constant 80 : i32
      %add3A_70 = arith.addi %mul3A_12, %add3A_69 : i32
      "tpu.region"() ({
        %run_scoped3A = tpu.sem_alloc : memref<!tpu.dma_semaphore, #tpu.memory_space<semaphore_mem>>
        %dma_start3A_85 = arith.constant 0 : i32
        %dma_start3A_86 = tpu.memref_slice %arg14[%add3A_70, %dma_start3A_85] : memref<10016x128xf32, #tpu.memory_space<vmem_shared>> -> memref<40x128xf32, #tpu.memory_space<vmem_shared>>
        %dma_start3A_87 = arith.constant 0 : i32
        %dma_start3A_88 = tpu.memref_slice %arg14[%add3A_70, %dma_start3A_87] : memref<10016x128xf32, #tpu.memory_space<vmem_shared>> -> memref<40x128xf32, #tpu.memory_space<vmem_shared>>
        tpu.enqueue_dma source(%arg13 : memref<40x128xf32, #tpu.memory_space<vmem>>) target(%dma_start3A_88 : memref<40x128xf32, #tpu.memory_space<vmem_shared>>) target_semaphore(%run_scoped3A : memref<!tpu.dma_semaphore, #tpu.memory_space<semaphore_mem>>)
        %dma_wait3A_89 = arith.constant 0 : i32
        %dma_wait3A_90 = tpu.memref_slice %arg14[%add3A_70, %dma_wait3A_89] : memref<10016x128xf32, #tpu.memory_space<vmem_shared>> -> memref<40x128xf32, #tpu.memory_space<vmem_shared>>
        %dma_wait3A_91 = arith.constant 0 : i32
        %dma_wait3A_92 = tpu.memref_slice %arg14[%add3A_70, %dma_wait3A_91] : memref<10016x128xf32, #tpu.memory_space<vmem_shared>> -> memref<40x128xf32, #tpu.memory_space<vmem_shared>>
        tpu.wait_dma2 semaphore(%run_scoped3A : memref<!tpu.dma_semaphore, #tpu.memory_space<semaphore_mem>>) src(%arg13 : memref<40x128xf32, #tpu.memory_space<vmem>>) dst(%dma_wait3A_92 : memref<40x128xf32, #tpu.memory_space<vmem_shared>>)
        tpu.yield
      }) : () -> ()
      %add3A_71 = arith.constant 120 : i32
      %add3A_72 = arith.addi %mul3A_12, %add3A_71 : i32
      "tpu.region"() ({
        %run_scoped3A = tpu.sem_alloc : memref<!tpu.dma_semaphore, #tpu.memory_space<semaphore_mem>>
        %dma_start3A_85 = arith.constant 0 : i32
        %dma_start3A_86 = tpu.memref_slice %arg14[%add3A_72, %dma_start3A_85] : memref<10016x128xf32, #tpu.memory_space<vmem_shared>> -> memref<40x128xf32, #tpu.memory_space<vmem_shared>>
        %dma_start3A_87 = arith.constant 0 : i32
        %dma_start3A_88 = tpu.memref_slice %arg14[%add3A_72, %dma_start3A_87] : memref<10016x128xf32, #tpu.memory_space<vmem_shared>> -> memref<40x128xf32, #tpu.memory_space<vmem_shared>>
        tpu.enqueue_dma source(%arg13 : memref<40x128xf32, #tpu.memory_space<vmem>>) target(%dma_start3A_88 : memref<40x128xf32, #tpu.memory_space<vmem_shared>>) target_semaphore(%run_scoped3A : memref<!tpu.dma_semaphore, #tpu.memory_space<semaphore_mem>>)
        %dma_wait3A_89 = arith.constant 0 : i32
        %dma_wait3A_90 = tpu.memref_slice %arg14[%add3A_72, %dma_wait3A_89] : memref<10016x128xf32, #tpu.memory_space<vmem_shared>> -> memref<40x128xf32, #tpu.memory_space<vmem_shared>>
        %dma_wait3A_91 = arith.constant 0 : i32
        %dma_wait3A_92 = tpu.memref_slice %arg14[%add3A_72, %dma_wait3A_91] : memref<10016x128xf32, #tpu.memory_space<vmem_shared>> -> memref<40x128xf32, #tpu.memory_space<vmem_shared>>
        tpu.wait_dma2 semaphore(%run_scoped3A : memref<!tpu.dma_semaphore, #tpu.memory_space<semaphore_mem>>) src(%arg13 : memref<40x128xf32, #tpu.memory_space<vmem>>) dst(%dma_wait3A_92 : memref<40x128xf32, #tpu.memory_space<vmem_shared>>)
        tpu.yield
      }) : () -> ()
      %add3A_73 = arith.constant 160 : i32
      %add3A_74 = arith.addi %mul3A_12, %add3A_73 : i32
      "tpu.region"() ({
        %run_scoped3A = tpu.sem_alloc : memref<!tpu.dma_semaphore, #tpu.memory_space<semaphore_mem>>
        %dma_start3A_85 = arith.constant 0 : i32
        %dma_start3A_86 = tpu.memref_slice %arg14[%add3A_74, %dma_start3A_85] : memref<10016x128xf32, #tpu.memory_space<vmem_shared>> -> memref<40x128xf32, #tpu.memory_space<vmem_shared>>
        %dma_start3A_87 = arith.constant 0 : i32
        %dma_start3A_88 = tpu.memref_slice %arg14[%add3A_74, %dma_start3A_87] : memref<10016x128xf32, #tpu.memory_space<vmem_shared>> -> memref<40x128xf32, #tpu.memory_space<vmem_shared>>
        tpu.enqueue_dma source(%arg13 : memref<40x128xf32, #tpu.memory_space<vmem>>) target(%dma_start3A_88 : memref<40x128xf32, #tpu.memory_space<vmem_shared>>) target_semaphore(%run_scoped3A : memref<!tpu.dma_semaphore, #tpu.memory_space<semaphore_mem>>)
        %dma_wait3A_89 = arith.constant 0 : i32
        %dma_wait3A_90 = tpu.memref_slice %arg14[%add3A_74, %dma_wait3A_89] : memref<10016x128xf32, #tpu.memory_space<vmem_shared>> -> memref<40x128xf32, #tpu.memory_space<vmem_shared>>
        %dma_wait3A_91 = arith.constant 0 : i32
        %dma_wait3A_92 = tpu.memref_slice %arg14[%add3A_74, %dma_wait3A_91] : memref<10016x128xf32, #tpu.memory_space<vmem_shared>> -> memref<40x128xf32, #tpu.memory_space<vmem_shared>>
        tpu.wait_dma2 semaphore(%run_scoped3A : memref<!tpu.dma_semaphore, #tpu.memory_space<semaphore_mem>>) src(%arg13 : memref<40x128xf32, #tpu.memory_space<vmem>>) dst(%dma_wait3A_92 : memref<40x128xf32, #tpu.memory_space<vmem_shared>>)
        tpu.yield
      }) : () -> ()
      %add3A_75 = arith.constant 200 : i32
      %add3A_76 = arith.addi %mul3A_12, %add3A_75 : i32
      "tpu.region"() ({
        %run_scoped3A = tpu.sem_alloc : memref<!tpu.dma_semaphore, #tpu.memory_space<semaphore_mem>>
        %dma_start3A_85 = arith.constant 0 : i32
        %dma_start3A_86 = tpu.memref_slice %arg14[%add3A_76, %dma_start3A_85] : memref<10016x128xf32, #tpu.memory_space<vmem_shared>> -> memref<40x128xf32, #tpu.memory_space<vmem_shared>>
        %dma_start3A_87 = arith.constant 0 : i32
        %dma_start3A_88 = tpu.memref_slice %arg14[%add3A_76, %dma_start3A_87] : memref<10016x128xf32, #tpu.memory_space<vmem_shared>> -> memref<40x128xf32, #tpu.memory_space<vmem_shared>>
        tpu.enqueue_dma source(%arg13 : memref<40x128xf32, #tpu.memory_space<vmem>>) target(%dma_start3A_88 : memref<40x128xf32, #tpu.memory_space<vmem_shared>>) target_semaphore(%run_scoped3A : memref<!tpu.dma_semaphore, #tpu.memory_space<semaphore_mem>>)
        %dma_wait3A_89 = arith.constant 0 : i32
        %dma_wait3A_90 = tpu.memref_slice %arg14[%add3A_76, %dma_wait3A_89] : memref<10016x128xf32, #tpu.memory_space<vmem_shared>> -> memref<40x128xf32, #tpu.memory_space<vmem_shared>>
        %dma_wait3A_91 = arith.constant 0 : i32
        %dma_wait3A_92 = tpu.memref_slice %arg14[%add3A_76, %dma_wait3A_91] : memref<10016x128xf32, #tpu.memory_space<vmem_shared>> -> memref<40x128xf32, #tpu.memory_space<vmem_shared>>
        tpu.wait_dma2 semaphore(%run_scoped3A : memref<!tpu.dma_semaphore, #tpu.memory_space<semaphore_mem>>) src(%arg13 : memref<40x128xf32, #tpu.memory_space<vmem>>) dst(%dma_wait3A_92 : memref<40x128xf32, #tpu.memory_space<vmem_shared>>)
        tpu.yield
      }) : () -> ()
      %add3A_77 = arith.constant 240 : i32
      %add3A_78 = arith.addi %mul3A_12, %add3A_77 : i32
      "tpu.region"() ({
        %run_scoped3A = tpu.sem_alloc : memref<!tpu.dma_semaphore, #tpu.memory_space<semaphore_mem>>
        %dma_start3A_85 = arith.constant 0 : i32
        %dma_start3A_86 = tpu.memref_slice %arg14[%add3A_78, %dma_start3A_85] : memref<10016x128xf32, #tpu.memory_space<vmem_shared>> -> memref<40x128xf32, #tpu.memory_space<vmem_shared>>
        %dma_start3A_87 = arith.constant 0 : i32
        %dma_start3A_88 = tpu.memref_slice %arg14[%add3A_78, %dma_start3A_87] : memref<10016x128xf32, #tpu.memory_space<vmem_shared>> -> memref<40x128xf32, #tpu.memory_space<vmem_shared>>
        tpu.enqueue_dma source(%arg13 : memref<40x128xf32, #tpu.memory_space<vmem>>) target(%dma_start3A_88 : memref<40x128xf32, #tpu.memory_space<vmem_shared>>) target_semaphore(%run_scoped3A : memref<!tpu.dma_semaphore, #tpu.memory_space<semaphore_mem>>)
        %dma_wait3A_89 = arith.constant 0 : i32
        %dma_wait3A_90 = tpu.memref_slice %arg14[%add3A_78, %dma_wait3A_89] : memref<10016x128xf32, #tpu.memory_space<vmem_shared>> -> memref<40x128xf32, #tpu.memory_space<vmem_shared>>
        %dma_wait3A_91 = arith.constant 0 : i32
        %dma_wait3A_92 = tpu.memref_slice %arg14[%add3A_78, %dma_wait3A_91] : memref<10016x128xf32, #tpu.memory_space<vmem_shared>> -> memref<40x128xf32, #tpu.memory_space<vmem_shared>>
        tpu.wait_dma2 semaphore(%run_scoped3A : memref<!tpu.dma_semaphore, #tpu.memory_space<semaphore_mem>>) src(%arg13 : memref<40x128xf32, #tpu.memory_space<vmem>>) dst(%dma_wait3A_92 : memref<40x128xf32, #tpu.memory_space<vmem_shared>>)
        tpu.yield
      }) : () -> ()
      %add3A_79 = arith.constant 280 : i32
      %add3A_80 = arith.addi %mul3A_12, %add3A_79 : i32
      "tpu.region"() ({
        %run_scoped3A = tpu.sem_alloc : memref<!tpu.dma_semaphore, #tpu.memory_space<semaphore_mem>>
        %dma_start3A_85 = arith.constant 0 : i32
        %dma_start3A_86 = tpu.memref_slice %arg14[%add3A_80, %dma_start3A_85] : memref<10016x128xf32, #tpu.memory_space<vmem_shared>> -> memref<40x128xf32, #tpu.memory_space<vmem_shared>>
        %dma_start3A_87 = arith.constant 0 : i32
        %dma_start3A_88 = tpu.memref_slice %arg14[%add3A_80, %dma_start3A_87] : memref<10016x128xf32, #tpu.memory_space<vmem_shared>> -> memref<40x128xf32, #tpu.memory_space<vmem_shared>>
        tpu.enqueue_dma source(%arg13 : memref<40x128xf32, #tpu.memory_space<vmem>>) target(%dma_start3A_88 : memref<40x128xf32, #tpu.memory_space<vmem_shared>>) target_semaphore(%run_scoped3A : memref<!tpu.dma_semaphore, #tpu.memory_space<semaphore_mem>>)
        %dma_wait3A_89 = arith.constant 0 : i32
        %dma_wait3A_90 = tpu.memref_slice %arg14[%add3A_80, %dma_wait3A_89] : memref<10016x128xf32, #tpu.memory_space<vmem_shared>> -> memref<40x128xf32, #tpu.memory_space<vmem_shared>>
        %dma_wait3A_91 = arith.constant 0 : i32
        %dma_wait3A_92 = tpu.memref_slice %arg14[%add3A_80, %dma_wait3A_91] : memref<10016x128xf32, #tpu.memory_space<vmem_shared>> -> memref<40x128xf32, #tpu.memory_space<vmem_shared>>
        tpu.wait_dma2 semaphore(%run_scoped3A : memref<!tpu.dma_semaphore, #tpu.memory_space<semaphore_mem>>) src(%arg13 : memref<40x128xf32, #tpu.memory_space<vmem>>) dst(%dma_wait3A_92 : memref<40x128xf32, #tpu.memory_space<vmem_shared>>)
        tpu.yield
      }) : () -> ()
      %add3A_81 = arith.constant 320 : i32
      %add3A_82 = arith.addi %mul3A_12, %add3A_81 : i32
      "tpu.region"() ({
        %run_scoped3A = tpu.sem_alloc : memref<!tpu.dma_semaphore, #tpu.memory_space<semaphore_mem>>
        %dma_start3A_85 = arith.constant 0 : i32
        %dma_start3A_86 = tpu.memref_slice %arg14[%add3A_82, %dma_start3A_85] : memref<10016x128xf32, #tpu.memory_space<vmem_shared>> -> memref<40x128xf32, #tpu.memory_space<vmem_shared>>
        %dma_start3A_87 = arith.constant 0 : i32
        %dma_start3A_88 = tpu.memref_slice %arg14[%add3A_82, %dma_start3A_87] : memref<10016x128xf32, #tpu.memory_space<vmem_shared>> -> memref<40x128xf32, #tpu.memory_space<vmem_shared>>
        tpu.enqueue_dma source(%arg13 : memref<40x128xf32, #tpu.memory_space<vmem>>) target(%dma_start3A_88 : memref<40x128xf32, #tpu.memory_space<vmem_shared>>) target_semaphore(%run_scoped3A : memref<!tpu.dma_semaphore, #tpu.memory_space<semaphore_mem>>)
        %dma_wait3A_89 = arith.constant 0 : i32
        %dma_wait3A_90 = tpu.memref_slice %arg14[%add3A_82, %dma_wait3A_89] : memref<10016x128xf32, #tpu.memory_space<vmem_shared>> -> memref<40x128xf32, #tpu.memory_space<vmem_shared>>
        %dma_wait3A_91 = arith.constant 0 : i32
        %dma_wait3A_92 = tpu.memref_slice %arg14[%add3A_82, %dma_wait3A_91] : memref<10016x128xf32, #tpu.memory_space<vmem_shared>> -> memref<40x128xf32, #tpu.memory_space<vmem_shared>>
        tpu.wait_dma2 semaphore(%run_scoped3A : memref<!tpu.dma_semaphore, #tpu.memory_space<semaphore_mem>>) src(%arg13 : memref<40x128xf32, #tpu.memory_space<vmem>>) dst(%dma_wait3A_92 : memref<40x128xf32, #tpu.memory_space<vmem_shared>>)
        tpu.yield
      }) : () -> ()
      %add3A_83 = arith.constant 360 : i32
      %add3A_84 = arith.addi %mul3A_12, %add3A_83 : i32
      "tpu.region"() ({
        %run_scoped3A = tpu.sem_alloc : memref<!tpu.dma_semaphore, #tpu.memory_space<semaphore_mem>>
        %dma_start3A_85 = arith.constant 0 : i32
        %dma_start3A_86 = tpu.memref_slice %arg14[%add3A_84, %dma_start3A_85] : memref<10016x128xf32, #tpu.memory_space<vmem_shared>> -> memref<40x128xf32, #tpu.memory_space<vmem_shared>>
        %dma_start3A_87 = arith.constant 0 : i32
        %dma_start3A_88 = tpu.memref_slice %arg14[%add3A_84, %dma_start3A_87] : memref<10016x128xf32, #tpu.memory_space<vmem_shared>> -> memref<40x128xf32, #tpu.memory_space<vmem_shared>>
        tpu.enqueue_dma source(%arg13 : memref<40x128xf32, #tpu.memory_space<vmem>>) target(%dma_start3A_88 : memref<40x128xf32, #tpu.memory_space<vmem_shared>>) target_semaphore(%run_scoped3A : memref<!tpu.dma_semaphore, #tpu.memory_space<semaphore_mem>>)
        %dma_wait3A_89 = arith.constant 0 : i32
        %dma_wait3A_90 = tpu.memref_slice %arg14[%add3A_84, %dma_wait3A_89] : memref<10016x128xf32, #tpu.memory_space<vmem_shared>> -> memref<40x128xf32, #tpu.memory_space<vmem_shared>>
        %dma_wait3A_91 = arith.constant 0 : i32
        %dma_wait3A_92 = tpu.memref_slice %arg14[%add3A_84, %dma_wait3A_91] : memref<10016x128xf32, #tpu.memory_space<vmem_shared>> -> memref<40x128xf32, #tpu.memory_space<vmem_shared>>
        tpu.wait_dma2 semaphore(%run_scoped3A : memref<!tpu.dma_semaphore, #tpu.memory_space<semaphore_mem>>) src(%arg13 : memref<40x128xf32, #tpu.memory_space<vmem>>) dst(%dma_wait3A_92 : memref<40x128xf32, #tpu.memory_space<vmem_shared>>)
        tpu.yield
      }) : () -> ()
      "tpu.region"() ({
        %run_scoped3A = tpu.sem_alloc : memref<!tpu.dma_semaphore, #tpu.memory_space<semaphore_mem>>
        %dma_start3A_85 = arith.constant 0 : i32
        %dma_start3A_86 = arith.constant 0 : i32
        %dma_start3A_87 = tpu.memref_slice %arg13[%dma_start3A_85, %dma_start3A_86] : memref<40x128xf32, #tpu.memory_space<vmem>> -> memref<16x128xf32, #tpu.memory_space<vmem>>
        %dma_start3A_88 = arith.constant 10000 : i32
        %dma_start3A_89 = arith.constant 0 : i32
        %dma_start3A_90 = tpu.memref_slice %arg14[%dma_start3A_88, %dma_start3A_89] : memref<10016x128xf32, #tpu.memory_space<vmem_shared>> -> memref<16x128xf32, #tpu.memory_space<vmem_shared>>
        %dma_start3A_91 = arith.constant 10000 : i32
        %dma_start3A_92 = arith.constant 0 : i32
        %dma_start3A_93 = tpu.memref_slice %arg14[%dma_start3A_91, %dma_start3A_92] : memref<10016x128xf32, #tpu.memory_space<vmem_shared>> -> memref<16x128xf32, #tpu.memory_space<vmem_shared>>
        %dma_start3A_94 = arith.constant 0 : i32
        %dma_start3A_95 = arith.constant 0 : i32
        %dma_start3A_96 = tpu.memref_slice %arg13[%dma_start3A_94, %dma_start3A_95] : memref<40x128xf32, #tpu.memory_space<vmem>> -> memref<16x128xf32, #tpu.memory_space<vmem>>
        tpu.enqueue_dma source(%dma_start3A_96 : memref<16x128xf32, #tpu.memory_space<vmem>>) target(%dma_start3A_93 : memref<16x128xf32, #tpu.memory_space<vmem_shared>>) target_semaphore(%run_scoped3A : memref<!tpu.dma_semaphore, #tpu.memory_space<semaphore_mem>>)
        %dma_wait3A_97 = arith.constant 0 : i32
        %dma_wait3A_98 = arith.constant 0 : i32
        %dma_wait3A_99 = tpu.memref_slice %arg13[%dma_wait3A_97, %dma_wait3A_98] : memref<40x128xf32, #tpu.memory_space<vmem>> -> memref<16x128xf32, #tpu.memory_space<vmem>>
        %dma_wait3A_100 = arith.constant 10000 : i32
        %dma_wait3A_101 = arith.constant 0 : i32
        %dma_wait3A_102 = tpu.memref_slice %arg14[%dma_wait3A_100, %dma_wait3A_101] : memref<10016x128xf32, #tpu.memory_space<vmem_shared>> -> memref<16x128xf32, #tpu.memory_space<vmem_shared>>
        %dma_wait3A_103 = arith.constant 10000 : i32
        %dma_wait3A_104 = arith.constant 0 : i32
        %dma_wait3A_105 = tpu.memref_slice %arg14[%dma_wait3A_103, %dma_wait3A_104] : memref<10016x128xf32, #tpu.memory_space<vmem_shared>> -> memref<16x128xf32, #tpu.memory_space<vmem_shared>>
        %dma_wait3A_106 = arith.constant 0 : i32
        %dma_wait3A_107 = arith.constant 0 : i32
        %dma_wait3A_108 = tpu.memref_slice %arg13[%dma_wait3A_106, %dma_wait3A_107] : memref<40x128xf32, #tpu.memory_space<vmem>> -> memref<16x128xf32, #tpu.memory_space<vmem>>
        tpu.wait_dma2 semaphore(%run_scoped3A : memref<!tpu.dma_semaphore, #tpu.memory_space<semaphore_mem>>) src(%dma_wait3A_108 : memref<16x128xf32, #tpu.memory_space<vmem>>) dst(%dma_wait3A_105 : memref<16x128xf32, #tpu.memory_space<vmem_shared>>)
        tpu.yield
      }) : () -> ()
    } else {
    }
    %barrier3A = arith.constant 0 : index
    tpu.barrier barrier_id(%barrier3A)
    %mul3A_19 = arith.constant 16 : i32
    %mul3A_20 = arith.muli %arg0, %mul3A_19 : i32
    %add3A = arith.addi %mul3A_20, %arg1 : i32
    %mul3A_21 = arith.constant 40 : i32
    %mul3A_22 = arith.muli %add3A, %mul3A_21 : i32
    %mul3A_23 = arith.constant 128 : i32
    %mul3A_24 = arith.muli %mul3A_22, %mul3A_23 : i32
    %add3A_25 = arith.constant 0 : i32
    %add3A_26 = arith.addi %mul3A_24, %add3A_25 : i32
    %dma_start3A = tpu.memref_slice %arg2[%add3A_26] : memref<163840xi32, #tpu.memory_space<hbm>> -> memref<128xi32, #tpu.memory_space<hbm>>
    %dma_start3A_27 = tpu.memref_slice %arg2[%add3A_26] : memref<163840xi32, #tpu.memory_space<hbm>> -> memref<128xi32, #tpu.memory_space<hbm>>
    tpu.enqueue_dma source(%dma_start3A_27 : memref<128xi32, #tpu.memory_space<hbm>>) target(%arg4 : memref<128xi32, #tpu.memory_space<vmem>>) target_semaphore(%arg15 : memref<!tpu.dma_semaphore, #tpu.memory_space<semaphore_mem>>)
    %add3A_28 = arith.constant 128 : i32
    %add3A_29 = arith.addi %mul3A_24, %add3A_28 : i32
    %dma_start3A_30 = tpu.memref_slice %arg2[%add3A_29] : memref<163840xi32, #tpu.memory_space<hbm>> -> memref<128xi32, #tpu.memory_space<hbm>>
    %dma_start3A_31 = tpu.memref_slice %arg2[%add3A_29] : memref<163840xi32, #tpu.memory_space<hbm>> -> memref<128xi32, #tpu.memory_space<hbm>>
    tpu.enqueue_dma source(%dma_start3A_31 : memref<128xi32, #tpu.memory_space<hbm>>) target(%arg5 : memref<128xi32, #tpu.memory_space<vmem>>) target_semaphore(%arg16 : memref<!tpu.dma_semaphore, #tpu.memory_space<semaphore_mem>>)
    %scan3A_32 = arith.constant 0 : i32
    %scan3A_33 = arith.constant 5 : i32
    %scan3A_34 = arith.addi %scan3A_32, %scan3A_33 : i32
    %scan3A_35 = arith.constant 1 : i32
    scf.for %scan3A_65 = %scan3A_32 to %scan3A_34 step %scan3A_35  : i32 {
      %mul3A_66 = arith.constant 1 : i32
      %mul3A_67 = arith.muli %scan3A_65, %mul3A_66 : i32
      %add3A_68 = arith.constant 0 : i32
      %add3A_69 = arith.addi %add3A_68, %mul3A_67 : i32
      %mul3A_70 = arith.constant 8 : i32
      %mul3A_71 = arith.muli %add3A_69, %mul3A_70 : i32
      %add3A_72 = arith.constant 0 : i32
      %add3A_73 = arith.addi %mul3A_71, %add3A_72 : i32
      %ge3A = arith.constant 6 : i32
      %ge3A_74 = arith.cmpi sge, %add3A_73, %ge3A : i32
      %convert_element_type3A_75 = arith.extui %ge3A_74 : i1 to i32
      %cond3A_76 = arith.constant 0 : i32
      %cond3A_77 = arith.cmpi ne, %convert_element_type3A_75, %cond3A_76 : i32
      scf.if %cond3A_77 {
        %dma_wait3A_237 = arith.constant 0 : i32
        %dma_wait3A_238 = arith.constant 0 : i32
        %dma_wait3A_239 = tpu.memref_slice %arg14[%dma_wait3A_237, %dma_wait3A_238] : memref<10016x128xf32, #tpu.memory_space<vmem_shared>> -> memref<10016x128xf32, #tpu.memory_space<vmem_shared>>
        tpu.wait_indirect_dma semaphore(%arg25 : memref<!tpu.dma_semaphore, #tpu.memory_space<semaphore_mem>>) src(%arg12 : memref<128x128xf32, #tpu.memory_space<vmem>>) dst(%dma_wait3A_239 : memref<10016x128xf32, #tpu.memory_space<vmem_shared>>)
      } else {
      }
      %add3A_78 = arith.constant 2 : i32
      %add3A_79 = arith.addi %add3A_73, %add3A_78 : i32
      %lt3A_80 = arith.constant 40 : i32
      %lt3A_81 = arith.cmpi slt, %add3A_79, %lt3A_80 : i32
      %convert_element_type3A_82 = arith.extui %lt3A_81 : i1 to i32
      %cond3A_83 = arith.constant 0 : i32
      %cond3A_84 = arith.cmpi ne, %convert_element_type3A_82, %cond3A_83 : i32
      scf.if %cond3A_84 {
        %add3A_237 = arith.constant 2 : i32
        %add3A_238 = arith.addi %add3A_73, %add3A_237 : i32
        %mul3A_239 = arith.constant 128 : i32
        %mul3A_240 = arith.muli %add3A_238, %mul3A_239 : i32
        %add3A_241 = arith.addi %mul3A_24, %mul3A_240 : i32
        %dma_start3A_242 = tpu.memref_slice %arg2[%add3A_241] : memref<163840xi32, #tpu.memory_space<hbm>> -> memref<128xi32, #tpu.memory_space<hbm>>
        %dma_start3A_243 = tpu.memref_slice %arg2[%add3A_241] : memref<163840xi32, #tpu.memory_space<hbm>> -> memref<128xi32, #tpu.memory_space<hbm>>
        tpu.enqueue_dma source(%dma_start3A_243 : memref<128xi32, #tpu.memory_space<hbm>>) target(%arg6 : memref<128xi32, #tpu.memory_space<vmem>>) target_semaphore(%arg17 : memref<!tpu.dma_semaphore, #tpu.memory_space<semaphore_mem>>)
      } else {
      }
      %dma_wait3A_85 = tpu.memref_slice %arg2[%mul3A_24] : memref<163840xi32, #tpu.memory_space<hbm>> -> memref<128xi32, #tpu.memory_space<hbm>>
      %dma_wait3A_86 = tpu.memref_slice %arg2[%mul3A_24] : memref<163840xi32, #tpu.memory_space<hbm>> -> memref<128xi32, #tpu.memory_space<hbm>>
      tpu.wait_dma2 semaphore(%arg15 : memref<!tpu.dma_semaphore, #tpu.memory_space<semaphore_mem>>) src(%dma_wait3A_86 : memref<128xi32, #tpu.memory_space<hbm>>) dst(%arg4 : memref<128xi32, #tpu.memory_space<vmem>>)
      %dma_start3A_87 = arith.constant 0 : i32
      %dma_start3A_88 = arith.constant 0 : i32
      %dma_start3A_89 = tpu.memref_slice %arg14[%dma_start3A_87, %dma_start3A_88] : memref<10016x128xf32, #tpu.memory_space<vmem_shared>> -> memref<10016x128xf32, #tpu.memory_space<vmem_shared>>
      tpu.enqueue_indirect_dma source(%arg12 : memref<128x128xf32, #tpu.memory_space<vmem>>) target(%dma_start3A_89 : memref<10016x128xf32, #tpu.memory_space<vmem_shared>>) offsets(%arg4 : memref<128xi32, #tpu.memory_space<vmem>>) semaphore(%arg23 : memref<!tpu.dma_semaphore, #tpu.memory_space<semaphore_mem>>) {add = true}
      %mul3A_90 = arith.constant 8 : i32
      %mul3A_91 = arith.muli %add3A_69, %mul3A_90 : i32
      %add3A_92 = arith.constant 1 : i32
      %add3A_93 = arith.addi %mul3A_91, %add3A_92 : i32
      %ge3A_94 = arith.constant 6 : i32
      %ge3A_95 = arith.cmpi sge, %add3A_93, %ge3A_94 : i32
      %convert_element_type3A_96 = arith.extui %ge3A_95 : i1 to i32
      %cond3A_97 = arith.constant 0 : i32
      %cond3A_98 = arith.cmpi ne, %convert_element_type3A_96, %cond3A_97 : i32
      scf.if %cond3A_98 {
        %dma_wait3A_237 = arith.constant 0 : i32
        %dma_wait3A_238 = arith.constant 0 : i32
        %dma_wait3A_239 = tpu.memref_slice %arg14[%dma_wait3A_237, %dma_wait3A_238] : memref<10016x128xf32, #tpu.memory_space<vmem_shared>> -> memref<10016x128xf32, #tpu.memory_space<vmem_shared>>
        tpu.wait_indirect_dma semaphore(%arg26 : memref<!tpu.dma_semaphore, #tpu.memory_space<semaphore_mem>>) src(%arg12 : memref<128x128xf32, #tpu.memory_space<vmem>>) dst(%dma_wait3A_239 : memref<10016x128xf32, #tpu.memory_space<vmem_shared>>)
      } else {
      }
      %add3A_99 = arith.constant 2 : i32
      %add3A_100 = arith.addi %add3A_93, %add3A_99 : i32
      %lt3A_101 = arith.constant 40 : i32
      %lt3A_102 = arith.cmpi slt, %add3A_100, %lt3A_101 : i32
      %convert_element_type3A_103 = arith.extui %lt3A_102 : i1 to i32
      %cond3A_104 = arith.constant 0 : i32
      %cond3A_105 = arith.cmpi ne, %convert_element_type3A_103, %cond3A_104 : i32
      scf.if %cond3A_105 {
        %add3A_237 = arith.constant 2 : i32
        %add3A_238 = arith.addi %add3A_93, %add3A_237 : i32
        %mul3A_239 = arith.constant 128 : i32
        %mul3A_240 = arith.muli %add3A_238, %mul3A_239 : i32
        %add3A_241 = arith.addi %mul3A_24, %mul3A_240 : i32
        %dma_start3A_242 = tpu.memref_slice %arg2[%add3A_241] : memref<163840xi32, #tpu.memory_space<hbm>> -> memref<128xi32, #tpu.memory_space<hbm>>
        %dma_start3A_243 = tpu.memref_slice %arg2[%add3A_241] : memref<163840xi32, #tpu.memory_space<hbm>> -> memref<128xi32, #tpu.memory_space<hbm>>
        tpu.enqueue_dma source(%dma_start3A_243 : memref<128xi32, #tpu.memory_space<hbm>>) target(%arg7 : memref<128xi32, #tpu.memory_space<vmem>>) target_semaphore(%arg18 : memref<!tpu.dma_semaphore, #tpu.memory_space<semaphore_mem>>)
      } else {
      }
      %dma_wait3A_106 = tpu.memref_slice %arg2[%mul3A_24] : memref<163840xi32, #tpu.memory_space<hbm>> -> memref<128xi32, #tpu.memory_space<hbm>>
      %dma_wait3A_107 = tpu.memref_slice %arg2[%mul3A_24] : memref<163840xi32, #tpu.memory_space<hbm>> -> memref<128xi32, #tpu.memory_space<hbm>>
      tpu.wait_dma2 semaphore(%arg16 : memref<!tpu.dma_semaphore, #tpu.memory_space<semaphore_mem>>) src(%dma_wait3A_107 : memref<128xi32, #tpu.memory_space<hbm>>) dst(%arg5 : memref<128xi32, #tpu.memory_space<vmem>>)
      %dma_start3A_108 = arith.constant 0 : i32
      %dma_start3A_109 = arith.constant 0 : i32
      %dma_start3A_110 = tpu.memref_slice %arg14[%dma_start3A_108, %dma_start3A_109] : memref<10016x128xf32, #tpu.memory_space<vmem_shared>> -> memref<10016x128xf32, #tpu.memory_space<vmem_shared>>
      tpu.enqueue_indirect_dma source(%arg12 : memref<128x128xf32, #tpu.memory_space<vmem>>) target(%dma_start3A_110 : memref<10016x128xf32, #tpu.memory_space<vmem_shared>>) offsets(%arg5 : memref<128xi32, #tpu.memory_space<vmem>>) semaphore(%arg24 : memref<!tpu.dma_semaphore, #tpu.memory_space<semaphore_mem>>) {add = true}
      %mul3A_111 = arith.constant 8 : i32
      %mul3A_112 = arith.muli %add3A_69, %mul3A_111 : i32
      %add3A_113 = arith.constant 2 : i32
      %add3A_114 = arith.addi %mul3A_112, %add3A_113 : i32
      %ge3A_115 = arith.constant 6 : i32
      %ge3A_116 = arith.cmpi sge, %add3A_114, %ge3A_115 : i32
      %convert_element_type3A_117 = arith.extui %ge3A_116 : i1 to i32
      %cond3A_118 = arith.constant 0 : i32
      %cond3A_119 = arith.cmpi ne, %convert_element_type3A_117, %cond3A_118 : i32
      scf.if %cond3A_119 {
        %dma_wait3A_237 = arith.constant 0 : i32
        %dma_wait3A_238 = arith.constant 0 : i32
        %dma_wait3A_239 = tpu.memref_slice %arg14[%dma_wait3A_237, %dma_wait3A_238] : memref<10016x128xf32, #tpu.memory_space<vmem_shared>> -> memref<10016x128xf32, #tpu.memory_space<vmem_shared>>
        tpu.wait_indirect_dma semaphore(%arg27 : memref<!tpu.dma_semaphore, #tpu.memory_space<semaphore_mem>>) src(%arg12 : memref<128x128xf32, #tpu.memory_space<vmem>>) dst(%dma_wait3A_239 : memref<10016x128xf32, #tpu.memory_space<vmem_shared>>)
      } else {
      }
      %add3A_120 = arith.constant 2 : i32
      %add3A_121 = arith.addi %add3A_114, %add3A_120 : i32
      %lt3A_122 = arith.constant 40 : i32
      %lt3A_123 = arith.cmpi slt, %add3A_121, %lt3A_122 : i32
      %convert_element_type3A_124 = arith.extui %lt3A_123 : i1 to i32
      %cond3A_125 = arith.constant 0 : i32
      %cond3A_126 = arith.cmpi ne, %convert_element_type3A_124, %cond3A_125 : i32
      scf.if %cond3A_126 {
        %add3A_237 = arith.constant 2 : i32
        %add3A_238 = arith.addi %add3A_114, %add3A_237 : i32
        %mul3A_239 = arith.constant 128 : i32
        %mul3A_240 = arith.muli %add3A_238, %mul3A_239 : i32
        %add3A_241 = arith.addi %mul3A_24, %mul3A_240 : i32
        %dma_start3A_242 = tpu.memref_slice %arg2[%add3A_241] : memref<163840xi32, #tpu.memory_space<hbm>> -> memref<128xi32, #tpu.memory_space<hbm>>
        %dma_start3A_243 = tpu.memref_slice %arg2[%add3A_241] : memref<163840xi32, #tpu.memory_space<hbm>> -> memref<128xi32, #tpu.memory_space<hbm>>
        tpu.enqueue_dma source(%dma_start3A_243 : memref<128xi32, #tpu.memory_space<hbm>>) target(%arg8 : memref<128xi32, #tpu.memory_space<vmem>>) target_semaphore(%arg19 : memref<!tpu.dma_semaphore, #tpu.memory_space<semaphore_mem>>)
      } else {
      }
      %dma_wait3A_127 = tpu.memref_slice %arg2[%mul3A_24] : memref<163840xi32, #tpu.memory_space<hbm>> -> memref<128xi32, #tpu.memory_space<hbm>>
      %dma_wait3A_128 = tpu.memref_slice %arg2[%mul3A_24] : memref<163840xi32, #tpu.memory_space<hbm>> -> memref<128xi32, #tpu.memory_space<hbm>>
      tpu.wait_dma2 semaphore(%arg17 : memref<!tpu.dma_semaphore, #tpu.memory_space<semaphore_mem>>) src(%dma_wait3A_128 : memref<128xi32, #tpu.memory_space<hbm>>) dst(%arg6 : memref<128xi32, #tpu.memory_space<vmem>>)
      %dma_start3A_129 = arith.constant 0 : i32
      %dma_start3A_130 = arith.constant 0 : i32
      %dma_start3A_131 = tpu.memref_slice %arg14[%dma_start3A_129, %dma_start3A_130] : memref<10016x128xf32, #tpu.memory_space<vmem_shared>> -> memref<10016x128xf32, #tpu.memory_space<vmem_shared>>
      tpu.enqueue_indirect_dma source(%arg12 : memref<128x128xf32, #tpu.memory_space<vmem>>) target(%dma_start3A_131 : memref<10016x128xf32, #tpu.memory_space<vmem_shared>>) offsets(%arg6 : memref<128xi32, #tpu.memory_space<vmem>>) semaphore(%arg25 : memref<!tpu.dma_semaphore, #tpu.memory_space<semaphore_mem>>) {add = true}
      %mul3A_132 = arith.constant 8 : i32
      %mul3A_133 = arith.muli %add3A_69, %mul3A_132 : i32
      %add3A_134 = arith.constant 3 : i32
      %add3A_135 = arith.addi %mul3A_133, %add3A_134 : i32
      %ge3A_136 = arith.constant 6 : i32
      %ge3A_137 = arith.cmpi sge, %add3A_135, %ge3A_136 : i32
      %convert_element_type3A_138 = arith.extui %ge3A_137 : i1 to i32
      %cond3A_139 = arith.constant 0 : i32
      %cond3A_140 = arith.cmpi ne, %convert_element_type3A_138, %cond3A_139 : i32
      scf.if %cond3A_140 {
        %dma_wait3A_237 = arith.constant 0 : i32
        %dma_wait3A_238 = arith.constant 0 : i32
        %dma_wait3A_239 = tpu.memref_slice %arg14[%dma_wait3A_237, %dma_wait3A_238] : memref<10016x128xf32, #tpu.memory_space<vmem_shared>> -> memref<10016x128xf32, #tpu.memory_space<vmem_shared>>
        tpu.wait_indirect_dma semaphore(%arg28 : memref<!tpu.dma_semaphore, #tpu.memory_space<semaphore_mem>>) src(%arg12 : memref<128x128xf32, #tpu.memory_space<vmem>>) dst(%dma_wait3A_239 : memref<10016x128xf32, #tpu.memory_space<vmem_shared>>)
      } else {
      }
      %add3A_141 = arith.constant 2 : i32
      %add3A_142 = arith.addi %add3A_135, %add3A_141 : i32
      %lt3A_143 = arith.constant 40 : i32
      %lt3A_144 = arith.cmpi slt, %add3A_142, %lt3A_143 : i32
      %convert_element_type3A_145 = arith.extui %lt3A_144 : i1 to i32
      %cond3A_146 = arith.constant 0 : i32
      %cond3A_147 = arith.cmpi ne, %convert_element_type3A_145, %cond3A_146 : i32
      scf.if %cond3A_147 {
        %add3A_237 = arith.constant 2 : i32
        %add3A_238 = arith.addi %add3A_135, %add3A_237 : i32
        %mul3A_239 = arith.constant 128 : i32
        %mul3A_240 = arith.muli %add3A_238, %mul3A_239 : i32
        %add3A_241 = arith.addi %mul3A_24, %mul3A_240 : i32
        %dma_start3A_242 = tpu.memref_slice %arg2[%add3A_241] : memref<163840xi32, #tpu.memory_space<hbm>> -> memref<128xi32, #tpu.memory_space<hbm>>
        %dma_start3A_243 = tpu.memref_slice %arg2[%add3A_241] : memref<163840xi32, #tpu.memory_space<hbm>> -> memref<128xi32, #tpu.memory_space<hbm>>
        tpu.enqueue_dma source(%dma_start3A_243 : memref<128xi32, #tpu.memory_space<hbm>>) target(%arg9 : memref<128xi32, #tpu.memory_space<vmem>>) target_semaphore(%arg20 : memref<!tpu.dma_semaphore, #tpu.memory_space<semaphore_mem>>)
      } else {
      }
      %dma_wait3A_148 = tpu.memref_slice %arg2[%mul3A_24] : memref<163840xi32, #tpu.memory_space<hbm>> -> memref<128xi32, #tpu.memory_space<hbm>>
      %dma_wait3A_149 = tpu.memref_slice %arg2[%mul3A_24] : memref<163840xi32, #tpu.memory_space<hbm>> -> memref<128xi32, #tpu.memory_space<hbm>>
      tpu.wait_dma2 semaphore(%arg18 : memref<!tpu.dma_semaphore, #tpu.memory_space<semaphore_mem>>) src(%dma_wait3A_149 : memref<128xi32, #tpu.memory_space<hbm>>) dst(%arg7 : memref<128xi32, #tpu.memory_space<vmem>>)
      %dma_start3A_150 = arith.constant 0 : i32
      %dma_start3A_151 = arith.constant 0 : i32
      %dma_start3A_152 = tpu.memref_slice %arg14[%dma_start3A_150, %dma_start3A_151] : memref<10016x128xf32, #tpu.memory_space<vmem_shared>> -> memref<10016x128xf32, #tpu.memory_space<vmem_shared>>
      tpu.enqueue_indirect_dma source(%arg12 : memref<128x128xf32, #tpu.memory_space<vmem>>) target(%dma_start3A_152 : memref<10016x128xf32, #tpu.memory_space<vmem_shared>>) offsets(%arg7 : memref<128xi32, #tpu.memory_space<vmem>>) semaphore(%arg26 : memref<!tpu.dma_semaphore, #tpu.memory_space<semaphore_mem>>) {add = true}
      %mul3A_153 = arith.constant 8 : i32
      %mul3A_154 = arith.muli %add3A_69, %mul3A_153 : i32
      %add3A_155 = arith.constant 4 : i32
      %add3A_156 = arith.addi %mul3A_154, %add3A_155 : i32
      %ge3A_157 = arith.constant 6 : i32
      %ge3A_158 = arith.cmpi sge, %add3A_156, %ge3A_157 : i32
      %convert_element_type3A_159 = arith.extui %ge3A_158 : i1 to i32
      %cond3A_160 = arith.constant 0 : i32
      %cond3A_161 = arith.cmpi ne, %convert_element_type3A_159, %cond3A_160 : i32
      scf.if %cond3A_161 {
        %dma_wait3A_237 = arith.constant 0 : i32
        %dma_wait3A_238 = arith.constant 0 : i32
        %dma_wait3A_239 = tpu.memref_slice %arg14[%dma_wait3A_237, %dma_wait3A_238] : memref<10016x128xf32, #tpu.memory_space<vmem_shared>> -> memref<10016x128xf32, #tpu.memory_space<vmem_shared>>
        tpu.wait_indirect_dma semaphore(%arg29 : memref<!tpu.dma_semaphore, #tpu.memory_space<semaphore_mem>>) src(%arg12 : memref<128x128xf32, #tpu.memory_space<vmem>>) dst(%dma_wait3A_239 : memref<10016x128xf32, #tpu.memory_space<vmem_shared>>)
      } else {
      }
      %add3A_162 = arith.constant 2 : i32
      %add3A_163 = arith.addi %add3A_156, %add3A_162 : i32
      %lt3A_164 = arith.constant 40 : i32
      %lt3A_165 = arith.cmpi slt, %add3A_163, %lt3A_164 : i32
      %convert_element_type3A_166 = arith.extui %lt3A_165 : i1 to i32
      %cond3A_167 = arith.constant 0 : i32
      %cond3A_168 = arith.cmpi ne, %convert_element_type3A_166, %cond3A_167 : i32
      scf.if %cond3A_168 {
        %add3A_237 = arith.constant 2 : i32
        %add3A_238 = arith.addi %add3A_156, %add3A_237 : i32
        %mul3A_239 = arith.constant 128 : i32
        %mul3A_240 = arith.muli %add3A_238, %mul3A_239 : i32
        %add3A_241 = arith.addi %mul3A_24, %mul3A_240 : i32
        %dma_start3A_242 = tpu.memref_slice %arg2[%add3A_241] : memref<163840xi32, #tpu.memory_space<hbm>> -> memref<128xi32, #tpu.memory_space<hbm>>
        %dma_start3A_243 = tpu.memref_slice %arg2[%add3A_241] : memref<163840xi32, #tpu.memory_space<hbm>> -> memref<128xi32, #tpu.memory_space<hbm>>
        tpu.enqueue_dma source(%dma_start3A_243 : memref<128xi32, #tpu.memory_space<hbm>>) target(%arg10 : memref<128xi32, #tpu.memory_space<vmem>>) target_semaphore(%arg21 : memref<!tpu.dma_semaphore, #tpu.memory_space<semaphore_mem>>)
      } else {
      }
      %dma_wait3A_169 = tpu.memref_slice %arg2[%mul3A_24] : memref<163840xi32, #tpu.memory_space<hbm>> -> memref<128xi32, #tpu.memory_space<hbm>>
      %dma_wait3A_170 = tpu.memref_slice %arg2[%mul3A_24] : memref<163840xi32, #tpu.memory_space<hbm>> -> memref<128xi32, #tpu.memory_space<hbm>>
      tpu.wait_dma2 semaphore(%arg19 : memref<!tpu.dma_semaphore, #tpu.memory_space<semaphore_mem>>) src(%dma_wait3A_170 : memref<128xi32, #tpu.memory_space<hbm>>) dst(%arg8 : memref<128xi32, #tpu.memory_space<vmem>>)
      %dma_start3A_171 = arith.constant 0 : i32
      %dma_start3A_172 = arith.constant 0 : i32
      %dma_start3A_173 = tpu.memref_slice %arg14[%dma_start3A_171, %dma_start3A_172] : memref<10016x128xf32, #tpu.memory_space<vmem_shared>> -> memref<10016x128xf32, #tpu.memory_space<vmem_shared>>
      tpu.enqueue_indirect_dma source(%arg12 : memref<128x128xf32, #tpu.memory_space<vmem>>) target(%dma_start3A_173 : memref<10016x128xf32, #tpu.memory_space<vmem_shared>>) offsets(%arg8 : memref<128xi32, #tpu.memory_space<vmem>>) semaphore(%arg27 : memref<!tpu.dma_semaphore, #tpu.memory_space<semaphore_mem>>) {add = true}
      %mul3A_174 = arith.constant 8 : i32
      %mul3A_175 = arith.muli %add3A_69, %mul3A_174 : i32
      %add3A_176 = arith.constant 5 : i32
      %add3A_177 = arith.addi %mul3A_175, %add3A_176 : i32
      %ge3A_178 = arith.constant 6 : i32
      %ge3A_179 = arith.cmpi sge, %add3A_177, %ge3A_178 : i32
      %convert_element_type3A_180 = arith.extui %ge3A_179 : i1 to i32
      %cond3A_181 = arith.constant 0 : i32
      %cond3A_182 = arith.cmpi ne, %convert_element_type3A_180, %cond3A_181 : i32
      scf.if %cond3A_182 {
        %dma_wait3A_237 = arith.constant 0 : i32
        %dma_wait3A_238 = arith.constant 0 : i32
        %dma_wait3A_239 = tpu.memref_slice %arg14[%dma_wait3A_237, %dma_wait3A_238] : memref<10016x128xf32, #tpu.memory_space<vmem_shared>> -> memref<10016x128xf32, #tpu.memory_space<vmem_shared>>
        tpu.wait_indirect_dma semaphore(%arg30 : memref<!tpu.dma_semaphore, #tpu.memory_space<semaphore_mem>>) src(%arg12 : memref<128x128xf32, #tpu.memory_space<vmem>>) dst(%dma_wait3A_239 : memref<10016x128xf32, #tpu.memory_space<vmem_shared>>)
      } else {
      }
      %add3A_183 = arith.constant 2 : i32
      %add3A_184 = arith.addi %add3A_177, %add3A_183 : i32
      %lt3A_185 = arith.constant 40 : i32
      %lt3A_186 = arith.cmpi slt, %add3A_184, %lt3A_185 : i32
      %convert_element_type3A_187 = arith.extui %lt3A_186 : i1 to i32
      %cond3A_188 = arith.constant 0 : i32
      %cond3A_189 = arith.cmpi ne, %convert_element_type3A_187, %cond3A_188 : i32
      scf.if %cond3A_189 {
        %add3A_237 = arith.constant 2 : i32
        %add3A_238 = arith.addi %add3A_177, %add3A_237 : i32
        %mul3A_239 = arith.constant 128 : i32
        %mul3A_240 = arith.muli %add3A_238, %mul3A_239 : i32
        %add3A_241 = arith.addi %mul3A_24, %mul3A_240 : i32
        %dma_start3A_242 = tpu.memref_slice %arg2[%add3A_241] : memref<163840xi32, #tpu.memory_space<hbm>> -> memref<128xi32, #tpu.memory_space<hbm>>
        %dma_start3A_243 = tpu.memref_slice %arg2[%add3A_241] : memref<163840xi32, #tpu.memory_space<hbm>> -> memref<128xi32, #tpu.memory_space<hbm>>
        tpu.enqueue_dma source(%dma_start3A_243 : memref<128xi32, #tpu.memory_space<hbm>>) target(%arg11 : memref<128xi32, #tpu.memory_space<vmem>>) target_semaphore(%arg22 : memref<!tpu.dma_semaphore, #tpu.memory_space<semaphore_mem>>)
      } else {
      }
      %dma_wait3A_190 = tpu.memref_slice %arg2[%mul3A_24] : memref<163840xi32, #tpu.memory_space<hbm>> -> memref<128xi32, #tpu.memory_space<hbm>>
      %dma_wait3A_191 = tpu.memref_slice %arg2[%mul3A_24] : memref<163840xi32, #tpu.memory_space<hbm>> -> memref<128xi32, #tpu.memory_space<hbm>>
      tpu.wait_dma2 semaphore(%arg20 : memref<!tpu.dma_semaphore, #tpu.memory_space<semaphore_mem>>) src(%dma_wait3A_191 : memref<128xi32, #tpu.memory_space<hbm>>) dst(%arg9 : memref<128xi32, #tpu.memory_space<vmem>>)
      %dma_start3A_192 = arith.constant 0 : i32
      %dma_start3A_193 = arith.constant 0 : i32
      %dma_start3A_194 = tpu.memref_slice %arg14[%dma_start3A_192, %dma_start3A_193] : memref<10016x128xf32, #tpu.memory_space<vmem_shared>> -> memref<10016x128xf32, #tpu.memory_space<vmem_shared>>
      tpu.enqueue_indirect_dma source(%arg12 : memref<128x128xf32, #tpu.memory_space<vmem>>) target(%dma_start3A_194 : memref<10016x128xf32, #tpu.memory_space<vmem_shared>>) offsets(%arg9 : memref<128xi32, #tpu.memory_space<vmem>>) semaphore(%arg28 : memref<!tpu.dma_semaphore, #tpu.memory_space<semaphore_mem>>) {add = true}
      %mul3A_195 = arith.constant 8 : i32
      %mul3A_196 = arith.muli %add3A_69, %mul3A_195 : i32
      %add3A_197 = arith.constant 6 : i32
      %add3A_198 = arith.addi %mul3A_196, %add3A_197 : i32
      %ge3A_199 = arith.constant 6 : i32
      %ge3A_200 = arith.cmpi sge, %add3A_198, %ge3A_199 : i32
      %convert_element_type3A_201 = arith.extui %ge3A_200 : i1 to i32
      %cond3A_202 = arith.constant 0 : i32
      %cond3A_203 = arith.cmpi ne, %convert_element_type3A_201, %cond3A_202 : i32
      scf.if %cond3A_203 {
        %dma_wait3A_237 = arith.constant 0 : i32
        %dma_wait3A_238 = arith.constant 0 : i32
        %dma_wait3A_239 = tpu.memref_slice %arg14[%dma_wait3A_237, %dma_wait3A_238] : memref<10016x128xf32, #tpu.memory_space<vmem_shared>> -> memref<10016x128xf32, #tpu.memory_space<vmem_shared>>
        tpu.wait_indirect_dma semaphore(%arg23 : memref<!tpu.dma_semaphore, #tpu.memory_space<semaphore_mem>>) src(%arg12 : memref<128x128xf32, #tpu.memory_space<vmem>>) dst(%dma_wait3A_239 : memref<10016x128xf32, #tpu.memory_space<vmem_shared>>)
      } else {
      }
      %add3A_204 = arith.constant 2 : i32
      %add3A_205 = arith.addi %add3A_198, %add3A_204 : i32
      %lt3A_206 = arith.constant 40 : i32
      %lt3A_207 = arith.cmpi slt, %add3A_205, %lt3A_206 : i32
      %convert_element_type3A_208 = arith.extui %lt3A_207 : i1 to i32
      %cond3A_209 = arith.constant 0 : i32
      %cond3A_210 = arith.cmpi ne, %convert_element_type3A_208, %cond3A_209 : i32
      scf.if %cond3A_210 {
        %add3A_237 = arith.constant 2 : i32
        %add3A_238 = arith.addi %add3A_198, %add3A_237 : i32
        %mul3A_239 = arith.constant 128 : i32
        %mul3A_240 = arith.muli %add3A_238, %mul3A_239 : i32
        %add3A_241 = arith.addi %mul3A_24, %mul3A_240 : i32
        %dma_start3A_242 = tpu.memref_slice %arg2[%add3A_241] : memref<163840xi32, #tpu.memory_space<hbm>> -> memref<128xi32, #tpu.memory_space<hbm>>
        %dma_start3A_243 = tpu.memref_slice %arg2[%add3A_241] : memref<163840xi32, #tpu.memory_space<hbm>> -> memref<128xi32, #tpu.memory_space<hbm>>
        tpu.enqueue_dma source(%dma_start3A_243 : memref<128xi32, #tpu.memory_space<hbm>>) target(%arg4 : memref<128xi32, #tpu.memory_space<vmem>>) target_semaphore(%arg15 : memref<!tpu.dma_semaphore, #tpu.memory_space<semaphore_mem>>)
      } else {
      }
      %dma_wait3A_211 = tpu.memref_slice %arg2[%mul3A_24] : memref<163840xi32, #tpu.memory_space<hbm>> -> memref<128xi32, #tpu.memory_space<hbm>>
      %dma_wait3A_212 = tpu.memref_slice %arg2[%mul3A_24] : memref<163840xi32, #tpu.memory_space<hbm>> -> memref<128xi32, #tpu.memory_space<hbm>>
      tpu.wait_dma2 semaphore(%arg21 : memref<!tpu.dma_semaphore, #tpu.memory_space<semaphore_mem>>) src(%dma_wait3A_212 : memref<128xi32, #tpu.memory_space<hbm>>) dst(%arg10 : memref<128xi32, #tpu.memory_space<vmem>>)
      %dma_start3A_213 = arith.constant 0 : i32
      %dma_start3A_214 = arith.constant 0 : i32
      %dma_start3A_215 = tpu.memref_slice %arg14[%dma_start3A_213, %dma_start3A_214] : memref<10016x128xf32, #tpu.memory_space<vmem_shared>> -> memref<10016x128xf32, #tpu.memory_space<vmem_shared>>
      tpu.enqueue_indirect_dma source(%arg12 : memref<128x128xf32, #tpu.memory_space<vmem>>) target(%dma_start3A_215 : memref<10016x128xf32, #tpu.memory_space<vmem_shared>>) offsets(%arg10 : memref<128xi32, #tpu.memory_space<vmem>>) semaphore(%arg29 : memref<!tpu.dma_semaphore, #tpu.memory_space<semaphore_mem>>) {add = true}
      %mul3A_216 = arith.constant 8 : i32
      %mul3A_217 = arith.muli %add3A_69, %mul3A_216 : i32
      %add3A_218 = arith.constant 7 : i32
      %add3A_219 = arith.addi %mul3A_217, %add3A_218 : i32
      %ge3A_220 = arith.constant 6 : i32
      %ge3A_221 = arith.cmpi sge, %add3A_219, %ge3A_220 : i32
      %convert_element_type3A_222 = arith.extui %ge3A_221 : i1 to i32
      %cond3A_223 = arith.constant 0 : i32
      %cond3A_224 = arith.cmpi ne, %convert_element_type3A_222, %cond3A_223 : i32
      scf.if %cond3A_224 {
        %dma_wait3A_237 = arith.constant 0 : i32
        %dma_wait3A_238 = arith.constant 0 : i32
        %dma_wait3A_239 = tpu.memref_slice %arg14[%dma_wait3A_237, %dma_wait3A_238] : memref<10016x128xf32, #tpu.memory_space<vmem_shared>> -> memref<10016x128xf32, #tpu.memory_space<vmem_shared>>
        tpu.wait_indirect_dma semaphore(%arg24 : memref<!tpu.dma_semaphore, #tpu.memory_space<semaphore_mem>>) src(%arg12 : memref<128x128xf32, #tpu.memory_space<vmem>>) dst(%dma_wait3A_239 : memref<10016x128xf32, #tpu.memory_space<vmem_shared>>)
      } else {
      }
      %add3A_225 = arith.constant 2 : i32
      %add3A_226 = arith.addi %add3A_219, %add3A_225 : i32
      %lt3A_227 = arith.constant 40 : i32
      %lt3A_228 = arith.cmpi slt, %add3A_226, %lt3A_227 : i32
      %convert_element_type3A_229 = arith.extui %lt3A_228 : i1 to i32
      %cond3A_230 = arith.constant 0 : i32
      %cond3A_231 = arith.cmpi ne, %convert_element_type3A_229, %cond3A_230 : i32
      scf.if %cond3A_231 {
        %add3A_237 = arith.constant 2 : i32
        %add3A_238 = arith.addi %add3A_219, %add3A_237 : i32
        %mul3A_239 = arith.constant 128 : i32
        %mul3A_240 = arith.muli %add3A_238, %mul3A_239 : i32
        %add3A_241 = arith.addi %mul3A_24, %mul3A_240 : i32
        %dma_start3A_242 = tpu.memref_slice %arg2[%add3A_241] : memref<163840xi32, #tpu.memory_space<hbm>> -> memref<128xi32, #tpu.memory_space<hbm>>
        %dma_start3A_243 = tpu.memref_slice %arg2[%add3A_241] : memref<163840xi32, #tpu.memory_space<hbm>> -> memref<128xi32, #tpu.memory_space<hbm>>
        tpu.enqueue_dma source(%dma_start3A_243 : memref<128xi32, #tpu.memory_space<hbm>>) target(%arg5 : memref<128xi32, #tpu.memory_space<vmem>>) target_semaphore(%arg16 : memref<!tpu.dma_semaphore, #tpu.memory_space<semaphore_mem>>)
      } else {
      }
      %dma_wait3A_232 = tpu.memref_slice %arg2[%mul3A_24] : memref<163840xi32, #tpu.memory_space<hbm>> -> memref<128xi32, #tpu.memory_space<hbm>>
      %dma_wait3A_233 = tpu.memref_slice %arg2[%mul3A_24] : memref<163840xi32, #tpu.memory_space<hbm>> -> memref<128xi32, #tpu.memory_space<hbm>>
      tpu.wait_dma2 semaphore(%arg22 : memref<!tpu.dma_semaphore, #tpu.memory_space<semaphore_mem>>) src(%dma_wait3A_233 : memref<128xi32, #tpu.memory_space<hbm>>) dst(%arg11 : memref<128xi32, #tpu.memory_space<vmem>>)
      %dma_start3A_234 = arith.constant 0 : i32
      %dma_start3A_235 = arith.constant 0 : i32
      %dma_start3A_236 = tpu.memref_slice %arg14[%dma_start3A_234, %dma_start3A_235] : memref<10016x128xf32, #tpu.memory_space<vmem_shared>> -> memref<10016x128xf32, #tpu.memory_space<vmem_shared>>
      tpu.enqueue_indirect_dma source(%arg12 : memref<128x128xf32, #tpu.memory_space<vmem>>) target(%dma_start3A_236 : memref<10016x128xf32, #tpu.memory_space<vmem_shared>>) offsets(%arg11 : memref<128xi32, #tpu.memory_space<vmem>>) semaphore(%arg30 : memref<!tpu.dma_semaphore, #tpu.memory_space<semaphore_mem>>) {add = true}
    }
    %scan3A_36 = arith.constant 5 : i32
    %dma_wait3A = arith.constant 0 : i32
    %dma_wait3A_37 = arith.constant 0 : i32
    %dma_wait3A_38 = tpu.memref_slice %arg14[%dma_wait3A, %dma_wait3A_37] : memref<10016x128xf32, #tpu.memory_space<vmem_shared>> -> memref<10016x128xf32, #tpu.memory_space<vmem_shared>>
    tpu.wait_indirect_dma semaphore(%arg25 : memref<!tpu.dma_semaphore, #tpu.memory_space<semaphore_mem>>) src(%arg12 : memref<128x128xf32, #tpu.memory_space<vmem>>) dst(%dma_wait3A_38 : memref<10016x128xf32, #tpu.memory_space<vmem_shared>>)
    %dma_wait3A_39 = arith.constant 0 : i32
    %dma_wait3A_40 = arith.constant 0 : i32
    %dma_wait3A_41 = tpu.memref_slice %arg14[%dma_wait3A_39, %dma_wait3A_40] : memref<10016x128xf32, #tpu.memory_space<vmem_shared>> -> memref<10016x128xf32, #tpu.memory_space<vmem_shared>>
    tpu.wait_indirect_dma semaphore(%arg26 : memref<!tpu.dma_semaphore, #tpu.memory_space<semaphore_mem>>) src(%arg12 : memref<128x128xf32, #tpu.memory_space<vmem>>) dst(%dma_wait3A_41 : memref<10016x128xf32, #tpu.memory_space<vmem_shared>>)
    %dma_wait3A_42 = arith.constant 0 : i32
    %dma_wait3A_43 = arith.constant 0 : i32
    %dma_wait3A_44 = tpu.memref_slice %arg14[%dma_wait3A_42, %dma_wait3A_43] : memref<10016x128xf32, #tpu.memory_space<vmem_shared>> -> memref<10016x128xf32, #tpu.memory_space<vmem_shared>>
    tpu.wait_indirect_dma semaphore(%arg27 : memref<!tpu.dma_semaphore, #tpu.memory_space<semaphore_mem>>) src(%arg12 : memref<128x128xf32, #tpu.memory_space<vmem>>) dst(%dma_wait3A_44 : memref<10016x128xf32, #tpu.memory_space<vmem_shared>>)
    %dma_wait3A_45 = arith.constant 0 : i32
    %dma_wait3A_46 = arith.constant 0 : i32
    %dma_wait3A_47 = tpu.memref_slice %arg14[%dma_wait3A_45, %dma_wait3A_46] : memref<10016x128xf32, #tpu.memory_space<vmem_shared>> -> memref<10016x128xf32, #tpu.memory_space<vmem_shared>>
    tpu.wait_indirect_dma semaphore(%arg28 : memref<!tpu.dma_semaphore, #tpu.memory_space<semaphore_mem>>) src(%arg12 : memref<128x128xf32, #tpu.memory_space<vmem>>) dst(%dma_wait3A_47 : memref<10016x128xf32, #tpu.memory_space<vmem_shared>>)
    %dma_wait3A_48 = arith.constant 0 : i32
    %dma_wait3A_49 = arith.constant 0 : i32
    %dma_wait3A_50 = tpu.memref_slice %arg14[%dma_wait3A_48, %dma_wait3A_49] : memref<10016x128xf32, #tpu.memory_space<vmem_shared>> -> memref<10016x128xf32, #tpu.memory_space<vmem_shared>>
    tpu.wait_indirect_dma semaphore(%arg29 : memref<!tpu.dma_semaphore, #tpu.memory_space<semaphore_mem>>) src(%arg12 : memref<128x128xf32, #tpu.memory_space<vmem>>) dst(%dma_wait3A_50 : memref<10016x128xf32, #tpu.memory_space<vmem_shared>>)
    %dma_wait3A_51 = arith.constant 0 : i32
    %dma_wait3A_52 = arith.constant 0 : i32
    %dma_wait3A_53 = tpu.memref_slice %arg14[%dma_wait3A_51, %dma_wait3A_52] : memref<10016x128xf32, #tpu.memory_space<vmem_shared>> -> memref<10016x128xf32, #tpu.memory_space<vmem_shared>>
    tpu.wait_indirect_dma semaphore(%arg30 : memref<!tpu.dma_semaphore, #tpu.memory_space<semaphore_mem>>) src(%arg12 : memref<128x128xf32, #tpu.memory_space<vmem>>) dst(%dma_wait3A_53 : memref<10016x128xf32, #tpu.memory_space<vmem_shared>>)
    %barrier3A_54 = arith.constant 0 : index
    tpu.barrier barrier_id(%barrier3A_54)
    %lt3A_55 = arith.constant 15 : i32
    %lt3A_56 = arith.cmpi slt, %arg1, %lt3A_55 : i32
    %convert_element_type3A_57 = arith.extui %lt3A_56 : i1 to i32
    %cond3A_58 = arith.constant 0 : i32
    %cond3A_59 = arith.cmpi ne, %convert_element_type3A_57, %cond3A_58 : i32
    scf.if %cond3A_59 {
      "tpu.region"() ({
        %run_scoped3A = tpu.sem_alloc : memref<!tpu.dma_semaphore, #tpu.memory_space<semaphore_mem>>
        %dma_start3A_65 = arith.constant 0 : i32
        %dma_start3A_66 = arith.constant 0 : i32
        %dma_start3A_67 = tpu.memref_slice %arg3[%arg0, %dma_start3A_65, %dma_start3A_66] : memref<2x10000x128xf32, #tpu.memory_space<hbm>> -> memref<1x10000x128xf32, #tpu.memory_space<hbm>>
        %dma_start3A_68 = tpu.memref_squeeze %dma_start3A_67 : memref<1x10000x128xf32, #tpu.memory_space<hbm>> -> memref<10000x128xf32, #tpu.memory_space<hbm>>
        %dma_start3A_69 = arith.constant 0 : i32
        %dma_start3A_70 = tpu.memref_slice %dma_start3A_68[%mul3A_12, %dma_start3A_69] : memref<10000x128xf32, #tpu.memory_space<hbm>> -> memref<640x128xf32, #tpu.memory_space<hbm>>
        %dma_start3A_71 = arith.constant 0 : i32
        %dma_start3A_72 = tpu.memref_slice %arg14[%mul3A_12, %dma_start3A_71] : memref<10016x128xf32, #tpu.memory_space<vmem_shared>> -> memref<640x128xf32, #tpu.memory_space<vmem_shared>>
        tpu.enqueue_dma source(%dma_start3A_72 : memref<640x128xf32, #tpu.memory_space<vmem_shared>>) target(%dma_start3A_70 : memref<640x128xf32, #tpu.memory_space<hbm>>) target_semaphore(%run_scoped3A : memref<!tpu.dma_semaphore, #tpu.memory_space<semaphore_mem>>)
        %dma_wait3A_73 = arith.constant 0 : i32
        %dma_wait3A_74 = arith.constant 0 : i32
        %dma_wait3A_75 = tpu.memref_slice %arg3[%arg0, %dma_wait3A_73, %dma_wait3A_74] : memref<2x10000x128xf32, #tpu.memory_space<hbm>> -> memref<1x10000x128xf32, #tpu.memory_space<hbm>>
        %dma_wait3A_76 = tpu.memref_squeeze %dma_wait3A_75 : memref<1x10000x128xf32, #tpu.memory_space<hbm>> -> memref<10000x128xf32, #tpu.memory_space<hbm>>
        %dma_wait3A_77 = arith.constant 0 : i32
        %dma_wait3A_78 = tpu.memref_slice %dma_wait3A_76[%mul3A_12, %dma_wait3A_77] : memref<10000x128xf32, #tpu.memory_space<hbm>> -> memref<640x128xf32, #tpu.memory_space<hbm>>
        %dma_wait3A_79 = arith.constant 0 : i32
        %dma_wait3A_80 = tpu.memref_slice %arg14[%mul3A_12, %dma_wait3A_79] : memref<10016x128xf32, #tpu.memory_space<vmem_shared>> -> memref<640x128xf32, #tpu.memory_space<vmem_shared>>
        tpu.wait_dma2 semaphore(%run_scoped3A : memref<!tpu.dma_semaphore, #tpu.memory_space<semaphore_mem>>) src(%dma_wait3A_80 : memref<640x128xf32, #tpu.memory_space<vmem_shared>>) dst(%dma_wait3A_78 : memref<640x128xf32, #tpu.memory_space<hbm>>)
        tpu.yield
      }) : () -> ()
    } else {
    }
    %eq3A_60 = arith.constant 15 : i32
    %eq3A_61 = arith.cmpi eq, %arg1, %eq3A_60 : i32
    %convert_element_type3A_62 = arith.extui %eq3A_61 : i1 to i32
    %cond3A_63 = arith.constant 0 : i32
    %cond3A_64 = arith.cmpi ne, %convert_element_type3A_62, %cond3A_63 : i32
    scf.if %cond3A_64 {
      "tpu.region"() ({
        %run_scoped3A = tpu.sem_alloc : memref<!tpu.dma_semaphore, #tpu.memory_space<semaphore_mem>>
        %dma_start3A_65 = arith.constant 0 : i32
        %dma_start3A_66 = arith.constant 0 : i32
        %dma_start3A_67 = tpu.memref_slice %arg3[%arg0, %dma_start3A_65, %dma_start3A_66] : memref<2x10000x128xf32, #tpu.memory_space<hbm>> -> memref<1x10000x128xf32, #tpu.memory_space<hbm>>
        %dma_start3A_68 = tpu.memref_squeeze %dma_start3A_67 : memref<1x10000x128xf32, #tpu.memory_space<hbm>> -> memref<10000x128xf32, #tpu.memory_space<hbm>>
        %dma_start3A_69 = arith.constant 0 : i32
        %dma_start3A_70 = tpu.memref_slice %dma_start3A_68[%mul3A_12, %dma_start3A_69] : memref<10000x128xf32, #tpu.memory_space<hbm>> -> memref<400x128xf32, #tpu.memory_space<hbm>>
        %dma_start3A_71 = arith.constant 0 : i32
        %dma_start3A_72 = tpu.memref_slice %arg14[%mul3A_12, %dma_start3A_71] : memref<10016x128xf32, #tpu.memory_space<vmem_shared>> -> memref<400x128xf32, #tpu.memory_space<vmem_shared>>
        tpu.enqueue_dma source(%dma_start3A_72 : memref<400x128xf32, #tpu.memory_space<vmem_shared>>) target(%dma_start3A_70 : memref<400x128xf32, #tpu.memory_space<hbm>>) target_semaphore(%run_scoped3A : memref<!tpu.dma_semaphore, #tpu.memory_space<semaphore_mem>>)
        %dma_wait3A_73 = arith.constant 0 : i32
        %dma_wait3A_74 = arith.constant 0 : i32
        %dma_wait3A_75 = tpu.memref_slice %arg3[%arg0, %dma_wait3A_73, %dma_wait3A_74] : memref<2x10000x128xf32, #tpu.memory_space<hbm>> -> memref<1x10000x128xf32, #tpu.memory_space<hbm>>
        %dma_wait3A_76 = tpu.memref_squeeze %dma_wait3A_75 : memref<1x10000x128xf32, #tpu.memory_space<hbm>> -> memref<10000x128xf32, #tpu.memory_space<hbm>>
        %dma_wait3A_77 = arith.constant 0 : i32
        %dma_wait3A_78 = tpu.memref_slice %dma_wait3A_76[%mul3A_12, %dma_wait3A_77] : memref<10000x128xf32, #tpu.memory_space<hbm>> -> memref<400x128xf32, #tpu.memory_space<hbm>>
        %dma_wait3A_79 = arith.constant 0 : i32
        %dma_wait3A_80 = tpu.memref_slice %arg14[%mul3A_12, %dma_wait3A_79] : memref<10016x128xf32, #tpu.memory_space<vmem_shared>> -> memref<400x128xf32, #tpu.memory_space<vmem_shared>>
        tpu.wait_dma2 semaphore(%run_scoped3A : memref<!tpu.dma_semaphore, #tpu.memory_space<semaphore_mem>>) src(%dma_wait3A_80 : memref<400x128xf32, #tpu.memory_space<vmem_shared>>) dst(%dma_wait3A_78 : memref<400x128xf32, #tpu.memory_space<hbm>>)
        tpu.yield
      }) : () -> ()
    } else {
    }
    return
  }
}

#map = affine_map<(d0, d1) -> (0, 0)>
#map1 = affine_map<(d0, d1) -> (0)>
#map2 = affine_map<(d0, d1) -> (0, 0, 0)>
module attributes {stable_mosaic.version = 14 : i64} {
  func.func @_agg(%arg0: i32, %arg1: i32, %arg2: memref<20000x128xf32, #tpu.memory_space<hbm>>, %arg3: memref<2x163840xi32, #tpu.memory_space<hbm>>, %arg4: memref<163840xi32, #tpu.memory_space<hbm>>, %arg5: memref<2x10000x128xf32, #tpu.memory_space<hbm>>, %arg6: memref<128xi32, #tpu.memory_space<vmem>>, %arg7: memref<128xi32, #tpu.memory_space<vmem>>, %arg8: memref<128xi32, #tpu.memory_space<vmem>>, %arg9: memref<128xi32, #tpu.memory_space<vmem>>, %arg10: memref<128xi32, #tpu.memory_space<vmem>>, %arg11: memref<128xi32, #tpu.memory_space<vmem>>, %arg12: memref<128xi32, #tpu.memory_space<vmem>>, %arg13: memref<128xi32, #tpu.memory_space<vmem>>, %arg14: memref<128x128xf32, #tpu.memory_space<vmem>>, %arg15: memref<128x128xf32, #tpu.memory_space<vmem>>, %arg16: memref<40x128xf32, #tpu.memory_space<vmem>>, %arg17: memref<10016x128xf32, #tpu.memory_space<vmem_shared>>, %arg18: memref<!tpu.dma_semaphore, #tpu.memory_space<semaphore_mem>>, %arg19: memref<!tpu.dma_semaphore, #tpu.memory_space<semaphore_mem>>, %arg20: memref<!tpu.dma_semaphore, #tpu.memory_space<semaphore_mem>>, %arg21: memref<!tpu.dma_semaphore, #tpu.memory_space<semaphore_mem>>, %arg22: memref<!tpu.dma_semaphore, #tpu.memory_space<semaphore_mem>>, %arg23: memref<!tpu.dma_semaphore, #tpu.memory_space<semaphore_mem>>, %arg24: memref<!tpu.dma_semaphore, #tpu.memory_space<semaphore_mem>>, %arg25: memref<!tpu.dma_semaphore, #tpu.memory_space<semaphore_mem>>) attributes {dimension_semantics = [#tpu.dimension_semantics<core_parallel>, #tpu.dimension_semantics<subcore_parallel>], iteration_bounds = array<i64: 2, 16>, scalar_prefetch = 0 : i64, scratch_operands = 20 : i64, tpu.core_type = #tpu.core_type<sc_vector_subcore>, window_params = [{transform_indices = #map}, {transform_indices = #map}, {transform_indices = #map1}, {transform_indices = #map2}]} {
    %broadcast_in_dim3A = arith.constant 0.000000e+00 : f32
    %broadcast_in_dim3A_0 = vector.broadcast %broadcast_in_dim3A : f32 to vector<1x16xf32>
    %scan3A = arith.constant 0 : i32
    %scan3A_1 = arith.constant 40 : i32
    %scan3A_2 = arith.addi %scan3A, %scan3A_1 : i32
    %scan3A_3 = arith.constant 1 : i32
    scf.for %scan3A_69 = %scan3A to %scan3A_2 step %scan3A_3  : i32 {
      %mul3A_70 = arith.constant 1 : i32
      %mul3A_71 = arith.muli %scan3A_69, %mul3A_70 : i32
      %add3A_72 = arith.constant 0 : i32
      %add3A_73 = arith.addi %add3A_72, %mul3A_71 : i32
      %scan3A_74 = arith.constant 0 : i32
      %scan3A_75 = arith.constant 8 : i32
      %scan3A_76 = arith.addi %scan3A_74, %scan3A_75 : i32
      %scan3A_77 = arith.constant 1 : i32
      scf.for %scan3A_79 = %scan3A_74 to %scan3A_76 step %scan3A_77  : i32 {
        %mul3A_80 = arith.constant 1 : i32
        %mul3A_81 = arith.muli %scan3A_79, %mul3A_80 : i32
        %add3A_82 = arith.constant 0 : i32
        %add3A_83 = arith.addi %add3A_82, %mul3A_81 : i32
        %mul3A_84 = arith.constant 16 : i32
        %mul3A_85 = arith.muli %add3A_83, %mul3A_84 : i32
        %swap3A = arith.index_cast %add3A_73 : i32 to index
        %swap3A_86 = arith.index_cast %mul3A_85 : i32 to index
        %swap3A_87 = tpu.vector_load %arg16[%swap3A, %swap3A_86] {strides = array<i32>} : memref<40x128xf32, #tpu.memory_space<vmem>>, vector<1x16xf32>,
        %swap3A_88 = vector.shape_cast %swap3A_87 : vector<1x16xf32> to vector<1x16xf32>
        %swap3A_89 = vector.shape_cast %broadcast_in_dim3A_0 : vector<1x16xf32> to vector<1x16xf32>
        tpu.vector_store %arg16[%swap3A, %swap3A_86], %swap3A_89 {strides = array<i32>} : memref<40x128xf32, #tpu.memory_space<vmem>>, vector<1x16xf32>,
      }
      %scan3A_78 = arith.constant 8 : i32
    }
    %scan3A_4 = arith.constant 40 : i32
    %mul3A = arith.constant 640 : i32
    %mul3A_5 = arith.muli %arg1, %mul3A : i32
    %lt3A = arith.constant 15 : i32
    %lt3A_6 = arith.cmpi slt, %arg1, %lt3A : i32
    %convert_element_type3A = arith.extui %lt3A_6 : i1 to i32
    %cond3A = arith.constant 0 : i32
    %cond3A_7 = arith.cmpi ne, %convert_element_type3A, %cond3A : i32
    scf.if %cond3A_7 {
      %add3A_69 = arith.constant 0 : i32
      %add3A_70 = arith.addi %mul3A_5, %add3A_69 : i32
      "tpu.region"() ({
        %run_scoped3A = tpu.sem_alloc : memref<!tpu.dma_semaphore, #tpu.memory_space<semaphore_mem>>
        %dma_start3A_101 = arith.constant 0 : i32
        %dma_start3A_102 = tpu.memref_slice %arg17[%add3A_70, %dma_start3A_101] : memref<10016x128xf32, #tpu.memory_space<vmem_shared>> -> memref<40x128xf32, #tpu.memory_space<vmem_shared>>
        %dma_start3A_103 = arith.constant 0 : i32
        %dma_start3A_104 = tpu.memref_slice %arg17[%add3A_70, %dma_start3A_103] : memref<10016x128xf32, #tpu.memory_space<vmem_shared>> -> memref<40x128xf32, #tpu.memory_space<vmem_shared>>
        tpu.enqueue_dma source(%arg16 : memref<40x128xf32, #tpu.memory_space<vmem>>) target(%dma_start3A_104 : memref<40x128xf32, #tpu.memory_space<vmem_shared>>) target_semaphore(%run_scoped3A : memref<!tpu.dma_semaphore, #tpu.memory_space<semaphore_mem>>)
        %dma_wait3A_105 = arith.constant 0 : i32
        %dma_wait3A_106 = tpu.memref_slice %arg17[%add3A_70, %dma_wait3A_105] : memref<10016x128xf32, #tpu.memory_space<vmem_shared>> -> memref<40x128xf32, #tpu.memory_space<vmem_shared>>
        %dma_wait3A_107 = arith.constant 0 : i32
        %dma_wait3A_108 = tpu.memref_slice %arg17[%add3A_70, %dma_wait3A_107] : memref<10016x128xf32, #tpu.memory_space<vmem_shared>> -> memref<40x128xf32, #tpu.memory_space<vmem_shared>>
        tpu.wait_dma2 semaphore(%run_scoped3A : memref<!tpu.dma_semaphore, #tpu.memory_space<semaphore_mem>>) src(%arg16 : memref<40x128xf32, #tpu.memory_space<vmem>>) dst(%dma_wait3A_108 : memref<40x128xf32, #tpu.memory_space<vmem_shared>>)
        tpu.yield
      }) : () -> ()
      %add3A_71 = arith.constant 40 : i32
      %add3A_72 = arith.addi %mul3A_5, %add3A_71 : i32
      "tpu.region"() ({
        %run_scoped3A = tpu.sem_alloc : memref<!tpu.dma_semaphore, #tpu.memory_space<semaphore_mem>>
        %dma_start3A_101 = arith.constant 0 : i32
        %dma_start3A_102 = tpu.memref_slice %arg17[%add3A_72, %dma_start3A_101] : memref<10016x128xf32, #tpu.memory_space<vmem_shared>> -> memref<40x128xf32, #tpu.memory_space<vmem_shared>>
        %dma_start3A_103 = arith.constant 0 : i32
        %dma_start3A_104 = tpu.memref_slice %arg17[%add3A_72, %dma_start3A_103] : memref<10016x128xf32, #tpu.memory_space<vmem_shared>> -> memref<40x128xf32, #tpu.memory_space<vmem_shared>>
        tpu.enqueue_dma source(%arg16 : memref<40x128xf32, #tpu.memory_space<vmem>>) target(%dma_start3A_104 : memref<40x128xf32, #tpu.memory_space<vmem_shared>>) target_semaphore(%run_scoped3A : memref<!tpu.dma_semaphore, #tpu.memory_space<semaphore_mem>>)
        %dma_wait3A_105 = arith.constant 0 : i32
        %dma_wait3A_106 = tpu.memref_slice %arg17[%add3A_72, %dma_wait3A_105] : memref<10016x128xf32, #tpu.memory_space<vmem_shared>> -> memref<40x128xf32, #tpu.memory_space<vmem_shared>>
        %dma_wait3A_107 = arith.constant 0 : i32
        %dma_wait3A_108 = tpu.memref_slice %arg17[%add3A_72, %dma_wait3A_107] : memref<10016x128xf32, #tpu.memory_space<vmem_shared>> -> memref<40x128xf32, #tpu.memory_space<vmem_shared>>
        tpu.wait_dma2 semaphore(%run_scoped3A : memref<!tpu.dma_semaphore, #tpu.memory_space<semaphore_mem>>) src(%arg16 : memref<40x128xf32, #tpu.memory_space<vmem>>) dst(%dma_wait3A_108 : memref<40x128xf32, #tpu.memory_space<vmem_shared>>)
        tpu.yield
      }) : () -> ()
      %add3A_73 = arith.constant 80 : i32
      %add3A_74 = arith.addi %mul3A_5, %add3A_73 : i32
      "tpu.region"() ({
        %run_scoped3A = tpu.sem_alloc : memref<!tpu.dma_semaphore, #tpu.memory_space<semaphore_mem>>
        %dma_start3A_101 = arith.constant 0 : i32
        %dma_start3A_102 = tpu.memref_slice %arg17[%add3A_74, %dma_start3A_101] : memref<10016x128xf32, #tpu.memory_space<vmem_shared>> -> memref<40x128xf32, #tpu.memory_space<vmem_shared>>
        %dma_start3A_103 = arith.constant 0 : i32
        %dma_start3A_104 = tpu.memref_slice %arg17[%add3A_74, %dma_start3A_103] : memref<10016x128xf32, #tpu.memory_space<vmem_shared>> -> memref<40x128xf32, #tpu.memory_space<vmem_shared>>
        tpu.enqueue_dma source(%arg16 : memref<40x128xf32, #tpu.memory_space<vmem>>) target(%dma_start3A_104 : memref<40x128xf32, #tpu.memory_space<vmem_shared>>) target_semaphore(%run_scoped3A : memref<!tpu.dma_semaphore, #tpu.memory_space<semaphore_mem>>)
        %dma_wait3A_105 = arith.constant 0 : i32
        %dma_wait3A_106 = tpu.memref_slice %arg17[%add3A_74, %dma_wait3A_105] : memref<10016x128xf32, #tpu.memory_space<vmem_shared>> -> memref<40x128xf32, #tpu.memory_space<vmem_shared>>
        %dma_wait3A_107 = arith.constant 0 : i32
        %dma_wait3A_108 = tpu.memref_slice %arg17[%add3A_74, %dma_wait3A_107] : memref<10016x128xf32, #tpu.memory_space<vmem_shared>> -> memref<40x128xf32, #tpu.memory_space<vmem_shared>>
        tpu.wait_dma2 semaphore(%run_scoped3A : memref<!tpu.dma_semaphore, #tpu.memory_space<semaphore_mem>>) src(%arg16 : memref<40x128xf32, #tpu.memory_space<vmem>>) dst(%dma_wait3A_108 : memref<40x128xf32, #tpu.memory_space<vmem_shared>>)
        tpu.yield
      }) : () -> ()
      %add3A_75 = arith.constant 120 : i32
      %add3A_76 = arith.addi %mul3A_5, %add3A_75 : i32
      "tpu.region"() ({
        %run_scoped3A = tpu.sem_alloc : memref<!tpu.dma_semaphore, #tpu.memory_space<semaphore_mem>>
        %dma_start3A_101 = arith.constant 0 : i32
        %dma_start3A_102 = tpu.memref_slice %arg17[%add3A_76, %dma_start3A_101] : memref<10016x128xf32, #tpu.memory_space<vmem_shared>> -> memref<40x128xf32, #tpu.memory_space<vmem_shared>>
        %dma_start3A_103 = arith.constant 0 : i32
        %dma_start3A_104 = tpu.memref_slice %arg17[%add3A_76, %dma_start3A_103] : memref<10016x128xf32, #tpu.memory_space<vmem_shared>> -> memref<40x128xf32, #tpu.memory_space<vmem_shared>>
        tpu.enqueue_dma source(%arg16 : memref<40x128xf32, #tpu.memory_space<vmem>>) target(%dma_start3A_104 : memref<40x128xf32, #tpu.memory_space<vmem_shared>>) target_semaphore(%run_scoped3A : memref<!tpu.dma_semaphore, #tpu.memory_space<semaphore_mem>>)
        %dma_wait3A_105 = arith.constant 0 : i32
        %dma_wait3A_106 = tpu.memref_slice %arg17[%add3A_76, %dma_wait3A_105] : memref<10016x128xf32, #tpu.memory_space<vmem_shared>> -> memref<40x128xf32, #tpu.memory_space<vmem_shared>>
        %dma_wait3A_107 = arith.constant 0 : i32
        %dma_wait3A_108 = tpu.memref_slice %arg17[%add3A_76, %dma_wait3A_107] : memref<10016x128xf32, #tpu.memory_space<vmem_shared>> -> memref<40x128xf32, #tpu.memory_space<vmem_shared>>
        tpu.wait_dma2 semaphore(%run_scoped3A : memref<!tpu.dma_semaphore, #tpu.memory_space<semaphore_mem>>) src(%arg16 : memref<40x128xf32, #tpu.memory_space<vmem>>) dst(%dma_wait3A_108 : memref<40x128xf32, #tpu.memory_space<vmem_shared>>)
        tpu.yield
      }) : () -> ()
      %add3A_77 = arith.constant 160 : i32
      %add3A_78 = arith.addi %mul3A_5, %add3A_77 : i32
      "tpu.region"() ({
        %run_scoped3A = tpu.sem_alloc : memref<!tpu.dma_semaphore, #tpu.memory_space<semaphore_mem>>
        %dma_start3A_101 = arith.constant 0 : i32
        %dma_start3A_102 = tpu.memref_slice %arg17[%add3A_78, %dma_start3A_101] : memref<10016x128xf32, #tpu.memory_space<vmem_shared>> -> memref<40x128xf32, #tpu.memory_space<vmem_shared>>
        %dma_start3A_103 = arith.constant 0 : i32
        %dma_start3A_104 = tpu.memref_slice %arg17[%add3A_78, %dma_start3A_103] : memref<10016x128xf32, #tpu.memory_space<vmem_shared>> -> memref<40x128xf32, #tpu.memory_space<vmem_shared>>
        tpu.enqueue_dma source(%arg16 : memref<40x128xf32, #tpu.memory_space<vmem>>) target(%dma_start3A_104 : memref<40x128xf32, #tpu.memory_space<vmem_shared>>) target_semaphore(%run_scoped3A : memref<!tpu.dma_semaphore, #tpu.memory_space<semaphore_mem>>)
        %dma_wait3A_105 = arith.constant 0 : i32
        %dma_wait3A_106 = tpu.memref_slice %arg17[%add3A_78, %dma_wait3A_105] : memref<10016x128xf32, #tpu.memory_space<vmem_shared>> -> memref<40x128xf32, #tpu.memory_space<vmem_shared>>
        %dma_wait3A_107 = arith.constant 0 : i32
        %dma_wait3A_108 = tpu.memref_slice %arg17[%add3A_78, %dma_wait3A_107] : memref<10016x128xf32, #tpu.memory_space<vmem_shared>> -> memref<40x128xf32, #tpu.memory_space<vmem_shared>>
        tpu.wait_dma2 semaphore(%run_scoped3A : memref<!tpu.dma_semaphore, #tpu.memory_space<semaphore_mem>>) src(%arg16 : memref<40x128xf32, #tpu.memory_space<vmem>>) dst(%dma_wait3A_108 : memref<40x128xf32, #tpu.memory_space<vmem_shared>>)
        tpu.yield
      }) : () -> ()
      %add3A_79 = arith.constant 200 : i32
      %add3A_80 = arith.addi %mul3A_5, %add3A_79 : i32
      "tpu.region"() ({
        %run_scoped3A = tpu.sem_alloc : memref<!tpu.dma_semaphore, #tpu.memory_space<semaphore_mem>>
        %dma_start3A_101 = arith.constant 0 : i32
        %dma_start3A_102 = tpu.memref_slice %arg17[%add3A_80, %dma_start3A_101] : memref<10016x128xf32, #tpu.memory_space<vmem_shared>> -> memref<40x128xf32, #tpu.memory_space<vmem_shared>>
        %dma_start3A_103 = arith.constant 0 : i32
        %dma_start3A_104 = tpu.memref_slice %arg17[%add3A_80, %dma_start3A_103] : memref<10016x128xf32, #tpu.memory_space<vmem_shared>> -> memref<40x128xf32, #tpu.memory_space<vmem_shared>>
        tpu.enqueue_dma source(%arg16 : memref<40x128xf32, #tpu.memory_space<vmem>>) target(%dma_start3A_104 : memref<40x128xf32, #tpu.memory_space<vmem_shared>>) target_semaphore(%run_scoped3A : memref<!tpu.dma_semaphore, #tpu.memory_space<semaphore_mem>>)
        %dma_wait3A_105 = arith.constant 0 : i32
        %dma_wait3A_106 = tpu.memref_slice %arg17[%add3A_80, %dma_wait3A_105] : memref<10016x128xf32, #tpu.memory_space<vmem_shared>> -> memref<40x128xf32, #tpu.memory_space<vmem_shared>>
        %dma_wait3A_107 = arith.constant 0 : i32
        %dma_wait3A_108 = tpu.memref_slice %arg17[%add3A_80, %dma_wait3A_107] : memref<10016x128xf32, #tpu.memory_space<vmem_shared>> -> memref<40x128xf32, #tpu.memory_space<vmem_shared>>
        tpu.wait_dma2 semaphore(%run_scoped3A : memref<!tpu.dma_semaphore, #tpu.memory_space<semaphore_mem>>) src(%arg16 : memref<40x128xf32, #tpu.memory_space<vmem>>) dst(%dma_wait3A_108 : memref<40x128xf32, #tpu.memory_space<vmem_shared>>)
        tpu.yield
      }) : () -> ()
      %add3A_81 = arith.constant 240 : i32
      %add3A_82 = arith.addi %mul3A_5, %add3A_81 : i32
      "tpu.region"() ({
        %run_scoped3A = tpu.sem_alloc : memref<!tpu.dma_semaphore, #tpu.memory_space<semaphore_mem>>
        %dma_start3A_101 = arith.constant 0 : i32
        %dma_start3A_102 = tpu.memref_slice %arg17[%add3A_82, %dma_start3A_101] : memref<10016x128xf32, #tpu.memory_space<vmem_shared>> -> memref<40x128xf32, #tpu.memory_space<vmem_shared>>
        %dma_start3A_103 = arith.constant 0 : i32
        %dma_start3A_104 = tpu.memref_slice %arg17[%add3A_82, %dma_start3A_103] : memref<10016x128xf32, #tpu.memory_space<vmem_shared>> -> memref<40x128xf32, #tpu.memory_space<vmem_shared>>
        tpu.enqueue_dma source(%arg16 : memref<40x128xf32, #tpu.memory_space<vmem>>) target(%dma_start3A_104 : memref<40x128xf32, #tpu.memory_space<vmem_shared>>) target_semaphore(%run_scoped3A : memref<!tpu.dma_semaphore, #tpu.memory_space<semaphore_mem>>)
        %dma_wait3A_105 = arith.constant 0 : i32
        %dma_wait3A_106 = tpu.memref_slice %arg17[%add3A_82, %dma_wait3A_105] : memref<10016x128xf32, #tpu.memory_space<vmem_shared>> -> memref<40x128xf32, #tpu.memory_space<vmem_shared>>
        %dma_wait3A_107 = arith.constant 0 : i32
        %dma_wait3A_108 = tpu.memref_slice %arg17[%add3A_82, %dma_wait3A_107] : memref<10016x128xf32, #tpu.memory_space<vmem_shared>> -> memref<40x128xf32, #tpu.memory_space<vmem_shared>>
        tpu.wait_dma2 semaphore(%run_scoped3A : memref<!tpu.dma_semaphore, #tpu.memory_space<semaphore_mem>>) src(%arg16 : memref<40x128xf32, #tpu.memory_space<vmem>>) dst(%dma_wait3A_108 : memref<40x128xf32, #tpu.memory_space<vmem_shared>>)
        tpu.yield
      }) : () -> ()
      %add3A_83 = arith.constant 280 : i32
      %add3A_84 = arith.addi %mul3A_5, %add3A_83 : i32
      "tpu.region"() ({
        %run_scoped3A = tpu.sem_alloc : memref<!tpu.dma_semaphore, #tpu.memory_space<semaphore_mem>>
        %dma_start3A_101 = arith.constant 0 : i32
        %dma_start3A_102 = tpu.memref_slice %arg17[%add3A_84, %dma_start3A_101] : memref<10016x128xf32, #tpu.memory_space<vmem_shared>> -> memref<40x128xf32, #tpu.memory_space<vmem_shared>>
        %dma_start3A_103 = arith.constant 0 : i32
        %dma_start3A_104 = tpu.memref_slice %arg17[%add3A_84, %dma_start3A_103] : memref<10016x128xf32, #tpu.memory_space<vmem_shared>> -> memref<40x128xf32, #tpu.memory_space<vmem_shared>>
        tpu.enqueue_dma source(%arg16 : memref<40x128xf32, #tpu.memory_space<vmem>>) target(%dma_start3A_104 : memref<40x128xf32, #tpu.memory_space<vmem_shared>>) target_semaphore(%run_scoped3A : memref<!tpu.dma_semaphore, #tpu.memory_space<semaphore_mem>>)
        %dma_wait3A_105 = arith.constant 0 : i32
        %dma_wait3A_106 = tpu.memref_slice %arg17[%add3A_84, %dma_wait3A_105] : memref<10016x128xf32, #tpu.memory_space<vmem_shared>> -> memref<40x128xf32, #tpu.memory_space<vmem_shared>>
        %dma_wait3A_107 = arith.constant 0 : i32
        %dma_wait3A_108 = tpu.memref_slice %arg17[%add3A_84, %dma_wait3A_107] : memref<10016x128xf32, #tpu.memory_space<vmem_shared>> -> memref<40x128xf32, #tpu.memory_space<vmem_shared>>
        tpu.wait_dma2 semaphore(%run_scoped3A : memref<!tpu.dma_semaphore, #tpu.memory_space<semaphore_mem>>) src(%arg16 : memref<40x128xf32, #tpu.memory_space<vmem>>) dst(%dma_wait3A_108 : memref<40x128xf32, #tpu.memory_space<vmem_shared>>)
        tpu.yield
      }) : () -> ()
      %add3A_85 = arith.constant 320 : i32
      %add3A_86 = arith.addi %mul3A_5, %add3A_85 : i32
      "tpu.region"() ({
        %run_scoped3A = tpu.sem_alloc : memref<!tpu.dma_semaphore, #tpu.memory_space<semaphore_mem>>
        %dma_start3A_101 = arith.constant 0 : i32
        %dma_start3A_102 = tpu.memref_slice %arg17[%add3A_86, %dma_start3A_101] : memref<10016x128xf32, #tpu.memory_space<vmem_shared>> -> memref<40x128xf32, #tpu.memory_space<vmem_shared>>
        %dma_start3A_103 = arith.constant 0 : i32
        %dma_start3A_104 = tpu.memref_slice %arg17[%add3A_86, %dma_start3A_103] : memref<10016x128xf32, #tpu.memory_space<vmem_shared>> -> memref<40x128xf32, #tpu.memory_space<vmem_shared>>
        tpu.enqueue_dma source(%arg16 : memref<40x128xf32, #tpu.memory_space<vmem>>) target(%dma_start3A_104 : memref<40x128xf32, #tpu.memory_space<vmem_shared>>) target_semaphore(%run_scoped3A : memref<!tpu.dma_semaphore, #tpu.memory_space<semaphore_mem>>)
        %dma_wait3A_105 = arith.constant 0 : i32
        %dma_wait3A_106 = tpu.memref_slice %arg17[%add3A_86, %dma_wait3A_105] : memref<10016x128xf32, #tpu.memory_space<vmem_shared>> -> memref<40x128xf32, #tpu.memory_space<vmem_shared>>
        %dma_wait3A_107 = arith.constant 0 : i32
        %dma_wait3A_108 = tpu.memref_slice %arg17[%add3A_86, %dma_wait3A_107] : memref<10016x128xf32, #tpu.memory_space<vmem_shared>> -> memref<40x128xf32, #tpu.memory_space<vmem_shared>>
        tpu.wait_dma2 semaphore(%run_scoped3A : memref<!tpu.dma_semaphore, #tpu.memory_space<semaphore_mem>>) src(%arg16 : memref<40x128xf32, #tpu.memory_space<vmem>>) dst(%dma_wait3A_108 : memref<40x128xf32, #tpu.memory_space<vmem_shared>>)
        tpu.yield
      }) : () -> ()
      %add3A_87 = arith.constant 360 : i32
      %add3A_88 = arith.addi %mul3A_5, %add3A_87 : i32
      "tpu.region"() ({
        %run_scoped3A = tpu.sem_alloc : memref<!tpu.dma_semaphore, #tpu.memory_space<semaphore_mem>>
        %dma_start3A_101 = arith.constant 0 : i32
        %dma_start3A_102 = tpu.memref_slice %arg17[%add3A_88, %dma_start3A_101] : memref<10016x128xf32, #tpu.memory_space<vmem_shared>> -> memref<40x128xf32, #tpu.memory_space<vmem_shared>>
        %dma_start3A_103 = arith.constant 0 : i32
        %dma_start3A_104 = tpu.memref_slice %arg17[%add3A_88, %dma_start3A_103] : memref<10016x128xf32, #tpu.memory_space<vmem_shared>> -> memref<40x128xf32, #tpu.memory_space<vmem_shared>>
        tpu.enqueue_dma source(%arg16 : memref<40x128xf32, #tpu.memory_space<vmem>>) target(%dma_start3A_104 : memref<40x128xf32, #tpu.memory_space<vmem_shared>>) target_semaphore(%run_scoped3A : memref<!tpu.dma_semaphore, #tpu.memory_space<semaphore_mem>>)
        %dma_wait3A_105 = arith.constant 0 : i32
        %dma_wait3A_106 = tpu.memref_slice %arg17[%add3A_88, %dma_wait3A_105] : memref<10016x128xf32, #tpu.memory_space<vmem_shared>> -> memref<40x128xf32, #tpu.memory_space<vmem_shared>>
        %dma_wait3A_107 = arith.constant 0 : i32
        %dma_wait3A_108 = tpu.memref_slice %arg17[%add3A_88, %dma_wait3A_107] : memref<10016x128xf32, #tpu.memory_space<vmem_shared>> -> memref<40x128xf32, #tpu.memory_space<vmem_shared>>
        tpu.wait_dma2 semaphore(%run_scoped3A : memref<!tpu.dma_semaphore, #tpu.memory_space<semaphore_mem>>) src(%arg16 : memref<40x128xf32, #tpu.memory_space<vmem>>) dst(%dma_wait3A_108 : memref<40x128xf32, #tpu.memory_space<vmem_shared>>)
        tpu.yield
      }) : () -> ()
      %add3A_89 = arith.constant 400 : i32
      %add3A_90 = arith.addi %mul3A_5, %add3A_89 : i32
      "tpu.region"() ({
        %run_scoped3A = tpu.sem_alloc : memref<!tpu.dma_semaphore, #tpu.memory_space<semaphore_mem>>
        %dma_start3A_101 = arith.constant 0 : i32
        %dma_start3A_102 = tpu.memref_slice %arg17[%add3A_90, %dma_start3A_101] : memref<10016x128xf32, #tpu.memory_space<vmem_shared>> -> memref<40x128xf32, #tpu.memory_space<vmem_shared>>
        %dma_start3A_103 = arith.constant 0 : i32
        %dma_start3A_104 = tpu.memref_slice %arg17[%add3A_90, %dma_start3A_103] : memref<10016x128xf32, #tpu.memory_space<vmem_shared>> -> memref<40x128xf32, #tpu.memory_space<vmem_shared>>
        tpu.enqueue_dma source(%arg16 : memref<40x128xf32, #tpu.memory_space<vmem>>) target(%dma_start3A_104 : memref<40x128xf32, #tpu.memory_space<vmem_shared>>) target_semaphore(%run_scoped3A : memref<!tpu.dma_semaphore, #tpu.memory_space<semaphore_mem>>)
        %dma_wait3A_105 = arith.constant 0 : i32
        %dma_wait3A_106 = tpu.memref_slice %arg17[%add3A_90, %dma_wait3A_105] : memref<10016x128xf32, #tpu.memory_space<vmem_shared>> -> memref<40x128xf32, #tpu.memory_space<vmem_shared>>
        %dma_wait3A_107 = arith.constant 0 : i32
        %dma_wait3A_108 = tpu.memref_slice %arg17[%add3A_90, %dma_wait3A_107] : memref<10016x128xf32, #tpu.memory_space<vmem_shared>> -> memref<40x128xf32, #tpu.memory_space<vmem_shared>>
        tpu.wait_dma2 semaphore(%run_scoped3A : memref<!tpu.dma_semaphore, #tpu.memory_space<semaphore_mem>>) src(%arg16 : memref<40x128xf32, #tpu.memory_space<vmem>>) dst(%dma_wait3A_108 : memref<40x128xf32, #tpu.memory_space<vmem_shared>>)
        tpu.yield
      }) : () -> ()
      %add3A_91 = arith.constant 440 : i32
      %add3A_92 = arith.addi %mul3A_5, %add3A_91 : i32
      "tpu.region"() ({
        %run_scoped3A = tpu.sem_alloc : memref<!tpu.dma_semaphore, #tpu.memory_space<semaphore_mem>>
        %dma_start3A_101 = arith.constant 0 : i32
        %dma_start3A_102 = tpu.memref_slice %arg17[%add3A_92, %dma_start3A_101] : memref<10016x128xf32, #tpu.memory_space<vmem_shared>> -> memref<40x128xf32, #tpu.memory_space<vmem_shared>>
        %dma_start3A_103 = arith.constant 0 : i32
        %dma_start3A_104 = tpu.memref_slice %arg17[%add3A_92, %dma_start3A_103] : memref<10016x128xf32, #tpu.memory_space<vmem_shared>> -> memref<40x128xf32, #tpu.memory_space<vmem_shared>>
        tpu.enqueue_dma source(%arg16 : memref<40x128xf32, #tpu.memory_space<vmem>>) target(%dma_start3A_104 : memref<40x128xf32, #tpu.memory_space<vmem_shared>>) target_semaphore(%run_scoped3A : memref<!tpu.dma_semaphore, #tpu.memory_space<semaphore_mem>>)
        %dma_wait3A_105 = arith.constant 0 : i32
        %dma_wait3A_106 = tpu.memref_slice %arg17[%add3A_92, %dma_wait3A_105] : memref<10016x128xf32, #tpu.memory_space<vmem_shared>> -> memref<40x128xf32, #tpu.memory_space<vmem_shared>>
        %dma_wait3A_107 = arith.constant 0 : i32
        %dma_wait3A_108 = tpu.memref_slice %arg17[%add3A_92, %dma_wait3A_107] : memref<10016x128xf32, #tpu.memory_space<vmem_shared>> -> memref<40x128xf32, #tpu.memory_space<vmem_shared>>
        tpu.wait_dma2 semaphore(%run_scoped3A : memref<!tpu.dma_semaphore, #tpu.memory_space<semaphore_mem>>) src(%arg16 : memref<40x128xf32, #tpu.memory_space<vmem>>) dst(%dma_wait3A_108 : memref<40x128xf32, #tpu.memory_space<vmem_shared>>)
        tpu.yield
      }) : () -> ()
      %add3A_93 = arith.constant 480 : i32
      %add3A_94 = arith.addi %mul3A_5, %add3A_93 : i32
      "tpu.region"() ({
        %run_scoped3A = tpu.sem_alloc : memref<!tpu.dma_semaphore, #tpu.memory_space<semaphore_mem>>
        %dma_start3A_101 = arith.constant 0 : i32
        %dma_start3A_102 = tpu.memref_slice %arg17[%add3A_94, %dma_start3A_101] : memref<10016x128xf32, #tpu.memory_space<vmem_shared>> -> memref<40x128xf32, #tpu.memory_space<vmem_shared>>
        %dma_start3A_103 = arith.constant 0 : i32
        %dma_start3A_104 = tpu.memref_slice %arg17[%add3A_94, %dma_start3A_103] : memref<10016x128xf32, #tpu.memory_space<vmem_shared>> -> memref<40x128xf32, #tpu.memory_space<vmem_shared>>
        tpu.enqueue_dma source(%arg16 : memref<40x128xf32, #tpu.memory_space<vmem>>) target(%dma_start3A_104 : memref<40x128xf32, #tpu.memory_space<vmem_shared>>) target_semaphore(%run_scoped3A : memref<!tpu.dma_semaphore, #tpu.memory_space<semaphore_mem>>)
        %dma_wait3A_105 = arith.constant 0 : i32
        %dma_wait3A_106 = tpu.memref_slice %arg17[%add3A_94, %dma_wait3A_105] : memref<10016x128xf32, #tpu.memory_space<vmem_shared>> -> memref<40x128xf32, #tpu.memory_space<vmem_shared>>
        %dma_wait3A_107 = arith.constant 0 : i32
        %dma_wait3A_108 = tpu.memref_slice %arg17[%add3A_94, %dma_wait3A_107] : memref<10016x128xf32, #tpu.memory_space<vmem_shared>> -> memref<40x128xf32, #tpu.memory_space<vmem_shared>>
        tpu.wait_dma2 semaphore(%run_scoped3A : memref<!tpu.dma_semaphore, #tpu.memory_space<semaphore_mem>>) src(%arg16 : memref<40x128xf32, #tpu.memory_space<vmem>>) dst(%dma_wait3A_108 : memref<40x128xf32, #tpu.memory_space<vmem_shared>>)
        tpu.yield
      }) : () -> ()
      %add3A_95 = arith.constant 520 : i32
      %add3A_96 = arith.addi %mul3A_5, %add3A_95 : i32
      "tpu.region"() ({
        %run_scoped3A = tpu.sem_alloc : memref<!tpu.dma_semaphore, #tpu.memory_space<semaphore_mem>>
        %dma_start3A_101 = arith.constant 0 : i32
        %dma_start3A_102 = tpu.memref_slice %arg17[%add3A_96, %dma_start3A_101] : memref<10016x128xf32, #tpu.memory_space<vmem_shared>> -> memref<40x128xf32, #tpu.memory_space<vmem_shared>>
        %dma_start3A_103 = arith.constant 0 : i32
        %dma_start3A_104 = tpu.memref_slice %arg17[%add3A_96, %dma_start3A_103] : memref<10016x128xf32, #tpu.memory_space<vmem_shared>> -> memref<40x128xf32, #tpu.memory_space<vmem_shared>>
        tpu.enqueue_dma source(%arg16 : memref<40x128xf32, #tpu.memory_space<vmem>>) target(%dma_start3A_104 : memref<40x128xf32, #tpu.memory_space<vmem_shared>>) target_semaphore(%run_scoped3A : memref<!tpu.dma_semaphore, #tpu.memory_space<semaphore_mem>>)
        %dma_wait3A_105 = arith.constant 0 : i32
        %dma_wait3A_106 = tpu.memref_slice %arg17[%add3A_96, %dma_wait3A_105] : memref<10016x128xf32, #tpu.memory_space<vmem_shared>> -> memref<40x128xf32, #tpu.memory_space<vmem_shared>>
        %dma_wait3A_107 = arith.constant 0 : i32
        %dma_wait3A_108 = tpu.memref_slice %arg17[%add3A_96, %dma_wait3A_107] : memref<10016x128xf32, #tpu.memory_space<vmem_shared>> -> memref<40x128xf32, #tpu.memory_space<vmem_shared>>
        tpu.wait_dma2 semaphore(%run_scoped3A : memref<!tpu.dma_semaphore, #tpu.memory_space<semaphore_mem>>) src(%arg16 : memref<40x128xf32, #tpu.memory_space<vmem>>) dst(%dma_wait3A_108 : memref<40x128xf32, #tpu.memory_space<vmem_shared>>)
        tpu.yield
      }) : () -> ()
      %add3A_97 = arith.constant 560 : i32
      %add3A_98 = arith.addi %mul3A_5, %add3A_97 : i32
      "tpu.region"() ({
        %run_scoped3A = tpu.sem_alloc : memref<!tpu.dma_semaphore, #tpu.memory_space<semaphore_mem>>
        %dma_start3A_101 = arith.constant 0 : i32
        %dma_start3A_102 = tpu.memref_slice %arg17[%add3A_98, %dma_start3A_101] : memref<10016x128xf32, #tpu.memory_space<vmem_shared>> -> memref<40x128xf32, #tpu.memory_space<vmem_shared>>
        %dma_start3A_103 = arith.constant 0 : i32
        %dma_start3A_104 = tpu.memref_slice %arg17[%add3A_98, %dma_start3A_103] : memref<10016x128xf32, #tpu.memory_space<vmem_shared>> -> memref<40x128xf32, #tpu.memory_space<vmem_shared>>
        tpu.enqueue_dma source(%arg16 : memref<40x128xf32, #tpu.memory_space<vmem>>) target(%dma_start3A_104 : memref<40x128xf32, #tpu.memory_space<vmem_shared>>) target_semaphore(%run_scoped3A : memref<!tpu.dma_semaphore, #tpu.memory_space<semaphore_mem>>)
        %dma_wait3A_105 = arith.constant 0 : i32
        %dma_wait3A_106 = tpu.memref_slice %arg17[%add3A_98, %dma_wait3A_105] : memref<10016x128xf32, #tpu.memory_space<vmem_shared>> -> memref<40x128xf32, #tpu.memory_space<vmem_shared>>
        %dma_wait3A_107 = arith.constant 0 : i32
        %dma_wait3A_108 = tpu.memref_slice %arg17[%add3A_98, %dma_wait3A_107] : memref<10016x128xf32, #tpu.memory_space<vmem_shared>> -> memref<40x128xf32, #tpu.memory_space<vmem_shared>>
        tpu.wait_dma2 semaphore(%run_scoped3A : memref<!tpu.dma_semaphore, #tpu.memory_space<semaphore_mem>>) src(%arg16 : memref<40x128xf32, #tpu.memory_space<vmem>>) dst(%dma_wait3A_108 : memref<40x128xf32, #tpu.memory_space<vmem_shared>>)
        tpu.yield
      }) : () -> ()
      %add3A_99 = arith.constant 600 : i32
      %add3A_100 = arith.addi %mul3A_5, %add3A_99 : i32
      "tpu.region"() ({
        %run_scoped3A = tpu.sem_alloc : memref<!tpu.dma_semaphore, #tpu.memory_space<semaphore_mem>>
        %dma_start3A_101 = arith.constant 0 : i32
        %dma_start3A_102 = tpu.memref_slice %arg17[%add3A_100, %dma_start3A_101] : memref<10016x128xf32, #tpu.memory_space<vmem_shared>> -> memref<40x128xf32, #tpu.memory_space<vmem_shared>>
        %dma_start3A_103 = arith.constant 0 : i32
        %dma_start3A_104 = tpu.memref_slice %arg17[%add3A_100, %dma_start3A_103] : memref<10016x128xf32, #tpu.memory_space<vmem_shared>> -> memref<40x128xf32, #tpu.memory_space<vmem_shared>>
        tpu.enqueue_dma source(%arg16 : memref<40x128xf32, #tpu.memory_space<vmem>>) target(%dma_start3A_104 : memref<40x128xf32, #tpu.memory_space<vmem_shared>>) target_semaphore(%run_scoped3A : memref<!tpu.dma_semaphore, #tpu.memory_space<semaphore_mem>>)
        %dma_wait3A_105 = arith.constant 0 : i32
        %dma_wait3A_106 = tpu.memref_slice %arg17[%add3A_100, %dma_wait3A_105] : memref<10016x128xf32, #tpu.memory_space<vmem_shared>> -> memref<40x128xf32, #tpu.memory_space<vmem_shared>>
        %dma_wait3A_107 = arith.constant 0 : i32
        %dma_wait3A_108 = tpu.memref_slice %arg17[%add3A_100, %dma_wait3A_107] : memref<10016x128xf32, #tpu.memory_space<vmem_shared>> -> memref<40x128xf32, #tpu.memory_space<vmem_shared>>
        tpu.wait_dma2 semaphore(%run_scoped3A : memref<!tpu.dma_semaphore, #tpu.memory_space<semaphore_mem>>) src(%arg16 : memref<40x128xf32, #tpu.memory_space<vmem>>) dst(%dma_wait3A_108 : memref<40x128xf32, #tpu.memory_space<vmem_shared>>)
        tpu.yield
      }) : () -> ()
    } else {
    }
    %eq3A = arith.constant 15 : i32
    %eq3A_8 = arith.cmpi eq, %arg1, %eq3A : i32
    %convert_element_type3A_9 = arith.extui %eq3A_8 : i1 to i32
    %cond3A_10 = arith.constant 0 : i32
    %cond3A_11 = arith.cmpi ne, %convert_element_type3A_9, %cond3A_10 : i32
    scf.if %cond3A_11 {
      %add3A_69 = arith.constant 0 : i32
      %add3A_70 = arith.addi %mul3A_5, %add3A_69 : i32
      "tpu.region"() ({
        %run_scoped3A = tpu.sem_alloc : memref<!tpu.dma_semaphore, #tpu.memory_space<semaphore_mem>>
        %dma_start3A_89 = arith.constant 0 : i32
        %dma_start3A_90 = tpu.memref_slice %arg17[%add3A_70, %dma_start3A_89] : memref<10016x128xf32, #tpu.memory_space<vmem_shared>> -> memref<40x128xf32, #tpu.memory_space<vmem_shared>>
        %dma_start3A_91 = arith.constant 0 : i32
        %dma_start3A_92 = tpu.memref_slice %arg17[%add3A_70, %dma_start3A_91] : memref<10016x128xf32, #tpu.memory_space<vmem_shared>> -> memref<40x128xf32, #tpu.memory_space<vmem_shared>>
        tpu.enqueue_dma source(%arg16 : memref<40x128xf32, #tpu.memory_space<vmem>>) target(%dma_start3A_92 : memref<40x128xf32, #tpu.memory_space<vmem_shared>>) target_semaphore(%run_scoped3A : memref<!tpu.dma_semaphore, #tpu.memory_space<semaphore_mem>>)
        %dma_wait3A_93 = arith.constant 0 : i32
        %dma_wait3A_94 = tpu.memref_slice %arg17[%add3A_70, %dma_wait3A_93] : memref<10016x128xf32, #tpu.memory_space<vmem_shared>> -> memref<40x128xf32, #tpu.memory_space<vmem_shared>>
        %dma_wait3A_95 = arith.constant 0 : i32
        %dma_wait3A_96 = tpu.memref_slice %arg17[%add3A_70, %dma_wait3A_95] : memref<10016x128xf32, #tpu.memory_space<vmem_shared>> -> memref<40x128xf32, #tpu.memory_space<vmem_shared>>
        tpu.wait_dma2 semaphore(%run_scoped3A : memref<!tpu.dma_semaphore, #tpu.memory_space<semaphore_mem>>) src(%arg16 : memref<40x128xf32, #tpu.memory_space<vmem>>) dst(%dma_wait3A_96 : memref<40x128xf32, #tpu.memory_space<vmem_shared>>)
        tpu.yield
      }) : () -> ()
      %add3A_71 = arith.constant 40 : i32
      %add3A_72 = arith.addi %mul3A_5, %add3A_71 : i32
      "tpu.region"() ({
        %run_scoped3A = tpu.sem_alloc : memref<!tpu.dma_semaphore, #tpu.memory_space<semaphore_mem>>
        %dma_start3A_89 = arith.constant 0 : i32
        %dma_start3A_90 = tpu.memref_slice %arg17[%add3A_72, %dma_start3A_89] : memref<10016x128xf32, #tpu.memory_space<vmem_shared>> -> memref<40x128xf32, #tpu.memory_space<vmem_shared>>
        %dma_start3A_91 = arith.constant 0 : i32
        %dma_start3A_92 = tpu.memref_slice %arg17[%add3A_72, %dma_start3A_91] : memref<10016x128xf32, #tpu.memory_space<vmem_shared>> -> memref<40x128xf32, #tpu.memory_space<vmem_shared>>
        tpu.enqueue_dma source(%arg16 : memref<40x128xf32, #tpu.memory_space<vmem>>) target(%dma_start3A_92 : memref<40x128xf32, #tpu.memory_space<vmem_shared>>) target_semaphore(%run_scoped3A : memref<!tpu.dma_semaphore, #tpu.memory_space<semaphore_mem>>)
        %dma_wait3A_93 = arith.constant 0 : i32
        %dma_wait3A_94 = tpu.memref_slice %arg17[%add3A_72, %dma_wait3A_93] : memref<10016x128xf32, #tpu.memory_space<vmem_shared>> -> memref<40x128xf32, #tpu.memory_space<vmem_shared>>
        %dma_wait3A_95 = arith.constant 0 : i32
        %dma_wait3A_96 = tpu.memref_slice %arg17[%add3A_72, %dma_wait3A_95] : memref<10016x128xf32, #tpu.memory_space<vmem_shared>> -> memref<40x128xf32, #tpu.memory_space<vmem_shared>>
        tpu.wait_dma2 semaphore(%run_scoped3A : memref<!tpu.dma_semaphore, #tpu.memory_space<semaphore_mem>>) src(%arg16 : memref<40x128xf32, #tpu.memory_space<vmem>>) dst(%dma_wait3A_96 : memref<40x128xf32, #tpu.memory_space<vmem_shared>>)
        tpu.yield
      }) : () -> ()
      %add3A_73 = arith.constant 80 : i32
      %add3A_74 = arith.addi %mul3A_5, %add3A_73 : i32
      "tpu.region"() ({
        %run_scoped3A = tpu.sem_alloc : memref<!tpu.dma_semaphore, #tpu.memory_space<semaphore_mem>>
        %dma_start3A_89 = arith.constant 0 : i32
        %dma_start3A_90 = tpu.memref_slice %arg17[%add3A_74, %dma_start3A_89] : memref<10016x128xf32, #tpu.memory_space<vmem_shared>> -> memref<40x128xf32, #tpu.memory_space<vmem_shared>>
        %dma_start3A_91 = arith.constant 0 : i32
        %dma_start3A_92 = tpu.memref_slice %arg17[%add3A_74, %dma_start3A_91] : memref<10016x128xf32, #tpu.memory_space<vmem_shared>> -> memref<40x128xf32, #tpu.memory_space<vmem_shared>>
        tpu.enqueue_dma source(%arg16 : memref<40x128xf32, #tpu.memory_space<vmem>>) target(%dma_start3A_92 : memref<40x128xf32, #tpu.memory_space<vmem_shared>>) target_semaphore(%run_scoped3A : memref<!tpu.dma_semaphore, #tpu.memory_space<semaphore_mem>>)
        %dma_wait3A_93 = arith.constant 0 : i32
        %dma_wait3A_94 = tpu.memref_slice %arg17[%add3A_74, %dma_wait3A_93] : memref<10016x128xf32, #tpu.memory_space<vmem_shared>> -> memref<40x128xf32, #tpu.memory_space<vmem_shared>>
        %dma_wait3A_95 = arith.constant 0 : i32
        %dma_wait3A_96 = tpu.memref_slice %arg17[%add3A_74, %dma_wait3A_95] : memref<10016x128xf32, #tpu.memory_space<vmem_shared>> -> memref<40x128xf32, #tpu.memory_space<vmem_shared>>
        tpu.wait_dma2 semaphore(%run_scoped3A : memref<!tpu.dma_semaphore, #tpu.memory_space<semaphore_mem>>) src(%arg16 : memref<40x128xf32, #tpu.memory_space<vmem>>) dst(%dma_wait3A_96 : memref<40x128xf32, #tpu.memory_space<vmem_shared>>)
        tpu.yield
      }) : () -> ()
      %add3A_75 = arith.constant 120 : i32
      %add3A_76 = arith.addi %mul3A_5, %add3A_75 : i32
      "tpu.region"() ({
        %run_scoped3A = tpu.sem_alloc : memref<!tpu.dma_semaphore, #tpu.memory_space<semaphore_mem>>
        %dma_start3A_89 = arith.constant 0 : i32
        %dma_start3A_90 = tpu.memref_slice %arg17[%add3A_76, %dma_start3A_89] : memref<10016x128xf32, #tpu.memory_space<vmem_shared>> -> memref<40x128xf32, #tpu.memory_space<vmem_shared>>
        %dma_start3A_91 = arith.constant 0 : i32
        %dma_start3A_92 = tpu.memref_slice %arg17[%add3A_76, %dma_start3A_91] : memref<10016x128xf32, #tpu.memory_space<vmem_shared>> -> memref<40x128xf32, #tpu.memory_space<vmem_shared>>
        tpu.enqueue_dma source(%arg16 : memref<40x128xf32, #tpu.memory_space<vmem>>) target(%dma_start3A_92 : memref<40x128xf32, #tpu.memory_space<vmem_shared>>) target_semaphore(%run_scoped3A : memref<!tpu.dma_semaphore, #tpu.memory_space<semaphore_mem>>)
        %dma_wait3A_93 = arith.constant 0 : i32
        %dma_wait3A_94 = tpu.memref_slice %arg17[%add3A_76, %dma_wait3A_93] : memref<10016x128xf32, #tpu.memory_space<vmem_shared>> -> memref<40x128xf32, #tpu.memory_space<vmem_shared>>
        %dma_wait3A_95 = arith.constant 0 : i32
        %dma_wait3A_96 = tpu.memref_slice %arg17[%add3A_76, %dma_wait3A_95] : memref<10016x128xf32, #tpu.memory_space<vmem_shared>> -> memref<40x128xf32, #tpu.memory_space<vmem_shared>>
        tpu.wait_dma2 semaphore(%run_scoped3A : memref<!tpu.dma_semaphore, #tpu.memory_space<semaphore_mem>>) src(%arg16 : memref<40x128xf32, #tpu.memory_space<vmem>>) dst(%dma_wait3A_96 : memref<40x128xf32, #tpu.memory_space<vmem_shared>>)
        tpu.yield
      }) : () -> ()
      %add3A_77 = arith.constant 160 : i32
      %add3A_78 = arith.addi %mul3A_5, %add3A_77 : i32
      "tpu.region"() ({
        %run_scoped3A = tpu.sem_alloc : memref<!tpu.dma_semaphore, #tpu.memory_space<semaphore_mem>>
        %dma_start3A_89 = arith.constant 0 : i32
        %dma_start3A_90 = tpu.memref_slice %arg17[%add3A_78, %dma_start3A_89] : memref<10016x128xf32, #tpu.memory_space<vmem_shared>> -> memref<40x128xf32, #tpu.memory_space<vmem_shared>>
        %dma_start3A_91 = arith.constant 0 : i32
        %dma_start3A_92 = tpu.memref_slice %arg17[%add3A_78, %dma_start3A_91] : memref<10016x128xf32, #tpu.memory_space<vmem_shared>> -> memref<40x128xf32, #tpu.memory_space<vmem_shared>>
        tpu.enqueue_dma source(%arg16 : memref<40x128xf32, #tpu.memory_space<vmem>>) target(%dma_start3A_92 : memref<40x128xf32, #tpu.memory_space<vmem_shared>>) target_semaphore(%run_scoped3A : memref<!tpu.dma_semaphore, #tpu.memory_space<semaphore_mem>>)
        %dma_wait3A_93 = arith.constant 0 : i32
        %dma_wait3A_94 = tpu.memref_slice %arg17[%add3A_78, %dma_wait3A_93] : memref<10016x128xf32, #tpu.memory_space<vmem_shared>> -> memref<40x128xf32, #tpu.memory_space<vmem_shared>>
        %dma_wait3A_95 = arith.constant 0 : i32
        %dma_wait3A_96 = tpu.memref_slice %arg17[%add3A_78, %dma_wait3A_95] : memref<10016x128xf32, #tpu.memory_space<vmem_shared>> -> memref<40x128xf32, #tpu.memory_space<vmem_shared>>
        tpu.wait_dma2 semaphore(%run_scoped3A : memref<!tpu.dma_semaphore, #tpu.memory_space<semaphore_mem>>) src(%arg16 : memref<40x128xf32, #tpu.memory_space<vmem>>) dst(%dma_wait3A_96 : memref<40x128xf32, #tpu.memory_space<vmem_shared>>)
        tpu.yield
      }) : () -> ()
      %add3A_79 = arith.constant 200 : i32
      %add3A_80 = arith.addi %mul3A_5, %add3A_79 : i32
      "tpu.region"() ({
        %run_scoped3A = tpu.sem_alloc : memref<!tpu.dma_semaphore, #tpu.memory_space<semaphore_mem>>
        %dma_start3A_89 = arith.constant 0 : i32
        %dma_start3A_90 = tpu.memref_slice %arg17[%add3A_80, %dma_start3A_89] : memref<10016x128xf32, #tpu.memory_space<vmem_shared>> -> memref<40x128xf32, #tpu.memory_space<vmem_shared>>
        %dma_start3A_91 = arith.constant 0 : i32
        %dma_start3A_92 = tpu.memref_slice %arg17[%add3A_80, %dma_start3A_91] : memref<10016x128xf32, #tpu.memory_space<vmem_shared>> -> memref<40x128xf32, #tpu.memory_space<vmem_shared>>
        tpu.enqueue_dma source(%arg16 : memref<40x128xf32, #tpu.memory_space<vmem>>) target(%dma_start3A_92 : memref<40x128xf32, #tpu.memory_space<vmem_shared>>) target_semaphore(%run_scoped3A : memref<!tpu.dma_semaphore, #tpu.memory_space<semaphore_mem>>)
        %dma_wait3A_93 = arith.constant 0 : i32
        %dma_wait3A_94 = tpu.memref_slice %arg17[%add3A_80, %dma_wait3A_93] : memref<10016x128xf32, #tpu.memory_space<vmem_shared>> -> memref<40x128xf32, #tpu.memory_space<vmem_shared>>
        %dma_wait3A_95 = arith.constant 0 : i32
        %dma_wait3A_96 = tpu.memref_slice %arg17[%add3A_80, %dma_wait3A_95] : memref<10016x128xf32, #tpu.memory_space<vmem_shared>> -> memref<40x128xf32, #tpu.memory_space<vmem_shared>>
        tpu.wait_dma2 semaphore(%run_scoped3A : memref<!tpu.dma_semaphore, #tpu.memory_space<semaphore_mem>>) src(%arg16 : memref<40x128xf32, #tpu.memory_space<vmem>>) dst(%dma_wait3A_96 : memref<40x128xf32, #tpu.memory_space<vmem_shared>>)
        tpu.yield
      }) : () -> ()
      %add3A_81 = arith.constant 240 : i32
      %add3A_82 = arith.addi %mul3A_5, %add3A_81 : i32
      "tpu.region"() ({
        %run_scoped3A = tpu.sem_alloc : memref<!tpu.dma_semaphore, #tpu.memory_space<semaphore_mem>>
        %dma_start3A_89 = arith.constant 0 : i32
        %dma_start3A_90 = tpu.memref_slice %arg17[%add3A_82, %dma_start3A_89] : memref<10016x128xf32, #tpu.memory_space<vmem_shared>> -> memref<40x128xf32, #tpu.memory_space<vmem_shared>>
        %dma_start3A_91 = arith.constant 0 : i32
        %dma_start3A_92 = tpu.memref_slice %arg17[%add3A_82, %dma_start3A_91] : memref<10016x128xf32, #tpu.memory_space<vmem_shared>> -> memref<40x128xf32, #tpu.memory_space<vmem_shared>>
        tpu.enqueue_dma source(%arg16 : memref<40x128xf32, #tpu.memory_space<vmem>>) target(%dma_start3A_92 : memref<40x128xf32, #tpu.memory_space<vmem_shared>>) target_semaphore(%run_scoped3A : memref<!tpu.dma_semaphore, #tpu.memory_space<semaphore_mem>>)
        %dma_wait3A_93 = arith.constant 0 : i32
        %dma_wait3A_94 = tpu.memref_slice %arg17[%add3A_82, %dma_wait3A_93] : memref<10016x128xf32, #tpu.memory_space<vmem_shared>> -> memref<40x128xf32, #tpu.memory_space<vmem_shared>>
        %dma_wait3A_95 = arith.constant 0 : i32
        %dma_wait3A_96 = tpu.memref_slice %arg17[%add3A_82, %dma_wait3A_95] : memref<10016x128xf32, #tpu.memory_space<vmem_shared>> -> memref<40x128xf32, #tpu.memory_space<vmem_shared>>
        tpu.wait_dma2 semaphore(%run_scoped3A : memref<!tpu.dma_semaphore, #tpu.memory_space<semaphore_mem>>) src(%arg16 : memref<40x128xf32, #tpu.memory_space<vmem>>) dst(%dma_wait3A_96 : memref<40x128xf32, #tpu.memory_space<vmem_shared>>)
        tpu.yield
      }) : () -> ()
      %add3A_83 = arith.constant 280 : i32
      %add3A_84 = arith.addi %mul3A_5, %add3A_83 : i32
      "tpu.region"() ({
        %run_scoped3A = tpu.sem_alloc : memref<!tpu.dma_semaphore, #tpu.memory_space<semaphore_mem>>
        %dma_start3A_89 = arith.constant 0 : i32
        %dma_start3A_90 = tpu.memref_slice %arg17[%add3A_84, %dma_start3A_89] : memref<10016x128xf32, #tpu.memory_space<vmem_shared>> -> memref<40x128xf32, #tpu.memory_space<vmem_shared>>
        %dma_start3A_91 = arith.constant 0 : i32
        %dma_start3A_92 = tpu.memref_slice %arg17[%add3A_84, %dma_start3A_91] : memref<10016x128xf32, #tpu.memory_space<vmem_shared>> -> memref<40x128xf32, #tpu.memory_space<vmem_shared>>
        tpu.enqueue_dma source(%arg16 : memref<40x128xf32, #tpu.memory_space<vmem>>) target(%dma_start3A_92 : memref<40x128xf32, #tpu.memory_space<vmem_shared>>) target_semaphore(%run_scoped3A : memref<!tpu.dma_semaphore, #tpu.memory_space<semaphore_mem>>)
        %dma_wait3A_93 = arith.constant 0 : i32
        %dma_wait3A_94 = tpu.memref_slice %arg17[%add3A_84, %dma_wait3A_93] : memref<10016x128xf32, #tpu.memory_space<vmem_shared>> -> memref<40x128xf32, #tpu.memory_space<vmem_shared>>
        %dma_wait3A_95 = arith.constant 0 : i32
        %dma_wait3A_96 = tpu.memref_slice %arg17[%add3A_84, %dma_wait3A_95] : memref<10016x128xf32, #tpu.memory_space<vmem_shared>> -> memref<40x128xf32, #tpu.memory_space<vmem_shared>>
        tpu.wait_dma2 semaphore(%run_scoped3A : memref<!tpu.dma_semaphore, #tpu.memory_space<semaphore_mem>>) src(%arg16 : memref<40x128xf32, #tpu.memory_space<vmem>>) dst(%dma_wait3A_96 : memref<40x128xf32, #tpu.memory_space<vmem_shared>>)
        tpu.yield
      }) : () -> ()
      %add3A_85 = arith.constant 320 : i32
      %add3A_86 = arith.addi %mul3A_5, %add3A_85 : i32
      "tpu.region"() ({
        %run_scoped3A = tpu.sem_alloc : memref<!tpu.dma_semaphore, #tpu.memory_space<semaphore_mem>>
        %dma_start3A_89 = arith.constant 0 : i32
        %dma_start3A_90 = tpu.memref_slice %arg17[%add3A_86, %dma_start3A_89] : memref<10016x128xf32, #tpu.memory_space<vmem_shared>> -> memref<40x128xf32, #tpu.memory_space<vmem_shared>>
        %dma_start3A_91 = arith.constant 0 : i32
        %dma_start3A_92 = tpu.memref_slice %arg17[%add3A_86, %dma_start3A_91] : memref<10016x128xf32, #tpu.memory_space<vmem_shared>> -> memref<40x128xf32, #tpu.memory_space<vmem_shared>>
        tpu.enqueue_dma source(%arg16 : memref<40x128xf32, #tpu.memory_space<vmem>>) target(%dma_start3A_92 : memref<40x128xf32, #tpu.memory_space<vmem_shared>>) target_semaphore(%run_scoped3A : memref<!tpu.dma_semaphore, #tpu.memory_space<semaphore_mem>>)
        %dma_wait3A_93 = arith.constant 0 : i32
        %dma_wait3A_94 = tpu.memref_slice %arg17[%add3A_86, %dma_wait3A_93] : memref<10016x128xf32, #tpu.memory_space<vmem_shared>> -> memref<40x128xf32, #tpu.memory_space<vmem_shared>>
        %dma_wait3A_95 = arith.constant 0 : i32
        %dma_wait3A_96 = tpu.memref_slice %arg17[%add3A_86, %dma_wait3A_95] : memref<10016x128xf32, #tpu.memory_space<vmem_shared>> -> memref<40x128xf32, #tpu.memory_space<vmem_shared>>
        tpu.wait_dma2 semaphore(%run_scoped3A : memref<!tpu.dma_semaphore, #tpu.memory_space<semaphore_mem>>) src(%arg16 : memref<40x128xf32, #tpu.memory_space<vmem>>) dst(%dma_wait3A_96 : memref<40x128xf32, #tpu.memory_space<vmem_shared>>)
        tpu.yield
      }) : () -> ()
      %add3A_87 = arith.constant 360 : i32
      %add3A_88 = arith.addi %mul3A_5, %add3A_87 : i32
      "tpu.region"() ({
        %run_scoped3A = tpu.sem_alloc : memref<!tpu.dma_semaphore, #tpu.memory_space<semaphore_mem>>
        %dma_start3A_89 = arith.constant 0 : i32
        %dma_start3A_90 = tpu.memref_slice %arg17[%add3A_88, %dma_start3A_89] : memref<10016x128xf32, #tpu.memory_space<vmem_shared>> -> memref<40x128xf32, #tpu.memory_space<vmem_shared>>
        %dma_start3A_91 = arith.constant 0 : i32
        %dma_start3A_92 = tpu.memref_slice %arg17[%add3A_88, %dma_start3A_91] : memref<10016x128xf32, #tpu.memory_space<vmem_shared>> -> memref<40x128xf32, #tpu.memory_space<vmem_shared>>
        tpu.enqueue_dma source(%arg16 : memref<40x128xf32, #tpu.memory_space<vmem>>) target(%dma_start3A_92 : memref<40x128xf32, #tpu.memory_space<vmem_shared>>) target_semaphore(%run_scoped3A : memref<!tpu.dma_semaphore, #tpu.memory_space<semaphore_mem>>)
        %dma_wait3A_93 = arith.constant 0 : i32
        %dma_wait3A_94 = tpu.memref_slice %arg17[%add3A_88, %dma_wait3A_93] : memref<10016x128xf32, #tpu.memory_space<vmem_shared>> -> memref<40x128xf32, #tpu.memory_space<vmem_shared>>
        %dma_wait3A_95 = arith.constant 0 : i32
        %dma_wait3A_96 = tpu.memref_slice %arg17[%add3A_88, %dma_wait3A_95] : memref<10016x128xf32, #tpu.memory_space<vmem_shared>> -> memref<40x128xf32, #tpu.memory_space<vmem_shared>>
        tpu.wait_dma2 semaphore(%run_scoped3A : memref<!tpu.dma_semaphore, #tpu.memory_space<semaphore_mem>>) src(%arg16 : memref<40x128xf32, #tpu.memory_space<vmem>>) dst(%dma_wait3A_96 : memref<40x128xf32, #tpu.memory_space<vmem_shared>>)
        tpu.yield
      }) : () -> ()
      "tpu.region"() ({
        %run_scoped3A = tpu.sem_alloc : memref<!tpu.dma_semaphore, #tpu.memory_space<semaphore_mem>>
        %dma_start3A_89 = arith.constant 0 : i32
        %dma_start3A_90 = arith.constant 0 : i32
        %dma_start3A_91 = tpu.memref_slice %arg16[%dma_start3A_89, %dma_start3A_90] : memref<40x128xf32, #tpu.memory_space<vmem>> -> memref<16x128xf32, #tpu.memory_space<vmem>>
        %dma_start3A_92 = arith.constant 10000 : i32
        %dma_start3A_93 = arith.constant 0 : i32
        %dma_start3A_94 = tpu.memref_slice %arg17[%dma_start3A_92, %dma_start3A_93] : memref<10016x128xf32, #tpu.memory_space<vmem_shared>> -> memref<16x128xf32, #tpu.memory_space<vmem_shared>>
        %dma_start3A_95 = arith.constant 10000 : i32
        %dma_start3A_96 = arith.constant 0 : i32
        %dma_start3A_97 = tpu.memref_slice %arg17[%dma_start3A_95, %dma_start3A_96] : memref<10016x128xf32, #tpu.memory_space<vmem_shared>> -> memref<16x128xf32, #tpu.memory_space<vmem_shared>>
        %dma_start3A_98 = arith.constant 0 : i32
        %dma_start3A_99 = arith.constant 0 : i32
        %dma_start3A_100 = tpu.memref_slice %arg16[%dma_start3A_98, %dma_start3A_99] : memref<40x128xf32, #tpu.memory_space<vmem>> -> memref<16x128xf32, #tpu.memory_space<vmem>>
        tpu.enqueue_dma source(%dma_start3A_100 : memref<16x128xf32, #tpu.memory_space<vmem>>) target(%dma_start3A_97 : memref<16x128xf32, #tpu.memory_space<vmem_shared>>) target_semaphore(%run_scoped3A : memref<!tpu.dma_semaphore, #tpu.memory_space<semaphore_mem>>)
        %dma_wait3A_101 = arith.constant 0 : i32
        %dma_wait3A_102 = arith.constant 0 : i32
        %dma_wait3A_103 = tpu.memref_slice %arg16[%dma_wait3A_101, %dma_wait3A_102] : memref<40x128xf32, #tpu.memory_space<vmem>> -> memref<16x128xf32, #tpu.memory_space<vmem>>
        %dma_wait3A_104 = arith.constant 10000 : i32
        %dma_wait3A_105 = arith.constant 0 : i32
        %dma_wait3A_106 = tpu.memref_slice %arg17[%dma_wait3A_104, %dma_wait3A_105] : memref<10016x128xf32, #tpu.memory_space<vmem_shared>> -> memref<16x128xf32, #tpu.memory_space<vmem_shared>>
        %dma_wait3A_107 = arith.constant 10000 : i32
        %dma_wait3A_108 = arith.constant 0 : i32
        %dma_wait3A_109 = tpu.memref_slice %arg17[%dma_wait3A_107, %dma_wait3A_108] : memref<10016x128xf32, #tpu.memory_space<vmem_shared>> -> memref<16x128xf32, #tpu.memory_space<vmem_shared>>
        %dma_wait3A_110 = arith.constant 0 : i32
        %dma_wait3A_111 = arith.constant 0 : i32
        %dma_wait3A_112 = tpu.memref_slice %arg16[%dma_wait3A_110, %dma_wait3A_111] : memref<40x128xf32, #tpu.memory_space<vmem>> -> memref<16x128xf32, #tpu.memory_space<vmem>>
        tpu.wait_dma2 semaphore(%run_scoped3A : memref<!tpu.dma_semaphore, #tpu.memory_space<semaphore_mem>>) src(%dma_wait3A_112 : memref<16x128xf32, #tpu.memory_space<vmem>>) dst(%dma_wait3A_109 : memref<16x128xf32, #tpu.memory_space<vmem_shared>>)
        tpu.yield
      }) : () -> ()
    } else {
    }
    %barrier3A = arith.constant 0 : index
    tpu.barrier barrier_id(%barrier3A)
    %mul3A_12 = arith.constant 80 : i32
    %mul3A_13 = arith.muli %arg1, %mul3A_12 : i32
    %mul3A_14 = arith.constant 128 : i32
    %mul3A_15 = arith.muli %mul3A_13, %mul3A_14 : i32
    %add3A = arith.constant 0 : i32
    %add3A_16 = arith.addi %mul3A_15, %add3A : i32
    %dma_start3A = arith.constant 0 : i32
    %dma_start3A_17 = tpu.memref_slice %arg3[%arg0, %dma_start3A] : memref<2x163840xi32, #tpu.memory_space<hbm>> -> memref<1x163840xi32, #tpu.memory_space<hbm>>
    %dma_start3A_18 = tpu.memref_squeeze %dma_start3A_17 : memref<1x163840xi32, #tpu.memory_space<hbm>> -> memref<163840xi32, #tpu.memory_space<hbm>>
    %dma_start3A_19 = tpu.memref_slice %dma_start3A_18[%add3A_16] : memref<163840xi32, #tpu.memory_space<hbm>> -> memref<128xi32, #tpu.memory_space<hbm>>
    %dma_start3A_20 = arith.constant 0 : i32
    %dma_start3A_21 = tpu.memref_slice %arg3[%arg0, %dma_start3A_20] : memref<2x163840xi32, #tpu.memory_space<hbm>> -> memref<1x163840xi32, #tpu.memory_space<hbm>>
    %dma_start3A_22 = tpu.memref_squeeze %dma_start3A_21 : memref<1x163840xi32, #tpu.memory_space<hbm>> -> memref<163840xi32, #tpu.memory_space<hbm>>
    %dma_start3A_23 = tpu.memref_slice %dma_start3A_22[%add3A_16] : memref<163840xi32, #tpu.memory_space<hbm>> -> memref<128xi32, #tpu.memory_space<hbm>>
    tpu.enqueue_dma source(%dma_start3A_23 : memref<128xi32, #tpu.memory_space<hbm>>) target(%arg6 : memref<128xi32, #tpu.memory_space<vmem>>) target_semaphore(%arg18 : memref<!tpu.dma_semaphore, #tpu.memory_space<semaphore_mem>>)
    %add3A_24 = arith.constant 0 : i32
    %add3A_25 = arith.addi %mul3A_15, %add3A_24 : i32
    %dma_start3A_26 = tpu.memref_slice %arg4[%add3A_25] : memref<163840xi32, #tpu.memory_space<hbm>> -> memref<128xi32, #tpu.memory_space<hbm>>
    %dma_start3A_27 = tpu.memref_slice %arg4[%add3A_25] : memref<163840xi32, #tpu.memory_space<hbm>> -> memref<128xi32, #tpu.memory_space<hbm>>
    tpu.enqueue_dma source(%dma_start3A_27 : memref<128xi32, #tpu.memory_space<hbm>>) target(%arg10 : memref<128xi32, #tpu.memory_space<vmem>>) target_semaphore(%arg18 : memref<!tpu.dma_semaphore, #tpu.memory_space<semaphore_mem>>)
    %add3A_28 = arith.constant 128 : i32
    %add3A_29 = arith.addi %mul3A_15, %add3A_28 : i32
    %dma_start3A_30 = arith.constant 0 : i32
    %dma_start3A_31 = tpu.memref_slice %arg3[%arg0, %dma_start3A_30] : memref<2x163840xi32, #tpu.memory_space<hbm>> -> memref<1x163840xi32, #tpu.memory_space<hbm>>
    %dma_start3A_32 = tpu.memref_squeeze %dma_start3A_31 : memref<1x163840xi32, #tpu.memory_space<hbm>> -> memref<163840xi32, #tpu.memory_space<hbm>>
    %dma_start3A_33 = tpu.memref_slice %dma_start3A_32[%add3A_29] : memref<163840xi32, #tpu.memory_space<hbm>> -> memref<128xi32, #tpu.memory_space<hbm>>
    %dma_start3A_34 = arith.constant 0 : i32
    %dma_start3A_35 = tpu.memref_slice %arg3[%arg0, %dma_start3A_34] : memref<2x163840xi32, #tpu.memory_space<hbm>> -> memref<1x163840xi32, #tpu.memory_space<hbm>>
    %dma_start3A_36 = tpu.memref_squeeze %dma_start3A_35 : memref<1x163840xi32, #tpu.memory_space<hbm>> -> memref<163840xi32, #tpu.memory_space<hbm>>
    %dma_start3A_37 = tpu.memref_slice %dma_start3A_36[%add3A_29] : memref<163840xi32, #tpu.memory_space<hbm>> -> memref<128xi32, #tpu.memory_space<hbm>>
    tpu.enqueue_dma source(%dma_start3A_37 : memref<128xi32, #tpu.memory_space<hbm>>) target(%arg7 : memref<128xi32, #tpu.memory_space<vmem>>) target_semaphore(%arg19 : memref<!tpu.dma_semaphore, #tpu.memory_space<semaphore_mem>>)
    %add3A_38 = arith.constant 128 : i32
    %add3A_39 = arith.addi %mul3A_15, %add3A_38 : i32
    %dma_start3A_40 = tpu.memref_slice %arg4[%add3A_39] : memref<163840xi32, #tpu.memory_space<hbm>> -> memref<128xi32, #tpu.memory_space<hbm>>
    %dma_start3A_41 = tpu.memref_slice %arg4[%add3A_39] : memref<163840xi32, #tpu.memory_space<hbm>> -> memref<128xi32, #tpu.memory_space<hbm>>
    tpu.enqueue_dma source(%dma_start3A_41 : memref<128xi32, #tpu.memory_space<hbm>>) target(%arg11 : memref<128xi32, #tpu.memory_space<vmem>>) target_semaphore(%arg19 : memref<!tpu.dma_semaphore, #tpu.memory_space<semaphore_mem>>)
    %scan3A_42 = arith.constant 0 : i32
    %scan3A_43 = arith.constant 20 : i32
    %scan3A_44 = arith.addi %scan3A_42, %scan3A_43 : i32
    %scan3A_45 = arith.constant 1 : i32
    scf.for %scan3A_69 = %scan3A_42 to %scan3A_44 step %scan3A_45  : i32 {
      %mul3A_70 = arith.constant 1 : i32
      %mul3A_71 = arith.muli %scan3A_69, %mul3A_70 : i32
      %add3A_72 = arith.constant 0 : i32
      %add3A_73 = arith.addi %add3A_72, %mul3A_71 : i32
      %mul3A_74 = arith.constant 4 : i32
      %mul3A_75 = arith.muli %add3A_73, %mul3A_74 : i32
      %add3A_76 = arith.constant 0 : i32
      %add3A_77 = arith.addi %mul3A_75, %add3A_76 : i32
      %ge3A = arith.constant 2 : i32
      %ge3A_78 = arith.cmpi sge, %add3A_77, %ge3A : i32
      %convert_element_type3A_79 = arith.extui %ge3A_78 : i1 to i32
      %cond3A_80 = arith.constant 0 : i32
      %cond3A_81 = arith.cmpi ne, %convert_element_type3A_79, %cond3A_80 : i32
      scf.if %cond3A_81 {
        %dma_wait3A_209 = arith.constant 0 : i32
        %dma_wait3A_210 = arith.constant 0 : i32
        %dma_wait3A_211 = tpu.memref_slice %arg17[%dma_wait3A_209, %dma_wait3A_210] : memref<10016x128xf32, #tpu.memory_space<vmem_shared>> -> memref<10016x128xf32, #tpu.memory_space<vmem_shared>>
        tpu.wait_indirect_dma semaphore(%arg24 : memref<!tpu.dma_semaphore, #tpu.memory_space<semaphore_mem>>) src(%arg14 : memref<128x128xf32, #tpu.memory_space<vmem>>) dst(%dma_wait3A_211 : memref<10016x128xf32, #tpu.memory_space<vmem_shared>>)
      } else {
      }
      %add3A_82 = arith.constant 2 : i32
      %add3A_83 = arith.addi %add3A_77, %add3A_82 : i32
      %lt3A_84 = arith.constant 80 : i32
      %lt3A_85 = arith.cmpi slt, %add3A_83, %lt3A_84 : i32
      %convert_element_type3A_86 = arith.extui %lt3A_85 : i1 to i32
      %cond3A_87 = arith.constant 0 : i32
      %cond3A_88 = arith.cmpi ne, %convert_element_type3A_86, %cond3A_87 : i32
      scf.if %cond3A_88 {
        %add3A_209 = arith.constant 2 : i32
        %add3A_210 = arith.addi %add3A_77, %add3A_209 : i32
        %mul3A_211 = arith.constant 128 : i32
        %mul3A_212 = arith.muli %add3A_210, %mul3A_211 : i32
        %add3A_213 = arith.addi %mul3A_15, %mul3A_212 : i32
        %dma_start3A_214 = arith.constant 0 : i32
        %dma_start3A_215 = tpu.memref_slice %arg3[%arg0, %dma_start3A_214] : memref<2x163840xi32, #tpu.memory_space<hbm>> -> memref<1x163840xi32, #tpu.memory_space<hbm>>
        %dma_start3A_216 = tpu.memref_squeeze %dma_start3A_215 : memref<1x163840xi32, #tpu.memory_space<hbm>> -> memref<163840xi32, #tpu.memory_space<hbm>>
        %dma_start3A_217 = tpu.memref_slice %dma_start3A_216[%add3A_213] : memref<163840xi32, #tpu.memory_space<hbm>> -> memref<128xi32, #tpu.memory_space<hbm>>
        %dma_start3A_218 = arith.constant 0 : i32
        %dma_start3A_219 = tpu.memref_slice %arg3[%arg0, %dma_start3A_218] : memref<2x163840xi32, #tpu.memory_space<hbm>> -> memref<1x163840xi32, #tpu.memory_space<hbm>>
        %dma_start3A_220 = tpu.memref_squeeze %dma_start3A_219 : memref<1x163840xi32, #tpu.memory_space<hbm>> -> memref<163840xi32, #tpu.memory_space<hbm>>
        %dma_start3A_221 = tpu.memref_slice %dma_start3A_220[%add3A_213] : memref<163840xi32, #tpu.memory_space<hbm>> -> memref<128xi32, #tpu.memory_space<hbm>>
        tpu.enqueue_dma source(%dma_start3A_221 : memref<128xi32, #tpu.memory_space<hbm>>) target(%arg8 : memref<128xi32, #tpu.memory_space<vmem>>) target_semaphore(%arg20 : memref<!tpu.dma_semaphore, #tpu.memory_space<semaphore_mem>>)
        %mul3A_222 = arith.constant 128 : i32
        %mul3A_223 = arith.muli %add3A_210, %mul3A_222 : i32
        %add3A_224 = arith.addi %mul3A_15, %mul3A_223 : i32
        %dma_start3A_225 = tpu.memref_slice %arg4[%add3A_224] : memref<163840xi32, #tpu.memory_space<hbm>> -> memref<128xi32, #tpu.memory_space<hbm>>
        %dma_start3A_226 = tpu.memref_slice %arg4[%add3A_224] : memref<163840xi32, #tpu.memory_space<hbm>> -> memref<128xi32, #tpu.memory_space<hbm>>
        tpu.enqueue_dma source(%dma_start3A_226 : memref<128xi32, #tpu.memory_space<hbm>>) target(%arg12 : memref<128xi32, #tpu.memory_space<vmem>>) target_semaphore(%arg20 : memref<!tpu.dma_semaphore, #tpu.memory_space<semaphore_mem>>)
      } else {
      }
      %dma_wait3A_89 = arith.constant 0 : i32
      %dma_wait3A_90 = tpu.memref_slice %arg3[%arg0, %dma_wait3A_89] : memref<2x163840xi32, #tpu.memory_space<hbm>> -> memref<1x163840xi32, #tpu.memory_space<hbm>>
      %dma_wait3A_91 = tpu.memref_squeeze %dma_wait3A_90 : memref<1x163840xi32, #tpu.memory_space<hbm>> -> memref<163840xi32, #tpu.memory_space<hbm>>
      %dma_wait3A_92 = tpu.memref_slice %dma_wait3A_91[%mul3A_15] : memref<163840xi32, #tpu.memory_space<hbm>> -> memref<128xi32, #tpu.memory_space<hbm>>
      %dma_wait3A_93 = arith.constant 0 : i32
      %dma_wait3A_94 = tpu.memref_slice %arg3[%arg0, %dma_wait3A_93] : memref<2x163840xi32, #tpu.memory_space<hbm>> -> memref<1x163840xi32, #tpu.memory_space<hbm>>
      %dma_wait3A_95 = tpu.memref_squeeze %dma_wait3A_94 : memref<1x163840xi32, #tpu.memory_space<hbm>> -> memref<163840xi32, #tpu.memory_space<hbm>>
      %dma_wait3A_96 = tpu.memref_slice %dma_wait3A_95[%mul3A_15] : memref<163840xi32, #tpu.memory_space<hbm>> -> memref<128xi32, #tpu.memory_space<hbm>>
      tpu.wait_dma2 semaphore(%arg18 : memref<!tpu.dma_semaphore, #tpu.memory_space<semaphore_mem>>) src(%dma_wait3A_96 : memref<128xi32, #tpu.memory_space<hbm>>) dst(%arg6 : memref<128xi32, #tpu.memory_space<vmem>>)
      %dma_wait3A_97 = tpu.memref_slice %arg4[%mul3A_15] : memref<163840xi32, #tpu.memory_space<hbm>> -> memref<128xi32, #tpu.memory_space<hbm>>
      %dma_wait3A_98 = tpu.memref_slice %arg4[%mul3A_15] : memref<163840xi32, #tpu.memory_space<hbm>> -> memref<128xi32, #tpu.memory_space<hbm>>
      tpu.wait_dma2 semaphore(%arg18 : memref<!tpu.dma_semaphore, #tpu.memory_space<semaphore_mem>>) src(%dma_wait3A_98 : memref<128xi32, #tpu.memory_space<hbm>>) dst(%arg10 : memref<128xi32, #tpu.memory_space<vmem>>)
      %dma_start3A_99 = arith.constant 0 : i32
      %dma_start3A_100 = arith.constant 0 : i32
      %dma_start3A_101 = tpu.memref_slice %arg2[%dma_start3A_99, %dma_start3A_100] : memref<20000x128xf32, #tpu.memory_space<hbm>> -> memref<20000x128xf32, #tpu.memory_space<hbm>>
      tpu.enqueue_indirect_dma source(%dma_start3A_101 : memref<20000x128xf32, #tpu.memory_space<hbm>>) target(%arg14 : memref<128x128xf32, #tpu.memory_space<vmem>>) offsets(%arg6 : memref<128xi32, #tpu.memory_space<vmem>>) semaphore(%arg22 : memref<!tpu.dma_semaphore, #tpu.memory_space<semaphore_mem>>)
      %ge3A_102 = arith.constant 1 : i32
      %ge3A_103 = arith.cmpi sge, %add3A_77, %ge3A_102 : i32
      %convert_element_type3A_104 = arith.extui %ge3A_103 : i1 to i32
      %cond3A_105 = arith.constant 0 : i32
      %cond3A_106 = arith.cmpi ne, %convert_element_type3A_104, %cond3A_105 : i32
      scf.if %cond3A_106 {
        %dma_wait3A_209 = arith.constant 0 : i32
        %dma_wait3A_210 = arith.constant 0 : i32
        %dma_wait3A_211 = tpu.memref_slice %arg2[%dma_wait3A_209, %dma_wait3A_210] : memref<20000x128xf32, #tpu.memory_space<hbm>> -> memref<20000x128xf32, #tpu.memory_space<hbm>>
        tpu.wait_indirect_dma semaphore(%arg23 : memref<!tpu.dma_semaphore, #tpu.memory_space<semaphore_mem>>) src(%dma_wait3A_211 : memref<20000x128xf32, #tpu.memory_space<hbm>>) dst(%arg15 : memref<128x128xf32, #tpu.memory_space<vmem>>)
        %dma_start3A_212 = arith.constant 0 : i32
        %dma_start3A_213 = arith.constant 0 : i32
        %dma_start3A_214 = tpu.memref_slice %arg17[%dma_start3A_212, %dma_start3A_213] : memref<10016x128xf32, #tpu.memory_space<vmem_shared>> -> memref<10016x128xf32, #tpu.memory_space<vmem_shared>>
        tpu.enqueue_indirect_dma source(%arg15 : memref<128x128xf32, #tpu.memory_space<vmem>>) target(%dma_start3A_214 : memref<10016x128xf32, #tpu.memory_space<vmem_shared>>) offsets(%arg13 : memref<128xi32, #tpu.memory_space<vmem>>) semaphore(%arg25 : memref<!tpu.dma_semaphore, #tpu.memory_space<semaphore_mem>>) {add = true}
      } else {
      }
      %mul3A_107 = arith.constant 4 : i32
      %mul3A_108 = arith.muli %add3A_73, %mul3A_107 : i32
      %add3A_109 = arith.constant 1 : i32
      %add3A_110 = arith.addi %mul3A_108, %add3A_109 : i32
      %ge3A_111 = arith.constant 2 : i32
      %ge3A_112 = arith.cmpi sge, %add3A_110, %ge3A_111 : i32
      %convert_element_type3A_113 = arith.extui %ge3A_112 : i1 to i32
      %cond3A_114 = arith.constant 0 : i32
      %cond3A_115 = arith.cmpi ne, %convert_element_type3A_113, %cond3A_114 : i32
      scf.if %cond3A_115 {
        %dma_wait3A_209 = arith.constant 0 : i32
        %dma_wait3A_210 = arith.constant 0 : i32
        %dma_wait3A_211 = tpu.memref_slice %arg17[%dma_wait3A_209, %dma_wait3A_210] : memref<10016x128xf32, #tpu.memory_space<vmem_shared>> -> memref<10016x128xf32, #tpu.memory_space<vmem_shared>>
        tpu.wait_indirect_dma semaphore(%arg25 : memref<!tpu.dma_semaphore, #tpu.memory_space<semaphore_mem>>) src(%arg15 : memref<128x128xf32, #tpu.memory_space<vmem>>) dst(%dma_wait3A_211 : memref<10016x128xf32, #tpu.memory_space<vmem_shared>>)
      } else {
      }
      %add3A_116 = arith.constant 2 : i32
      %add3A_117 = arith.addi %add3A_110, %add3A_116 : i32
      %lt3A_118 = arith.constant 80 : i32
      %lt3A_119 = arith.cmpi slt, %add3A_117, %lt3A_118 : i32
      %convert_element_type3A_120 = arith.extui %lt3A_119 : i1 to i32
      %cond3A_121 = arith.constant 0 : i32
      %cond3A_122 = arith.cmpi ne, %convert_element_type3A_120, %cond3A_121 : i32
      scf.if %cond3A_122 {
        %add3A_209 = arith.constant 2 : i32
        %add3A_210 = arith.addi %add3A_110, %add3A_209 : i32
        %mul3A_211 = arith.constant 128 : i32
        %mul3A_212 = arith.muli %add3A_210, %mul3A_211 : i32
        %add3A_213 = arith.addi %mul3A_15, %mul3A_212 : i32
        %dma_start3A_214 = arith.constant 0 : i32
        %dma_start3A_215 = tpu.memref_slice %arg3[%arg0, %dma_start3A_214] : memref<2x163840xi32, #tpu.memory_space<hbm>> -> memref<1x163840xi32, #tpu.memory_space<hbm>>
        %dma_start3A_216 = tpu.memref_squeeze %dma_start3A_215 : memref<1x163840xi32, #tpu.memory_space<hbm>> -> memref<163840xi32, #tpu.memory_space<hbm>>
        %dma_start3A_217 = tpu.memref_slice %dma_start3A_216[%add3A_213] : memref<163840xi32, #tpu.memory_space<hbm>> -> memref<128xi32, #tpu.memory_space<hbm>>
        %dma_start3A_218 = arith.constant 0 : i32
        %dma_start3A_219 = tpu.memref_slice %arg3[%arg0, %dma_start3A_218] : memref<2x163840xi32, #tpu.memory_space<hbm>> -> memref<1x163840xi32, #tpu.memory_space<hbm>>
        %dma_start3A_220 = tpu.memref_squeeze %dma_start3A_219 : memref<1x163840xi32, #tpu.memory_space<hbm>> -> memref<163840xi32, #tpu.memory_space<hbm>>
        %dma_start3A_221 = tpu.memref_slice %dma_start3A_220[%add3A_213] : memref<163840xi32, #tpu.memory_space<hbm>> -> memref<128xi32, #tpu.memory_space<hbm>>
        tpu.enqueue_dma source(%dma_start3A_221 : memref<128xi32, #tpu.memory_space<hbm>>) target(%arg9 : memref<128xi32, #tpu.memory_space<vmem>>) target_semaphore(%arg21 : memref<!tpu.dma_semaphore, #tpu.memory_space<semaphore_mem>>)
        %mul3A_222 = arith.constant 128 : i32
        %mul3A_223 = arith.muli %add3A_210, %mul3A_222 : i32
        %add3A_224 = arith.addi %mul3A_15, %mul3A_223 : i32
        %dma_start3A_225 = tpu.memref_slice %arg4[%add3A_224] : memref<163840xi32, #tpu.memory_space<hbm>> -> memref<128xi32, #tpu.memory_space<hbm>>
        %dma_start3A_226 = tpu.memref_slice %arg4[%add3A_224] : memref<163840xi32, #tpu.memory_space<hbm>> -> memref<128xi32, #tpu.memory_space<hbm>>
        tpu.enqueue_dma source(%dma_start3A_226 : memref<128xi32, #tpu.memory_space<hbm>>) target(%arg13 : memref<128xi32, #tpu.memory_space<vmem>>) target_semaphore(%arg21 : memref<!tpu.dma_semaphore, #tpu.memory_space<semaphore_mem>>)
      } else {
      }
      %dma_wait3A_123 = arith.constant 0 : i32
      %dma_wait3A_124 = tpu.memref_slice %arg3[%arg0, %dma_wait3A_123] : memref<2x163840xi32, #tpu.memory_space<hbm>> -> memref<1x163840xi32, #tpu.memory_space<hbm>>
      %dma_wait3A_125 = tpu.memref_squeeze %dma_wait3A_124 : memref<1x163840xi32, #tpu.memory_space<hbm>> -> memref<163840xi32, #tpu.memory_space<hbm>>
      %dma_wait3A_126 = tpu.memref_slice %dma_wait3A_125[%mul3A_15] : memref<163840xi32, #tpu.memory_space<hbm>> -> memref<128xi32, #tpu.memory_space<hbm>>
      %dma_wait3A_127 = arith.constant 0 : i32
      %dma_wait3A_128 = tpu.memref_slice %arg3[%arg0, %dma_wait3A_127] : memref<2x163840xi32, #tpu.memory_space<hbm>> -> memref<1x163840xi32, #tpu.memory_space<hbm>>
      %dma_wait3A_129 = tpu.memref_squeeze %dma_wait3A_128 : memref<1x163840xi32, #tpu.memory_space<hbm>> -> memref<163840xi32, #tpu.memory_space<hbm>>
      %dma_wait3A_130 = tpu.memref_slice %dma_wait3A_129[%mul3A_15] : memref<163840xi32, #tpu.memory_space<hbm>> -> memref<128xi32, #tpu.memory_space<hbm>>
      tpu.wait_dma2 semaphore(%arg19 : memref<!tpu.dma_semaphore, #tpu.memory_space<semaphore_mem>>) src(%dma_wait3A_130 : memref<128xi32, #tpu.memory_space<hbm>>) dst(%arg7 : memref<128xi32, #tpu.memory_space<vmem>>)
      %dma_wait3A_131 = tpu.memref_slice %arg4[%mul3A_15] : memref<163840xi32, #tpu.memory_space<hbm>> -> memref<128xi32, #tpu.memory_space<hbm>>
      %dma_wait3A_132 = tpu.memref_slice %arg4[%mul3A_15] : memref<163840xi32, #tpu.memory_space<hbm>> -> memref<128xi32, #tpu.memory_space<hbm>>
      tpu.wait_dma2 semaphore(%arg19 : memref<!tpu.dma_semaphore, #tpu.memory_space<semaphore_mem>>) src(%dma_wait3A_132 : memref<128xi32, #tpu.memory_space<hbm>>) dst(%arg11 : memref<128xi32, #tpu.memory_space<vmem>>)
      %dma_start3A_133 = arith.constant 0 : i32
      %dma_start3A_134 = arith.constant 0 : i32
      %dma_start3A_135 = tpu.memref_slice %arg2[%dma_start3A_133, %dma_start3A_134] : memref<20000x128xf32, #tpu.memory_space<hbm>> -> memref<20000x128xf32, #tpu.memory_space<hbm>>
      tpu.enqueue_indirect_dma source(%dma_start3A_135 : memref<20000x128xf32, #tpu.memory_space<hbm>>) target(%arg15 : memref<128x128xf32, #tpu.memory_space<vmem>>) offsets(%arg7 : memref<128xi32, #tpu.memory_space<vmem>>) semaphore(%arg23 : memref<!tpu.dma_semaphore, #tpu.memory_space<semaphore_mem>>)
      %ge3A_136 = arith.constant 1 : i32
      %ge3A_137 = arith.cmpi sge, %add3A_110, %ge3A_136 : i32
      %convert_element_type3A_138 = arith.extui %ge3A_137 : i1 to i32
      %cond3A_139 = arith.constant 0 : i32
      %cond3A_140 = arith.cmpi ne, %convert_element_type3A_138, %cond3A_139 : i32
      scf.if %cond3A_140 {
        %dma_wait3A_209 = arith.constant 0 : i32
        %dma_wait3A_210 = arith.constant 0 : i32
        %dma_wait3A_211 = tpu.memref_slice %arg2[%dma_wait3A_209, %dma_wait3A_210] : memref<20000x128xf32, #tpu.memory_space<hbm>> -> memref<20000x128xf32, #tpu.memory_space<hbm>>
        tpu.wait_indirect_dma semaphore(%arg22 : memref<!tpu.dma_semaphore, #tpu.memory_space<semaphore_mem>>) src(%dma_wait3A_211 : memref<20000x128xf32, #tpu.memory_space<hbm>>) dst(%arg14 : memref<128x128xf32, #tpu.memory_space<vmem>>)
        %dma_start3A_212 = arith.constant 0 : i32
        %dma_start3A_213 = arith.constant 0 : i32
        %dma_start3A_214 = tpu.memref_slice %arg17[%dma_start3A_212, %dma_start3A_213] : memref<10016x128xf32, #tpu.memory_space<vmem_shared>> -> memref<10016x128xf32, #tpu.memory_space<vmem_shared>>
        tpu.enqueue_indirect_dma source(%arg14 : memref<128x128xf32, #tpu.memory_space<vmem>>) target(%dma_start3A_214 : memref<10016x128xf32, #tpu.memory_space<vmem_shared>>) offsets(%arg10 : memref<128xi32, #tpu.memory_space<vmem>>) semaphore(%arg24 : memref<!tpu.dma_semaphore, #tpu.memory_space<semaphore_mem>>) {add = true}
      } else {
      }
      %mul3A_141 = arith.constant 4 : i32
      %mul3A_142 = arith.muli %add3A_73, %mul3A_141 : i32
      %add3A_143 = arith.constant 2 : i32
      %add3A_144 = arith.addi %mul3A_142, %add3A_143 : i32
      %ge3A_145 = arith.constant 2 : i32
      %ge3A_146 = arith.cmpi sge, %add3A_144, %ge3A_145 : i32
      %convert_element_type3A_147 = arith.extui %ge3A_146 : i1 to i32
      %cond3A_148 = arith.constant 0 : i32
      %cond3A_149 = arith.cmpi ne, %convert_element_type3A_147, %cond3A_148 : i32
      scf.if %cond3A_149 {
        %dma_wait3A_209 = arith.constant 0 : i32
        %dma_wait3A_210 = arith.constant 0 : i32
        %dma_wait3A_211 = tpu.memref_slice %arg17[%dma_wait3A_209, %dma_wait3A_210] : memref<10016x128xf32, #tpu.memory_space<vmem_shared>> -> memref<10016x128xf32, #tpu.memory_space<vmem_shared>>
        tpu.wait_indirect_dma semaphore(%arg24 : memref<!tpu.dma_semaphore, #tpu.memory_space<semaphore_mem>>) src(%arg14 : memref<128x128xf32, #tpu.memory_space<vmem>>) dst(%dma_wait3A_211 : memref<10016x128xf32, #tpu.memory_space<vmem_shared>>)
      } else {
      }
      %add3A_150 = arith.constant 2 : i32
      %add3A_151 = arith.addi %add3A_144, %add3A_150 : i32
      %lt3A_152 = arith.constant 80 : i32
      %lt3A_153 = arith.cmpi slt, %add3A_151, %lt3A_152 : i32
      %convert_element_type3A_154 = arith.extui %lt3A_153 : i1 to i32
      %cond3A_155 = arith.constant 0 : i32
      %cond3A_156 = arith.cmpi ne, %convert_element_type3A_154, %cond3A_155 : i32
      scf.if %cond3A_156 {
        %add3A_209 = arith.constant 2 : i32
        %add3A_210 = arith.addi %add3A_144, %add3A_209 : i32
        %mul3A_211 = arith.constant 128 : i32
        %mul3A_212 = arith.muli %add3A_210, %mul3A_211 : i32
        %add3A_213 = arith.addi %mul3A_15, %mul3A_212 : i32
        %dma_start3A_214 = arith.constant 0 : i32
        %dma_start3A_215 = tpu.memref_slice %arg3[%arg0, %dma_start3A_214] : memref<2x163840xi32, #tpu.memory_space<hbm>> -> memref<1x163840xi32, #tpu.memory_space<hbm>>
        %dma_start3A_216 = tpu.memref_squeeze %dma_start3A_215 : memref<1x163840xi32, #tpu.memory_space<hbm>> -> memref<163840xi32, #tpu.memory_space<hbm>>
        %dma_start3A_217 = tpu.memref_slice %dma_start3A_216[%add3A_213] : memref<163840xi32, #tpu.memory_space<hbm>> -> memref<128xi32, #tpu.memory_space<hbm>>
        %dma_start3A_218 = arith.constant 0 : i32
        %dma_start3A_219 = tpu.memref_slice %arg3[%arg0, %dma_start3A_218] : memref<2x163840xi32, #tpu.memory_space<hbm>> -> memref<1x163840xi32, #tpu.memory_space<hbm>>
        %dma_start3A_220 = tpu.memref_squeeze %dma_start3A_219 : memref<1x163840xi32, #tpu.memory_space<hbm>> -> memref<163840xi32, #tpu.memory_space<hbm>>
        %dma_start3A_221 = tpu.memref_slice %dma_start3A_220[%add3A_213] : memref<163840xi32, #tpu.memory_space<hbm>> -> memref<128xi32, #tpu.memory_space<hbm>>
        tpu.enqueue_dma source(%dma_start3A_221 : memref<128xi32, #tpu.memory_space<hbm>>) target(%arg6 : memref<128xi32, #tpu.memory_space<vmem>>) target_semaphore(%arg18 : memref<!tpu.dma_semaphore, #tpu.memory_space<semaphore_mem>>)
        %mul3A_222 = arith.constant 128 : i32
        %mul3A_223 = arith.muli %add3A_210, %mul3A_222 : i32
        %add3A_224 = arith.addi %mul3A_15, %mul3A_223 : i32
        %dma_start3A_225 = tpu.memref_slice %arg4[%add3A_224] : memref<163840xi32, #tpu.memory_space<hbm>> -> memref<128xi32, #tpu.memory_space<hbm>>
        %dma_start3A_226 = tpu.memref_slice %arg4[%add3A_224] : memref<163840xi32, #tpu.memory_space<hbm>> -> memref<128xi32, #tpu.memory_space<hbm>>
        tpu.enqueue_dma source(%dma_start3A_226 : memref<128xi32, #tpu.memory_space<hbm>>) target(%arg10 : memref<128xi32, #tpu.memory_space<vmem>>) target_semaphore(%arg18 : memref<!tpu.dma_semaphore, #tpu.memory_space<semaphore_mem>>)
      } else {
      }
      %dma_wait3A_157 = arith.constant 0 : i32
      %dma_wait3A_158 = tpu.memref_slice %arg3[%arg0, %dma_wait3A_157] : memref<2x163840xi32, #tpu.memory_space<hbm>> -> memref<1x163840xi32, #tpu.memory_space<hbm>>
      %dma_wait3A_159 = tpu.memref_squeeze %dma_wait3A_158 : memref<1x163840xi32, #tpu.memory_space<hbm>> -> memref<163840xi32, #tpu.memory_space<hbm>>
      %dma_wait3A_160 = tpu.memref_slice %dma_wait3A_159[%mul3A_15] : memref<163840xi32, #tpu.memory_space<hbm>> -> memref<128xi32, #tpu.memory_space<hbm>>
      %dma_wait3A_161 = arith.constant 0 : i32
      %dma_wait3A_162 = tpu.memref_slice %arg3[%arg0, %dma_wait3A_161] : memref<2x163840xi32, #tpu.memory_space<hbm>> -> memref<1x163840xi32, #tpu.memory_space<hbm>>
      %dma_wait3A_163 = tpu.memref_squeeze %dma_wait3A_162 : memref<1x163840xi32, #tpu.memory_space<hbm>> -> memref<163840xi32, #tpu.memory_space<hbm>>
      %dma_wait3A_164 = tpu.memref_slice %dma_wait3A_163[%mul3A_15] : memref<163840xi32, #tpu.memory_space<hbm>> -> memref<128xi32, #tpu.memory_space<hbm>>
      tpu.wait_dma2 semaphore(%arg20 : memref<!tpu.dma_semaphore, #tpu.memory_space<semaphore_mem>>) src(%dma_wait3A_164 : memref<128xi32, #tpu.memory_space<hbm>>) dst(%arg8 : memref<128xi32, #tpu.memory_space<vmem>>)
      %dma_wait3A_165 = tpu.memref_slice %arg4[%mul3A_15] : memref<163840xi32, #tpu.memory_space<hbm>> -> memref<128xi32, #tpu.memory_space<hbm>>
      %dma_wait3A_166 = tpu.memref_slice %arg4[%mul3A_15] : memref<163840xi32, #tpu.memory_space<hbm>> -> memref<128xi32, #tpu.memory_space<hbm>>
      tpu.wait_dma2 semaphore(%arg20 : memref<!tpu.dma_semaphore, #tpu.memory_space<semaphore_mem>>) src(%dma_wait3A_166 : memref<128xi32, #tpu.memory_space<hbm>>) dst(%arg12 : memref<128xi32, #tpu.memory_space<vmem>>)
      %dma_start3A_167 = arith.constant 0 : i32
      %dma_start3A_168 = arith.constant 0 : i32
      %dma_start3A_169 = tpu.memref_slice %arg2[%dma_start3A_167, %dma_start3A_168] : memref<20000x128xf32, #tpu.memory_space<hbm>> -> memref<20000x128xf32, #tpu.memory_space<hbm>>
      tpu.enqueue_indirect_dma source(%dma_start3A_169 : memref<20000x128xf32, #tpu.memory_space<hbm>>) target(%arg14 : memref<128x128xf32, #tpu.memory_space<vmem>>) offsets(%arg8 : memref<128xi32, #tpu.memory_space<vmem>>) semaphore(%arg22 : memref<!tpu.dma_semaphore, #tpu.memory_space<semaphore_mem>>)
      %ge3A_170 = arith.constant 1 : i32
      %ge3A_171 = arith.cmpi sge, %add3A_144, %ge3A_170 : i32
      %convert_element_type3A_172 = arith.extui %ge3A_171 : i1 to i32
      %cond3A_173 = arith.constant 0 : i32
      %cond3A_174 = arith.cmpi ne, %convert_element_type3A_172, %cond3A_173 : i32
      scf.if %cond3A_174 {
        %dma_wait3A_209 = arith.constant 0 : i32
        %dma_wait3A_210 = arith.constant 0 : i32
        %dma_wait3A_211 = tpu.memref_slice %arg2[%dma_wait3A_209, %dma_wait3A_210] : memref<20000x128xf32, #tpu.memory_space<hbm>> -> memref<20000x128xf32, #tpu.memory_space<hbm>>
        tpu.wait_indirect_dma semaphore(%arg23 : memref<!tpu.dma_semaphore, #tpu.memory_space<semaphore_mem>>) src(%dma_wait3A_211 : memref<20000x128xf32, #tpu.memory_space<hbm>>) dst(%arg15 : memref<128x128xf32, #tpu.memory_space<vmem>>)
        %dma_start3A_212 = arith.constant 0 : i32
        %dma_start3A_213 = arith.constant 0 : i32
        %dma_start3A_214 = tpu.memref_slice %arg17[%dma_start3A_212, %dma_start3A_213] : memref<10016x128xf32, #tpu.memory_space<vmem_shared>> -> memref<10016x128xf32, #tpu.memory_space<vmem_shared>>
        tpu.enqueue_indirect_dma source(%arg15 : memref<128x128xf32, #tpu.memory_space<vmem>>) target(%dma_start3A_214 : memref<10016x128xf32, #tpu.memory_space<vmem_shared>>) offsets(%arg11 : memref<128xi32, #tpu.memory_space<vmem>>) semaphore(%arg25 : memref<!tpu.dma_semaphore, #tpu.memory_space<semaphore_mem>>) {add = true}
      } else {
      }
      %mul3A_175 = arith.constant 4 : i32
      %mul3A_176 = arith.muli %add3A_73, %mul3A_175 : i32
      %add3A_177 = arith.constant 3 : i32
      %add3A_178 = arith.addi %mul3A_176, %add3A_177 : i32
      %ge3A_179 = arith.constant 2 : i32
      %ge3A_180 = arith.cmpi sge, %add3A_178, %ge3A_179 : i32
      %convert_element_type3A_181 = arith.extui %ge3A_180 : i1 to i32
      %cond3A_182 = arith.constant 0 : i32
      %cond3A_183 = arith.cmpi ne, %convert_element_type3A_181, %cond3A_182 : i32
      scf.if %cond3A_183 {
        %dma_wait3A_209 = arith.constant 0 : i32
        %dma_wait3A_210 = arith.constant 0 : i32
        %dma_wait3A_211 = tpu.memref_slice %arg17[%dma_wait3A_209, %dma_wait3A_210] : memref<10016x128xf32, #tpu.memory_space<vmem_shared>> -> memref<10016x128xf32, #tpu.memory_space<vmem_shared>>
        tpu.wait_indirect_dma semaphore(%arg25 : memref<!tpu.dma_semaphore, #tpu.memory_space<semaphore_mem>>) src(%arg15 : memref<128x128xf32, #tpu.memory_space<vmem>>) dst(%dma_wait3A_211 : memref<10016x128xf32, #tpu.memory_space<vmem_shared>>)
      } else {
      }
      %add3A_184 = arith.constant 2 : i32
      %add3A_185 = arith.addi %add3A_178, %add3A_184 : i32
      %lt3A_186 = arith.constant 80 : i32
      %lt3A_187 = arith.cmpi slt, %add3A_185, %lt3A_186 : i32
      %convert_element_type3A_188 = arith.extui %lt3A_187 : i1 to i32
      %cond3A_189 = arith.constant 0 : i32
      %cond3A_190 = arith.cmpi ne, %convert_element_type3A_188, %cond3A_189 : i32
      scf.if %cond3A_190 {
        %add3A_209 = arith.constant 2 : i32
        %add3A_210 = arith.addi %add3A_178, %add3A_209 : i32
        %mul3A_211 = arith.constant 128 : i32
        %mul3A_212 = arith.muli %add3A_210, %mul3A_211 : i32
        %add3A_213 = arith.addi %mul3A_15, %mul3A_212 : i32
        %dma_start3A_214 = arith.constant 0 : i32
        %dma_start3A_215 = tpu.memref_slice %arg3[%arg0, %dma_start3A_214] : memref<2x163840xi32, #tpu.memory_space<hbm>> -> memref<1x163840xi32, #tpu.memory_space<hbm>>
        %dma_start3A_216 = tpu.memref_squeeze %dma_start3A_215 : memref<1x163840xi32, #tpu.memory_space<hbm>> -> memref<163840xi32, #tpu.memory_space<hbm>>
        %dma_start3A_217 = tpu.memref_slice %dma_start3A_216[%add3A_213] : memref<163840xi32, #tpu.memory_space<hbm>> -> memref<128xi32, #tpu.memory_space<hbm>>
        %dma_start3A_218 = arith.constant 0 : i32
        %dma_start3A_219 = tpu.memref_slice %arg3[%arg0, %dma_start3A_218] : memref<2x163840xi32, #tpu.memory_space<hbm>> -> memref<1x163840xi32, #tpu.memory_space<hbm>>
        %dma_start3A_220 = tpu.memref_squeeze %dma_start3A_219 : memref<1x163840xi32, #tpu.memory_space<hbm>> -> memref<163840xi32, #tpu.memory_space<hbm>>
        %dma_start3A_221 = tpu.memref_slice %dma_start3A_220[%add3A_213] : memref<163840xi32, #tpu.memory_space<hbm>> -> memref<128xi32, #tpu.memory_space<hbm>>
        tpu.enqueue_dma source(%dma_start3A_221 : memref<128xi32, #tpu.memory_space<hbm>>) target(%arg7 : memref<128xi32, #tpu.memory_space<vmem>>) target_semaphore(%arg19 : memref<!tpu.dma_semaphore, #tpu.memory_space<semaphore_mem>>)
        %mul3A_222 = arith.constant 128 : i32
        %mul3A_223 = arith.muli %add3A_210, %mul3A_222 : i32
        %add3A_224 = arith.addi %mul3A_15, %mul3A_223 : i32
        %dma_start3A_225 = tpu.memref_slice %arg4[%add3A_224] : memref<163840xi32, #tpu.memory_space<hbm>> -> memref<128xi32, #tpu.memory_space<hbm>>
        %dma_start3A_226 = tpu.memref_slice %arg4[%add3A_224] : memref<163840xi32, #tpu.memory_space<hbm>> -> memref<128xi32, #tpu.memory_space<hbm>>
        tpu.enqueue_dma source(%dma_start3A_226 : memref<128xi32, #tpu.memory_space<hbm>>) target(%arg11 : memref<128xi32, #tpu.memory_space<vmem>>) target_semaphore(%arg19 : memref<!tpu.dma_semaphore, #tpu.memory_space<semaphore_mem>>)
      } else {
      }
      %dma_wait3A_191 = arith.constant 0 : i32
      %dma_wait3A_192 = tpu.memref_slice %arg3[%arg0, %dma_wait3A_191] : memref<2x163840xi32, #tpu.memory_space<hbm>> -> memref<1x163840xi32, #tpu.memory_space<hbm>>
      %dma_wait3A_193 = tpu.memref_squeeze %dma_wait3A_192 : memref<1x163840xi32, #tpu.memory_space<hbm>> -> memref<163840xi32, #tpu.memory_space<hbm>>
      %dma_wait3A_194 = tpu.memref_slice %dma_wait3A_193[%mul3A_15] : memref<163840xi32, #tpu.memory_space<hbm>> -> memref<128xi32, #tpu.memory_space<hbm>>
      %dma_wait3A_195 = arith.constant 0 : i32
      %dma_wait3A_196 = tpu.memref_slice %arg3[%arg0, %dma_wait3A_195] : memref<2x163840xi32, #tpu.memory_space<hbm>> -> memref<1x163840xi32, #tpu.memory_space<hbm>>
      %dma_wait3A_197 = tpu.memref_squeeze %dma_wait3A_196 : memref<1x163840xi32, #tpu.memory_space<hbm>> -> memref<163840xi32, #tpu.memory_space<hbm>>
      %dma_wait3A_198 = tpu.memref_slice %dma_wait3A_197[%mul3A_15] : memref<163840xi32, #tpu.memory_space<hbm>> -> memref<128xi32, #tpu.memory_space<hbm>>
      tpu.wait_dma2 semaphore(%arg21 : memref<!tpu.dma_semaphore, #tpu.memory_space<semaphore_mem>>) src(%dma_wait3A_198 : memref<128xi32, #tpu.memory_space<hbm>>) dst(%arg9 : memref<128xi32, #tpu.memory_space<vmem>>)
      %dma_wait3A_199 = tpu.memref_slice %arg4[%mul3A_15] : memref<163840xi32, #tpu.memory_space<hbm>> -> memref<128xi32, #tpu.memory_space<hbm>>
      %dma_wait3A_200 = tpu.memref_slice %arg4[%mul3A_15] : memref<163840xi32, #tpu.memory_space<hbm>> -> memref<128xi32, #tpu.memory_space<hbm>>
      tpu.wait_dma2 semaphore(%arg21 : memref<!tpu.dma_semaphore, #tpu.memory_space<semaphore_mem>>) src(%dma_wait3A_200 : memref<128xi32, #tpu.memory_space<hbm>>) dst(%arg13 : memref<128xi32, #tpu.memory_space<vmem>>)
      %dma_start3A_201 = arith.constant 0 : i32
      %dma_start3A_202 = arith.constant 0 : i32
      %dma_start3A_203 = tpu.memref_slice %arg2[%dma_start3A_201, %dma_start3A_202] : memref<20000x128xf32, #tpu.memory_space<hbm>> -> memref<20000x128xf32, #tpu.memory_space<hbm>>
      tpu.enqueue_indirect_dma source(%dma_start3A_203 : memref<20000x128xf32, #tpu.memory_space<hbm>>) target(%arg15 : memref<128x128xf32, #tpu.memory_space<vmem>>) offsets(%arg9 : memref<128xi32, #tpu.memory_space<vmem>>) semaphore(%arg23 : memref<!tpu.dma_semaphore, #tpu.memory_space<semaphore_mem>>)
      %ge3A_204 = arith.constant 1 : i32
      %ge3A_205 = arith.cmpi sge, %add3A_178, %ge3A_204 : i32
      %convert_element_type3A_206 = arith.extui %ge3A_205 : i1 to i32
      %cond3A_207 = arith.constant 0 : i32
      %cond3A_208 = arith.cmpi ne, %convert_element_type3A_206, %cond3A_207 : i32
      scf.if %cond3A_208 {
        %dma_wait3A_209 = arith.constant 0 : i32
        %dma_wait3A_210 = arith.constant 0 : i32
        %dma_wait3A_211 = tpu.memref_slice %arg2[%dma_wait3A_209, %dma_wait3A_210] : memref<20000x128xf32, #tpu.memory_space<hbm>> -> memref<20000x128xf32, #tpu.memory_space<hbm>>
        tpu.wait_indirect_dma semaphore(%arg22 : memref<!tpu.dma_semaphore, #tpu.memory_space<semaphore_mem>>) src(%dma_wait3A_211 : memref<20000x128xf32, #tpu.memory_space<hbm>>) dst(%arg14 : memref<128x128xf32, #tpu.memory_space<vmem>>)
        %dma_start3A_212 = arith.constant 0 : i32
        %dma_start3A_213 = arith.constant 0 : i32
        %dma_start3A_214 = tpu.memref_slice %arg17[%dma_start3A_212, %dma_start3A_213] : memref<10016x128xf32, #tpu.memory_space<vmem_shared>> -> memref<10016x128xf32, #tpu.memory_space<vmem_shared>>
        tpu.enqueue_indirect_dma source(%arg14 : memref<128x128xf32, #tpu.memory_space<vmem>>) target(%dma_start3A_214 : memref<10016x128xf32, #tpu.memory_space<vmem_shared>>) offsets(%arg12 : memref<128xi32, #tpu.memory_space<vmem>>) semaphore(%arg24 : memref<!tpu.dma_semaphore, #tpu.memory_space<semaphore_mem>>) {add = true}
      } else {
      }
    }
    %scan3A_46 = arith.constant 20 : i32
    %dma_wait3A = arith.constant 0 : i32
    %dma_wait3A_47 = arith.constant 0 : i32
    %dma_wait3A_48 = tpu.memref_slice %arg2[%dma_wait3A, %dma_wait3A_47] : memref<20000x128xf32, #tpu.memory_space<hbm>> -> memref<20000x128xf32, #tpu.memory_space<hbm>>
    tpu.wait_indirect_dma semaphore(%arg23 : memref<!tpu.dma_semaphore, #tpu.memory_space<semaphore_mem>>) src(%dma_wait3A_48 : memref<20000x128xf32, #tpu.memory_space<hbm>>) dst(%arg15 : memref<128x128xf32, #tpu.memory_space<vmem>>)
    %dma_start3A_49 = arith.constant 0 : i32
    %dma_start3A_50 = arith.constant 0 : i32
    %dma_start3A_51 = tpu.memref_slice %arg17[%dma_start3A_49, %dma_start3A_50] : memref<10016x128xf32, #tpu.memory_space<vmem_shared>> -> memref<10016x128xf32, #tpu.memory_space<vmem_shared>>
    tpu.enqueue_indirect_dma source(%arg15 : memref<128x128xf32, #tpu.memory_space<vmem>>) target(%dma_start3A_51 : memref<10016x128xf32, #tpu.memory_space<vmem_shared>>) offsets(%arg13 : memref<128xi32, #tpu.memory_space<vmem>>) semaphore(%arg25 : memref<!tpu.dma_semaphore, #tpu.memory_space<semaphore_mem>>) {add = true}
    %dma_wait3A_52 = arith.constant 0 : i32
    %dma_wait3A_53 = arith.constant 0 : i32
    %dma_wait3A_54 = tpu.memref_slice %arg17[%dma_wait3A_52, %dma_wait3A_53] : memref<10016x128xf32, #tpu.memory_space<vmem_shared>> -> memref<10016x128xf32, #tpu.memory_space<vmem_shared>>
    tpu.wait_indirect_dma semaphore(%arg24 : memref<!tpu.dma_semaphore, #tpu.memory_space<semaphore_mem>>) src(%arg14 : memref<128x128xf32, #tpu.memory_space<vmem>>) dst(%dma_wait3A_54 : memref<10016x128xf32, #tpu.memory_space<vmem_shared>>)
    %dma_wait3A_55 = arith.constant 0 : i32
    %dma_wait3A_56 = arith.constant 0 : i32
    %dma_wait3A_57 = tpu.memref_slice %arg17[%dma_wait3A_55, %dma_wait3A_56] : memref<10016x128xf32, #tpu.memory_space<vmem_shared>> -> memref<10016x128xf32, #tpu.memory_space<vmem_shared>>
    tpu.wait_indirect_dma semaphore(%arg25 : memref<!tpu.dma_semaphore, #tpu.memory_space<semaphore_mem>>) src(%arg15 : memref<128x128xf32, #tpu.memory_space<vmem>>) dst(%dma_wait3A_57 : memref<10016x128xf32, #tpu.memory_space<vmem_shared>>)
    %barrier3A_58 = arith.constant 0 : index
    tpu.barrier barrier_id(%barrier3A_58)
    %lt3A_59 = arith.constant 15 : i32
    %lt3A_60 = arith.cmpi slt, %arg1, %lt3A_59 : i32
    %convert_element_type3A_61 = arith.extui %lt3A_60 : i1 to i32
    %cond3A_62 = arith.constant 0 : i32
    %cond3A_63 = arith.cmpi ne, %convert_element_type3A_61, %cond3A_62 : i32
    scf.if %cond3A_63 {
      "tpu.region"() ({
        %run_scoped3A = tpu.sem_alloc : memref<!tpu.dma_semaphore, #tpu.memory_space<semaphore_mem>>
        %dma_start3A_69 = arith.constant 0 : i32
        %dma_start3A_70 = arith.constant 0 : i32
        %dma_start3A_71 = tpu.memref_slice %arg5[%arg0, %dma_start3A_69, %dma_start3A_70] : memref<2x10000x128xf32, #tpu.memory_space<hbm>> -> memref<1x10000x128xf32, #tpu.memory_space<hbm>>
        %dma_start3A_72 = tpu.memref_squeeze %dma_start3A_71 : memref<1x10000x128xf32, #tpu.memory_space<hbm>> -> memref<10000x128xf32, #tpu.memory_space<hbm>>
        %dma_start3A_73 = arith.constant 0 : i32
        %dma_start3A_74 = tpu.memref_slice %dma_start3A_72[%mul3A_5, %dma_start3A_73] : memref<10000x128xf32, #tpu.memory_space<hbm>> -> memref<640x128xf32, #tpu.memory_space<hbm>>
        %dma_start3A_75 = arith.constant 0 : i32
        %dma_start3A_76 = tpu.memref_slice %arg17[%mul3A_5, %dma_start3A_75] : memref<10016x128xf32, #tpu.memory_space<vmem_shared>> -> memref<640x128xf32, #tpu.memory_space<vmem_shared>>
        tpu.enqueue_dma source(%dma_start3A_76 : memref<640x128xf32, #tpu.memory_space<vmem_shared>>) target(%dma_start3A_74 : memref<640x128xf32, #tpu.memory_space<hbm>>) target_semaphore(%run_scoped3A : memref<!tpu.dma_semaphore, #tpu.memory_space<semaphore_mem>>)
        %dma_wait3A_77 = arith.constant 0 : i32
        %dma_wait3A_78 = arith.constant 0 : i32
        %dma_wait3A_79 = tpu.memref_slice %arg5[%arg0, %dma_wait3A_77, %dma_wait3A_78] : memref<2x10000x128xf32, #tpu.memory_space<hbm>> -> memref<1x10000x128xf32, #tpu.memory_space<hbm>>
        %dma_wait3A_80 = tpu.memref_squeeze %dma_wait3A_79 : memref<1x10000x128xf32, #tpu.memory_space<hbm>> -> memref<10000x128xf32, #tpu.memory_space<hbm>>
        %dma_wait3A_81 = arith.constant 0 : i32
        %dma_wait3A_82 = tpu.memref_slice %dma_wait3A_80[%mul3A_5, %dma_wait3A_81] : memref<10000x128xf32, #tpu.memory_space<hbm>> -> memref<640x128xf32, #tpu.memory_space<hbm>>
        %dma_wait3A_83 = arith.constant 0 : i32
        %dma_wait3A_84 = tpu.memref_slice %arg17[%mul3A_5, %dma_wait3A_83] : memref<10016x128xf32, #tpu.memory_space<vmem_shared>> -> memref<640x128xf32, #tpu.memory_space<vmem_shared>>
        tpu.wait_dma2 semaphore(%run_scoped3A : memref<!tpu.dma_semaphore, #tpu.memory_space<semaphore_mem>>) src(%dma_wait3A_84 : memref<640x128xf32, #tpu.memory_space<vmem_shared>>) dst(%dma_wait3A_82 : memref<640x128xf32, #tpu.memory_space<hbm>>)
        tpu.yield
      }) : () -> ()
    } else {
    }
    %eq3A_64 = arith.constant 15 : i32
    %eq3A_65 = arith.cmpi eq, %arg1, %eq3A_64 : i32
    %convert_element_type3A_66 = arith.extui %eq3A_65 : i1 to i32
    %cond3A_67 = arith.constant 0 : i32
    %cond3A_68 = arith.cmpi ne, %convert_element_type3A_66, %cond3A_67 : i32
    scf.if %cond3A_68 {
      "tpu.region"() ({
        %run_scoped3A = tpu.sem_alloc : memref<!tpu.dma_semaphore, #tpu.memory_space<semaphore_mem>>
        %dma_start3A_69 = arith.constant 0 : i32
        %dma_start3A_70 = arith.constant 0 : i32
        %dma_start3A_71 = tpu.memref_slice %arg5[%arg0, %dma_start3A_69, %dma_start3A_70] : memref<2x10000x128xf32, #tpu.memory_space<hbm>> -> memref<1x10000x128xf32, #tpu.memory_space<hbm>>
        %dma_start3A_72 = tpu.memref_squeeze %dma_start3A_71 : memref<1x10000x128xf32, #tpu.memory_space<hbm>> -> memref<10000x128xf32, #tpu.memory_space<hbm>>
        %dma_start3A_73 = arith.constant 0 : i32
        %dma_start3A_74 = tpu.memref_slice %dma_start3A_72[%mul3A_5, %dma_start3A_73] : memref<10000x128xf32, #tpu.memory_space<hbm>> -> memref<400x128xf32, #tpu.memory_space<hbm>>
        %dma_start3A_75 = arith.constant 0 : i32
        %dma_start3A_76 = tpu.memref_slice %arg17[%mul3A_5, %dma_start3A_75] : memref<10016x128xf32, #tpu.memory_space<vmem_shared>> -> memref<400x128xf32, #tpu.memory_space<vmem_shared>>
        tpu.enqueue_dma source(%dma_start3A_76 : memref<400x128xf32, #tpu.memory_space<vmem_shared>>) target(%dma_start3A_74 : memref<400x128xf32, #tpu.memory_space<hbm>>) target_semaphore(%run_scoped3A : memref<!tpu.dma_semaphore, #tpu.memory_space<semaphore_mem>>)
        %dma_wait3A_77 = arith.constant 0 : i32
        %dma_wait3A_78 = arith.constant 0 : i32
        %dma_wait3A_79 = tpu.memref_slice %arg5[%arg0, %dma_wait3A_77, %dma_wait3A_78] : memref<2x10000x128xf32, #tpu.memory_space<hbm>> -> memref<1x10000x128xf32, #tpu.memory_space<hbm>>
        %dma_wait3A_80 = tpu.memref_squeeze %dma_wait3A_79 : memref<1x10000x128xf32, #tpu.memory_space<hbm>> -> memref<10000x128xf32, #tpu.memory_space<hbm>>
        %dma_wait3A_81 = arith.constant 0 : i32
        %dma_wait3A_82 = tpu.memref_slice %dma_wait3A_80[%mul3A_5, %dma_wait3A_81] : memref<10000x128xf32, #tpu.memory_space<hbm>> -> memref<400x128xf32, #tpu.memory_space<hbm>>
        %dma_wait3A_83 = arith.constant 0 : i32
        %dma_wait3A_84 = tpu.memref_slice %arg17[%mul3A_5, %dma_wait3A_83] : memref<10016x128xf32, #tpu.memory_space<vmem_shared>> -> memref<400x128xf32, #tpu.memory_space<vmem_shared>>
        tpu.wait_dma2 semaphore(%run_scoped3A : memref<!tpu.dma_semaphore, #tpu.memory_space<semaphore_mem>>) src(%dma_wait3A_84 : memref<400x128xf32, #tpu.memory_space<vmem_shared>>) dst(%dma_wait3A_82 : memref<400x128xf32, #tpu.memory_space<hbm>>)
        tpu.yield
      }) : () -> ()
    } else {
    }
    return
  }
}

#map = affine_map<(d0, d1) -> (0, 0)>
#map1 = affine_map<(d0, d1) -> (0)>
#map2 = affine_map<(d0, d1) -> (0, 0, 0)>
module attributes {stable_mosaic.version = 14 : i64} {
  func.func @_agg(%arg0: i32, %arg1: i32, %arg2: memref<20000x128xf32, #tpu.memory_space<hbm>>, %arg3: memref<2x163840xi32, #tpu.memory_space<hbm>>, %arg4: memref<163840xi32, #tpu.memory_space<hbm>>, %arg5: memref<2x10000x128xf32, #tpu.memory_space<hbm>>, %arg6: memref<128xi32, #tpu.memory_space<vmem>>, %arg7: memref<128xi32, #tpu.memory_space<vmem>>, %arg8: memref<128xi32, #tpu.memory_space<vmem>>, %arg9: memref<128xi32, #tpu.memory_space<vmem>>, %arg10: memref<128xi32, #tpu.memory_space<vmem>>, %arg11: memref<128xi32, #tpu.memory_space<vmem>>, %arg12: memref<128xi32, #tpu.memory_space<vmem>>, %arg13: memref<128xi32, #tpu.memory_space<vmem>>, %arg14: memref<128x128xf32, #tpu.memory_space<vmem>>, %arg15: memref<128x128xf32, #tpu.memory_space<vmem>>, %arg16: memref<40x128xf32, #tpu.memory_space<vmem>>, %arg17: memref<10016x128xf32, #tpu.memory_space<vmem_shared>>, %arg18: memref<!tpu.dma_semaphore, #tpu.memory_space<semaphore_mem>>, %arg19: memref<!tpu.dma_semaphore, #tpu.memory_space<semaphore_mem>>, %arg20: memref<!tpu.dma_semaphore, #tpu.memory_space<semaphore_mem>>, %arg21: memref<!tpu.dma_semaphore, #tpu.memory_space<semaphore_mem>>, %arg22: memref<!tpu.dma_semaphore, #tpu.memory_space<semaphore_mem>>, %arg23: memref<!tpu.dma_semaphore, #tpu.memory_space<semaphore_mem>>, %arg24: memref<!tpu.dma_semaphore, #tpu.memory_space<semaphore_mem>>, %arg25: memref<!tpu.dma_semaphore, #tpu.memory_space<semaphore_mem>>) attributes {dimension_semantics = [#tpu.dimension_semantics<core_parallel>, #tpu.dimension_semantics<subcore_parallel>], iteration_bounds = array<i64: 2, 16>, scalar_prefetch = 0 : i64, scratch_operands = 20 : i64, tpu.core_type = #tpu.core_type<sc_vector_subcore>, window_params = [{transform_indices = #map}, {transform_indices = #map}, {transform_indices = #map1}, {transform_indices = #map2}]} {
    %broadcast_in_dim3A = arith.constant 0.000000e+00 : f32
    %broadcast_in_dim3A_0 = vector.broadcast %broadcast_in_dim3A : f32 to vector<1x16xf32>
    %scan3A = arith.constant 0 : i32
    %scan3A_1 = arith.constant 40 : i32
    %scan3A_2 = arith.addi %scan3A, %scan3A_1 : i32
    %scan3A_3 = arith.constant 1 : i32
    scf.for %scan3A_69 = %scan3A to %scan3A_2 step %scan3A_3  : i32 {
      %mul3A_70 = arith.constant 1 : i32
      %mul3A_71 = arith.muli %scan3A_69, %mul3A_70 : i32
      %add3A_72 = arith.constant 0 : i32
      %add3A_73 = arith.addi %add3A_72, %mul3A_71 : i32
      %scan3A_74 = arith.constant 0 : i32
      %scan3A_75 = arith.constant 8 : i32
      %scan3A_76 = arith.addi %scan3A_74, %scan3A_75 : i32
      %scan3A_77 = arith.constant 1 : i32
      scf.for %scan3A_79 = %scan3A_74 to %scan3A_76 step %scan3A_77  : i32 {
        %mul3A_80 = arith.constant 1 : i32
        %mul3A_81 = arith.muli %scan3A_79, %mul3A_80 : i32
        %add3A_82 = arith.constant 0 : i32
        %add3A_83 = arith.addi %add3A_82, %mul3A_81 : i32
        %mul3A_84 = arith.constant 16 : i32
        %mul3A_85 = arith.muli %add3A_83, %mul3A_84 : i32
        %swap3A = arith.index_cast %add3A_73 : i32 to index
        %swap3A_86 = arith.index_cast %mul3A_85 : i32 to index
        %swap3A_87 = tpu.vector_load %arg16[%swap3A, %swap3A_86] {strides = array<i32>} : memref<40x128xf32, #tpu.memory_space<vmem>>, vector<1x16xf32>,
        %swap3A_88 = vector.shape_cast %swap3A_87 : vector<1x16xf32> to vector<1x16xf32>
        %swap3A_89 = vector.shape_cast %broadcast_in_dim3A_0 : vector<1x16xf32> to vector<1x16xf32>
        tpu.vector_store %arg16[%swap3A, %swap3A_86], %swap3A_89 {strides = array<i32>} : memref<40x128xf32, #tpu.memory_space<vmem>>, vector<1x16xf32>,
      }
      %scan3A_78 = arith.constant 8 : i32
    }
    %scan3A_4 = arith.constant 40 : i32
    %mul3A = arith.constant 640 : i32
    %mul3A_5 = arith.muli %arg1, %mul3A : i32
    %lt3A = arith.constant 15 : i32
    %lt3A_6 = arith.cmpi slt, %arg1, %lt3A : i32
    %convert_element_type3A = arith.extui %lt3A_6 : i1 to i32
    %cond3A = arith.constant 0 : i32
    %cond3A_7 = arith.cmpi ne, %convert_element_type3A, %cond3A : i32
    scf.if %cond3A_7 {
      %add3A_69 = arith.constant 0 : i32
      %add3A_70 = arith.addi %mul3A_5, %add3A_69 : i32
      "tpu.region"() ({
        %run_scoped3A = tpu.sem_alloc : memref<!tpu.dma_semaphore, #tpu.memory_space<semaphore_mem>>
        %dma_start3A_101 = arith.constant 0 : i32
        %dma_start3A_102 = tpu.memref_slice %arg17[%add3A_70, %dma_start3A_101] : memref<10016x128xf32, #tpu.memory_space<vmem_shared>> -> memref<40x128xf32, #tpu.memory_space<vmem_shared>>
        %dma_start3A_103 = arith.constant 0 : i32
        %dma_start3A_104 = tpu.memref_slice %arg17[%add3A_70, %dma_start3A_103] : memref<10016x128xf32, #tpu.memory_space<vmem_shared>> -> memref<40x128xf32, #tpu.memory_space<vmem_shared>>
        tpu.enqueue_dma source(%arg16 : memref<40x128xf32, #tpu.memory_space<vmem>>) target(%dma_start3A_104 : memref<40x128xf32, #tpu.memory_space<vmem_shared>>) target_semaphore(%run_scoped3A : memref<!tpu.dma_semaphore, #tpu.memory_space<semaphore_mem>>)
        %dma_wait3A_105 = arith.constant 0 : i32
        %dma_wait3A_106 = tpu.memref_slice %arg17[%add3A_70, %dma_wait3A_105] : memref<10016x128xf32, #tpu.memory_space<vmem_shared>> -> memref<40x128xf32, #tpu.memory_space<vmem_shared>>
        %dma_wait3A_107 = arith.constant 0 : i32
        %dma_wait3A_108 = tpu.memref_slice %arg17[%add3A_70, %dma_wait3A_107] : memref<10016x128xf32, #tpu.memory_space<vmem_shared>> -> memref<40x128xf32, #tpu.memory_space<vmem_shared>>
        tpu.wait_dma2 semaphore(%run_scoped3A : memref<!tpu.dma_semaphore, #tpu.memory_space<semaphore_mem>>) src(%arg16 : memref<40x128xf32, #tpu.memory_space<vmem>>) dst(%dma_wait3A_108 : memref<40x128xf32, #tpu.memory_space<vmem_shared>>)
        tpu.yield
      }) : () -> ()
      %add3A_71 = arith.constant 40 : i32
      %add3A_72 = arith.addi %mul3A_5, %add3A_71 : i32
      "tpu.region"() ({
        %run_scoped3A = tpu.sem_alloc : memref<!tpu.dma_semaphore, #tpu.memory_space<semaphore_mem>>
        %dma_start3A_101 = arith.constant 0 : i32
        %dma_start3A_102 = tpu.memref_slice %arg17[%add3A_72, %dma_start3A_101] : memref<10016x128xf32, #tpu.memory_space<vmem_shared>> -> memref<40x128xf32, #tpu.memory_space<vmem_shared>>
        %dma_start3A_103 = arith.constant 0 : i32
        %dma_start3A_104 = tpu.memref_slice %arg17[%add3A_72, %dma_start3A_103] : memref<10016x128xf32, #tpu.memory_space<vmem_shared>> -> memref<40x128xf32, #tpu.memory_space<vmem_shared>>
        tpu.enqueue_dma source(%arg16 : memref<40x128xf32, #tpu.memory_space<vmem>>) target(%dma_start3A_104 : memref<40x128xf32, #tpu.memory_space<vmem_shared>>) target_semaphore(%run_scoped3A : memref<!tpu.dma_semaphore, #tpu.memory_space<semaphore_mem>>)
        %dma_wait3A_105 = arith.constant 0 : i32
        %dma_wait3A_106 = tpu.memref_slice %arg17[%add3A_72, %dma_wait3A_105] : memref<10016x128xf32, #tpu.memory_space<vmem_shared>> -> memref<40x128xf32, #tpu.memory_space<vmem_shared>>
        %dma_wait3A_107 = arith.constant 0 : i32
        %dma_wait3A_108 = tpu.memref_slice %arg17[%add3A_72, %dma_wait3A_107] : memref<10016x128xf32, #tpu.memory_space<vmem_shared>> -> memref<40x128xf32, #tpu.memory_space<vmem_shared>>
        tpu.wait_dma2 semaphore(%run_scoped3A : memref<!tpu.dma_semaphore, #tpu.memory_space<semaphore_mem>>) src(%arg16 : memref<40x128xf32, #tpu.memory_space<vmem>>) dst(%dma_wait3A_108 : memref<40x128xf32, #tpu.memory_space<vmem_shared>>)
        tpu.yield
      }) : () -> ()
      %add3A_73 = arith.constant 80 : i32
      %add3A_74 = arith.addi %mul3A_5, %add3A_73 : i32
      "tpu.region"() ({
        %run_scoped3A = tpu.sem_alloc : memref<!tpu.dma_semaphore, #tpu.memory_space<semaphore_mem>>
        %dma_start3A_101 = arith.constant 0 : i32
        %dma_start3A_102 = tpu.memref_slice %arg17[%add3A_74, %dma_start3A_101] : memref<10016x128xf32, #tpu.memory_space<vmem_shared>> -> memref<40x128xf32, #tpu.memory_space<vmem_shared>>
        %dma_start3A_103 = arith.constant 0 : i32
        %dma_start3A_104 = tpu.memref_slice %arg17[%add3A_74, %dma_start3A_103] : memref<10016x128xf32, #tpu.memory_space<vmem_shared>> -> memref<40x128xf32, #tpu.memory_space<vmem_shared>>
        tpu.enqueue_dma source(%arg16 : memref<40x128xf32, #tpu.memory_space<vmem>>) target(%dma_start3A_104 : memref<40x128xf32, #tpu.memory_space<vmem_shared>>) target_semaphore(%run_scoped3A : memref<!tpu.dma_semaphore, #tpu.memory_space<semaphore_mem>>)
        %dma_wait3A_105 = arith.constant 0 : i32
        %dma_wait3A_106 = tpu.memref_slice %arg17[%add3A_74, %dma_wait3A_105] : memref<10016x128xf32, #tpu.memory_space<vmem_shared>> -> memref<40x128xf32, #tpu.memory_space<vmem_shared>>
        %dma_wait3A_107 = arith.constant 0 : i32
        %dma_wait3A_108 = tpu.memref_slice %arg17[%add3A_74, %dma_wait3A_107] : memref<10016x128xf32, #tpu.memory_space<vmem_shared>> -> memref<40x128xf32, #tpu.memory_space<vmem_shared>>
        tpu.wait_dma2 semaphore(%run_scoped3A : memref<!tpu.dma_semaphore, #tpu.memory_space<semaphore_mem>>) src(%arg16 : memref<40x128xf32, #tpu.memory_space<vmem>>) dst(%dma_wait3A_108 : memref<40x128xf32, #tpu.memory_space<vmem_shared>>)
        tpu.yield
      }) : () -> ()
      %add3A_75 = arith.constant 120 : i32
      %add3A_76 = arith.addi %mul3A_5, %add3A_75 : i32
      "tpu.region"() ({
        %run_scoped3A = tpu.sem_alloc : memref<!tpu.dma_semaphore, #tpu.memory_space<semaphore_mem>>
        %dma_start3A_101 = arith.constant 0 : i32
        %dma_start3A_102 = tpu.memref_slice %arg17[%add3A_76, %dma_start3A_101] : memref<10016x128xf32, #tpu.memory_space<vmem_shared>> -> memref<40x128xf32, #tpu.memory_space<vmem_shared>>
        %dma_start3A_103 = arith.constant 0 : i32
        %dma_start3A_104 = tpu.memref_slice %arg17[%add3A_76, %dma_start3A_103] : memref<10016x128xf32, #tpu.memory_space<vmem_shared>> -> memref<40x128xf32, #tpu.memory_space<vmem_shared>>
        tpu.enqueue_dma source(%arg16 : memref<40x128xf32, #tpu.memory_space<vmem>>) target(%dma_start3A_104 : memref<40x128xf32, #tpu.memory_space<vmem_shared>>) target_semaphore(%run_scoped3A : memref<!tpu.dma_semaphore, #tpu.memory_space<semaphore_mem>>)
        %dma_wait3A_105 = arith.constant 0 : i32
        %dma_wait3A_106 = tpu.memref_slice %arg17[%add3A_76, %dma_wait3A_105] : memref<10016x128xf32, #tpu.memory_space<vmem_shared>> -> memref<40x128xf32, #tpu.memory_space<vmem_shared>>
        %dma_wait3A_107 = arith.constant 0 : i32
        %dma_wait3A_108 = tpu.memref_slice %arg17[%add3A_76, %dma_wait3A_107] : memref<10016x128xf32, #tpu.memory_space<vmem_shared>> -> memref<40x128xf32, #tpu.memory_space<vmem_shared>>
        tpu.wait_dma2 semaphore(%run_scoped3A : memref<!tpu.dma_semaphore, #tpu.memory_space<semaphore_mem>>) src(%arg16 : memref<40x128xf32, #tpu.memory_space<vmem>>) dst(%dma_wait3A_108 : memref<40x128xf32, #tpu.memory_space<vmem_shared>>)
        tpu.yield
      }) : () -> ()
      %add3A_77 = arith.constant 160 : i32
      %add3A_78 = arith.addi %mul3A_5, %add3A_77 : i32
      "tpu.region"() ({
        %run_scoped3A = tpu.sem_alloc : memref<!tpu.dma_semaphore, #tpu.memory_space<semaphore_mem>>
        %dma_start3A_101 = arith.constant 0 : i32
        %dma_start3A_102 = tpu.memref_slice %arg17[%add3A_78, %dma_start3A_101] : memref<10016x128xf32, #tpu.memory_space<vmem_shared>> -> memref<40x128xf32, #tpu.memory_space<vmem_shared>>
        %dma_start3A_103 = arith.constant 0 : i32
        %dma_start3A_104 = tpu.memref_slice %arg17[%add3A_78, %dma_start3A_103] : memref<10016x128xf32, #tpu.memory_space<vmem_shared>> -> memref<40x128xf32, #tpu.memory_space<vmem_shared>>
        tpu.enqueue_dma source(%arg16 : memref<40x128xf32, #tpu.memory_space<vmem>>) target(%dma_start3A_104 : memref<40x128xf32, #tpu.memory_space<vmem_shared>>) target_semaphore(%run_scoped3A : memref<!tpu.dma_semaphore, #tpu.memory_space<semaphore_mem>>)
        %dma_wait3A_105 = arith.constant 0 : i32
        %dma_wait3A_106 = tpu.memref_slice %arg17[%add3A_78, %dma_wait3A_105] : memref<10016x128xf32, #tpu.memory_space<vmem_shared>> -> memref<40x128xf32, #tpu.memory_space<vmem_shared>>
        %dma_wait3A_107 = arith.constant 0 : i32
        %dma_wait3A_108 = tpu.memref_slice %arg17[%add3A_78, %dma_wait3A_107] : memref<10016x128xf32, #tpu.memory_space<vmem_shared>> -> memref<40x128xf32, #tpu.memory_space<vmem_shared>>
        tpu.wait_dma2 semaphore(%run_scoped3A : memref<!tpu.dma_semaphore, #tpu.memory_space<semaphore_mem>>) src(%arg16 : memref<40x128xf32, #tpu.memory_space<vmem>>) dst(%dma_wait3A_108 : memref<40x128xf32, #tpu.memory_space<vmem_shared>>)
        tpu.yield
      }) : () -> ()
      %add3A_79 = arith.constant 200 : i32
      %add3A_80 = arith.addi %mul3A_5, %add3A_79 : i32
      "tpu.region"() ({
        %run_scoped3A = tpu.sem_alloc : memref<!tpu.dma_semaphore, #tpu.memory_space<semaphore_mem>>
        %dma_start3A_101 = arith.constant 0 : i32
        %dma_start3A_102 = tpu.memref_slice %arg17[%add3A_80, %dma_start3A_101] : memref<10016x128xf32, #tpu.memory_space<vmem_shared>> -> memref<40x128xf32, #tpu.memory_space<vmem_shared>>
        %dma_start3A_103 = arith.constant 0 : i32
        %dma_start3A_104 = tpu.memref_slice %arg17[%add3A_80, %dma_start3A_103] : memref<10016x128xf32, #tpu.memory_space<vmem_shared>> -> memref<40x128xf32, #tpu.memory_space<vmem_shared>>
        tpu.enqueue_dma source(%arg16 : memref<40x128xf32, #tpu.memory_space<vmem>>) target(%dma_start3A_104 : memref<40x128xf32, #tpu.memory_space<vmem_shared>>) target_semaphore(%run_scoped3A : memref<!tpu.dma_semaphore, #tpu.memory_space<semaphore_mem>>)
        %dma_wait3A_105 = arith.constant 0 : i32
        %dma_wait3A_106 = tpu.memref_slice %arg17[%add3A_80, %dma_wait3A_105] : memref<10016x128xf32, #tpu.memory_space<vmem_shared>> -> memref<40x128xf32, #tpu.memory_space<vmem_shared>>
        %dma_wait3A_107 = arith.constant 0 : i32
        %dma_wait3A_108 = tpu.memref_slice %arg17[%add3A_80, %dma_wait3A_107] : memref<10016x128xf32, #tpu.memory_space<vmem_shared>> -> memref<40x128xf32, #tpu.memory_space<vmem_shared>>
        tpu.wait_dma2 semaphore(%run_scoped3A : memref<!tpu.dma_semaphore, #tpu.memory_space<semaphore_mem>>) src(%arg16 : memref<40x128xf32, #tpu.memory_space<vmem>>) dst(%dma_wait3A_108 : memref<40x128xf32, #tpu.memory_space<vmem_shared>>)
        tpu.yield
      }) : () -> ()
      %add3A_81 = arith.constant 240 : i32
      %add3A_82 = arith.addi %mul3A_5, %add3A_81 : i32
      "tpu.region"() ({
        %run_scoped3A = tpu.sem_alloc : memref<!tpu.dma_semaphore, #tpu.memory_space<semaphore_mem>>
        %dma_start3A_101 = arith.constant 0 : i32
        %dma_start3A_102 = tpu.memref_slice %arg17[%add3A_82, %dma_start3A_101] : memref<10016x128xf32, #tpu.memory_space<vmem_shared>> -> memref<40x128xf32, #tpu.memory_space<vmem_shared>>
        %dma_start3A_103 = arith.constant 0 : i32
        %dma_start3A_104 = tpu.memref_slice %arg17[%add3A_82, %dma_start3A_103] : memref<10016x128xf32, #tpu.memory_space<vmem_shared>> -> memref<40x128xf32, #tpu.memory_space<vmem_shared>>
        tpu.enqueue_dma source(%arg16 : memref<40x128xf32, #tpu.memory_space<vmem>>) target(%dma_start3A_104 : memref<40x128xf32, #tpu.memory_space<vmem_shared>>) target_semaphore(%run_scoped3A : memref<!tpu.dma_semaphore, #tpu.memory_space<semaphore_mem>>)
        %dma_wait3A_105 = arith.constant 0 : i32
        %dma_wait3A_106 = tpu.memref_slice %arg17[%add3A_82, %dma_wait3A_105] : memref<10016x128xf32, #tpu.memory_space<vmem_shared>> -> memref<40x128xf32, #tpu.memory_space<vmem_shared>>
        %dma_wait3A_107 = arith.constant 0 : i32
        %dma_wait3A_108 = tpu.memref_slice %arg17[%add3A_82, %dma_wait3A_107] : memref<10016x128xf32, #tpu.memory_space<vmem_shared>> -> memref<40x128xf32, #tpu.memory_space<vmem_shared>>
        tpu.wait_dma2 semaphore(%run_scoped3A : memref<!tpu.dma_semaphore, #tpu.memory_space<semaphore_mem>>) src(%arg16 : memref<40x128xf32, #tpu.memory_space<vmem>>) dst(%dma_wait3A_108 : memref<40x128xf32, #tpu.memory_space<vmem_shared>>)
        tpu.yield
      }) : () -> ()
      %add3A_83 = arith.constant 280 : i32
      %add3A_84 = arith.addi %mul3A_5, %add3A_83 : i32
      "tpu.region"() ({
        %run_scoped3A = tpu.sem_alloc : memref<!tpu.dma_semaphore, #tpu.memory_space<semaphore_mem>>
        %dma_start3A_101 = arith.constant 0 : i32
        %dma_start3A_102 = tpu.memref_slice %arg17[%add3A_84, %dma_start3A_101] : memref<10016x128xf32, #tpu.memory_space<vmem_shared>> -> memref<40x128xf32, #tpu.memory_space<vmem_shared>>
        %dma_start3A_103 = arith.constant 0 : i32
        %dma_start3A_104 = tpu.memref_slice %arg17[%add3A_84, %dma_start3A_103] : memref<10016x128xf32, #tpu.memory_space<vmem_shared>> -> memref<40x128xf32, #tpu.memory_space<vmem_shared>>
        tpu.enqueue_dma source(%arg16 : memref<40x128xf32, #tpu.memory_space<vmem>>) target(%dma_start3A_104 : memref<40x128xf32, #tpu.memory_space<vmem_shared>>) target_semaphore(%run_scoped3A : memref<!tpu.dma_semaphore, #tpu.memory_space<semaphore_mem>>)
        %dma_wait3A_105 = arith.constant 0 : i32
        %dma_wait3A_106 = tpu.memref_slice %arg17[%add3A_84, %dma_wait3A_105] : memref<10016x128xf32, #tpu.memory_space<vmem_shared>> -> memref<40x128xf32, #tpu.memory_space<vmem_shared>>
        %dma_wait3A_107 = arith.constant 0 : i32
        %dma_wait3A_108 = tpu.memref_slice %arg17[%add3A_84, %dma_wait3A_107] : memref<10016x128xf32, #tpu.memory_space<vmem_shared>> -> memref<40x128xf32, #tpu.memory_space<vmem_shared>>
        tpu.wait_dma2 semaphore(%run_scoped3A : memref<!tpu.dma_semaphore, #tpu.memory_space<semaphore_mem>>) src(%arg16 : memref<40x128xf32, #tpu.memory_space<vmem>>) dst(%dma_wait3A_108 : memref<40x128xf32, #tpu.memory_space<vmem_shared>>)
        tpu.yield
      }) : () -> ()
      %add3A_85 = arith.constant 320 : i32
      %add3A_86 = arith.addi %mul3A_5, %add3A_85 : i32
      "tpu.region"() ({
        %run_scoped3A = tpu.sem_alloc : memref<!tpu.dma_semaphore, #tpu.memory_space<semaphore_mem>>
        %dma_start3A_101 = arith.constant 0 : i32
        %dma_start3A_102 = tpu.memref_slice %arg17[%add3A_86, %dma_start3A_101] : memref<10016x128xf32, #tpu.memory_space<vmem_shared>> -> memref<40x128xf32, #tpu.memory_space<vmem_shared>>
        %dma_start3A_103 = arith.constant 0 : i32
        %dma_start3A_104 = tpu.memref_slice %arg17[%add3A_86, %dma_start3A_103] : memref<10016x128xf32, #tpu.memory_space<vmem_shared>> -> memref<40x128xf32, #tpu.memory_space<vmem_shared>>
        tpu.enqueue_dma source(%arg16 : memref<40x128xf32, #tpu.memory_space<vmem>>) target(%dma_start3A_104 : memref<40x128xf32, #tpu.memory_space<vmem_shared>>) target_semaphore(%run_scoped3A : memref<!tpu.dma_semaphore, #tpu.memory_space<semaphore_mem>>)
        %dma_wait3A_105 = arith.constant 0 : i32
        %dma_wait3A_106 = tpu.memref_slice %arg17[%add3A_86, %dma_wait3A_105] : memref<10016x128xf32, #tpu.memory_space<vmem_shared>> -> memref<40x128xf32, #tpu.memory_space<vmem_shared>>
        %dma_wait3A_107 = arith.constant 0 : i32
        %dma_wait3A_108 = tpu.memref_slice %arg17[%add3A_86, %dma_wait3A_107] : memref<10016x128xf32, #tpu.memory_space<vmem_shared>> -> memref<40x128xf32, #tpu.memory_space<vmem_shared>>
        tpu.wait_dma2 semaphore(%run_scoped3A : memref<!tpu.dma_semaphore, #tpu.memory_space<semaphore_mem>>) src(%arg16 : memref<40x128xf32, #tpu.memory_space<vmem>>) dst(%dma_wait3A_108 : memref<40x128xf32, #tpu.memory_space<vmem_shared>>)
        tpu.yield
      }) : () -> ()
      %add3A_87 = arith.constant 360 : i32
      %add3A_88 = arith.addi %mul3A_5, %add3A_87 : i32
      "tpu.region"() ({
        %run_scoped3A = tpu.sem_alloc : memref<!tpu.dma_semaphore, #tpu.memory_space<semaphore_mem>>
        %dma_start3A_101 = arith.constant 0 : i32
        %dma_start3A_102 = tpu.memref_slice %arg17[%add3A_88, %dma_start3A_101] : memref<10016x128xf32, #tpu.memory_space<vmem_shared>> -> memref<40x128xf32, #tpu.memory_space<vmem_shared>>
        %dma_start3A_103 = arith.constant 0 : i32
        %dma_start3A_104 = tpu.memref_slice %arg17[%add3A_88, %dma_start3A_103] : memref<10016x128xf32, #tpu.memory_space<vmem_shared>> -> memref<40x128xf32, #tpu.memory_space<vmem_shared>>
        tpu.enqueue_dma source(%arg16 : memref<40x128xf32, #tpu.memory_space<vmem>>) target(%dma_start3A_104 : memref<40x128xf32, #tpu.memory_space<vmem_shared>>) target_semaphore(%run_scoped3A : memref<!tpu.dma_semaphore, #tpu.memory_space<semaphore_mem>>)
        %dma_wait3A_105 = arith.constant 0 : i32
        %dma_wait3A_106 = tpu.memref_slice %arg17[%add3A_88, %dma_wait3A_105] : memref<10016x128xf32, #tpu.memory_space<vmem_shared>> -> memref<40x128xf32, #tpu.memory_space<vmem_shared>>
        %dma_wait3A_107 = arith.constant 0 : i32
        %dma_wait3A_108 = tpu.memref_slice %arg17[%add3A_88, %dma_wait3A_107] : memref<10016x128xf32, #tpu.memory_space<vmem_shared>> -> memref<40x128xf32, #tpu.memory_space<vmem_shared>>
        tpu.wait_dma2 semaphore(%run_scoped3A : memref<!tpu.dma_semaphore, #tpu.memory_space<semaphore_mem>>) src(%arg16 : memref<40x128xf32, #tpu.memory_space<vmem>>) dst(%dma_wait3A_108 : memref<40x128xf32, #tpu.memory_space<vmem_shared>>)
        tpu.yield
      }) : () -> ()
      %add3A_89 = arith.constant 400 : i32
      %add3A_90 = arith.addi %mul3A_5, %add3A_89 : i32
      "tpu.region"() ({
        %run_scoped3A = tpu.sem_alloc : memref<!tpu.dma_semaphore, #tpu.memory_space<semaphore_mem>>
        %dma_start3A_101 = arith.constant 0 : i32
        %dma_start3A_102 = tpu.memref_slice %arg17[%add3A_90, %dma_start3A_101] : memref<10016x128xf32, #tpu.memory_space<vmem_shared>> -> memref<40x128xf32, #tpu.memory_space<vmem_shared>>
        %dma_start3A_103 = arith.constant 0 : i32
        %dma_start3A_104 = tpu.memref_slice %arg17[%add3A_90, %dma_start3A_103] : memref<10016x128xf32, #tpu.memory_space<vmem_shared>> -> memref<40x128xf32, #tpu.memory_space<vmem_shared>>
        tpu.enqueue_dma source(%arg16 : memref<40x128xf32, #tpu.memory_space<vmem>>) target(%dma_start3A_104 : memref<40x128xf32, #tpu.memory_space<vmem_shared>>) target_semaphore(%run_scoped3A : memref<!tpu.dma_semaphore, #tpu.memory_space<semaphore_mem>>)
        %dma_wait3A_105 = arith.constant 0 : i32
        %dma_wait3A_106 = tpu.memref_slice %arg17[%add3A_90, %dma_wait3A_105] : memref<10016x128xf32, #tpu.memory_space<vmem_shared>> -> memref<40x128xf32, #tpu.memory_space<vmem_shared>>
        %dma_wait3A_107 = arith.constant 0 : i32
        %dma_wait3A_108 = tpu.memref_slice %arg17[%add3A_90, %dma_wait3A_107] : memref<10016x128xf32, #tpu.memory_space<vmem_shared>> -> memref<40x128xf32, #tpu.memory_space<vmem_shared>>
        tpu.wait_dma2 semaphore(%run_scoped3A : memref<!tpu.dma_semaphore, #tpu.memory_space<semaphore_mem>>) src(%arg16 : memref<40x128xf32, #tpu.memory_space<vmem>>) dst(%dma_wait3A_108 : memref<40x128xf32, #tpu.memory_space<vmem_shared>>)
        tpu.yield
      }) : () -> ()
      %add3A_91 = arith.constant 440 : i32
      %add3A_92 = arith.addi %mul3A_5, %add3A_91 : i32
      "tpu.region"() ({
        %run_scoped3A = tpu.sem_alloc : memref<!tpu.dma_semaphore, #tpu.memory_space<semaphore_mem>>
        %dma_start3A_101 = arith.constant 0 : i32
        %dma_start3A_102 = tpu.memref_slice %arg17[%add3A_92, %dma_start3A_101] : memref<10016x128xf32, #tpu.memory_space<vmem_shared>> -> memref<40x128xf32, #tpu.memory_space<vmem_shared>>
        %dma_start3A_103 = arith.constant 0 : i32
        %dma_start3A_104 = tpu.memref_slice %arg17[%add3A_92, %dma_start3A_103] : memref<10016x128xf32, #tpu.memory_space<vmem_shared>> -> memref<40x128xf32, #tpu.memory_space<vmem_shared>>
        tpu.enqueue_dma source(%arg16 : memref<40x128xf32, #tpu.memory_space<vmem>>) target(%dma_start3A_104 : memref<40x128xf32, #tpu.memory_space<vmem_shared>>) target_semaphore(%run_scoped3A : memref<!tpu.dma_semaphore, #tpu.memory_space<semaphore_mem>>)
        %dma_wait3A_105 = arith.constant 0 : i32
        %dma_wait3A_106 = tpu.memref_slice %arg17[%add3A_92, %dma_wait3A_105] : memref<10016x128xf32, #tpu.memory_space<vmem_shared>> -> memref<40x128xf32, #tpu.memory_space<vmem_shared>>
        %dma_wait3A_107 = arith.constant 0 : i32
        %dma_wait3A_108 = tpu.memref_slice %arg17[%add3A_92, %dma_wait3A_107] : memref<10016x128xf32, #tpu.memory_space<vmem_shared>> -> memref<40x128xf32, #tpu.memory_space<vmem_shared>>
        tpu.wait_dma2 semaphore(%run_scoped3A : memref<!tpu.dma_semaphore, #tpu.memory_space<semaphore_mem>>) src(%arg16 : memref<40x128xf32, #tpu.memory_space<vmem>>) dst(%dma_wait3A_108 : memref<40x128xf32, #tpu.memory_space<vmem_shared>>)
        tpu.yield
      }) : () -> ()
      %add3A_93 = arith.constant 480 : i32
      %add3A_94 = arith.addi %mul3A_5, %add3A_93 : i32
      "tpu.region"() ({
        %run_scoped3A = tpu.sem_alloc : memref<!tpu.dma_semaphore, #tpu.memory_space<semaphore_mem>>
        %dma_start3A_101 = arith.constant 0 : i32
        %dma_start3A_102 = tpu.memref_slice %arg17[%add3A_94, %dma_start3A_101] : memref<10016x128xf32, #tpu.memory_space<vmem_shared>> -> memref<40x128xf32, #tpu.memory_space<vmem_shared>>
        %dma_start3A_103 = arith.constant 0 : i32
        %dma_start3A_104 = tpu.memref_slice %arg17[%add3A_94, %dma_start3A_103] : memref<10016x128xf32, #tpu.memory_space<vmem_shared>> -> memref<40x128xf32, #tpu.memory_space<vmem_shared>>
        tpu.enqueue_dma source(%arg16 : memref<40x128xf32, #tpu.memory_space<vmem>>) target(%dma_start3A_104 : memref<40x128xf32, #tpu.memory_space<vmem_shared>>) target_semaphore(%run_scoped3A : memref<!tpu.dma_semaphore, #tpu.memory_space<semaphore_mem>>)
        %dma_wait3A_105 = arith.constant 0 : i32
        %dma_wait3A_106 = tpu.memref_slice %arg17[%add3A_94, %dma_wait3A_105] : memref<10016x128xf32, #tpu.memory_space<vmem_shared>> -> memref<40x128xf32, #tpu.memory_space<vmem_shared>>
        %dma_wait3A_107 = arith.constant 0 : i32
        %dma_wait3A_108 = tpu.memref_slice %arg17[%add3A_94, %dma_wait3A_107] : memref<10016x128xf32, #tpu.memory_space<vmem_shared>> -> memref<40x128xf32, #tpu.memory_space<vmem_shared>>
        tpu.wait_dma2 semaphore(%run_scoped3A : memref<!tpu.dma_semaphore, #tpu.memory_space<semaphore_mem>>) src(%arg16 : memref<40x128xf32, #tpu.memory_space<vmem>>) dst(%dma_wait3A_108 : memref<40x128xf32, #tpu.memory_space<vmem_shared>>)
        tpu.yield
      }) : () -> ()
      %add3A_95 = arith.constant 520 : i32
      %add3A_96 = arith.addi %mul3A_5, %add3A_95 : i32
      "tpu.region"() ({
        %run_scoped3A = tpu.sem_alloc : memref<!tpu.dma_semaphore, #tpu.memory_space<semaphore_mem>>
        %dma_start3A_101 = arith.constant 0 : i32
        %dma_start3A_102 = tpu.memref_slice %arg17[%add3A_96, %dma_start3A_101] : memref<10016x128xf32, #tpu.memory_space<vmem_shared>> -> memref<40x128xf32, #tpu.memory_space<vmem_shared>>
        %dma_start3A_103 = arith.constant 0 : i32
        %dma_start3A_104 = tpu.memref_slice %arg17[%add3A_96, %dma_start3A_103] : memref<10016x128xf32, #tpu.memory_space<vmem_shared>> -> memref<40x128xf32, #tpu.memory_space<vmem_shared>>
        tpu.enqueue_dma source(%arg16 : memref<40x128xf32, #tpu.memory_space<vmem>>) target(%dma_start3A_104 : memref<40x128xf32, #tpu.memory_space<vmem_shared>>) target_semaphore(%run_scoped3A : memref<!tpu.dma_semaphore, #tpu.memory_space<semaphore_mem>>)
        %dma_wait3A_105 = arith.constant 0 : i32
        %dma_wait3A_106 = tpu.memref_slice %arg17[%add3A_96, %dma_wait3A_105] : memref<10016x128xf32, #tpu.memory_space<vmem_shared>> -> memref<40x128xf32, #tpu.memory_space<vmem_shared>>
        %dma_wait3A_107 = arith.constant 0 : i32
        %dma_wait3A_108 = tpu.memref_slice %arg17[%add3A_96, %dma_wait3A_107] : memref<10016x128xf32, #tpu.memory_space<vmem_shared>> -> memref<40x128xf32, #tpu.memory_space<vmem_shared>>
        tpu.wait_dma2 semaphore(%run_scoped3A : memref<!tpu.dma_semaphore, #tpu.memory_space<semaphore_mem>>) src(%arg16 : memref<40x128xf32, #tpu.memory_space<vmem>>) dst(%dma_wait3A_108 : memref<40x128xf32, #tpu.memory_space<vmem_shared>>)
        tpu.yield
      }) : () -> ()
      %add3A_97 = arith.constant 560 : i32
      %add3A_98 = arith.addi %mul3A_5, %add3A_97 : i32
      "tpu.region"() ({
        %run_scoped3A = tpu.sem_alloc : memref<!tpu.dma_semaphore, #tpu.memory_space<semaphore_mem>>
        %dma_start3A_101 = arith.constant 0 : i32
        %dma_start3A_102 = tpu.memref_slice %arg17[%add3A_98, %dma_start3A_101] : memref<10016x128xf32, #tpu.memory_space<vmem_shared>> -> memref<40x128xf32, #tpu.memory_space<vmem_shared>>
        %dma_start3A_103 = arith.constant 0 : i32
        %dma_start3A_104 = tpu.memref_slice %arg17[%add3A_98, %dma_start3A_103] : memref<10016x128xf32, #tpu.memory_space<vmem_shared>> -> memref<40x128xf32, #tpu.memory_space<vmem_shared>>
        tpu.enqueue_dma source(%arg16 : memref<40x128xf32, #tpu.memory_space<vmem>>) target(%dma_start3A_104 : memref<40x128xf32, #tpu.memory_space<vmem_shared>>) target_semaphore(%run_scoped3A : memref<!tpu.dma_semaphore, #tpu.memory_space<semaphore_mem>>)
        %dma_wait3A_105 = arith.constant 0 : i32
        %dma_wait3A_106 = tpu.memref_slice %arg17[%add3A_98, %dma_wait3A_105] : memref<10016x128xf32, #tpu.memory_space<vmem_shared>> -> memref<40x128xf32, #tpu.memory_space<vmem_shared>>
        %dma_wait3A_107 = arith.constant 0 : i32
        %dma_wait3A_108 = tpu.memref_slice %arg17[%add3A_98, %dma_wait3A_107] : memref<10016x128xf32, #tpu.memory_space<vmem_shared>> -> memref<40x128xf32, #tpu.memory_space<vmem_shared>>
        tpu.wait_dma2 semaphore(%run_scoped3A : memref<!tpu.dma_semaphore, #tpu.memory_space<semaphore_mem>>) src(%arg16 : memref<40x128xf32, #tpu.memory_space<vmem>>) dst(%dma_wait3A_108 : memref<40x128xf32, #tpu.memory_space<vmem_shared>>)
        tpu.yield
      }) : () -> ()
      %add3A_99 = arith.constant 600 : i32
      %add3A_100 = arith.addi %mul3A_5, %add3A_99 : i32
      "tpu.region"() ({
        %run_scoped3A = tpu.sem_alloc : memref<!tpu.dma_semaphore, #tpu.memory_space<semaphore_mem>>
        %dma_start3A_101 = arith.constant 0 : i32
        %dma_start3A_102 = tpu.memref_slice %arg17[%add3A_100, %dma_start3A_101] : memref<10016x128xf32, #tpu.memory_space<vmem_shared>> -> memref<40x128xf32, #tpu.memory_space<vmem_shared>>
        %dma_start3A_103 = arith.constant 0 : i32
        %dma_start3A_104 = tpu.memref_slice %arg17[%add3A_100, %dma_start3A_103] : memref<10016x128xf32, #tpu.memory_space<vmem_shared>> -> memref<40x128xf32, #tpu.memory_space<vmem_shared>>
        tpu.enqueue_dma source(%arg16 : memref<40x128xf32, #tpu.memory_space<vmem>>) target(%dma_start3A_104 : memref<40x128xf32, #tpu.memory_space<vmem_shared>>) target_semaphore(%run_scoped3A : memref<!tpu.dma_semaphore, #tpu.memory_space<semaphore_mem>>)
        %dma_wait3A_105 = arith.constant 0 : i32
        %dma_wait3A_106 = tpu.memref_slice %arg17[%add3A_100, %dma_wait3A_105] : memref<10016x128xf32, #tpu.memory_space<vmem_shared>> -> memref<40x128xf32, #tpu.memory_space<vmem_shared>>
        %dma_wait3A_107 = arith.constant 0 : i32
        %dma_wait3A_108 = tpu.memref_slice %arg17[%add3A_100, %dma_wait3A_107] : memref<10016x128xf32, #tpu.memory_space<vmem_shared>> -> memref<40x128xf32, #tpu.memory_space<vmem_shared>>
        tpu.wait_dma2 semaphore(%run_scoped3A : memref<!tpu.dma_semaphore, #tpu.memory_space<semaphore_mem>>) src(%arg16 : memref<40x128xf32, #tpu.memory_space<vmem>>) dst(%dma_wait3A_108 : memref<40x128xf32, #tpu.memory_space<vmem_shared>>)
        tpu.yield
      }) : () -> ()
    } else {
    }
    %eq3A = arith.constant 15 : i32
    %eq3A_8 = arith.cmpi eq, %arg1, %eq3A : i32
    %convert_element_type3A_9 = arith.extui %eq3A_8 : i1 to i32
    %cond3A_10 = arith.constant 0 : i32
    %cond3A_11 = arith.cmpi ne, %convert_element_type3A_9, %cond3A_10 : i32
    scf.if %cond3A_11 {
      %add3A_69 = arith.constant 0 : i32
      %add3A_70 = arith.addi %mul3A_5, %add3A_69 : i32
      "tpu.region"() ({
        %run_scoped3A = tpu.sem_alloc : memref<!tpu.dma_semaphore, #tpu.memory_space<semaphore_mem>>
        %dma_start3A_89 = arith.constant 0 : i32
        %dma_start3A_90 = tpu.memref_slice %arg17[%add3A_70, %dma_start3A_89] : memref<10016x128xf32, #tpu.memory_space<vmem_shared>> -> memref<40x128xf32, #tpu.memory_space<vmem_shared>>
        %dma_start3A_91 = arith.constant 0 : i32
        %dma_start3A_92 = tpu.memref_slice %arg17[%add3A_70, %dma_start3A_91] : memref<10016x128xf32, #tpu.memory_space<vmem_shared>> -> memref<40x128xf32, #tpu.memory_space<vmem_shared>>
        tpu.enqueue_dma source(%arg16 : memref<40x128xf32, #tpu.memory_space<vmem>>) target(%dma_start3A_92 : memref<40x128xf32, #tpu.memory_space<vmem_shared>>) target_semaphore(%run_scoped3A : memref<!tpu.dma_semaphore, #tpu.memory_space<semaphore_mem>>)
        %dma_wait3A_93 = arith.constant 0 : i32
        %dma_wait3A_94 = tpu.memref_slice %arg17[%add3A_70, %dma_wait3A_93] : memref<10016x128xf32, #tpu.memory_space<vmem_shared>> -> memref<40x128xf32, #tpu.memory_space<vmem_shared>>
        %dma_wait3A_95 = arith.constant 0 : i32
        %dma_wait3A_96 = tpu.memref_slice %arg17[%add3A_70, %dma_wait3A_95] : memref<10016x128xf32, #tpu.memory_space<vmem_shared>> -> memref<40x128xf32, #tpu.memory_space<vmem_shared>>
        tpu.wait_dma2 semaphore(%run_scoped3A : memref<!tpu.dma_semaphore, #tpu.memory_space<semaphore_mem>>) src(%arg16 : memref<40x128xf32, #tpu.memory_space<vmem>>) dst(%dma_wait3A_96 : memref<40x128xf32, #tpu.memory_space<vmem_shared>>)
        tpu.yield
      }) : () -> ()
      %add3A_71 = arith.constant 40 : i32
      %add3A_72 = arith.addi %mul3A_5, %add3A_71 : i32
      "tpu.region"() ({
        %run_scoped3A = tpu.sem_alloc : memref<!tpu.dma_semaphore, #tpu.memory_space<semaphore_mem>>
        %dma_start3A_89 = arith.constant 0 : i32
        %dma_start3A_90 = tpu.memref_slice %arg17[%add3A_72, %dma_start3A_89] : memref<10016x128xf32, #tpu.memory_space<vmem_shared>> -> memref<40x128xf32, #tpu.memory_space<vmem_shared>>
        %dma_start3A_91 = arith.constant 0 : i32
        %dma_start3A_92 = tpu.memref_slice %arg17[%add3A_72, %dma_start3A_91] : memref<10016x128xf32, #tpu.memory_space<vmem_shared>> -> memref<40x128xf32, #tpu.memory_space<vmem_shared>>
        tpu.enqueue_dma source(%arg16 : memref<40x128xf32, #tpu.memory_space<vmem>>) target(%dma_start3A_92 : memref<40x128xf32, #tpu.memory_space<vmem_shared>>) target_semaphore(%run_scoped3A : memref<!tpu.dma_semaphore, #tpu.memory_space<semaphore_mem>>)
        %dma_wait3A_93 = arith.constant 0 : i32
        %dma_wait3A_94 = tpu.memref_slice %arg17[%add3A_72, %dma_wait3A_93] : memref<10016x128xf32, #tpu.memory_space<vmem_shared>> -> memref<40x128xf32, #tpu.memory_space<vmem_shared>>
        %dma_wait3A_95 = arith.constant 0 : i32
        %dma_wait3A_96 = tpu.memref_slice %arg17[%add3A_72, %dma_wait3A_95] : memref<10016x128xf32, #tpu.memory_space<vmem_shared>> -> memref<40x128xf32, #tpu.memory_space<vmem_shared>>
        tpu.wait_dma2 semaphore(%run_scoped3A : memref<!tpu.dma_semaphore, #tpu.memory_space<semaphore_mem>>) src(%arg16 : memref<40x128xf32, #tpu.memory_space<vmem>>) dst(%dma_wait3A_96 : memref<40x128xf32, #tpu.memory_space<vmem_shared>>)
        tpu.yield
      }) : () -> ()
      %add3A_73 = arith.constant 80 : i32
      %add3A_74 = arith.addi %mul3A_5, %add3A_73 : i32
      "tpu.region"() ({
        %run_scoped3A = tpu.sem_alloc : memref<!tpu.dma_semaphore, #tpu.memory_space<semaphore_mem>>
        %dma_start3A_89 = arith.constant 0 : i32
        %dma_start3A_90 = tpu.memref_slice %arg17[%add3A_74, %dma_start3A_89] : memref<10016x128xf32, #tpu.memory_space<vmem_shared>> -> memref<40x128xf32, #tpu.memory_space<vmem_shared>>
        %dma_start3A_91 = arith.constant 0 : i32
        %dma_start3A_92 = tpu.memref_slice %arg17[%add3A_74, %dma_start3A_91] : memref<10016x128xf32, #tpu.memory_space<vmem_shared>> -> memref<40x128xf32, #tpu.memory_space<vmem_shared>>
        tpu.enqueue_dma source(%arg16 : memref<40x128xf32, #tpu.memory_space<vmem>>) target(%dma_start3A_92 : memref<40x128xf32, #tpu.memory_space<vmem_shared>>) target_semaphore(%run_scoped3A : memref<!tpu.dma_semaphore, #tpu.memory_space<semaphore_mem>>)
        %dma_wait3A_93 = arith.constant 0 : i32
        %dma_wait3A_94 = tpu.memref_slice %arg17[%add3A_74, %dma_wait3A_93] : memref<10016x128xf32, #tpu.memory_space<vmem_shared>> -> memref<40x128xf32, #tpu.memory_space<vmem_shared>>
        %dma_wait3A_95 = arith.constant 0 : i32
        %dma_wait3A_96 = tpu.memref_slice %arg17[%add3A_74, %dma_wait3A_95] : memref<10016x128xf32, #tpu.memory_space<vmem_shared>> -> memref<40x128xf32, #tpu.memory_space<vmem_shared>>
        tpu.wait_dma2 semaphore(%run_scoped3A : memref<!tpu.dma_semaphore, #tpu.memory_space<semaphore_mem>>) src(%arg16 : memref<40x128xf32, #tpu.memory_space<vmem>>) dst(%dma_wait3A_96 : memref<40x128xf32, #tpu.memory_space<vmem_shared>>)
        tpu.yield
      }) : () -> ()
      %add3A_75 = arith.constant 120 : i32
      %add3A_76 = arith.addi %mul3A_5, %add3A_75 : i32
      "tpu.region"() ({
        %run_scoped3A = tpu.sem_alloc : memref<!tpu.dma_semaphore, #tpu.memory_space<semaphore_mem>>
        %dma_start3A_89 = arith.constant 0 : i32
        %dma_start3A_90 = tpu.memref_slice %arg17[%add3A_76, %dma_start3A_89] : memref<10016x128xf32, #tpu.memory_space<vmem_shared>> -> memref<40x128xf32, #tpu.memory_space<vmem_shared>>
        %dma_start3A_91 = arith.constant 0 : i32
        %dma_start3A_92 = tpu.memref_slice %arg17[%add3A_76, %dma_start3A_91] : memref<10016x128xf32, #tpu.memory_space<vmem_shared>> -> memref<40x128xf32, #tpu.memory_space<vmem_shared>>
        tpu.enqueue_dma source(%arg16 : memref<40x128xf32, #tpu.memory_space<vmem>>) target(%dma_start3A_92 : memref<40x128xf32, #tpu.memory_space<vmem_shared>>) target_semaphore(%run_scoped3A : memref<!tpu.dma_semaphore, #tpu.memory_space<semaphore_mem>>)
        %dma_wait3A_93 = arith.constant 0 : i32
        %dma_wait3A_94 = tpu.memref_slice %arg17[%add3A_76, %dma_wait3A_93] : memref<10016x128xf32, #tpu.memory_space<vmem_shared>> -> memref<40x128xf32, #tpu.memory_space<vmem_shared>>
        %dma_wait3A_95 = arith.constant 0 : i32
        %dma_wait3A_96 = tpu.memref_slice %arg17[%add3A_76, %dma_wait3A_95] : memref<10016x128xf32, #tpu.memory_space<vmem_shared>> -> memref<40x128xf32, #tpu.memory_space<vmem_shared>>
        tpu.wait_dma2 semaphore(%run_scoped3A : memref<!tpu.dma_semaphore, #tpu.memory_space<semaphore_mem>>) src(%arg16 : memref<40x128xf32, #tpu.memory_space<vmem>>) dst(%dma_wait3A_96 : memref<40x128xf32, #tpu.memory_space<vmem_shared>>)
        tpu.yield
      }) : () -> ()
      %add3A_77 = arith.constant 160 : i32
      %add3A_78 = arith.addi %mul3A_5, %add3A_77 : i32
      "tpu.region"() ({
        %run_scoped3A = tpu.sem_alloc : memref<!tpu.dma_semaphore, #tpu.memory_space<semaphore_mem>>
        %dma_start3A_89 = arith.constant 0 : i32
        %dma_start3A_90 = tpu.memref_slice %arg17[%add3A_78, %dma_start3A_89] : memref<10016x128xf32, #tpu.memory_space<vmem_shared>> -> memref<40x128xf32, #tpu.memory_space<vmem_shared>>
        %dma_start3A_91 = arith.constant 0 : i32
        %dma_start3A_92 = tpu.memref_slice %arg17[%add3A_78, %dma_start3A_91] : memref<10016x128xf32, #tpu.memory_space<vmem_shared>> -> memref<40x128xf32, #tpu.memory_space<vmem_shared>>
        tpu.enqueue_dma source(%arg16 : memref<40x128xf32, #tpu.memory_space<vmem>>) target(%dma_start3A_92 : memref<40x128xf32, #tpu.memory_space<vmem_shared>>) target_semaphore(%run_scoped3A : memref<!tpu.dma_semaphore, #tpu.memory_space<semaphore_mem>>)
        %dma_wait3A_93 = arith.constant 0 : i32
        %dma_wait3A_94 = tpu.memref_slice %arg17[%add3A_78, %dma_wait3A_93] : memref<10016x128xf32, #tpu.memory_space<vmem_shared>> -> memref<40x128xf32, #tpu.memory_space<vmem_shared>>
        %dma_wait3A_95 = arith.constant 0 : i32
        %dma_wait3A_96 = tpu.memref_slice %arg17[%add3A_78, %dma_wait3A_95] : memref<10016x128xf32, #tpu.memory_space<vmem_shared>> -> memref<40x128xf32, #tpu.memory_space<vmem_shared>>
        tpu.wait_dma2 semaphore(%run_scoped3A : memref<!tpu.dma_semaphore, #tpu.memory_space<semaphore_mem>>) src(%arg16 : memref<40x128xf32, #tpu.memory_space<vmem>>) dst(%dma_wait3A_96 : memref<40x128xf32, #tpu.memory_space<vmem_shared>>)
        tpu.yield
      }) : () -> ()
      %add3A_79 = arith.constant 200 : i32
      %add3A_80 = arith.addi %mul3A_5, %add3A_79 : i32
      "tpu.region"() ({
        %run_scoped3A = tpu.sem_alloc : memref<!tpu.dma_semaphore, #tpu.memory_space<semaphore_mem>>
        %dma_start3A_89 = arith.constant 0 : i32
        %dma_start3A_90 = tpu.memref_slice %arg17[%add3A_80, %dma_start3A_89] : memref<10016x128xf32, #tpu.memory_space<vmem_shared>> -> memref<40x128xf32, #tpu.memory_space<vmem_shared>>
        %dma_start3A_91 = arith.constant 0 : i32
        %dma_start3A_92 = tpu.memref_slice %arg17[%add3A_80, %dma_start3A_91] : memref<10016x128xf32, #tpu.memory_space<vmem_shared>> -> memref<40x128xf32, #tpu.memory_space<vmem_shared>>
        tpu.enqueue_dma source(%arg16 : memref<40x128xf32, #tpu.memory_space<vmem>>) target(%dma_start3A_92 : memref<40x128xf32, #tpu.memory_space<vmem_shared>>) target_semaphore(%run_scoped3A : memref<!tpu.dma_semaphore, #tpu.memory_space<semaphore_mem>>)
        %dma_wait3A_93 = arith.constant 0 : i32
        %dma_wait3A_94 = tpu.memref_slice %arg17[%add3A_80, %dma_wait3A_93] : memref<10016x128xf32, #tpu.memory_space<vmem_shared>> -> memref<40x128xf32, #tpu.memory_space<vmem_shared>>
        %dma_wait3A_95 = arith.constant 0 : i32
        %dma_wait3A_96 = tpu.memref_slice %arg17[%add3A_80, %dma_wait3A_95] : memref<10016x128xf32, #tpu.memory_space<vmem_shared>> -> memref<40x128xf32, #tpu.memory_space<vmem_shared>>
        tpu.wait_dma2 semaphore(%run_scoped3A : memref<!tpu.dma_semaphore, #tpu.memory_space<semaphore_mem>>) src(%arg16 : memref<40x128xf32, #tpu.memory_space<vmem>>) dst(%dma_wait3A_96 : memref<40x128xf32, #tpu.memory_space<vmem_shared>>)
        tpu.yield
      }) : () -> ()
      %add3A_81 = arith.constant 240 : i32
      %add3A_82 = arith.addi %mul3A_5, %add3A_81 : i32
      "tpu.region"() ({
        %run_scoped3A = tpu.sem_alloc : memref<!tpu.dma_semaphore, #tpu.memory_space<semaphore_mem>>
        %dma_start3A_89 = arith.constant 0 : i32
        %dma_start3A_90 = tpu.memref_slice %arg17[%add3A_82, %dma_start3A_89] : memref<10016x128xf32, #tpu.memory_space<vmem_shared>> -> memref<40x128xf32, #tpu.memory_space<vmem_shared>>
        %dma_start3A_91 = arith.constant 0 : i32
        %dma_start3A_92 = tpu.memref_slice %arg17[%add3A_82, %dma_start3A_91] : memref<10016x128xf32, #tpu.memory_space<vmem_shared>> -> memref<40x128xf32, #tpu.memory_space<vmem_shared>>
        tpu.enqueue_dma source(%arg16 : memref<40x128xf32, #tpu.memory_space<vmem>>) target(%dma_start3A_92 : memref<40x128xf32, #tpu.memory_space<vmem_shared>>) target_semaphore(%run_scoped3A : memref<!tpu.dma_semaphore, #tpu.memory_space<semaphore_mem>>)
        %dma_wait3A_93 = arith.constant 0 : i32
        %dma_wait3A_94 = tpu.memref_slice %arg17[%add3A_82, %dma_wait3A_93] : memref<10016x128xf32, #tpu.memory_space<vmem_shared>> -> memref<40x128xf32, #tpu.memory_space<vmem_shared>>
        %dma_wait3A_95 = arith.constant 0 : i32
        %dma_wait3A_96 = tpu.memref_slice %arg17[%add3A_82, %dma_wait3A_95] : memref<10016x128xf32, #tpu.memory_space<vmem_shared>> -> memref<40x128xf32, #tpu.memory_space<vmem_shared>>
        tpu.wait_dma2 semaphore(%run_scoped3A : memref<!tpu.dma_semaphore, #tpu.memory_space<semaphore_mem>>) src(%arg16 : memref<40x128xf32, #tpu.memory_space<vmem>>) dst(%dma_wait3A_96 : memref<40x128xf32, #tpu.memory_space<vmem_shared>>)
        tpu.yield
      }) : () -> ()
      %add3A_83 = arith.constant 280 : i32
      %add3A_84 = arith.addi %mul3A_5, %add3A_83 : i32
      "tpu.region"() ({
        %run_scoped3A = tpu.sem_alloc : memref<!tpu.dma_semaphore, #tpu.memory_space<semaphore_mem>>
        %dma_start3A_89 = arith.constant 0 : i32
        %dma_start3A_90 = tpu.memref_slice %arg17[%add3A_84, %dma_start3A_89] : memref<10016x128xf32, #tpu.memory_space<vmem_shared>> -> memref<40x128xf32, #tpu.memory_space<vmem_shared>>
        %dma_start3A_91 = arith.constant 0 : i32
        %dma_start3A_92 = tpu.memref_slice %arg17[%add3A_84, %dma_start3A_91] : memref<10016x128xf32, #tpu.memory_space<vmem_shared>> -> memref<40x128xf32, #tpu.memory_space<vmem_shared>>
        tpu.enqueue_dma source(%arg16 : memref<40x128xf32, #tpu.memory_space<vmem>>) target(%dma_start3A_92 : memref<40x128xf32, #tpu.memory_space<vmem_shared>>) target_semaphore(%run_scoped3A : memref<!tpu.dma_semaphore, #tpu.memory_space<semaphore_mem>>)
        %dma_wait3A_93 = arith.constant 0 : i32
        %dma_wait3A_94 = tpu.memref_slice %arg17[%add3A_84, %dma_wait3A_93] : memref<10016x128xf32, #tpu.memory_space<vmem_shared>> -> memref<40x128xf32, #tpu.memory_space<vmem_shared>>
        %dma_wait3A_95 = arith.constant 0 : i32
        %dma_wait3A_96 = tpu.memref_slice %arg17[%add3A_84, %dma_wait3A_95] : memref<10016x128xf32, #tpu.memory_space<vmem_shared>> -> memref<40x128xf32, #tpu.memory_space<vmem_shared>>
        tpu.wait_dma2 semaphore(%run_scoped3A : memref<!tpu.dma_semaphore, #tpu.memory_space<semaphore_mem>>) src(%arg16 : memref<40x128xf32, #tpu.memory_space<vmem>>) dst(%dma_wait3A_96 : memref<40x128xf32, #tpu.memory_space<vmem_shared>>)
        tpu.yield
      }) : () -> ()
      %add3A_85 = arith.constant 320 : i32
      %add3A_86 = arith.addi %mul3A_5, %add3A_85 : i32
      "tpu.region"() ({
        %run_scoped3A = tpu.sem_alloc : memref<!tpu.dma_semaphore, #tpu.memory_space<semaphore_mem>>
        %dma_start3A_89 = arith.constant 0 : i32
        %dma_start3A_90 = tpu.memref_slice %arg17[%add3A_86, %dma_start3A_89] : memref<10016x128xf32, #tpu.memory_space<vmem_shared>> -> memref<40x128xf32, #tpu.memory_space<vmem_shared>>
        %dma_start3A_91 = arith.constant 0 : i32
        %dma_start3A_92 = tpu.memref_slice %arg17[%add3A_86, %dma_start3A_91] : memref<10016x128xf32, #tpu.memory_space<vmem_shared>> -> memref<40x128xf32, #tpu.memory_space<vmem_shared>>
        tpu.enqueue_dma source(%arg16 : memref<40x128xf32, #tpu.memory_space<vmem>>) target(%dma_start3A_92 : memref<40x128xf32, #tpu.memory_space<vmem_shared>>) target_semaphore(%run_scoped3A : memref<!tpu.dma_semaphore, #tpu.memory_space<semaphore_mem>>)
        %dma_wait3A_93 = arith.constant 0 : i32
        %dma_wait3A_94 = tpu.memref_slice %arg17[%add3A_86, %dma_wait3A_93] : memref<10016x128xf32, #tpu.memory_space<vmem_shared>> -> memref<40x128xf32, #tpu.memory_space<vmem_shared>>
        %dma_wait3A_95 = arith.constant 0 : i32
        %dma_wait3A_96 = tpu.memref_slice %arg17[%add3A_86, %dma_wait3A_95] : memref<10016x128xf32, #tpu.memory_space<vmem_shared>> -> memref<40x128xf32, #tpu.memory_space<vmem_shared>>
        tpu.wait_dma2 semaphore(%run_scoped3A : memref<!tpu.dma_semaphore, #tpu.memory_space<semaphore_mem>>) src(%arg16 : memref<40x128xf32, #tpu.memory_space<vmem>>) dst(%dma_wait3A_96 : memref<40x128xf32, #tpu.memory_space<vmem_shared>>)
        tpu.yield
      }) : () -> ()
      %add3A_87 = arith.constant 360 : i32
      %add3A_88 = arith.addi %mul3A_5, %add3A_87 : i32
      "tpu.region"() ({
        %run_scoped3A = tpu.sem_alloc : memref<!tpu.dma_semaphore, #tpu.memory_space<semaphore_mem>>
        %dma_start3A_89 = arith.constant 0 : i32
        %dma_start3A_90 = tpu.memref_slice %arg17[%add3A_88, %dma_start3A_89] : memref<10016x128xf32, #tpu.memory_space<vmem_shared>> -> memref<40x128xf32, #tpu.memory_space<vmem_shared>>
        %dma_start3A_91 = arith.constant 0 : i32
        %dma_start3A_92 = tpu.memref_slice %arg17[%add3A_88, %dma_start3A_91] : memref<10016x128xf32, #tpu.memory_space<vmem_shared>> -> memref<40x128xf32, #tpu.memory_space<vmem_shared>>
        tpu.enqueue_dma source(%arg16 : memref<40x128xf32, #tpu.memory_space<vmem>>) target(%dma_start3A_92 : memref<40x128xf32, #tpu.memory_space<vmem_shared>>) target_semaphore(%run_scoped3A : memref<!tpu.dma_semaphore, #tpu.memory_space<semaphore_mem>>)
        %dma_wait3A_93 = arith.constant 0 : i32
        %dma_wait3A_94 = tpu.memref_slice %arg17[%add3A_88, %dma_wait3A_93] : memref<10016x128xf32, #tpu.memory_space<vmem_shared>> -> memref<40x128xf32, #tpu.memory_space<vmem_shared>>
        %dma_wait3A_95 = arith.constant 0 : i32
        %dma_wait3A_96 = tpu.memref_slice %arg17[%add3A_88, %dma_wait3A_95] : memref<10016x128xf32, #tpu.memory_space<vmem_shared>> -> memref<40x128xf32, #tpu.memory_space<vmem_shared>>
        tpu.wait_dma2 semaphore(%run_scoped3A : memref<!tpu.dma_semaphore, #tpu.memory_space<semaphore_mem>>) src(%arg16 : memref<40x128xf32, #tpu.memory_space<vmem>>) dst(%dma_wait3A_96 : memref<40x128xf32, #tpu.memory_space<vmem_shared>>)
        tpu.yield
      }) : () -> ()
      "tpu.region"() ({
        %run_scoped3A = tpu.sem_alloc : memref<!tpu.dma_semaphore, #tpu.memory_space<semaphore_mem>>
        %dma_start3A_89 = arith.constant 0 : i32
        %dma_start3A_90 = arith.constant 0 : i32
        %dma_start3A_91 = tpu.memref_slice %arg16[%dma_start3A_89, %dma_start3A_90] : memref<40x128xf32, #tpu.memory_space<vmem>> -> memref<16x128xf32, #tpu.memory_space<vmem>>
        %dma_start3A_92 = arith.constant 10000 : i32
        %dma_start3A_93 = arith.constant 0 : i32
        %dma_start3A_94 = tpu.memref_slice %arg17[%dma_start3A_92, %dma_start3A_93] : memref<10016x128xf32, #tpu.memory_space<vmem_shared>> -> memref<16x128xf32, #tpu.memory_space<vmem_shared>>
        %dma_start3A_95 = arith.constant 10000 : i32
        %dma_start3A_96 = arith.constant 0 : i32
        %dma_start3A_97 = tpu.memref_slice %arg17[%dma_start3A_95, %dma_start3A_96] : memref<10016x128xf32, #tpu.memory_space<vmem_shared>> -> memref<16x128xf32, #tpu.memory_space<vmem_shared>>
        %dma_start3A_98 = arith.constant 0 : i32
        %dma_start3A_99 = arith.constant 0 : i32
        %dma_start3A_100 = tpu.memref_slice %arg16[%dma_start3A_98, %dma_start3A_99] : memref<40x128xf32, #tpu.memory_space<vmem>> -> memref<16x128xf32, #tpu.memory_space<vmem>>
        tpu.enqueue_dma source(%dma_start3A_100 : memref<16x128xf32, #tpu.memory_space<vmem>>) target(%dma_start3A_97 : memref<16x128xf32, #tpu.memory_space<vmem_shared>>) target_semaphore(%run_scoped3A : memref<!tpu.dma_semaphore, #tpu.memory_space<semaphore_mem>>)
        %dma_wait3A_101 = arith.constant 0 : i32
        %dma_wait3A_102 = arith.constant 0 : i32
        %dma_wait3A_103 = tpu.memref_slice %arg16[%dma_wait3A_101, %dma_wait3A_102] : memref<40x128xf32, #tpu.memory_space<vmem>> -> memref<16x128xf32, #tpu.memory_space<vmem>>
        %dma_wait3A_104 = arith.constant 10000 : i32
        %dma_wait3A_105 = arith.constant 0 : i32
        %dma_wait3A_106 = tpu.memref_slice %arg17[%dma_wait3A_104, %dma_wait3A_105] : memref<10016x128xf32, #tpu.memory_space<vmem_shared>> -> memref<16x128xf32, #tpu.memory_space<vmem_shared>>
        %dma_wait3A_107 = arith.constant 10000 : i32
        %dma_wait3A_108 = arith.constant 0 : i32
        %dma_wait3A_109 = tpu.memref_slice %arg17[%dma_wait3A_107, %dma_wait3A_108] : memref<10016x128xf32, #tpu.memory_space<vmem_shared>> -> memref<16x128xf32, #tpu.memory_space<vmem_shared>>
        %dma_wait3A_110 = arith.constant 0 : i32
        %dma_wait3A_111 = arith.constant 0 : i32
        %dma_wait3A_112 = tpu.memref_slice %arg16[%dma_wait3A_110, %dma_wait3A_111] : memref<40x128xf32, #tpu.memory_space<vmem>> -> memref<16x128xf32, #tpu.memory_space<vmem>>
        tpu.wait_dma2 semaphore(%run_scoped3A : memref<!tpu.dma_semaphore, #tpu.memory_space<semaphore_mem>>) src(%dma_wait3A_112 : memref<16x128xf32, #tpu.memory_space<vmem>>) dst(%dma_wait3A_109 : memref<16x128xf32, #tpu.memory_space<vmem_shared>>)
        tpu.yield
      }) : () -> ()
    } else {
    }
    %barrier3A = arith.constant 0 : index
    tpu.barrier barrier_id(%barrier3A)
    %mul3A_12 = arith.constant 80 : i32
    %mul3A_13 = arith.muli %arg1, %mul3A_12 : i32
    %mul3A_14 = arith.constant 128 : i32
    %mul3A_15 = arith.muli %mul3A_13, %mul3A_14 : i32
    %add3A = arith.constant 0 : i32
    %add3A_16 = arith.addi %mul3A_15, %add3A : i32
    %dma_start3A = arith.constant 0 : i32
    %dma_start3A_17 = tpu.memref_slice %arg3[%arg0, %dma_start3A] : memref<2x163840xi32, #tpu.memory_space<hbm>> -> memref<1x163840xi32, #tpu.memory_space<hbm>>
    %dma_start3A_18 = tpu.memref_squeeze %dma_start3A_17 : memref<1x163840xi32, #tpu.memory_space<hbm>> -> memref<163840xi32, #tpu.memory_space<hbm>>
    %dma_start3A_19 = tpu.memref_slice %dma_start3A_18[%add3A_16] : memref<163840xi32, #tpu.memory_space<hbm>> -> memref<128xi32, #tpu.memory_space<hbm>>
    %dma_start3A_20 = arith.constant 0 : i32
    %dma_start3A_21 = tpu.memref_slice %arg3[%arg0, %dma_start3A_20] : memref<2x163840xi32, #tpu.memory_space<hbm>> -> memref<1x163840xi32, #tpu.memory_space<hbm>>
    %dma_start3A_22 = tpu.memref_squeeze %dma_start3A_21 : memref<1x163840xi32, #tpu.memory_space<hbm>> -> memref<163840xi32, #tpu.memory_space<hbm>>
    %dma_start3A_23 = tpu.memref_slice %dma_start3A_22[%add3A_16] : memref<163840xi32, #tpu.memory_space<hbm>> -> memref<128xi32, #tpu.memory_space<hbm>>
    tpu.enqueue_dma source(%dma_start3A_23 : memref<128xi32, #tpu.memory_space<hbm>>) target(%arg6 : memref<128xi32, #tpu.memory_space<vmem>>) target_semaphore(%arg18 : memref<!tpu.dma_semaphore, #tpu.memory_space<semaphore_mem>>)
    %add3A_24 = arith.constant 0 : i32
    %add3A_25 = arith.addi %mul3A_15, %add3A_24 : i32
    %dma_start3A_26 = tpu.memref_slice %arg4[%add3A_25] : memref<163840xi32, #tpu.memory_space<hbm>> -> memref<128xi32, #tpu.memory_space<hbm>>
    %dma_start3A_27 = tpu.memref_slice %arg4[%add3A_25] : memref<163840xi32, #tpu.memory_space<hbm>> -> memref<128xi32, #tpu.memory_space<hbm>>
    tpu.enqueue_dma source(%dma_start3A_27 : memref<128xi32, #tpu.memory_space<hbm>>) target(%arg10 : memref<128xi32, #tpu.memory_space<vmem>>) target_semaphore(%arg18 : memref<!tpu.dma_semaphore, #tpu.memory_space<semaphore_mem>>)
    %add3A_28 = arith.constant 128 : i32
    %add3A_29 = arith.addi %mul3A_15, %add3A_28 : i32
    %dma_start3A_30 = arith.constant 0 : i32
    %dma_start3A_31 = tpu.memref_slice %arg3[%arg0, %dma_start3A_30] : memref<2x163840xi32, #tpu.memory_space<hbm>> -> memref<1x163840xi32, #tpu.memory_space<hbm>>
    %dma_start3A_32 = tpu.memref_squeeze %dma_start3A_31 : memref<1x163840xi32, #tpu.memory_space<hbm>> -> memref<163840xi32, #tpu.memory_space<hbm>>
    %dma_start3A_33 = tpu.memref_slice %dma_start3A_32[%add3A_29] : memref<163840xi32, #tpu.memory_space<hbm>> -> memref<128xi32, #tpu.memory_space<hbm>>
    %dma_start3A_34 = arith.constant 0 : i32
    %dma_start3A_35 = tpu.memref_slice %arg3[%arg0, %dma_start3A_34] : memref<2x163840xi32, #tpu.memory_space<hbm>> -> memref<1x163840xi32, #tpu.memory_space<hbm>>
    %dma_start3A_36 = tpu.memref_squeeze %dma_start3A_35 : memref<1x163840xi32, #tpu.memory_space<hbm>> -> memref<163840xi32, #tpu.memory_space<hbm>>
    %dma_start3A_37 = tpu.memref_slice %dma_start3A_36[%add3A_29] : memref<163840xi32, #tpu.memory_space<hbm>> -> memref<128xi32, #tpu.memory_space<hbm>>
    tpu.enqueue_dma source(%dma_start3A_37 : memref<128xi32, #tpu.memory_space<hbm>>) target(%arg7 : memref<128xi32, #tpu.memory_space<vmem>>) target_semaphore(%arg19 : memref<!tpu.dma_semaphore, #tpu.memory_space<semaphore_mem>>)
    %add3A_38 = arith.constant 128 : i32
    %add3A_39 = arith.addi %mul3A_15, %add3A_38 : i32
    %dma_start3A_40 = tpu.memref_slice %arg4[%add3A_39] : memref<163840xi32, #tpu.memory_space<hbm>> -> memref<128xi32, #tpu.memory_space<hbm>>
    %dma_start3A_41 = tpu.memref_slice %arg4[%add3A_39] : memref<163840xi32, #tpu.memory_space<hbm>> -> memref<128xi32, #tpu.memory_space<hbm>>
    tpu.enqueue_dma source(%dma_start3A_41 : memref<128xi32, #tpu.memory_space<hbm>>) target(%arg11 : memref<128xi32, #tpu.memory_space<vmem>>) target_semaphore(%arg19 : memref<!tpu.dma_semaphore, #tpu.memory_space<semaphore_mem>>)
    %scan3A_42 = arith.constant 0 : i32
    %scan3A_43 = arith.constant 20 : i32
    %scan3A_44 = arith.addi %scan3A_42, %scan3A_43 : i32
    %scan3A_45 = arith.constant 1 : i32
    scf.for %scan3A_69 = %scan3A_42 to %scan3A_44 step %scan3A_45  : i32 {
      %mul3A_70 = arith.constant 1 : i32
      %mul3A_71 = arith.muli %scan3A_69, %mul3A_70 : i32
      %add3A_72 = arith.constant 0 : i32
      %add3A_73 = arith.addi %add3A_72, %mul3A_71 : i32
      %mul3A_74 = arith.constant 4 : i32
      %mul3A_75 = arith.muli %add3A_73, %mul3A_74 : i32
      %add3A_76 = arith.constant 0 : i32
      %add3A_77 = arith.addi %mul3A_75, %add3A_76 : i32
      %ge3A = arith.constant 2 : i32
      %ge3A_78 = arith.cmpi sge, %add3A_77, %ge3A : i32
      %convert_element_type3A_79 = arith.extui %ge3A_78 : i1 to i32
      %cond3A_80 = arith.constant 0 : i32
      %cond3A_81 = arith.cmpi ne, %convert_element_type3A_79, %cond3A_80 : i32
      scf.if %cond3A_81 {
        %dma_wait3A_209 = arith.constant 0 : i32
        %dma_wait3A_210 = arith.constant 0 : i32
        %dma_wait3A_211 = tpu.memref_slice %arg17[%dma_wait3A_209, %dma_wait3A_210] : memref<10016x128xf32, #tpu.memory_space<vmem_shared>> -> memref<10016x128xf32, #tpu.memory_space<vmem_shared>>
        tpu.wait_indirect_dma semaphore(%arg24 : memref<!tpu.dma_semaphore, #tpu.memory_space<semaphore_mem>>) src(%arg14 : memref<128x128xf32, #tpu.memory_space<vmem>>) dst(%dma_wait3A_211 : memref<10016x128xf32, #tpu.memory_space<vmem_shared>>)
      } else {
      }
      %add3A_82 = arith.constant 2 : i32
      %add3A_83 = arith.addi %add3A_77, %add3A_82 : i32
      %lt3A_84 = arith.constant 80 : i32
      %lt3A_85 = arith.cmpi slt, %add3A_83, %lt3A_84 : i32
      %convert_element_type3A_86 = arith.extui %lt3A_85 : i1 to i32
      %cond3A_87 = arith.constant 0 : i32
      %cond3A_88 = arith.cmpi ne, %convert_element_type3A_86, %cond3A_87 : i32
      scf.if %cond3A_88 {
        %add3A_209 = arith.constant 2 : i32
        %add3A_210 = arith.addi %add3A_77, %add3A_209 : i32
        %mul3A_211 = arith.constant 128 : i32
        %mul3A_212 = arith.muli %add3A_210, %mul3A_211 : i32
        %add3A_213 = arith.addi %mul3A_15, %mul3A_212 : i32
        %dma_start3A_214 = arith.constant 0 : i32
        %dma_start3A_215 = tpu.memref_slice %arg3[%arg0, %dma_start3A_214] : memref<2x163840xi32, #tpu.memory_space<hbm>> -> memref<1x163840xi32, #tpu.memory_space<hbm>>
        %dma_start3A_216 = tpu.memref_squeeze %dma_start3A_215 : memref<1x163840xi32, #tpu.memory_space<hbm>> -> memref<163840xi32, #tpu.memory_space<hbm>>
        %dma_start3A_217 = tpu.memref_slice %dma_start3A_216[%add3A_213] : memref<163840xi32, #tpu.memory_space<hbm>> -> memref<128xi32, #tpu.memory_space<hbm>>
        %dma_start3A_218 = arith.constant 0 : i32
        %dma_start3A_219 = tpu.memref_slice %arg3[%arg0, %dma_start3A_218] : memref<2x163840xi32, #tpu.memory_space<hbm>> -> memref<1x163840xi32, #tpu.memory_space<hbm>>
        %dma_start3A_220 = tpu.memref_squeeze %dma_start3A_219 : memref<1x163840xi32, #tpu.memory_space<hbm>> -> memref<163840xi32, #tpu.memory_space<hbm>>
        %dma_start3A_221 = tpu.memref_slice %dma_start3A_220[%add3A_213] : memref<163840xi32, #tpu.memory_space<hbm>> -> memref<128xi32, #tpu.memory_space<hbm>>
        tpu.enqueue_dma source(%dma_start3A_221 : memref<128xi32, #tpu.memory_space<hbm>>) target(%arg8 : memref<128xi32, #tpu.memory_space<vmem>>) target_semaphore(%arg20 : memref<!tpu.dma_semaphore, #tpu.memory_space<semaphore_mem>>)
        %mul3A_222 = arith.constant 128 : i32
        %mul3A_223 = arith.muli %add3A_210, %mul3A_222 : i32
        %add3A_224 = arith.addi %mul3A_15, %mul3A_223 : i32
        %dma_start3A_225 = tpu.memref_slice %arg4[%add3A_224] : memref<163840xi32, #tpu.memory_space<hbm>> -> memref<128xi32, #tpu.memory_space<hbm>>
        %dma_start3A_226 = tpu.memref_slice %arg4[%add3A_224] : memref<163840xi32, #tpu.memory_space<hbm>> -> memref<128xi32, #tpu.memory_space<hbm>>
        tpu.enqueue_dma source(%dma_start3A_226 : memref<128xi32, #tpu.memory_space<hbm>>) target(%arg12 : memref<128xi32, #tpu.memory_space<vmem>>) target_semaphore(%arg20 : memref<!tpu.dma_semaphore, #tpu.memory_space<semaphore_mem>>)
      } else {
      }
      %dma_wait3A_89 = arith.constant 0 : i32
      %dma_wait3A_90 = tpu.memref_slice %arg3[%arg0, %dma_wait3A_89] : memref<2x163840xi32, #tpu.memory_space<hbm>> -> memref<1x163840xi32, #tpu.memory_space<hbm>>
      %dma_wait3A_91 = tpu.memref_squeeze %dma_wait3A_90 : memref<1x163840xi32, #tpu.memory_space<hbm>> -> memref<163840xi32, #tpu.memory_space<hbm>>
      %dma_wait3A_92 = tpu.memref_slice %dma_wait3A_91[%mul3A_15] : memref<163840xi32, #tpu.memory_space<hbm>> -> memref<128xi32, #tpu.memory_space<hbm>>
      %dma_wait3A_93 = arith.constant 0 : i32
      %dma_wait3A_94 = tpu.memref_slice %arg3[%arg0, %dma_wait3A_93] : memref<2x163840xi32, #tpu.memory_space<hbm>> -> memref<1x163840xi32, #tpu.memory_space<hbm>>
      %dma_wait3A_95 = tpu.memref_squeeze %dma_wait3A_94 : memref<1x163840xi32, #tpu.memory_space<hbm>> -> memref<163840xi32, #tpu.memory_space<hbm>>
      %dma_wait3A_96 = tpu.memref_slice %dma_wait3A_95[%mul3A_15] : memref<163840xi32, #tpu.memory_space<hbm>> -> memref<128xi32, #tpu.memory_space<hbm>>
      tpu.wait_dma2 semaphore(%arg18 : memref<!tpu.dma_semaphore, #tpu.memory_space<semaphore_mem>>) src(%dma_wait3A_96 : memref<128xi32, #tpu.memory_space<hbm>>) dst(%arg6 : memref<128xi32, #tpu.memory_space<vmem>>)
      %dma_wait3A_97 = tpu.memref_slice %arg4[%mul3A_15] : memref<163840xi32, #tpu.memory_space<hbm>> -> memref<128xi32, #tpu.memory_space<hbm>>
      %dma_wait3A_98 = tpu.memref_slice %arg4[%mul3A_15] : memref<163840xi32, #tpu.memory_space<hbm>> -> memref<128xi32, #tpu.memory_space<hbm>>
      tpu.wait_dma2 semaphore(%arg18 : memref<!tpu.dma_semaphore, #tpu.memory_space<semaphore_mem>>) src(%dma_wait3A_98 : memref<128xi32, #tpu.memory_space<hbm>>) dst(%arg10 : memref<128xi32, #tpu.memory_space<vmem>>)
      %dma_start3A_99 = arith.constant 0 : i32
      %dma_start3A_100 = arith.constant 0 : i32
      %dma_start3A_101 = tpu.memref_slice %arg2[%dma_start3A_99, %dma_start3A_100] : memref<20000x128xf32, #tpu.memory_space<hbm>> -> memref<20000x128xf32, #tpu.memory_space<hbm>>
      tpu.enqueue_indirect_dma source(%dma_start3A_101 : memref<20000x128xf32, #tpu.memory_space<hbm>>) target(%arg14 : memref<128x128xf32, #tpu.memory_space<vmem>>) offsets(%arg6 : memref<128xi32, #tpu.memory_space<vmem>>) semaphore(%arg22 : memref<!tpu.dma_semaphore, #tpu.memory_space<semaphore_mem>>)
      %ge3A_102 = arith.constant 1 : i32
      %ge3A_103 = arith.cmpi sge, %add3A_77, %ge3A_102 : i32
      %convert_element_type3A_104 = arith.extui %ge3A_103 : i1 to i32
      %cond3A_105 = arith.constant 0 : i32
      %cond3A_106 = arith.cmpi ne, %convert_element_type3A_104, %cond3A_105 : i32
      scf.if %cond3A_106 {
        %dma_wait3A_209 = arith.constant 0 : i32
        %dma_wait3A_210 = arith.constant 0 : i32
        %dma_wait3A_211 = tpu.memref_slice %arg2[%dma_wait3A_209, %dma_wait3A_210] : memref<20000x128xf32, #tpu.memory_space<hbm>> -> memref<20000x128xf32, #tpu.memory_space<hbm>>
        tpu.wait_indirect_dma semaphore(%arg23 : memref<!tpu.dma_semaphore, #tpu.memory_space<semaphore_mem>>) src(%dma_wait3A_211 : memref<20000x128xf32, #tpu.memory_space<hbm>>) dst(%arg15 : memref<128x128xf32, #tpu.memory_space<vmem>>)
        %dma_start3A_212 = arith.constant 0 : i32
        %dma_start3A_213 = arith.constant 0 : i32
        %dma_start3A_214 = tpu.memref_slice %arg17[%dma_start3A_212, %dma_start3A_213] : memref<10016x128xf32, #tpu.memory_space<vmem_shared>> -> memref<10016x128xf32, #tpu.memory_space<vmem_shared>>
        tpu.enqueue_indirect_dma source(%arg15 : memref<128x128xf32, #tpu.memory_space<vmem>>) target(%dma_start3A_214 : memref<10016x128xf32, #tpu.memory_space<vmem_shared>>) offsets(%arg13 : memref<128xi32, #tpu.memory_space<vmem>>) semaphore(%arg25 : memref<!tpu.dma_semaphore, #tpu.memory_space<semaphore_mem>>) {add = true}
      } else {
      }
      %mul3A_107 = arith.constant 4 : i32
      %mul3A_108 = arith.muli %add3A_73, %mul3A_107 : i32
      %add3A_109 = arith.constant 1 : i32
      %add3A_110 = arith.addi %mul3A_108, %add3A_109 : i32
      %ge3A_111 = arith.constant 2 : i32
      %ge3A_112 = arith.cmpi sge, %add3A_110, %ge3A_111 : i32
      %convert_element_type3A_113 = arith.extui %ge3A_112 : i1 to i32
      %cond3A_114 = arith.constant 0 : i32
      %cond3A_115 = arith.cmpi ne, %convert_element_type3A_113, %cond3A_114 : i32
      scf.if %cond3A_115 {
        %dma_wait3A_209 = arith.constant 0 : i32
        %dma_wait3A_210 = arith.constant 0 : i32
        %dma_wait3A_211 = tpu.memref_slice %arg17[%dma_wait3A_209, %dma_wait3A_210] : memref<10016x128xf32, #tpu.memory_space<vmem_shared>> -> memref<10016x128xf32, #tpu.memory_space<vmem_shared>>
        tpu.wait_indirect_dma semaphore(%arg25 : memref<!tpu.dma_semaphore, #tpu.memory_space<semaphore_mem>>) src(%arg15 : memref<128x128xf32, #tpu.memory_space<vmem>>) dst(%dma_wait3A_211 : memref<10016x128xf32, #tpu.memory_space<vmem_shared>>)
      } else {
      }
      %add3A_116 = arith.constant 2 : i32
      %add3A_117 = arith.addi %add3A_110, %add3A_116 : i32
      %lt3A_118 = arith.constant 80 : i32
      %lt3A_119 = arith.cmpi slt, %add3A_117, %lt3A_118 : i32
      %convert_element_type3A_120 = arith.extui %lt3A_119 : i1 to i32
      %cond3A_121 = arith.constant 0 : i32
      %cond3A_122 = arith.cmpi ne, %convert_element_type3A_120, %cond3A_121 : i32
      scf.if %cond3A_122 {
        %add3A_209 = arith.constant 2 : i32
        %add3A_210 = arith.addi %add3A_110, %add3A_209 : i32
        %mul3A_211 = arith.constant 128 : i32
        %mul3A_212 = arith.muli %add3A_210, %mul3A_211 : i32
        %add3A_213 = arith.addi %mul3A_15, %mul3A_212 : i32
        %dma_start3A_214 = arith.constant 0 : i32
        %dma_start3A_215 = tpu.memref_slice %arg3[%arg0, %dma_start3A_214] : memref<2x163840xi32, #tpu.memory_space<hbm>> -> memref<1x163840xi32, #tpu.memory_space<hbm>>
        %dma_start3A_216 = tpu.memref_squeeze %dma_start3A_215 : memref<1x163840xi32, #tpu.memory_space<hbm>> -> memref<163840xi32, #tpu.memory_space<hbm>>
        %dma_start3A_217 = tpu.memref_slice %dma_start3A_216[%add3A_213] : memref<163840xi32, #tpu.memory_space<hbm>> -> memref<128xi32, #tpu.memory_space<hbm>>
        %dma_start3A_218 = arith.constant 0 : i32
        %dma_start3A_219 = tpu.memref_slice %arg3[%arg0, %dma_start3A_218] : memref<2x163840xi32, #tpu.memory_space<hbm>> -> memref<1x163840xi32, #tpu.memory_space<hbm>>
        %dma_start3A_220 = tpu.memref_squeeze %dma_start3A_219 : memref<1x163840xi32, #tpu.memory_space<hbm>> -> memref<163840xi32, #tpu.memory_space<hbm>>
        %dma_start3A_221 = tpu.memref_slice %dma_start3A_220[%add3A_213] : memref<163840xi32, #tpu.memory_space<hbm>> -> memref<128xi32, #tpu.memory_space<hbm>>
        tpu.enqueue_dma source(%dma_start3A_221 : memref<128xi32, #tpu.memory_space<hbm>>) target(%arg9 : memref<128xi32, #tpu.memory_space<vmem>>) target_semaphore(%arg21 : memref<!tpu.dma_semaphore, #tpu.memory_space<semaphore_mem>>)
        %mul3A_222 = arith.constant 128 : i32
        %mul3A_223 = arith.muli %add3A_210, %mul3A_222 : i32
        %add3A_224 = arith.addi %mul3A_15, %mul3A_223 : i32
        %dma_start3A_225 = tpu.memref_slice %arg4[%add3A_224] : memref<163840xi32, #tpu.memory_space<hbm>> -> memref<128xi32, #tpu.memory_space<hbm>>
        %dma_start3A_226 = tpu.memref_slice %arg4[%add3A_224] : memref<163840xi32, #tpu.memory_space<hbm>> -> memref<128xi32, #tpu.memory_space<hbm>>
        tpu.enqueue_dma source(%dma_start3A_226 : memref<128xi32, #tpu.memory_space<hbm>>) target(%arg13 : memref<128xi32, #tpu.memory_space<vmem>>) target_semaphore(%arg21 : memref<!tpu.dma_semaphore, #tpu.memory_space<semaphore_mem>>)
      } else {
      }
      %dma_wait3A_123 = arith.constant 0 : i32
      %dma_wait3A_124 = tpu.memref_slice %arg3[%arg0, %dma_wait3A_123] : memref<2x163840xi32, #tpu.memory_space<hbm>> -> memref<1x163840xi32, #tpu.memory_space<hbm>>
      %dma_wait3A_125 = tpu.memref_squeeze %dma_wait3A_124 : memref<1x163840xi32, #tpu.memory_space<hbm>> -> memref<163840xi32, #tpu.memory_space<hbm>>
      %dma_wait3A_126 = tpu.memref_slice %dma_wait3A_125[%mul3A_15] : memref<163840xi32, #tpu.memory_space<hbm>> -> memref<128xi32, #tpu.memory_space<hbm>>
      %dma_wait3A_127 = arith.constant 0 : i32
      %dma_wait3A_128 = tpu.memref_slice %arg3[%arg0, %dma_wait3A_127] : memref<2x163840xi32, #tpu.memory_space<hbm>> -> memref<1x163840xi32, #tpu.memory_space<hbm>>
      %dma_wait3A_129 = tpu.memref_squeeze %dma_wait3A_128 : memref<1x163840xi32, #tpu.memory_space<hbm>> -> memref<163840xi32, #tpu.memory_space<hbm>>
      %dma_wait3A_130 = tpu.memref_slice %dma_wait3A_129[%mul3A_15] : memref<163840xi32, #tpu.memory_space<hbm>> -> memref<128xi32, #tpu.memory_space<hbm>>
      tpu.wait_dma2 semaphore(%arg19 : memref<!tpu.dma_semaphore, #tpu.memory_space<semaphore_mem>>) src(%dma_wait3A_130 : memref<128xi32, #tpu.memory_space<hbm>>) dst(%arg7 : memref<128xi32, #tpu.memory_space<vmem>>)
      %dma_wait3A_131 = tpu.memref_slice %arg4[%mul3A_15] : memref<163840xi32, #tpu.memory_space<hbm>> -> memref<128xi32, #tpu.memory_space<hbm>>
      %dma_wait3A_132 = tpu.memref_slice %arg4[%mul3A_15] : memref<163840xi32, #tpu.memory_space<hbm>> -> memref<128xi32, #tpu.memory_space<hbm>>
      tpu.wait_dma2 semaphore(%arg19 : memref<!tpu.dma_semaphore, #tpu.memory_space<semaphore_mem>>) src(%dma_wait3A_132 : memref<128xi32, #tpu.memory_space<hbm>>) dst(%arg11 : memref<128xi32, #tpu.memory_space<vmem>>)
      %dma_start3A_133 = arith.constant 0 : i32
      %dma_start3A_134 = arith.constant 0 : i32
      %dma_start3A_135 = tpu.memref_slice %arg2[%dma_start3A_133, %dma_start3A_134] : memref<20000x128xf32, #tpu.memory_space<hbm>> -> memref<20000x128xf32, #tpu.memory_space<hbm>>
      tpu.enqueue_indirect_dma source(%dma_start3A_135 : memref<20000x128xf32, #tpu.memory_space<hbm>>) target(%arg15 : memref<128x128xf32, #tpu.memory_space<vmem>>) offsets(%arg7 : memref<128xi32, #tpu.memory_space<vmem>>) semaphore(%arg23 : memref<!tpu.dma_semaphore, #tpu.memory_space<semaphore_mem>>)
      %ge3A_136 = arith.constant 1 : i32
      %ge3A_137 = arith.cmpi sge, %add3A_110, %ge3A_136 : i32
      %convert_element_type3A_138 = arith.extui %ge3A_137 : i1 to i32
      %cond3A_139 = arith.constant 0 : i32
      %cond3A_140 = arith.cmpi ne, %convert_element_type3A_138, %cond3A_139 : i32
      scf.if %cond3A_140 {
        %dma_wait3A_209 = arith.constant 0 : i32
        %dma_wait3A_210 = arith.constant 0 : i32
        %dma_wait3A_211 = tpu.memref_slice %arg2[%dma_wait3A_209, %dma_wait3A_210] : memref<20000x128xf32, #tpu.memory_space<hbm>> -> memref<20000x128xf32, #tpu.memory_space<hbm>>
        tpu.wait_indirect_dma semaphore(%arg22 : memref<!tpu.dma_semaphore, #tpu.memory_space<semaphore_mem>>) src(%dma_wait3A_211 : memref<20000x128xf32, #tpu.memory_space<hbm>>) dst(%arg14 : memref<128x128xf32, #tpu.memory_space<vmem>>)
        %dma_start3A_212 = arith.constant 0 : i32
        %dma_start3A_213 = arith.constant 0 : i32
        %dma_start3A_214 = tpu.memref_slice %arg17[%dma_start3A_212, %dma_start3A_213] : memref<10016x128xf32, #tpu.memory_space<vmem_shared>> -> memref<10016x128xf32, #tpu.memory_space<vmem_shared>>
        tpu.enqueue_indirect_dma source(%arg14 : memref<128x128xf32, #tpu.memory_space<vmem>>) target(%dma_start3A_214 : memref<10016x128xf32, #tpu.memory_space<vmem_shared>>) offsets(%arg10 : memref<128xi32, #tpu.memory_space<vmem>>) semaphore(%arg24 : memref<!tpu.dma_semaphore, #tpu.memory_space<semaphore_mem>>) {add = true}
      } else {
      }
      %mul3A_141 = arith.constant 4 : i32
      %mul3A_142 = arith.muli %add3A_73, %mul3A_141 : i32
      %add3A_143 = arith.constant 2 : i32
      %add3A_144 = arith.addi %mul3A_142, %add3A_143 : i32
      %ge3A_145 = arith.constant 2 : i32
      %ge3A_146 = arith.cmpi sge, %add3A_144, %ge3A_145 : i32
      %convert_element_type3A_147 = arith.extui %ge3A_146 : i1 to i32
      %cond3A_148 = arith.constant 0 : i32
      %cond3A_149 = arith.cmpi ne, %convert_element_type3A_147, %cond3A_148 : i32
      scf.if %cond3A_149 {
        %dma_wait3A_209 = arith.constant 0 : i32
        %dma_wait3A_210 = arith.constant 0 : i32
        %dma_wait3A_211 = tpu.memref_slice %arg17[%dma_wait3A_209, %dma_wait3A_210] : memref<10016x128xf32, #tpu.memory_space<vmem_shared>> -> memref<10016x128xf32, #tpu.memory_space<vmem_shared>>
        tpu.wait_indirect_dma semaphore(%arg24 : memref<!tpu.dma_semaphore, #tpu.memory_space<semaphore_mem>>) src(%arg14 : memref<128x128xf32, #tpu.memory_space<vmem>>) dst(%dma_wait3A_211 : memref<10016x128xf32, #tpu.memory_space<vmem_shared>>)
      } else {
      }
      %add3A_150 = arith.constant 2 : i32
      %add3A_151 = arith.addi %add3A_144, %add3A_150 : i32
      %lt3A_152 = arith.constant 80 : i32
      %lt3A_153 = arith.cmpi slt, %add3A_151, %lt3A_152 : i32
      %convert_element_type3A_154 = arith.extui %lt3A_153 : i1 to i32
      %cond3A_155 = arith.constant 0 : i32
      %cond3A_156 = arith.cmpi ne, %convert_element_type3A_154, %cond3A_155 : i32
      scf.if %cond3A_156 {
        %add3A_209 = arith.constant 2 : i32
        %add3A_210 = arith.addi %add3A_144, %add3A_209 : i32
        %mul3A_211 = arith.constant 128 : i32
        %mul3A_212 = arith.muli %add3A_210, %mul3A_211 : i32
        %add3A_213 = arith.addi %mul3A_15, %mul3A_212 : i32
        %dma_start3A_214 = arith.constant 0 : i32
        %dma_start3A_215 = tpu.memref_slice %arg3[%arg0, %dma_start3A_214] : memref<2x163840xi32, #tpu.memory_space<hbm>> -> memref<1x163840xi32, #tpu.memory_space<hbm>>
        %dma_start3A_216 = tpu.memref_squeeze %dma_start3A_215 : memref<1x163840xi32, #tpu.memory_space<hbm>> -> memref<163840xi32, #tpu.memory_space<hbm>>
        %dma_start3A_217 = tpu.memref_slice %dma_start3A_216[%add3A_213] : memref<163840xi32, #tpu.memory_space<hbm>> -> memref<128xi32, #tpu.memory_space<hbm>>
        %dma_start3A_218 = arith.constant 0 : i32
        %dma_start3A_219 = tpu.memref_slice %arg3[%arg0, %dma_start3A_218] : memref<2x163840xi32, #tpu.memory_space<hbm>> -> memref<1x163840xi32, #tpu.memory_space<hbm>>
        %dma_start3A_220 = tpu.memref_squeeze %dma_start3A_219 : memref<1x163840xi32, #tpu.memory_space<hbm>> -> memref<163840xi32, #tpu.memory_space<hbm>>
        %dma_start3A_221 = tpu.memref_slice %dma_start3A_220[%add3A_213] : memref<163840xi32, #tpu.memory_space<hbm>> -> memref<128xi32, #tpu.memory_space<hbm>>
        tpu.enqueue_dma source(%dma_start3A_221 : memref<128xi32, #tpu.memory_space<hbm>>) target(%arg6 : memref<128xi32, #tpu.memory_space<vmem>>) target_semaphore(%arg18 : memref<!tpu.dma_semaphore, #tpu.memory_space<semaphore_mem>>)
        %mul3A_222 = arith.constant 128 : i32
        %mul3A_223 = arith.muli %add3A_210, %mul3A_222 : i32
        %add3A_224 = arith.addi %mul3A_15, %mul3A_223 : i32
        %dma_start3A_225 = tpu.memref_slice %arg4[%add3A_224] : memref<163840xi32, #tpu.memory_space<hbm>> -> memref<128xi32, #tpu.memory_space<hbm>>
        %dma_start3A_226 = tpu.memref_slice %arg4[%add3A_224] : memref<163840xi32, #tpu.memory_space<hbm>> -> memref<128xi32, #tpu.memory_space<hbm>>
        tpu.enqueue_dma source(%dma_start3A_226 : memref<128xi32, #tpu.memory_space<hbm>>) target(%arg10 : memref<128xi32, #tpu.memory_space<vmem>>) target_semaphore(%arg18 : memref<!tpu.dma_semaphore, #tpu.memory_space<semaphore_mem>>)
      } else {
      }
      %dma_wait3A_157 = arith.constant 0 : i32
      %dma_wait3A_158 = tpu.memref_slice %arg3[%arg0, %dma_wait3A_157] : memref<2x163840xi32, #tpu.memory_space<hbm>> -> memref<1x163840xi32, #tpu.memory_space<hbm>>
      %dma_wait3A_159 = tpu.memref_squeeze %dma_wait3A_158 : memref<1x163840xi32, #tpu.memory_space<hbm>> -> memref<163840xi32, #tpu.memory_space<hbm>>
      %dma_wait3A_160 = tpu.memref_slice %dma_wait3A_159[%mul3A_15] : memref<163840xi32, #tpu.memory_space<hbm>> -> memref<128xi32, #tpu.memory_space<hbm>>
      %dma_wait3A_161 = arith.constant 0 : i32
      %dma_wait3A_162 = tpu.memref_slice %arg3[%arg0, %dma_wait3A_161] : memref<2x163840xi32, #tpu.memory_space<hbm>> -> memref<1x163840xi32, #tpu.memory_space<hbm>>
      %dma_wait3A_163 = tpu.memref_squeeze %dma_wait3A_162 : memref<1x163840xi32, #tpu.memory_space<hbm>> -> memref<163840xi32, #tpu.memory_space<hbm>>
      %dma_wait3A_164 = tpu.memref_slice %dma_wait3A_163[%mul3A_15] : memref<163840xi32, #tpu.memory_space<hbm>> -> memref<128xi32, #tpu.memory_space<hbm>>
      tpu.wait_dma2 semaphore(%arg20 : memref<!tpu.dma_semaphore, #tpu.memory_space<semaphore_mem>>) src(%dma_wait3A_164 : memref<128xi32, #tpu.memory_space<hbm>>) dst(%arg8 : memref<128xi32, #tpu.memory_space<vmem>>)
      %dma_wait3A_165 = tpu.memref_slice %arg4[%mul3A_15] : memref<163840xi32, #tpu.memory_space<hbm>> -> memref<128xi32, #tpu.memory_space<hbm>>
      %dma_wait3A_166 = tpu.memref_slice %arg4[%mul3A_15] : memref<163840xi32, #tpu.memory_space<hbm>> -> memref<128xi32, #tpu.memory_space<hbm>>
      tpu.wait_dma2 semaphore(%arg20 : memref<!tpu.dma_semaphore, #tpu.memory_space<semaphore_mem>>) src(%dma_wait3A_166 : memref<128xi32, #tpu.memory_space<hbm>>) dst(%arg12 : memref<128xi32, #tpu.memory_space<vmem>>)
      %dma_start3A_167 = arith.constant 0 : i32
      %dma_start3A_168 = arith.constant 0 : i32
      %dma_start3A_169 = tpu.memref_slice %arg2[%dma_start3A_167, %dma_start3A_168] : memref<20000x128xf32, #tpu.memory_space<hbm>> -> memref<20000x128xf32, #tpu.memory_space<hbm>>
      tpu.enqueue_indirect_dma source(%dma_start3A_169 : memref<20000x128xf32, #tpu.memory_space<hbm>>) target(%arg14 : memref<128x128xf32, #tpu.memory_space<vmem>>) offsets(%arg8 : memref<128xi32, #tpu.memory_space<vmem>>) semaphore(%arg22 : memref<!tpu.dma_semaphore, #tpu.memory_space<semaphore_mem>>)
      %ge3A_170 = arith.constant 1 : i32
      %ge3A_171 = arith.cmpi sge, %add3A_144, %ge3A_170 : i32
      %convert_element_type3A_172 = arith.extui %ge3A_171 : i1 to i32
      %cond3A_173 = arith.constant 0 : i32
      %cond3A_174 = arith.cmpi ne, %convert_element_type3A_172, %cond3A_173 : i32
      scf.if %cond3A_174 {
        %dma_wait3A_209 = arith.constant 0 : i32
        %dma_wait3A_210 = arith.constant 0 : i32
        %dma_wait3A_211 = tpu.memref_slice %arg2[%dma_wait3A_209, %dma_wait3A_210] : memref<20000x128xf32, #tpu.memory_space<hbm>> -> memref<20000x128xf32, #tpu.memory_space<hbm>>
        tpu.wait_indirect_dma semaphore(%arg23 : memref<!tpu.dma_semaphore, #tpu.memory_space<semaphore_mem>>) src(%dma_wait3A_211 : memref<20000x128xf32, #tpu.memory_space<hbm>>) dst(%arg15 : memref<128x128xf32, #tpu.memory_space<vmem>>)
        %dma_start3A_212 = arith.constant 0 : i32
        %dma_start3A_213 = arith.constant 0 : i32
        %dma_start3A_214 = tpu.memref_slice %arg17[%dma_start3A_212, %dma_start3A_213] : memref<10016x128xf32, #tpu.memory_space<vmem_shared>> -> memref<10016x128xf32, #tpu.memory_space<vmem_shared>>
        tpu.enqueue_indirect_dma source(%arg15 : memref<128x128xf32, #tpu.memory_space<vmem>>) target(%dma_start3A_214 : memref<10016x128xf32, #tpu.memory_space<vmem_shared>>) offsets(%arg11 : memref<128xi32, #tpu.memory_space<vmem>>) semaphore(%arg25 : memref<!tpu.dma_semaphore, #tpu.memory_space<semaphore_mem>>) {add = true}
      } else {
      }
      %mul3A_175 = arith.constant 4 : i32
      %mul3A_176 = arith.muli %add3A_73, %mul3A_175 : i32
      %add3A_177 = arith.constant 3 : i32
      %add3A_178 = arith.addi %mul3A_176, %add3A_177 : i32
      %ge3A_179 = arith.constant 2 : i32
      %ge3A_180 = arith.cmpi sge, %add3A_178, %ge3A_179 : i32
      %convert_element_type3A_181 = arith.extui %ge3A_180 : i1 to i32
      %cond3A_182 = arith.constant 0 : i32
      %cond3A_183 = arith.cmpi ne, %convert_element_type3A_181, %cond3A_182 : i32
      scf.if %cond3A_183 {
        %dma_wait3A_209 = arith.constant 0 : i32
        %dma_wait3A_210 = arith.constant 0 : i32
        %dma_wait3A_211 = tpu.memref_slice %arg17[%dma_wait3A_209, %dma_wait3A_210] : memref<10016x128xf32, #tpu.memory_space<vmem_shared>> -> memref<10016x128xf32, #tpu.memory_space<vmem_shared>>
        tpu.wait_indirect_dma semaphore(%arg25 : memref<!tpu.dma_semaphore, #tpu.memory_space<semaphore_mem>>) src(%arg15 : memref<128x128xf32, #tpu.memory_space<vmem>>) dst(%dma_wait3A_211 : memref<10016x128xf32, #tpu.memory_space<vmem_shared>>)
      } else {
      }
      %add3A_184 = arith.constant 2 : i32
      %add3A_185 = arith.addi %add3A_178, %add3A_184 : i32
      %lt3A_186 = arith.constant 80 : i32
      %lt3A_187 = arith.cmpi slt, %add3A_185, %lt3A_186 : i32
      %convert_element_type3A_188 = arith.extui %lt3A_187 : i1 to i32
      %cond3A_189 = arith.constant 0 : i32
      %cond3A_190 = arith.cmpi ne, %convert_element_type3A_188, %cond3A_189 : i32
      scf.if %cond3A_190 {
        %add3A_209 = arith.constant 2 : i32
        %add3A_210 = arith.addi %add3A_178, %add3A_209 : i32
        %mul3A_211 = arith.constant 128 : i32
        %mul3A_212 = arith.muli %add3A_210, %mul3A_211 : i32
        %add3A_213 = arith.addi %mul3A_15, %mul3A_212 : i32
        %dma_start3A_214 = arith.constant 0 : i32
        %dma_start3A_215 = tpu.memref_slice %arg3[%arg0, %dma_start3A_214] : memref<2x163840xi32, #tpu.memory_space<hbm>> -> memref<1x163840xi32, #tpu.memory_space<hbm>>
        %dma_start3A_216 = tpu.memref_squeeze %dma_start3A_215 : memref<1x163840xi32, #tpu.memory_space<hbm>> -> memref<163840xi32, #tpu.memory_space<hbm>>
        %dma_start3A_217 = tpu.memref_slice %dma_start3A_216[%add3A_213] : memref<163840xi32, #tpu.memory_space<hbm>> -> memref<128xi32, #tpu.memory_space<hbm>>
        %dma_start3A_218 = arith.constant 0 : i32
        %dma_start3A_219 = tpu.memref_slice %arg3[%arg0, %dma_start3A_218] : memref<2x163840xi32, #tpu.memory_space<hbm>> -> memref<1x163840xi32, #tpu.memory_space<hbm>>
        %dma_start3A_220 = tpu.memref_squeeze %dma_start3A_219 : memref<1x163840xi32, #tpu.memory_space<hbm>> -> memref<163840xi32, #tpu.memory_space<hbm>>
        %dma_start3A_221 = tpu.memref_slice %dma_start3A_220[%add3A_213] : memref<163840xi32, #tpu.memory_space<hbm>> -> memref<128xi32, #tpu.memory_space<hbm>>
        tpu.enqueue_dma source(%dma_start3A_221 : memref<128xi32, #tpu.memory_space<hbm>>) target(%arg7 : memref<128xi32, #tpu.memory_space<vmem>>) target_semaphore(%arg19 : memref<!tpu.dma_semaphore, #tpu.memory_space<semaphore_mem>>)
        %mul3A_222 = arith.constant 128 : i32
        %mul3A_223 = arith.muli %add3A_210, %mul3A_222 : i32
        %add3A_224 = arith.addi %mul3A_15, %mul3A_223 : i32
        %dma_start3A_225 = tpu.memref_slice %arg4[%add3A_224] : memref<163840xi32, #tpu.memory_space<hbm>> -> memref<128xi32, #tpu.memory_space<hbm>>
        %dma_start3A_226 = tpu.memref_slice %arg4[%add3A_224] : memref<163840xi32, #tpu.memory_space<hbm>> -> memref<128xi32, #tpu.memory_space<hbm>>
        tpu.enqueue_dma source(%dma_start3A_226 : memref<128xi32, #tpu.memory_space<hbm>>) target(%arg11 : memref<128xi32, #tpu.memory_space<vmem>>) target_semaphore(%arg19 : memref<!tpu.dma_semaphore, #tpu.memory_space<semaphore_mem>>)
      } else {
      }
      %dma_wait3A_191 = arith.constant 0 : i32
      %dma_wait3A_192 = tpu.memref_slice %arg3[%arg0, %dma_wait3A_191] : memref<2x163840xi32, #tpu.memory_space<hbm>> -> memref<1x163840xi32, #tpu.memory_space<hbm>>
      %dma_wait3A_193 = tpu.memref_squeeze %dma_wait3A_192 : memref<1x163840xi32, #tpu.memory_space<hbm>> -> memref<163840xi32, #tpu.memory_space<hbm>>
      %dma_wait3A_194 = tpu.memref_slice %dma_wait3A_193[%mul3A_15] : memref<163840xi32, #tpu.memory_space<hbm>> -> memref<128xi32, #tpu.memory_space<hbm>>
      %dma_wait3A_195 = arith.constant 0 : i32
      %dma_wait3A_196 = tpu.memref_slice %arg3[%arg0, %dma_wait3A_195] : memref<2x163840xi32, #tpu.memory_space<hbm>> -> memref<1x163840xi32, #tpu.memory_space<hbm>>
      %dma_wait3A_197 = tpu.memref_squeeze %dma_wait3A_196 : memref<1x163840xi32, #tpu.memory_space<hbm>> -> memref<163840xi32, #tpu.memory_space<hbm>>
      %dma_wait3A_198 = tpu.memref_slice %dma_wait3A_197[%mul3A_15] : memref<163840xi32, #tpu.memory_space<hbm>> -> memref<128xi32, #tpu.memory_space<hbm>>
      tpu.wait_dma2 semaphore(%arg21 : memref<!tpu.dma_semaphore, #tpu.memory_space<semaphore_mem>>) src(%dma_wait3A_198 : memref<128xi32, #tpu.memory_space<hbm>>) dst(%arg9 : memref<128xi32, #tpu.memory_space<vmem>>)
      %dma_wait3A_199 = tpu.memref_slice %arg4[%mul3A_15] : memref<163840xi32, #tpu.memory_space<hbm>> -> memref<128xi32, #tpu.memory_space<hbm>>
      %dma_wait3A_200 = tpu.memref_slice %arg4[%mul3A_15] : memref<163840xi32, #tpu.memory_space<hbm>> -> memref<128xi32, #tpu.memory_space<hbm>>
      tpu.wait_dma2 semaphore(%arg21 : memref<!tpu.dma_semaphore, #tpu.memory_space<semaphore_mem>>) src(%dma_wait3A_200 : memref<128xi32, #tpu.memory_space<hbm>>) dst(%arg13 : memref<128xi32, #tpu.memory_space<vmem>>)
      %dma_start3A_201 = arith.constant 0 : i32
      %dma_start3A_202 = arith.constant 0 : i32
      %dma_start3A_203 = tpu.memref_slice %arg2[%dma_start3A_201, %dma_start3A_202] : memref<20000x128xf32, #tpu.memory_space<hbm>> -> memref<20000x128xf32, #tpu.memory_space<hbm>>
      tpu.enqueue_indirect_dma source(%dma_start3A_203 : memref<20000x128xf32, #tpu.memory_space<hbm>>) target(%arg15 : memref<128x128xf32, #tpu.memory_space<vmem>>) offsets(%arg9 : memref<128xi32, #tpu.memory_space<vmem>>) semaphore(%arg23 : memref<!tpu.dma_semaphore, #tpu.memory_space<semaphore_mem>>)
      %ge3A_204 = arith.constant 1 : i32
      %ge3A_205 = arith.cmpi sge, %add3A_178, %ge3A_204 : i32
      %convert_element_type3A_206 = arith.extui %ge3A_205 : i1 to i32
      %cond3A_207 = arith.constant 0 : i32
      %cond3A_208 = arith.cmpi ne, %convert_element_type3A_206, %cond3A_207 : i32
      scf.if %cond3A_208 {
        %dma_wait3A_209 = arith.constant 0 : i32
        %dma_wait3A_210 = arith.constant 0 : i32
        %dma_wait3A_211 = tpu.memref_slice %arg2[%dma_wait3A_209, %dma_wait3A_210] : memref<20000x128xf32, #tpu.memory_space<hbm>> -> memref<20000x128xf32, #tpu.memory_space<hbm>>
        tpu.wait_indirect_dma semaphore(%arg22 : memref<!tpu.dma_semaphore, #tpu.memory_space<semaphore_mem>>) src(%dma_wait3A_211 : memref<20000x128xf32, #tpu.memory_space<hbm>>) dst(%arg14 : memref<128x128xf32, #tpu.memory_space<vmem>>)
        %dma_start3A_212 = arith.constant 0 : i32
        %dma_start3A_213 = arith.constant 0 : i32
        %dma_start3A_214 = tpu.memref_slice %arg17[%dma_start3A_212, %dma_start3A_213] : memref<10016x128xf32, #tpu.memory_space<vmem_shared>> -> memref<10016x128xf32, #tpu.memory_space<vmem_shared>>
        tpu.enqueue_indirect_dma source(%arg14 : memref<128x128xf32, #tpu.memory_space<vmem>>) target(%dma_start3A_214 : memref<10016x128xf32, #tpu.memory_space<vmem_shared>>) offsets(%arg12 : memref<128xi32, #tpu.memory_space<vmem>>) semaphore(%arg24 : memref<!tpu.dma_semaphore, #tpu.memory_space<semaphore_mem>>) {add = true}
      } else {
      }
    }
    %scan3A_46 = arith.constant 20 : i32
    %dma_wait3A = arith.constant 0 : i32
    %dma_wait3A_47 = arith.constant 0 : i32
    %dma_wait3A_48 = tpu.memref_slice %arg2[%dma_wait3A, %dma_wait3A_47] : memref<20000x128xf32, #tpu.memory_space<hbm>> -> memref<20000x128xf32, #tpu.memory_space<hbm>>
    tpu.wait_indirect_dma semaphore(%arg23 : memref<!tpu.dma_semaphore, #tpu.memory_space<semaphore_mem>>) src(%dma_wait3A_48 : memref<20000x128xf32, #tpu.memory_space<hbm>>) dst(%arg15 : memref<128x128xf32, #tpu.memory_space<vmem>>)
    %dma_start3A_49 = arith.constant 0 : i32
    %dma_start3A_50 = arith.constant 0 : i32
    %dma_start3A_51 = tpu.memref_slice %arg17[%dma_start3A_49, %dma_start3A_50] : memref<10016x128xf32, #tpu.memory_space<vmem_shared>> -> memref<10016x128xf32, #tpu.memory_space<vmem_shared>>
    tpu.enqueue_indirect_dma source(%arg15 : memref<128x128xf32, #tpu.memory_space<vmem>>) target(%dma_start3A_51 : memref<10016x128xf32, #tpu.memory_space<vmem_shared>>) offsets(%arg13 : memref<128xi32, #tpu.memory_space<vmem>>) semaphore(%arg25 : memref<!tpu.dma_semaphore, #tpu.memory_space<semaphore_mem>>) {add = true}
    %dma_wait3A_52 = arith.constant 0 : i32
    %dma_wait3A_53 = arith.constant 0 : i32
    %dma_wait3A_54 = tpu.memref_slice %arg17[%dma_wait3A_52, %dma_wait3A_53] : memref<10016x128xf32, #tpu.memory_space<vmem_shared>> -> memref<10016x128xf32, #tpu.memory_space<vmem_shared>>
    tpu.wait_indirect_dma semaphore(%arg24 : memref<!tpu.dma_semaphore, #tpu.memory_space<semaphore_mem>>) src(%arg14 : memref<128x128xf32, #tpu.memory_space<vmem>>) dst(%dma_wait3A_54 : memref<10016x128xf32, #tpu.memory_space<vmem_shared>>)
    %dma_wait3A_55 = arith.constant 0 : i32
    %dma_wait3A_56 = arith.constant 0 : i32
    %dma_wait3A_57 = tpu.memref_slice %arg17[%dma_wait3A_55, %dma_wait3A_56] : memref<10016x128xf32, #tpu.memory_space<vmem_shared>> -> memref<10016x128xf32, #tpu.memory_space<vmem_shared>>
    tpu.wait_indirect_dma semaphore(%arg25 : memref<!tpu.dma_semaphore, #tpu.memory_space<semaphore_mem>>) src(%arg15 : memref<128x128xf32, #tpu.memory_space<vmem>>) dst(%dma_wait3A_57 : memref<10016x128xf32, #tpu.memory_space<vmem_shared>>)
    %barrier3A_58 = arith.constant 0 : index
    tpu.barrier barrier_id(%barrier3A_58)
    %lt3A_59 = arith.constant 15 : i32
    %lt3A_60 = arith.cmpi slt, %arg1, %lt3A_59 : i32
    %convert_element_type3A_61 = arith.extui %lt3A_60 : i1 to i32
    %cond3A_62 = arith.constant 0 : i32
    %cond3A_63 = arith.cmpi ne, %convert_element_type3A_61, %cond3A_62 : i32
    scf.if %cond3A_63 {
      "tpu.region"() ({
        %run_scoped3A = tpu.sem_alloc : memref<!tpu.dma_semaphore, #tpu.memory_space<semaphore_mem>>
        %dma_start3A_69 = arith.constant 0 : i32
        %dma_start3A_70 = arith.constant 0 : i32
        %dma_start3A_71 = tpu.memref_slice %arg5[%arg0, %dma_start3A_69, %dma_start3A_70] : memref<2x10000x128xf32, #tpu.memory_space<hbm>> -> memref<1x10000x128xf32, #tpu.memory_space<hbm>>
        %dma_start3A_72 = tpu.memref_squeeze %dma_start3A_71 : memref<1x10000x128xf32, #tpu.memory_space<hbm>> -> memref<10000x128xf32, #tpu.memory_space<hbm>>
        %dma_start3A_73 = arith.constant 0 : i32
        %dma_start3A_74 = tpu.memref_slice %dma_start3A_72[%mul3A_5, %dma_start3A_73] : memref<10000x128xf32, #tpu.memory_space<hbm>> -> memref<640x128xf32, #tpu.memory_space<hbm>>
        %dma_start3A_75 = arith.constant 0 : i32
        %dma_start3A_76 = tpu.memref_slice %arg17[%mul3A_5, %dma_start3A_75] : memref<10016x128xf32, #tpu.memory_space<vmem_shared>> -> memref<640x128xf32, #tpu.memory_space<vmem_shared>>
        tpu.enqueue_dma source(%dma_start3A_76 : memref<640x128xf32, #tpu.memory_space<vmem_shared>>) target(%dma_start3A_74 : memref<640x128xf32, #tpu.memory_space<hbm>>) target_semaphore(%run_scoped3A : memref<!tpu.dma_semaphore, #tpu.memory_space<semaphore_mem>>)
        %dma_wait3A_77 = arith.constant 0 : i32
        %dma_wait3A_78 = arith.constant 0 : i32
        %dma_wait3A_79 = tpu.memref_slice %arg5[%arg0, %dma_wait3A_77, %dma_wait3A_78] : memref<2x10000x128xf32, #tpu.memory_space<hbm>> -> memref<1x10000x128xf32, #tpu.memory_space<hbm>>
        %dma_wait3A_80 = tpu.memref_squeeze %dma_wait3A_79 : memref<1x10000x128xf32, #tpu.memory_space<hbm>> -> memref<10000x128xf32, #tpu.memory_space<hbm>>
        %dma_wait3A_81 = arith.constant 0 : i32
        %dma_wait3A_82 = tpu.memref_slice %dma_wait3A_80[%mul3A_5, %dma_wait3A_81] : memref<10000x128xf32, #tpu.memory_space<hbm>> -> memref<640x128xf32, #tpu.memory_space<hbm>>
        %dma_wait3A_83 = arith.constant 0 : i32
        %dma_wait3A_84 = tpu.memref_slice %arg17[%mul3A_5, %dma_wait3A_83] : memref<10016x128xf32, #tpu.memory_space<vmem_shared>> -> memref<640x128xf32, #tpu.memory_space<vmem_shared>>
        tpu.wait_dma2 semaphore(%run_scoped3A : memref<!tpu.dma_semaphore, #tpu.memory_space<semaphore_mem>>) src(%dma_wait3A_84 : memref<640x128xf32, #tpu.memory_space<vmem_shared>>) dst(%dma_wait3A_82 : memref<640x128xf32, #tpu.memory_space<hbm>>)
        tpu.yield
      }) : () -> ()
    } else {
    }
    %eq3A_64 = arith.constant 15 : i32
    %eq3A_65 = arith.cmpi eq, %arg1, %eq3A_64 : i32
    %convert_element_type3A_66 = arith.extui %eq3A_65 : i1 to i32
    %cond3A_67 = arith.constant 0 : i32
    %cond3A_68 = arith.cmpi ne, %convert_element_type3A_66, %cond3A_67 : i32
    scf.if %cond3A_68 {
      "tpu.region"() ({
        %run_scoped3A = tpu.sem_alloc : memref<!tpu.dma_semaphore, #tpu.memory_space<semaphore_mem>>
        %dma_start3A_69 = arith.constant 0 : i32
        %dma_start3A_70 = arith.constant 0 : i32
        %dma_start3A_71 = tpu.memref_slice %arg5[%arg0, %dma_start3A_69, %dma_start3A_70] : memref<2x10000x128xf32, #tpu.memory_space<hbm>> -> memref<1x10000x128xf32, #tpu.memory_space<hbm>>
        %dma_start3A_72 = tpu.memref_squeeze %dma_start3A_71 : memref<1x10000x128xf32, #tpu.memory_space<hbm>> -> memref<10000x128xf32, #tpu.memory_space<hbm>>
        %dma_start3A_73 = arith.constant 0 : i32
        %dma_start3A_74 = tpu.memref_slice %dma_start3A_72[%mul3A_5, %dma_start3A_73] : memref<10000x128xf32, #tpu.memory_space<hbm>> -> memref<400x128xf32, #tpu.memory_space<hbm>>
        %dma_start3A_75 = arith.constant 0 : i32
        %dma_start3A_76 = tpu.memref_slice %arg17[%mul3A_5, %dma_start3A_75] : memref<10016x128xf32, #tpu.memory_space<vmem_shared>> -> memref<400x128xf32, #tpu.memory_space<vmem_shared>>
        tpu.enqueue_dma source(%dma_start3A_76 : memref<400x128xf32, #tpu.memory_space<vmem_shared>>) target(%dma_start3A_74 : memref<400x128xf32, #tpu.memory_space<hbm>>) target_semaphore(%run_scoped3A : memref<!tpu.dma_semaphore, #tpu.memory_space<semaphore_mem>>)
        %dma_wait3A_77 = arith.constant 0 : i32
        %dma_wait3A_78 = arith.constant 0 : i32
        %dma_wait3A_79 = tpu.memref_slice %arg5[%arg0, %dma_wait3A_77, %dma_wait3A_78] : memref<2x10000x128xf32, #tpu.memory_space<hbm>> -> memref<1x10000x128xf32, #tpu.memory_space<hbm>>
        %dma_wait3A_80 = tpu.memref_squeeze %dma_wait3A_79 : memref<1x10000x128xf32, #tpu.memory_space<hbm>> -> memref<10000x128xf32, #tpu.memory_space<hbm>>
        %dma_wait3A_81 = arith.constant 0 : i32
        %dma_wait3A_82 = tpu.memref_slice %dma_wait3A_80[%mul3A_5, %dma_wait3A_81] : memref<10000x128xf32, #tpu.memory_space<hbm>> -> memref<400x128xf32, #tpu.memory_space<hbm>>
        %dma_wait3A_83 = arith.constant 0 : i32
        %dma_wait3A_84 = tpu.memref_slice %arg17[%mul3A_5, %dma_wait3A_83] : memref<10016x128xf32, #tpu.memory_space<vmem_shared>> -> memref<400x128xf32, #tpu.memory_space<vmem_shared>>
        tpu.wait_dma2 semaphore(%run_scoped3A : memref<!tpu.dma_semaphore, #tpu.memory_space<semaphore_mem>>) src(%dma_wait3A_84 : memref<400x128xf32, #tpu.memory_space<vmem_shared>>) dst(%dma_wait3A_82 : memref<400x128xf32, #tpu.memory_space<hbm>>)
        tpu.yield
      }) : () -> ()
    } else {
    }
    return
  }
}

module attributes {stable_mosaic.version = 14 : i64} {
  func.func @_dense1_kernel(%arg0: i32, %arg1: memref<2x1000x128xf32, #tpu.memory_space<vmem>>, %arg2: memref<2x1000x8xf32, #tpu.memory_space<vmem>>, %arg3: memref<1000x256xf32, #tpu.memory_space<vmem>>, %arg4: memref<256x256xf32, #tpu.memory_space<vmem>>, %arg5: memref<256x256xf32, #tpu.memory_space<vmem>>, %arg6: memref<1x256xf32, #tpu.memory_space<vmem>>, %arg7: memref<2000x128xf32, #tpu.memory_space<vmem>>) attributes {dimension_semantics = [#tpu.dimension_semantics<arbitrary>], iteration_bounds = array<i64: 10>, scalar_prefetch = 0 : i64, scratch_operands = 0 : i64, tpu.core_type = #tpu.core_type<tc>, window_params = [{transform_indices = @transform_0, window_bounds = array<i64: 2, 1000, 128>}, {transform_indices = @transform_1, window_bounds = array<i64: 2, 1000, 8>}, {transform_indices = @transform_2, window_bounds = array<i64: 1000, 256>}, {pipeline_mode = #tpu.pipeline_mode<synchronous>, transform_indices = @transform_3, window_bounds = array<i64: 256, 256>}, {pipeline_mode = #tpu.pipeline_mode<synchronous>, transform_indices = @transform_4, window_bounds = array<i64: 256, 256>}, {pipeline_mode = #tpu.pipeline_mode<synchronous>, transform_indices = @transform_5, window_bounds = array<i64: 1, 256>}, {transform_indices = @transform_6, window_bounds = array<i64: 2000, 128>}]} {
    %get3A = arith.constant 0 : index
    %get3A_0 = arith.constant 0 : index
    %get3A_1 = vector.load %arg3[%get3A, %get3A_0] : memref<1000x256xf32, #tpu.memory_space<vmem>>, vector<1000x256xf32>
    %get3A_2 = arith.constant 0 : index
    %get3A_3 = arith.constant 0 : index
    %get3A_4 = arith.constant 0 : index
    %get3A_5 = vector.load %arg2[%get3A_2, %get3A_3, %get3A_4] : memref<2x1000x8xf32, #tpu.memory_space<vmem>>, vector<1x1000x8xf32>
    %get3A_6 = vector.shape_cast %get3A_5 : vector<1x1000x8xf32> to vector<1000x8xf32>
    %slice3A = vector.extract_strided_slice %get3A_6 {offsets = [0, 0], sizes = [1000, 1], strides = [1, 1]} : vector<1000x8xf32> to vector<1000x1xf32>
    %get3A_7 = arith.constant 1 : index
    %get3A_8 = arith.constant 0 : index
    %get3A_9 = arith.constant 0 : index
    %get3A_10 = vector.load %arg2[%get3A_7, %get3A_8, %get3A_9] : memref<2x1000x8xf32, #tpu.memory_space<vmem>>, vector<1x1000x8xf32>
    %get3A_11 = vector.shape_cast %get3A_10 : vector<1x1000x8xf32> to vector<1000x8xf32>
    %slice3A_12 = vector.extract_strided_slice %get3A_11 {offsets = [0, 0], sizes = [1000, 1], strides = [1, 1]} : vector<1000x8xf32> to vector<1000x1xf32>
    %add3A = arith.addf %slice3A, %slice3A_12 : vector<1000x1xf32>
    %max3A = arith.constant 1.000000e+00 : f32
    %max3A_13 = vector.broadcast %max3A : f32 to vector<1000x1xf32>
    %max3A_14 = arith.maximumf %add3A, %max3A_13 : vector<1000x1xf32>
    %div3A = arith.constant 1.000000e+00 : f32
    %div3A_15 = vector.broadcast %div3A : f32 to vector<1000x1xf32>
    %div3A_16 = arith.divf %div3A_15, %max3A_14 : vector<1000x1xf32>
    %get3A_17 = arith.constant 0 : index
    %get3A_18 = arith.constant 0 : index
    %get3A_19 = vector.load %arg4[%get3A_17, %get3A_18] : memref<256x256xf32, #tpu.memory_space<vmem>>, vector<256x256xf32>
    %get3A_20 = arith.constant 0 : index
    %get3A_21 = arith.constant 0 : index
    %get3A_22 = arith.constant 0 : index
    %get3A_23 = vector.load %arg1[%get3A_20, %get3A_21, %get3A_22] : memref<2x1000x128xf32, #tpu.memory_space<vmem>>, vector<1x1000x128xf32>
    %get3A_24 = vector.shape_cast %get3A_23 : vector<1x1000x128xf32> to vector<1000x128xf32>
    %mul3A = vector.broadcast %div3A_16 : vector<1000x1xf32> to vector<1000x128xf32>
    %mul3A_25 = arith.mulf %get3A_24, %mul3A : vector<1000x128xf32>
    %slice3A_26 = vector.extract_strided_slice %get3A_19 {offsets = [0, 0], sizes = [256, 128], strides = [1, 1]} : vector<256x256xf32> to vector<256x128xf32>
    %dot_general3A = arith.constant dense<0.000000e+00> : vector<1000x256xf32>
    %dot_general3A_27 = tpu.matmul %mul3A_25, %slice3A_26, %dot_general3A {dimension_numbers = #tpu.dot_dimension_numbers<[1], [1], [0], [0], [0, 0, 1, 0], [], []>, transpose_lhs_hint = false} : vector<1000x128xf32>, vector<256x128xf32>, vector<1000x256xf32> -> vector<1000x256xf32>
    %get3A_28 = arith.constant 1 : index
    %get3A_29 = arith.constant 0 : index
    %get3A_30 = arith.constant 0 : index
    %get3A_31 = vector.load %arg1[%get3A_28, %get3A_29, %get3A_30] : memref<2x1000x128xf32, #tpu.memory_space<vmem>>, vector<1x1000x128xf32>
    %get3A_32 = vector.shape_cast %get3A_31 : vector<1x1000x128xf32> to vector<1000x128xf32>
    %mul3A_33 = vector.broadcast %div3A_16 : vector<1000x1xf32> to vector<1000x128xf32>
    %mul3A_34 = arith.mulf %get3A_32, %mul3A_33 : vector<1000x128xf32>
    %slice3A_35 = vector.extract_strided_slice %get3A_19 {offsets = [0, 128], sizes = [256, 128], strides = [1, 1]} : vector<256x256xf32> to vector<256x128xf32>
    %dot_general3A_36 = arith.constant dense<0.000000e+00> : vector<1000x256xf32>
    %dot_general3A_37 = tpu.matmul %mul3A_34, %slice3A_35, %dot_general3A_36 {dimension_numbers = #tpu.dot_dimension_numbers<[1], [1], [0], [0], [0, 0, 1, 0], [], []>, transpose_lhs_hint = false} : vector<1000x128xf32>, vector<256x128xf32>, vector<1000x256xf32> -> vector<1000x256xf32>
    %add3A_38 = arith.addf %dot_general3A_27, %dot_general3A_37 : vector<1000x256xf32>
    %get3A_39 = arith.constant 0 : index
    %get3A_40 = arith.constant 0 : index
    %get3A_41 = vector.load %arg5[%get3A_39, %get3A_40] : memref<256x256xf32, #tpu.memory_space<vmem>>, vector<256x256xf32>
    %dot_general3A_42 = arith.constant dense<0.000000e+00> : vector<1000x256xf32>
    %dot_general3A_43 = tpu.matmul %get3A_1, %get3A_41, %dot_general3A_42 {dimension_numbers = #tpu.dot_dimension_numbers<[1], [1], [0], [0], [0, 0, 1, 0], [], []>, transpose_lhs_hint = false} : vector<1000x256xf32>, vector<256x256xf32>, vector<1000x256xf32> -> vector<1000x256xf32>
    %add3A_44 = arith.addf %add3A_38, %dot_general3A_43 : vector<1000x256xf32>
    %get3A_45 = arith.constant 0 : index
    %get3A_46 = arith.constant 0 : index
    %get3A_47 = vector.load %arg6[%get3A_45, %get3A_46] : memref<1x256xf32, #tpu.memory_space<vmem>>, vector<1x256xf32>
    %add3A_48 = vector.broadcast %get3A_47 : vector<1x256xf32> to vector<1000x256xf32>
    %add3A_49 = arith.addf %add3A_44, %add3A_48 : vector<1000x256xf32>
    %max3A_50 = arith.constant 0.000000e+00 : f32
    %max3A_51 = vector.broadcast %max3A_50 : f32 to vector<1000x256xf32>
    %max3A_52 = arith.maximumf %add3A_49, %max3A_51 : vector<1000x256xf32>
    %reshape3A = vector.shape_cast %max3A_52 : vector<1000x256xf32> to vector<2000x128xf32>
    %swap3A = arith.constant 0 : index
    %swap3A_53 = arith.constant 0 : index
    %swap3A_54 = vector.load %arg7[%swap3A, %swap3A_53] : memref<2000x128xf32, #tpu.memory_space<vmem>>, vector<2000x128xf32>
    tpu.vector_store %arg7[%swap3A, %swap3A_53], %reshape3A {strides = array<i32>} : memref<2000x128xf32, #tpu.memory_space<vmem>>, vector<2000x128xf32>,
    return
  }
  func.func @transform_0(%arg0: i32) -> (i32, i32, i32) {
    %c0_i32 = arith.constant 0 : i32
    %c0_i32_0 = arith.constant 0 : i32
    %c0_i32_1 = arith.constant 0 : i32
    return %c0_i32, %arg0, %c0_i32_0 : i32, i32, i32
  }
  func.func @transform_1(%arg0: i32) -> (i32, i32, i32) {
    %c0_i32 = arith.constant 0 : i32
    %c0_i32_0 = arith.constant 0 : i32
    %c0_i32_1 = arith.constant 0 : i32
    return %c0_i32, %arg0, %c0_i32_0 : i32, i32, i32
  }
  func.func @transform_2(%arg0: i32) -> (i32, i32) {
    %c0_i32 = arith.constant 0 : i32
    %c0_i32_0 = arith.constant 0 : i32
    return %arg0, %c0_i32 : i32, i32
  }
  func.func @transform_3(%arg0: i32) -> (i32, i32) {
    %c0_i32 = arith.constant 0 : i32
    %c0_i32_0 = arith.constant 0 : i32
    %c0_i32_1 = arith.constant 0 : i32
    return %c0_i32, %c0_i32_0 : i32, i32
  }
  func.func @transform_4(%arg0: i32) -> (i32, i32) {
    %c0_i32 = arith.constant 0 : i32
    %c0_i32_0 = arith.constant 0 : i32
    %c0_i32_1 = arith.constant 0 : i32
    return %c0_i32, %c0_i32_0 : i32, i32
  }
  func.func @transform_5(%arg0: i32) -> (i32, i32) {
    %c0_i32 = arith.constant 0 : i32
    %c0_i32_0 = arith.constant 0 : i32
    %c0_i32_1 = arith.constant 0 : i32
    return %c0_i32, %c0_i32_0 : i32, i32
  }
  func.func @transform_6(%arg0: i32) -> (i32, i32) {
    %c0_i32 = arith.constant 0 : i32
    %c0_i32_0 = arith.constant 0 : i32
    return %arg0, %c0_i32 : i32, i32
  }
}

module attributes {stable_mosaic.version = 14 : i64} {
  func.func @_dense2_kernel(%arg0: i32, %arg1: memref<2x1000x128xf32, #tpu.memory_space<vmem>>, %arg2: memref<2x1000x8xf32, #tpu.memory_space<vmem>>, %arg3: memref<2000x128xf32, #tpu.memory_space<vmem>>, %arg4: memref<256x256xf32, #tpu.memory_space<vmem>>, %arg5: memref<256x256xf32, #tpu.memory_space<vmem>>, %arg6: memref<1x256xf32, #tpu.memory_space<vmem>>, %arg7: memref<1000x256xf32, #tpu.memory_space<vmem>>) attributes {dimension_semantics = [#tpu.dimension_semantics<arbitrary>], iteration_bounds = array<i64: 10>, scalar_prefetch = 0 : i64, scratch_operands = 0 : i64, tpu.core_type = #tpu.core_type<tc>, window_params = [{transform_indices = @transform_0, window_bounds = array<i64: 2, 1000, 128>}, {transform_indices = @transform_1, window_bounds = array<i64: 2, 1000, 8>}, {transform_indices = @transform_2, window_bounds = array<i64: 2000, 128>}, {pipeline_mode = #tpu.pipeline_mode<synchronous>, transform_indices = @transform_3, window_bounds = array<i64: 256, 256>}, {pipeline_mode = #tpu.pipeline_mode<synchronous>, transform_indices = @transform_4, window_bounds = array<i64: 256, 256>}, {pipeline_mode = #tpu.pipeline_mode<synchronous>, transform_indices = @transform_5, window_bounds = array<i64: 1, 256>}, {transform_indices = @transform_6, window_bounds = array<i64: 1000, 256>}]} {
    %get3A = arith.constant 0 : index
    %get3A_0 = arith.constant 0 : index
    %get3A_1 = vector.load %arg3[%get3A, %get3A_0] : memref<2000x128xf32, #tpu.memory_space<vmem>>, vector<2000x128xf32>
    %reshape3A = vector.shape_cast %get3A_1 : vector<2000x128xf32> to vector<1000x256xf32>
    %get3A_2 = arith.constant 0 : index
    %get3A_3 = arith.constant 0 : index
    %get3A_4 = arith.constant 0 : index
    %get3A_5 = vector.load %arg2[%get3A_2, %get3A_3, %get3A_4] : memref<2x1000x8xf32, #tpu.memory_space<vmem>>, vector<1x1000x8xf32>
    %get3A_6 = vector.shape_cast %get3A_5 : vector<1x1000x8xf32> to vector<1000x8xf32>
    %slice3A = vector.extract_strided_slice %get3A_6 {offsets = [0, 0], sizes = [1000, 1], strides = [1, 1]} : vector<1000x8xf32> to vector<1000x1xf32>
    %get3A_7 = arith.constant 1 : index
    %get3A_8 = arith.constant 0 : index
    %get3A_9 = arith.constant 0 : index
    %get3A_10 = vector.load %arg2[%get3A_7, %get3A_8, %get3A_9] : memref<2x1000x8xf32, #tpu.memory_space<vmem>>, vector<1x1000x8xf32>
    %get3A_11 = vector.shape_cast %get3A_10 : vector<1x1000x8xf32> to vector<1000x8xf32>
    %slice3A_12 = vector.extract_strided_slice %get3A_11 {offsets = [0, 0], sizes = [1000, 1], strides = [1, 1]} : vector<1000x8xf32> to vector<1000x1xf32>
    %add3A = arith.addf %slice3A, %slice3A_12 : vector<1000x1xf32>
    %max3A = arith.constant 1.000000e+00 : f32
    %max3A_13 = vector.broadcast %max3A : f32 to vector<1000x1xf32>
    %max3A_14 = arith.maximumf %add3A, %max3A_13 : vector<1000x1xf32>
    %div3A = arith.constant 1.000000e+00 : f32
    %div3A_15 = vector.broadcast %div3A : f32 to vector<1000x1xf32>
    %div3A_16 = arith.divf %div3A_15, %max3A_14 : vector<1000x1xf32>
    %get3A_17 = arith.constant 0 : index
    %get3A_18 = arith.constant 0 : index
    %get3A_19 = vector.load %arg4[%get3A_17, %get3A_18] : memref<256x256xf32, #tpu.memory_space<vmem>>, vector<256x256xf32>
    %get3A_20 = arith.constant 0 : index
    %get3A_21 = arith.constant 0 : index
    %get3A_22 = arith.constant 0 : index
    %get3A_23 = vector.load %arg1[%get3A_20, %get3A_21, %get3A_22] : memref<2x1000x128xf32, #tpu.memory_space<vmem>>, vector<1x1000x128xf32>
    %get3A_24 = vector.shape_cast %get3A_23 : vector<1x1000x128xf32> to vector<1000x128xf32>
    %mul3A = vector.broadcast %div3A_16 : vector<1000x1xf32> to vector<1000x128xf32>
    %mul3A_25 = arith.mulf %get3A_24, %mul3A : vector<1000x128xf32>
    %slice3A_26 = vector.extract_strided_slice %get3A_19 {offsets = [0, 0], sizes = [256, 128], strides = [1, 1]} : vector<256x256xf32> to vector<256x128xf32>
    %dot_general3A = arith.constant dense<0.000000e+00> : vector<1000x256xf32>
    %dot_general3A_27 = tpu.matmul %mul3A_25, %slice3A_26, %dot_general3A {dimension_numbers = #tpu.dot_dimension_numbers<[1], [1], [0], [0], [0, 0, 1, 0], [], []>, transpose_lhs_hint = false} : vector<1000x128xf32>, vector<256x128xf32>, vector<1000x256xf32> -> vector<1000x256xf32>
    %get3A_28 = arith.constant 1 : index
    %get3A_29 = arith.constant 0 : index
    %get3A_30 = arith.constant 0 : index
    %get3A_31 = vector.load %arg1[%get3A_28, %get3A_29, %get3A_30] : memref<2x1000x128xf32, #tpu.memory_space<vmem>>, vector<1x1000x128xf32>
    %get3A_32 = vector.shape_cast %get3A_31 : vector<1x1000x128xf32> to vector<1000x128xf32>
    %mul3A_33 = vector.broadcast %div3A_16 : vector<1000x1xf32> to vector<1000x128xf32>
    %mul3A_34 = arith.mulf %get3A_32, %mul3A_33 : vector<1000x128xf32>
    %slice3A_35 = vector.extract_strided_slice %get3A_19 {offsets = [0, 128], sizes = [256, 128], strides = [1, 1]} : vector<256x256xf32> to vector<256x128xf32>
    %dot_general3A_36 = arith.constant dense<0.000000e+00> : vector<1000x256xf32>
    %dot_general3A_37 = tpu.matmul %mul3A_34, %slice3A_35, %dot_general3A_36 {dimension_numbers = #tpu.dot_dimension_numbers<[1], [1], [0], [0], [0, 0, 1, 0], [], []>, transpose_lhs_hint = false} : vector<1000x128xf32>, vector<256x128xf32>, vector<1000x256xf32> -> vector<1000x256xf32>
    %add3A_38 = arith.addf %dot_general3A_27, %dot_general3A_37 : vector<1000x256xf32>
    %get3A_39 = arith.constant 0 : index
    %get3A_40 = arith.constant 0 : index
    %get3A_41 = vector.load %arg5[%get3A_39, %get3A_40] : memref<256x256xf32, #tpu.memory_space<vmem>>, vector<256x256xf32>
    %dot_general3A_42 = arith.constant dense<0.000000e+00> : vector<1000x256xf32>
    %dot_general3A_43 = tpu.matmul %reshape3A, %get3A_41, %dot_general3A_42 {dimension_numbers = #tpu.dot_dimension_numbers<[1], [1], [0], [0], [0, 0, 1, 0], [], []>, transpose_lhs_hint = false} : vector<1000x256xf32>, vector<256x256xf32>, vector<1000x256xf32> -> vector<1000x256xf32>
    %add3A_44 = arith.addf %add3A_38, %dot_general3A_43 : vector<1000x256xf32>
    %get3A_45 = arith.constant 0 : index
    %get3A_46 = arith.constant 0 : index
    %get3A_47 = vector.load %arg6[%get3A_45, %get3A_46] : memref<1x256xf32, #tpu.memory_space<vmem>>, vector<1x256xf32>
    %add3A_48 = vector.broadcast %get3A_47 : vector<1x256xf32> to vector<1000x256xf32>
    %add3A_49 = arith.addf %add3A_44, %add3A_48 : vector<1000x256xf32>
    %mul3A_50 = arith.mulf %add3A_49, %add3A_49 : vector<1000x256xf32>
    %reduce_sum3A = arith.constant dense<0.000000e+00> : vector<1000xf32>
    %reduce_sum3A_51 = vector.multi_reduction <add>, %mul3A_50, %reduce_sum3A [1] : vector<1000x256xf32> to vector<1000xf32>
    %broadcast_in_dim3A = vector.shape_cast %reduce_sum3A_51 : vector<1000xf32> to vector<1000x1xf32>
    %sqrt3A = math.sqrt %broadcast_in_dim3A : vector<1000x1xf32>
    %max3A_52 = arith.constant 9.99999996E-13 : f32
    %max3A_53 = vector.broadcast %max3A_52 : f32 to vector<1000x1xf32>
    %max3A_54 = arith.maximumf %sqrt3A, %max3A_53 : vector<1000x1xf32>
    %div3A_55 = vector.broadcast %max3A_54 : vector<1000x1xf32> to vector<1000x256xf32>
    %div3A_56 = arith.divf %add3A_49, %div3A_55 : vector<1000x256xf32>
    %swap3A = arith.constant 0 : index
    %swap3A_57 = arith.constant 0 : index
    %swap3A_58 = vector.load %arg7[%swap3A, %swap3A_57] : memref<1000x256xf32, #tpu.memory_space<vmem>>, vector<1000x256xf32>
    tpu.vector_store %arg7[%swap3A, %swap3A_57], %div3A_56 {strides = array<i32>} : memref<1000x256xf32, #tpu.memory_space<vmem>>, vector<1000x256xf32>,
    return
  }
  func.func @transform_0(%arg0: i32) -> (i32, i32, i32) {
    %c0_i32 = arith.constant 0 : i32
    %c0_i32_0 = arith.constant 0 : i32
    %c0_i32_1 = arith.constant 0 : i32
    return %c0_i32, %arg0, %c0_i32_0 : i32, i32, i32
  }
  func.func @transform_1(%arg0: i32) -> (i32, i32, i32) {
    %c0_i32 = arith.constant 0 : i32
    %c0_i32_0 = arith.constant 0 : i32
    %c0_i32_1 = arith.constant 0 : i32
    return %c0_i32, %arg0, %c0_i32_0 : i32, i32, i32
  }
  func.func @transform_2(%arg0: i32) -> (i32, i32) {
    %c0_i32 = arith.constant 0 : i32
    %c0_i32_0 = arith.constant 0 : i32
    return %arg0, %c0_i32 : i32, i32
  }
  func.func @transform_3(%arg0: i32) -> (i32, i32) {
    %c0_i32 = arith.constant 0 : i32
    %c0_i32_0 = arith.constant 0 : i32
    %c0_i32_1 = arith.constant 0 : i32
    return %c0_i32, %c0_i32_0 : i32, i32
  }
  func.func @transform_4(%arg0: i32) -> (i32, i32) {
    %c0_i32 = arith.constant 0 : i32
    %c0_i32_0 = arith.constant 0 : i32
    %c0_i32_1 = arith.constant 0 : i32
    return %c0_i32, %c0_i32_0 : i32, i32
  }
  func.func @transform_5(%arg0: i32) -> (i32, i32) {
    %c0_i32 = arith.constant 0 : i32
    %c0_i32_0 = arith.constant 0 : i32
    %c0_i32_1 = arith.constant 0 : i32
    return %c0_i32, %c0_i32_0 : i32, i32
  }
  func.func @transform_6(%arg0: i32) -> (i32, i32) {
    %c0_i32 = arith.constant 0 : i32
    %c0_i32_0 = arith.constant 0 : i32
    return %arg0, %c0_i32 : i32, i32
  }
}

</mosaic_0001>

<sc_bundles>
// kernel: kernel.10.cloned.1.call-start
scs
__scs_entry_jumppad:
0x0: {  	(pc) =	sbr.rel $0x88, $3  }
0x1: {  	(tag) =	ssettag $0x0;
	lr =	simm.s32 $0x1  }
0x2: {  	[smem:$0x3F99] =	sst lr;
	_ =	strace $0xD0000000  }
0x3: {  	_ = 	snop  }
0x4: {  	_ = 	snop  }
0x5: {  	_ = 	snop  }
0x6: {  	_ = 	snop  }
0x7: {  	_ = 	snop  }
__scs_overlays_trampoline_lowered:
0x8: {  	[smem:$0x3FA8] =	sst s0  }
0x9: {  	[smem:$0x3FA9] =	sst s1  }
0xa: {  	[smem:$0x3FAA] =	sst s2  }
0xb: {  	[smem:$0x3FAB] =	sst s3  }
0xc: {  	[smem:$0x3FAC] =	sst s4  }
0xd: {  	[smem:$0x3FAD] =	sst s5  }
0xe: {  	[smem:$0x3FAE] =	sst s6  }
0xf: {  	[smem:$0x3FAF] =	sst s7  }
0x10: {  	[smem:$0x3FB0] =	sst s8  }
0x11: {  	[smem:$0x3FB1] =	sst s9;
	s0 =	simm.s32 @!p0 $0x0  }
0x12: {  	s1 =	sld [smem:$0x3F97];
	s0 =	simm.s32 @p0 $0x1  }
0x13: {  	[smem:$0x3FB2] =	sst s0;
	s0 =	simm.s32 @!p1 $0x0  }
0x14: {  	s2 =	sld [smem:$0x3F96];
	s0 =	simm.s32 @p1 $0x1  }
0x15: {  	[smem:$0x3FB3] =	sst s0;
	s0 =	simm.s32 @!p2 $0x0  }
0x16: {  	s3 =	sld [smem:$0x3FDB];
	s0 =	simm.s32 @p2 $0x1  }
0x17: {  	s4 =	simm.s32 $0x1BF5;
	[smem:$0x3FB5] =	sst s0  }
0x18: {  	s0 =	sld [smem:$0x3F98];
	_ =	swait.ge [sflag:s4], $0x0  }
0x19: {  	s7 =	sld [smem:$0x3F99]  }
0x1a: {  	s8 =	sadd.s32 $0xFFFFE003, lr  }
0x1b: {  	s9 =	sadd.s32 $0xFFFFFEF7, lr;
	s5 =	simm.s32 $0xFFFFFFFF;
	p2 =	slt.u32 s8, $0xFFFFF086  }
0x1c: {  	p1 =	slt.u32 s9, $0xF7A;
	s5 =	simm.s32 @!p2 $0x0  }
0x1d: {  	s5 =	simm.s32 @p1 $0x1;
	p0 =	seq.s32 s7, s2  }
0x1e: {  	s7 =	smul.u32 @!p0 $0xF7A, s2;
	p2 =	seq.s32 @!p0 s5, $0x0  }
0x1f: {  	s9 =	smul.u32 $0xF7A, s1;
	s8 =	simm.s32 @!p0 $0x1BF5;
	p2 =	por !p2, p0  }
0x20: {  	[sflag:s8] =	ssyncset.s32 @!p0 $0xFFFFF086;
	s6 =	sadd.s32 @!p0 s3, s7;
	s7 =	simm.s32 @!p0 $0x108  }
0x21: {  	s3 =	sadd.s32 s3, s9;
	s6 =	sadd.s32 @!p0 $0x88, s6;
	s7 =	simm.s32 @p2 $0x1082  }
0x22: {  	[simem:s7], [sflag:s8] =	dma.local @!p0 [hbm:s6], $0xF7A  }
0x23: {  	s9 =	sor.u32 $0xD0000000, s2;
	s6 =	simm.s32 $0x108;
	_ =	swait.ge @!p0 [sflag:s8], $0x0  }
0x24: {  	s3 =	sadd.s32 $0x88, s3;
	s6 =	simm.s32 @!p1 $0x1082;
	[sflag:s4] =	ssyncset.s32 $0xFFFFF086  }
0x25: {  	[simem:s6], [sflag:s4] =	dma.local [hbm:s3], $0xF7A  }
0x26: {  	[smem:$0x3F99] =	sst s1;
	(tag) =	ssettag s2;
	_ =	strace s9  }
0x27: {  	s1 =	sld [smem:$0x3FA9]  }
0x28: {  	s2 =	sld [smem:$0x3FAA]  }
0x29: {  	s4 =	sld [smem:$0x3FAC]  }
0x2a: {  	p0 =	seq.s32 s5, $0x0;
	s5 =	sld [smem:$0x3FAD]  }
0x2b: {  	s6 =	sld [smem:$0x3FAE]  }
0x2c: {  	s7 =	sld [smem:$0x3FAF]  }
0x2d: {  	s3 =	simm.s32 $0x108;
	s8 =	sld [smem:$0x3FB0]  }
0x2e: {  	s3 =	simm.s32 @!p0 $0x1082;
	s9 =	sld [smem:$0x3FB1]  }
0x2f: {  	lr =	sadd.s32 s0, s3;
	s0 =	sld [smem:$0x3FA8]  }
0x30: {  	s3 =	sld [smem:$0x3FAB]  }
0x31: {  	[smem:$0x3FB4] =	sst s10  }
0x32: {  	s10 =	sld [smem:$0x3FB2];
	_ =	sdelay $0x3  }
0x33: {  	p0 =	seq.s32 s10, $0x1;
	s10 =	sld [smem:$0x3FB4];
	_ =	sdelay $0x3  }
0x34: {  	[smem:$0x3FB4] =	sst s10  }
0x35: {  	s10 =	sld [smem:$0x3FB3];
	_ =	sdelay $0x3  }
0x36: {  	p1 =	seq.s32 s10, $0x1;
	s10 =	sld [smem:$0x3FB4];
	_ =	sdelay $0x3  }
0x37: {  	[smem:$0x3FB4] =	sst s10  }
0x38: {  	s10 =	sld [smem:$0x3FB5]  }
0x39: {  	_ = 	snop;
	(pc) =	sbr.ind lr, $3  }
0x3a: {  	_ = 	snop  }
0x3b: {  	_ = 	snop  }
0x3c: {  	p2 =	seq.s32 s10, $0x1;
	s10 =	sld [smem:$0x3FB4]  }
0x3d: {  	_ =	shalt  }
0x3e: {  	_ =	shalt  }
0x3f: {  	_ =	shalt  }
0x40: {  	_ =	shalt  }
0x41: {  	_ =	shalt  }
0x42: {  	_ =	shalt  }
0x43: {  	_ =	shalt  }
0x44: {  	_ =	shalt  }
0x45: {  	_ =	shalt  }
0x46: {  	_ =	shalt  }
0x47: {  	_ =	shalt  }
0x48: {  	_ =	shalt  }
0x49: {  	_ =	shalt  }
0x4a: {  	_ =	shalt  }
0x4b: {  	_ =	shalt  }
0x4c: {  	_ =	shalt  }
0x4d: {  	_ =	shalt  }
0x4e: {  	_ =	shalt  }
0x4f: {  	_ =	shalt  }
0x50: {  	_ =	shalt  }
0x51: {  	_ =	shalt  }
0x52: {  	_ =	shalt  }
0x53: {  	_ =	shalt  }
0x54: {  	_ =	shalt  }
0x55: {  	_ =	shalt  }
0x56: {  	_ =	shalt  }
0x57: {  	_ =	shalt  }
0x58: {  	_ =	shalt  }
0x59: {  	_ =	shalt  }
0x5a: {  	_ =	shalt  }
0x5b: {  	_ =	shalt  }
0x5c: {  	_ =	shalt  }
0x5d: {  	_ =	shalt  }
0x5e: {  	_ =	shalt  }
0x5f: {  	_ =	shalt  }
0x60: {  	_ =	shalt  }
0x61: {  	_ =	shalt  }
0x62: {  	_ =	shalt  }
0x63: {  	_ =	shalt  }
0x64: {  	_ =	shalt  }
0x65: {  	_ =	shalt  }
0x66: {  	_ =	shalt  }
0x67: {  	_ =	shalt  }
0x68: {  	_ =	shalt  }
0x69: {  	_ =	shalt  }
0x6a: {  	_ =	shalt  }
0x6b: {  	_ =	shalt  }
0x6c: {  	_ =	shalt  }
0x6d: {  	_ =	shalt  }
0x6e: {  	_ =	shalt  }
0x6f: {  	_ =	shalt  }
0x70: {  	_ =	shalt  }
0x71: {  	_ =	shalt  }
0x72: {  	_ =	shalt  }
0x73: {  	_ =	shalt  }
0x74: {  	_ =	shalt  }
0x75: {  	_ =	shalt  }
0x76: {  	_ =	shalt  }
0x77: {  	_ =	shalt  }
0x78: {  	_ =	shalt  }
0x79: {  	_ =	shalt  }
0x7a: {  	_ =	shalt  }
0x7b: {  	_ =	shalt  }
0x7c: {  	_ =	shalt  }
0x7d: {  	_ =	shalt  }
0x7e: {  	_ =	shalt  }
0x7f: {  	_ =	shalt  }
0x80: {  	_ =	shalt  }
0x81: {  	_ =	shalt  }
0x82: {  	_ =	shalt  }
0x83: {  	_ =	shalt  }
0x84: {  	_ =	shalt  }
0x85: {  	_ =	shalt  }
0x86: {  	_ =	shalt  }
0x87: {  	_ =	shalt  }
.Lfunc_end0:
.L_simem_size_0:
called_computation.1_lowered:
.L_overlay_start_0:
0x88: {  	s2 =	sld [smem:$0x3FD9]  }
0x89: {  	s3 =	sld [smem:$0x3FFE];
	_ =	sdelay $0x1  }
0x8a: {  	s1 =	srdreg.scid  }
0x8b: {  	s0 =	sand.u32 $0x1, s1  }
0x8c: {  	s17 =	sshll.u32 s0, $0xA;
	s2 =	sadd.s32 s3, s2  }
0x8d: {  	s2 =	sadd.s32 s2, s17  }
0x8e: {  	[smem:$0x3FC0] =	sst s2  }
0x8f: {  	_ = 	snop  }
0x90: {  	s2 =	sld [smem:$0x3FD0];
	(tm) =	ssettm $0x1  }
0x91: {  	s18 =	sld [smem:$0x3FFB];
	_ =	sdelay $0x3  }
0x92: {  	_ =	strace s18  }
0x93: {  	s3 =	sld [smem:$0x3FFC];
	_ =	sdelay $0x3  }
0x94: {  	_ =	strace s3  }
0x95: {  	s3 =	sld [smem:$0x3FFD];
	_ =	sdelay $0x3  }
0x96: {  	_ =	strace s3  }
0x97: {  	_ =	strace $0x8FFFFFFF  }
0x98: {  	s19 =	sld [smem:$0x3FDB];
	_ =	sdelay $0x1  }
0x99: {  	s4 =	simm.s32 $_scs_section_size  }
0x9a: {  	s5 =	simm.s32 $_size__tile_overlayer_lowered;
	s6 =	simm.s32 $_tile_overlayer_lowered  }
0x9b: {  	s22 =	simm.s32 $0x1BFF;
	s21 =	sshll.u32 s6, $0x1;
	s3 =	sadd.s32 s4, s19  }
0x9c: {  	s7 =	simm.s32 $0x0;
	s20 =	sshll.u32 s5, $0x1;
	s5 =	sadd.s32 s21, s3  }
0x9d: {  	[timem:s7], [sflag:s22] =	dma.local [hbm:s5], s20  }
0x9e: {  	_ =	swait.ge [sflag:s22], s20  }
0x9f: {  	s4 =	ssub.s32 $0x0, s20;
	[sflag:s22] =	ssyncset.done $0x0  }
0xa0: {  	[sflag:s22] =	ssyncadd.s32 s4;
	_ =	sdelay $0x1  }
0xa1: {  	s23 =	simm.s32 $0x1B8B  }
0xa2: {  	_ =	swait.ge [sflag:s23], $0x1  }
0xa3: {  	[sflag:s23] =	ssyncset.done $0x0  }
0xa4: {  	s25 =	simm.s32 $0x1B8E;
	s24 =	sld [smem:$0x3FFE];
	[sflag:s23] =	ssyncadd.s32 $0xFFFFFFFF  }
0xa5: {  	s26 =	simm.s32 $execute0_lowered;
	[smem:$0x3FD2] =	sst s25  }
0xa6: {  	s5 =	sshll.u32 s26, $0x1;
	_ =	strace $0x80000049;
	[dreg:$0x1] =	wrdreg $0xFFFFFFFF  }
0xa7: {  	s28 =	simm.s32 $_size_execute0_lowered;
	s3 =	sadd.s32 s3, s5;
	[dreg:$0x0] =	wrdreg $0x0  }
0xa8: {  	s5 =	sshll.u32 s28, $0x1;
	[dreg:$0x2] =	wrdreg s3  }
0xa9: {  	[dreg:$0x3] =	wrdreg s5  }
0xaa: {  	[dreg:$0x4] =	wrdreg $0xC0  }
0xab: {  	_ =	task [dreg:s7], $0x5FFFF  }
0xac: {  	[dreg:$0x1] =	wrdreg $0xFFFFFFFF  }
0xad: {  	[dreg:$0x0] =	wrdreg $0x60  }
0xae: {  	[dreg:$0x2] =	wrdreg s2  }
0xaf: {  	[dreg:$0x3] =	wrdreg s24  }
0xb0: {  	[dreg:$0x4] =	wrdreg $0x98000  }
0xb1: {  	[dreg:$0x5] =	wrdreg $0x9  }
0xb2: {  	_ =	task.clear_ibuf [dreg:s7], $0x6FFFF;
	_ =	strace $0x90000049  }
0xb3: {  	s29 =	simm.s32 $0x9;
	_ =	strace $0x8000004B  }
0xb4: {  	_ =	swait.ge [sflag:s29], $0x1  }
0xb5: {  	[sflag:s29] =	ssyncadd.s32 $0xFFFFFFFF  }
0xb6: {  	_ =	strace $0x9000004B  }
0xb7: {  	_ =	sfence  }
0xb8: {  	s30 =	sld [smem:$0x0];
	_ =	sdelay $0x2  }
0xb9: {  	s31 =	sshll.u32 s1, $0xD;
	s1 =	sshrl.u32 s1, $0x2  }
0xba: {  	s3 =	sand.u32 $0x4000, s31;
	s1 =	sadd.s32 s1, s30  }
0xbb: {  	s0 =	sor.u32 s3, s0;
	s1 =	sshll.u32 s1, $0x11  }
0xbc: {  	s0 =	sor.u32 s1, s0  }
0xbd: {  	s0 =	sadd.s32 $0x8F2B, s0  }
0xbe: {  	[sflag:s0] =	ssyncadd.remote.s32 $0x1  }
0xbf: {  	_ =	sfence.sel $0xFFFF  }
0xc0: {  	[dreg:$0x0] =	wrdreg $0xFFFFFFFF;
	(pc) =	sbr.abs _section_cstart, $3  }
0xc1: {  	[dreg:$0x1] =	wrdreg $0xFFFFFFFF  }
0xc2: {  	_ =	task.clear_ibuf [dreg:s7], $0x2FFFF;
	_ =	strace $0x9FFFFFFF  }
0xc3: {  	(tm) =	ssettm $0x7FFFFFFF  }
tec
execute0_lowered:
.L_overlay_start_1:
0x0: {  	(tag) =	ssettag $0x1  }
0x1: {  	s1 =	rddreg [dreg:$0x0]  }
0x2: {  	s0 =	rddreg [dreg:$0x1]  }
0x3: {  	s2 =	rddreg [dreg:$0x2];
	s3 =	srdreg.scid  }
0x4: {  	s4 =	simm.s32 $0x0;
	s12 =	stileid.u32;
	s3 =	sand.u32 $0x1, s3  }
0x5: {  	[smem:$0x7FF] =	sst s4;
	s6 =	smul.u32 $0x50000, s12;
	s14 =	sadd.s32 $0x60A00, s0  }
0x6: {  	s18 =	smul.u32 $0x2800, s12;
	s5 =	sshll.u32 s3, $0x4;
	_ =	strace $0x8000004A  }
0x7: {  	s8 =	smul.u32 $0x27100, s3;
	s3 =	ssub.s32 $0x2, s3;
	s7 =	sadd.s32 s5, s0  }
0x8: {  	s13 =	sshrl.u32 s6, $0x2;
	s9 =	sshrl.u32 s3, $0x1;
	s24 =	sshrl.u32 s18, $0x7  }
0x9: {  	[dreg:$0x8] =	wrdreg s18;
	s5 =	sadd.s32 s13, s2;
	s3 =	ssub.s32 s3, s9  }
0xa: {  	s9 =	sshrl.u32 s18, $0x3;
	s18 =	sadd.s32 $0x12E800, s2;
	[dreg:$0x4] =	wrdreg s5  }
0xb: {  	s0 =	sadd.s32 s8, s0;
	s7 =	sadd.s32 $0x56800, s7;
	[dreg:$0x1d] =	wrdreg s18  }
0xc: {  	s8 =	sor.u32 $0x1, s24;
	s24 =	sadd.s32 $0x134C00, s2;
	[dreg:$0x14] =	wrdreg s7  }
0xd: {  	s15 =	sadd.s32 $0x1400, s5;
	[smem:$0x7F9] =	sst s24  }
0xe: {  	s16 =	sadd.s32 $0x2800, s5;
	[dreg:$0x5] =	wrdreg s15  }
0xf: {  	s17 =	sadd.s32 $0x3C00, s5;
	[dreg:$0x6] =	wrdreg s16  }
0x10: {  	s19 =	sadd.s32 $0x5000, s5;
	[dreg:$0x7] =	wrdreg s17  }
0x11: {  	s20 =	sadd.s32 $0x6400, s5;
	[dreg:$0x9] =	wrdreg s19  }
0x12: {  	s21 =	sadd.s32 $0x7800, s5;
	[dreg:$0xa] =	wrdreg s20  }
0x13: {  	s22 =	sadd.s32 $0x8C00, s5;
	[dreg:$0xb] =	wrdreg s21  }
0x14: {  	s23 =	sadd.s32 $0xA000, s5;
	[dreg:$0xc] =	wrdreg s22  }
0x15: {  	s10 =	sadd.s32 $0xB400, s5;
	[dreg:$0xd] =	wrdreg s23  }
0x16: {  	s25 =	sadd.s32 $0xC800, s5;
	[dreg:$0xe] =	wrdreg s10  }
0x17: {  	s13 =	sadd.s32 $0xDC00, s5;
	[dreg:$0xf] =	wrdreg s25  }
0x18: {  	s9 =	sadd.s32 s14, s9;
	[dreg:$0x10] =	wrdreg s13  }
0x19: {  	s28 =	simm.s32 $0x280;
	s31 =	sadd.s32 $0xF000, s5;
	[dreg:$0x11] =	wrdreg s9  }
0x1a: {  	s26 =	sshll.u32 s8, $0x4;
	s0 =	sadd.s32 $0x65A00, s0;
	[dreg:$0x13] =	wrdreg s31  }
0x1b: {  	s11 =	smul.u32 $0x500, s12;
	s30 =	sadd.s32 s14, s26;
	[dreg:$0x15] =	wrdreg s0  }
0x1c: {  	s29 =	simm.s32 $0x100;
	s10 =	smax.u32 s3, $0x1;
	[dreg:$0x12] =	wrdreg s30  }
0x1d: {  	s20 =	sadd.s32 s11, s14;
	s11 =	sadd.s32 $0x10400, s5;
	[dreg:$0x16] =	wrdreg s10  }
0x1e: {  	p0 =	seq.s32 s12, $0xF;
	s13 =	sadd.s32 $0x11800, s5;
	[dreg:$0x17] =	wrdreg s11  }
0x1f: {  	s6 =	simm.s32 $0x1;
	s14 =	sadd.s32 $0x12C00, s5;
	[dreg:$0x18] =	wrdreg s13  }
0x20: {  	s18 =	simm.s32 $0x6;
	s15 =	sadd.s32 $0x12D400, s2;
	[dreg:$0x19] =	wrdreg s14  }
0x21: {  	s24 =	simm.s32 $0x4;
	s19 =	sadd.s32 $0x12FC00, s2;
	[dreg:$0x1a] =	wrdreg s15  }
0x22: {  	s9 =	sshll.u32 s8, $0x5;
	s21 =	sadd.s32 $0x12C000, s2;
	[dreg:$0x1e] =	wrdreg s19  }
0x23: {  	s16 =	smul.u32 $0xA00, s12;
	s22 =	sadd.s32 $0x132400, s2;
	[dreg:$0x1f] =	wrdreg s21  }
0x24: {  	s23 =	sadd.s32 $0x133800, s2;
	s25 =	sadd.s32 $0x131000, s2;
	[smem:$0x7F6] =	sst s22  }
0x25: {  	s26 =	sadd.s32 $0x136000, s2;
	s31 =	sadd.s32 $0x138800, s2;
	[smem:$0x7F8] =	sst s23  }
0x26: {  	s8 =	simm.s32 $0x400;
	s12 =	simm.s32 $0x380;
	[smem:$0x7FA] =	sst s25  }
0x27: {  	s3 =	simm.s32 $0x3;
	s17 =	sadd.s32 s9, s7;
	[smem:$0x7FB] =	sst s26  }
0x28: {  	s30 =	sadd.s32 $0x137400, s2;
	[smem:$0x7FD] =	sst s31;
	s25 =	simm.s32 $0x200  }
0x29: {  	s26 =	simm.s32 $0x80;
	s11 =	simm.s32 $0x180;
	s13 =	simm.s32 $0x2  }
0x2a: {  	s14 =	simm.s32 $0x4400;
	s15 =	simm.s32 $0x5;
	[dreg:$0x1c] =	wrdreg s17  }
0x2b: {  	s19 =	simm.s32 $0x8;
	[dreg:$0x1b] =	wrdreg s16;
	s0 =	sor.u32 $0xA0, s16  }
0x2c: {  	s9 =	simm.s32 $0x0;
	[smem:$0x7FC] =	sst s30;
	s0 =	sadd.s32 s7, s0  }
0x2d: {  	v0 =	vimm.f32 $0.0e+00;
	s16 =	simm.s32 $0x7;
	[smem:$0x7F7] =	sst s0;
	s0 =	simm.s32 $0x300  }
.LBB2_1:
0x2e: {  	[smem:$0x7F5] =	sst s9;
	s7 =	simm.s32 $0x70;
	s9 =	simm.s32 $0x3C0  }
.LBB2_2:
0x2f: {  	p1 =	sne.s32 s9, $0x4FC0;
	[tilespmem:s7+$0x8400] =	vst v0  }
0x30: {  	[tilespmem:s7+$0x8390] =	vst v0  }
0x31: {  	[tilespmem:s7+$0x83A0] =	vst v0  }
.Ltmp0:
0x32: {  	[tilespmem:s7+$0x83B0] =	vst v0;
	(pc) =	sbr.rel @p1 .LBB2_2-.Ltmp0, $4  }
0x33: {  	[tilespmem:s7+$0x83C0] =	vst v0  }
0x34: {  	[tilespmem:s7+$0x83D0] =	vst v0  }
0x35: {  	[tilespmem:s7+$0x83E0] =	vst v0  }
0x36: {  	[tilespmem:s7+$0x83F0] =	vst v0;
	s7 =	sshra.s32 s9, $0x2;
	s9 =	sadd.s32 $0x200, s9  }
0x37: {  	[tilespmem:s7+$0x8400] =	vst v0  }
0x38: {  	[tilespmem:s7+$0x8390] =	vst v0  }
0x39: {  	[tilespmem:s7+$0x83A0] =	vst v0  }
.Ltmp1:
0x3a: {  	[tilespmem:s7+$0x83B0] =	vst v0;
	(pc) =	sbr.rel @!p0 .LBB2_4-.Ltmp1, $4  }
0x3b: {  	[tilespmem:s7+$0x83C0] =	vst v0  }
0x3c: {  	[tilespmem:s7+$0x83D0] =	vst v0  }
0x3d: {  	[tilespmem:s7+$0x83E0] =	vst v0  }
0x3e: {  	[tilespmem:s7+$0x83F0] =	vst v0  }
0x3f: {  	s5 =	rddreg [dreg:$0x1f];
	s7 =	simm.s32 $0x8400;
	s9 =	simm.s32 $0x9  }
0x40: {  	[spmem:s5] =	stream.linear.scatter [tilespmem:s7], [sflag:$0x9], $0x1400, $0x38;
	[tilespmem:$0x1D100] =	vst v63  }
0x41: {  	_ =	swait.ge [sflag:s9], $0x1400  }
0x42: {  	[sflag:s9] =	ssyncset.done $0x0  }
0x43: {  	s23 =	rddreg [dreg:$0x1a];
	[sflag:s9] =	ssyncadd.s32 $0xFFFFEC00  }
0x44: {  	[spmem:s23] =	stream.linear.scatter [tilespmem:s7], [sflag:$0x9], $0x1400, $0x38;
	[tilespmem:$0x1D100] =	vst v63  }
0x45: {  	_ =	swait.ge [sflag:s9], $0x1400  }
0x46: {  	[sflag:s9] =	ssyncset.done $0x0  }
0x47: {  	s30 =	rddreg [dreg:$0x1d];
	[sflag:s9] =	ssyncadd.s32 $0xFFFFEC00  }
0x48: {  	[spmem:s30] =	stream.linear.scatter [tilespmem:s7], [sflag:$0x9], $0x1400, $0x38;
	[tilespmem:$0x1D100] =	vst v63  }
0x49: {  	_ =	swait.ge [sflag:s9], $0x1400  }
0x4a: {  	[sflag:s9] =	ssyncset.done $0x0  }
0x4b: {  	s31 =	rddreg [dreg:$0x1e];
	[sflag:s9] =	ssyncadd.s32 $0xFFFFEC00  }
0x4c: {  	[spmem:s31] =	stream.linear.scatter [tilespmem:s7], [sflag:$0x9], $0x1400, $0x38;
	[tilespmem:$0x1D100] =	vst v63  }
0x4d: {  	_ =	swait.ge [sflag:s9], $0x1400  }
0x4e: {  	s10 =	sld [smem:$0x7FA]  }
0x4f: {  	[sflag:s9] =	ssyncset.done $0x0  }
0x50: {  	[sflag:s9] =	ssyncadd.s32 $0xFFFFEC00  }
0x51: {  	[spmem:s10] =	stream.linear.scatter [tilespmem:s7], [sflag:$0x9], $0x1400, $0x38;
	[tilespmem:$0x1D100] =	vst v63  }
0x52: {  	_ =	swait.ge [sflag:s9], $0x1400  }
0x53: {  	s17 =	sld [smem:$0x7F6]  }
0x54: {  	[sflag:s9] =	ssyncset.done $0x0  }
0x55: {  	[sflag:s9] =	ssyncadd.s32 $0xFFFFEC00  }
0x56: {  	[spmem:s17] =	stream.linear.scatter [tilespmem:s7], [sflag:$0x9], $0x1400, $0x38;
	[tilespmem:$0x1D100] =	vst v63  }
0x57: {  	_ =	swait.ge [sflag:s9], $0x1400  }
0x58: {  	s21 =	sld [smem:$0x7F8]  }
0x59: {  	[sflag:s9] =	ssyncset.done $0x0  }
0x5a: {  	[sflag:s9] =	ssyncadd.s32 $0xFFFFEC00  }
0x5b: {  	[spmem:s21] =	stream.linear.scatter [tilespmem:s7], [sflag:$0x9], $0x1400, $0x38;
	[tilespmem:$0x1D100] =	vst v63  }
0x5c: {  	_ =	swait.ge [sflag:s9], $0x1400  }
0x5d: {  	s22 =	sld [smem:$0x7F9]  }
0x5e: {  	[sflag:s9] =	ssyncset.done $0x0  }
0x5f: {  	[sflag:s9] =	ssyncadd.s32 $0xFFFFEC00  }
0x60: {  	[spmem:s22] =	stream.linear.scatter [tilespmem:s7], [sflag:$0x9], $0x1400, $0x38;
	[tilespmem:$0x1D100] =	vst v63  }
0x61: {  	_ =	swait.ge [sflag:s9], $0x1400  }
0x62: {  	s23 =	sld [smem:$0x7FB]  }
0x63: {  	[sflag:s9] =	ssyncset.done $0x0  }
0x64: {  	[sflag:s9] =	ssyncadd.s32 $0xFFFFEC00  }
0x65: {  	[spmem:s23] =	stream.linear.scatter [tilespmem:s7], [sflag:$0x9], $0x1400, $0x38;
	[tilespmem:$0x1D100] =	vst v63  }
0x66: {  	_ =	swait.ge [sflag:s9], $0x1400  }
0x67: {  	s30 =	sld [smem:$0x7FC]  }
0x68: {  	[sflag:s9] =	ssyncset.done $0x0  }
0x69: {  	[sflag:s9] =	ssyncadd.s32 $0xFFFFEC00  }
0x6a: {  	[spmem:s30] =	stream.linear.scatter [tilespmem:s7], [sflag:$0x9], $0x1400, $0x38;
	[tilespmem:$0x1D100] =	vst v63  }
0x6b: {  	_ =	swait.ge [sflag:s9], $0x1400  }
0x6c: {  	s31 =	sld [smem:$0x7FD]  }
0x6d: {  	[sflag:s9] =	ssyncset.done $0x0  }
.Ltmp2:
0x6e: {  	[sflag:s9] =	ssyncadd.s32 $0xFFFFEC00;
	(pc) =	sbr.rel .LBB2_6-.Ltmp2, $4  }
0x6f: {  	[spmem:s31] =	stream.linear.scatter [tilespmem:s7], [sflag:$0x9], $0x800, $0x38;
	[tilespmem:$0x1D100] =	vst v63  }
0x70: {  	_ =	swait.ge [sflag:s9], $0x800  }
0x71: {  	[sflag:s9] =	ssyncset.done $0x0  }
0x72: {  	[sflag:s9] =	ssyncadd.s32 $0xFFFFF800  }
.LBB2_4:
0x73: {  	s5 =	rddreg [dreg:$0x4];
	s7 =	simm.s32 $0x8400;
	s9 =	simm.s32 $0x9  }
0x74: {  	[spmem:s5] =	stream.linear.scatter [tilespmem:s7], [sflag:$0x9], $0x1400, $0x38;
	[tilespmem:$0x1D100] =	vst v63  }
0x75: {  	_ =	swait.ge [sflag:s9], $0x1400  }
0x76: {  	[sflag:s9] =	ssyncset.done $0x0  }
0x77: {  	s31 =	rddreg [dreg:$0x5];
	[sflag:s9] =	ssyncadd.s32 $0xFFFFEC00  }
0x78: {  	[spmem:s31] =	stream.linear.scatter [tilespmem:s7], [sflag:$0x9], $0x1400, $0x38;
	[tilespmem:$0x1D100] =	vst v63  }
0x79: {  	_ =	swait.ge [sflag:s9], $0x1400  }
0x7a: {  	[sflag:s9] =	ssyncset.done $0x0  }
0x7b: {  	s10 =	rddreg [dreg:$0x6];
	[sflag:s9] =	ssyncadd.s32 $0xFFFFEC00  }
0x7c: {  	[spmem:s10] =	stream.linear.scatter [tilespmem:s7], [sflag:$0x9], $0x1400, $0x38;
	[tilespmem:$0x1D100] =	vst v63  }
0x7d: {  	_ =	swait.ge [sflag:s9], $0x1400  }
0x7e: {  	[sflag:s9] =	ssyncset.done $0x0  }
0x7f: {  	s17 =	rddreg [dreg:$0x7];
	[sflag:s9] =	ssyncadd.s32 $0xFFFFEC00  }
0x80: {  	[spmem:s17] =	stream.linear.scatter [tilespmem:s7], [sflag:$0x9], $0x1400, $0x38;
	[tilespmem:$0x1D100] =	vst v63  }
0x81: {  	_ =	swait.ge [sflag:s9], $0x1400  }
0x82: {  	[sflag:s9] =	ssyncset.done $0x0  }
0x83: {  	s21 =	rddreg [dreg:$0x9];
	[sflag:s9] =	ssyncadd.s32 $0xFFFFEC00  }
0x84: {  	[spmem:s21] =	stream.linear.scatter [tilespmem:s7], [sflag:$0x9], $0x1400, $0x38;
	[tilespmem:$0x1D100] =	vst v63  }
0x85: {  	_ =	swait.ge [sflag:s9], $0x1400  }
0x86: {  	[sflag:s9] =	ssyncset.done $0x0  }
0x87: {  	s22 =	rddreg [dreg:$0xa];
	[sflag:s9] =	ssyncadd.s32 $0xFFFFEC00  }
0x88: {  	[spmem:s22] =	stream.linear.scatter [tilespmem:s7], [sflag:$0x9], $0x1400, $0x38;
	[tilespmem:$0x1D100] =	vst v63  }
0x89: {  	_ =	swait.ge [sflag:s9], $0x1400  }
0x8a: {  	[sflag:s9] =	ssyncset.done $0x0  }
0x8b: {  	s23 =	rddreg [dreg:$0xb];
	[sflag:s9] =	ssyncadd.s32 $0xFFFFEC00  }
0x8c: {  	[spmem:s23] =	stream.linear.scatter [tilespmem:s7], [sflag:$0x9], $0x1400, $0x38;
	[tilespmem:$0x1D100] =	vst v63  }
0x8d: {  	_ =	swait.ge [sflag:s9], $0x1400  }
0x8e: {  	[sflag:s9] =	ssyncset.done $0x0  }
0x8f: {  	s30 =	rddreg [dreg:$0xc];
	[sflag:s9] =	ssyncadd.s32 $0xFFFFEC00  }
0x90: {  	[spmem:s30] =	stream.linear.scatter [tilespmem:s7], [sflag:$0x9], $0x1400, $0x38;
	[tilespmem:$0x1D100] =	vst v63  }
0x91: {  	_ =	swait.ge [sflag:s9], $0x1400  }
0x92: {  	[sflag:s9] =	ssyncset.done $0x0  }
0x93: {  	s31 =	rddreg [dreg:$0xd];
	[sflag:s9] =	ssyncadd.s32 $0xFFFFEC00  }
0x94: {  	[spmem:s31] =	stream.linear.scatter [tilespmem:s7], [sflag:$0x9], $0x1400, $0x38;
	[tilespmem:$0x1D100] =	vst v63  }
0x95: {  	_ =	swait.ge [sflag:s9], $0x1400  }
0x96: {  	[sflag:s9] =	ssyncset.done $0x0  }
0x97: {  	s10 =	rddreg [dreg:$0xe];
	[sflag:s9] =	ssyncadd.s32 $0xFFFFEC00  }
0x98: {  	[spmem:s10] =	stream.linear.scatter [tilespmem:s7], [sflag:$0x9], $0x1400, $0x38;
	[tilespmem:$0x1D100] =	vst v63  }
0x99: {  	_ =	swait.ge [sflag:s9], $0x1400  }
0x9a: {  	[sflag:s9] =	ssyncset.done $0x0  }
0x9b: {  	s17 =	rddreg [dreg:$0xf];
	[sflag:s9] =	ssyncadd.s32 $0xFFFFEC00  }
0x9c: {  	[spmem:s17] =	stream.linear.scatter [tilespmem:s7], [sflag:$0x9], $0x1400, $0x38;
	[tilespmem:$0x1D100] =	vst v63  }
0x9d: {  	_ =	swait.ge [sflag:s9], $0x1400  }
0x9e: {  	[sflag:s9] =	ssyncset.done $0x0  }
0x9f: {  	s21 =	rddreg [dreg:$0x10];
	[sflag:s9] =	ssyncadd.s32 $0xFFFFEC00  }
0xa0: {  	[spmem:s21] =	stream.linear.scatter [tilespmem:s7], [sflag:$0x9], $0x1400, $0x38;
	[tilespmem:$0x1D100] =	vst v63  }
0xa1: {  	_ =	swait.ge [sflag:s9], $0x1400  }
0xa2: {  	[sflag:s9] =	ssyncset.done $0x0  }
0xa3: {  	s22 =	rddreg [dreg:$0x13];
	[sflag:s9] =	ssyncadd.s32 $0xFFFFEC00  }
0xa4: {  	[spmem:s22] =	stream.linear.scatter [tilespmem:s7], [sflag:$0x9], $0x1400, $0x38;
	[tilespmem:$0x1D100] =	vst v63  }
0xa5: {  	_ =	swait.ge [sflag:s9], $0x1400  }
0xa6: {  	[sflag:s9] =	ssyncset.done $0x0  }
0xa7: {  	s23 =	rddreg [dreg:$0x17];
	[sflag:s9] =	ssyncadd.s32 $0xFFFFEC00  }
0xa8: {  	[spmem:s23] =	stream.linear.scatter [tilespmem:s7], [sflag:$0x9], $0x1400, $0x38;
	[tilespmem:$0x1D100] =	vst v63  }
0xa9: {  	_ =	swait.ge [sflag:s9], $0x1400  }
0xaa: {  	[sflag:s9] =	ssyncset.done $0x0  }
0xab: {  	s30 =	rddreg [dreg:$0x18];
	[sflag:s9] =	ssyncadd.s32 $0xFFFFEC00  }
0xac: {  	[spmem:s30] =	stream.linear.scatter [tilespmem:s7], [sflag:$0x9], $0x1400, $0x38;
	[tilespmem:$0x1D100] =	vst v63  }
0xad: {  	_ =	swait.ge [sflag:s9], $0x1400  }
0xae: {  	[sflag:s9] =	ssyncset.done $0x0  }
0xaf: {  	s31 =	rddreg [dreg:$0x19];
	[sflag:s9] =	ssyncadd.s32 $0xFFFFEC00  }
0xb0: {  	[spmem:s31] =	stream.linear.scatter [tilespmem:s7], [sflag:$0x9], $0x1400, $0x38;
	[tilespmem:$0x1D100] =	vst v63  }
0xb1: {  	_ =	swait.ge [sflag:s9], $0x1400  }
0xb2: {  	[sflag:s9] =	ssyncset.done $0x0  }
0xb3: {  	[sflag:s9] =	ssyncadd.s32 $0xFFFFEC00  }
.LBB2_6:
0xb4: {  	[bflag:$0x0] =	sbarrier.arrive $0xFFFF  }
0xb5: {  	s5 =	rddreg [dreg:$0x14]  }
0xb6: {  	s7 =	rddreg [dreg:$0x1b]  }
0xb7: {  	s9 =	simm.s32 $0x0;
	s7 =	sadd.s32 s7, s5  }
0xb8: {  	[tilespmem:s9], [sflag:$0x1] =	stream.linear.gather [hbm4b:s7+s9], $0x80, $0x38;
	[tilespmem:$0x1D100] =	vst v63  }
0xb9: {  	s31 =	rddreg [dreg:$0x11]  }
0xba: {  	[tilespmem:s25], [sflag:$0x1] =	stream.linear.gather [hbm4b:s31+s9], $0x80, $0x38;
	[tilespmem:$0x1D100] =	vst v63  }
0xbb: {  	p1 =	por $0x1, $0x1;
	s7 =	rddreg [dreg:$0x1c]  }
0xbc: {  	[tilespmem:s26], [sflag:$0x2] =	stream.linear.gather [hbm4b:s7+s9], $0x80, $0x38;
	[tilespmem:$0x1D100] =	vst v63  }
0xbd: {  	s10 =	rddreg [dreg:$0x12];
	s7 =	simm.s32 @!p1 $0x7  }
0xbe: {  	[tilespmem:s28], [sflag:$0x2] =	stream.linear.gather [hbm4b:s10+s9], $0x80, $0x38;
	[tilespmem:$0x1D100] =	vst v63  }
0xbf: {  	_ =	swait.ge @!p1 [sflag:s7], $0x4000  }
0xc0: {  	s5 =	sld [smem:$0x7F7];
	_ =	sdelay $0x1  }
0xc1: {  	[sflag:s7] =	ssyncset.done @!p1 $0x0  }
0xc2: {  	s22 =	sadd.s32 $0x0, s20;
	[sflag:s7] =	ssyncadd.s32 @!p1 $0xFFFFC000;
	s17 =	sadd.s32 $0xFFFFFFA0, s5  }
0xc3: {  	[tilespmem:s29], [sflag:$0x3] =	stream.linear.gather [hbm4b:s17+s4], $0x80, $0x38;
	[tilespmem:$0x1D100] =	vst v63  }
0xc4: {  	s21 =	sadd.s32 $0x20, s22  }
0xc5: {  	[tilespmem:s0], [sflag:$0x3] =	stream.linear.gather [hbm4b:s21+s4], $0x80, $0x38;
	[tilespmem:$0x1D100] =	vst v63  }
0xc6: {  	_ =	swait.ge [sflag:s6], $0x80  }
0xc7: {  	[sflag:s6] =	ssyncset.done $0x0  }
0xc8: {  	[sflag:s6] =	ssyncadd.s32 $0xFFFFFF80  }
0xc9: {  	_ =	swait.ge [sflag:s6], $0x80  }
0xca: {  	[sflag:s6] =	ssyncset.done $0x0  }
0xcb: {  	s7 =	simm.s32 @!p1 $0x6;
	[sflag:s6] =	ssyncadd.s32 $0xFFFFFF80  }
0xcc: {  	[tilespmem:s8], [sflag:$0x5] =	stream.indirect.gather [hbm4b:s1+s26], $0x80, s4, s26, $0xb8;
	[tilespmem:$0x1D100] =	vst v63  }
0xcd: {  	_ =	swait.ge @!p1 [sflag:s7], $0x4000  }
0xce: {  	s30 =	simm.s32 @!p1 $0x80;
	[sflag:s7] =	ssyncset.done @!p1 $0x0  }
0xcf: {  	s9 =	simm.s32 @!p1 $0x4400;
	[sflag:s7] =	ssyncadd.s32 @!p1 $0xFFFFC000;
	s7 =	simm.s32 @!p1 $0x380  }
0xd0: {  	[spmem:s2] =	stream.indirect.scatter.add.f32 @!p1 [tilespmem:s9], [sflag:$0x8], $0x80, s7, s30, $0xb8;
	[tilespmem:$0x1D100] =	vst v63  }
0xd1: {  	s7 =	simm.s32 @!p1 $0x8  }
0xd2: {  	_ =	swait.ge @!p1 [sflag:s7], $0x4000  }
0xd3: {  	[sflag:s7] =	ssyncset.done @!p1 $0x0  }
0xd4: {  	s23 =	sadd.s32 $0xFFFFFFC0, s5;
	[sflag:s7] =	ssyncadd.s32 @!p1 $0xFFFFC000  }
0xd5: {  	[tilespmem:s11], [sflag:$0x4] =	stream.linear.gather [hbm4b:s23+s4], $0x80, $0x38;
	[tilespmem:$0x1D100] =	vst v63  }
0xd6: {  	s31 =	sadd.s32 $0x30, s22  }
0xd7: {  	[tilespmem:s12], [sflag:$0x4] =	stream.linear.gather [hbm4b:s31+s4], $0x80, $0x38;
	[tilespmem:$0x1D100] =	vst v63  }
0xd8: {  	_ =	swait.ge [sflag:s13], $0x80  }
0xd9: {  	[sflag:s13] =	ssyncset.done $0x0  }
0xda: {  	[sflag:s13] =	ssyncadd.s32 $0xFFFFFF80  }
0xdb: {  	_ =	swait.ge [sflag:s13], $0x80  }
0xdc: {  	[sflag:s13] =	ssyncset.done $0x0  }
0xdd: {  	[sflag:s13] =	ssyncadd.s32 $0xFFFFFF80  }
0xde: {  	[tilespmem:s14], [sflag:$0x6] =	stream.indirect.gather [hbm4b:s1+s26], $0x80, s26, s26, $0xb8;
	[tilespmem:$0x1D100] =	vst v63  }
0xdf: {  	_ =	swait.ge [sflag:s15], $0x4000  }
0xe0: {  	[sflag:s15] =	ssyncset.done $0x0  }
0xe1: {  	[sflag:s15] =	ssyncadd.s32 $0xFFFFC000  }
0xe2: {  	[spmem:s2] =	stream.indirect.scatter.add.f32 [tilespmem:s8], [sflag:$0x7], $0x80, s25, s26, $0xb8;
	[tilespmem:$0x1D100] =	vst v63  }
0xe3: {  	p1 =	por $0x0, $0x0;
	_ =	swait.ge [sflag:s16], $0x4000  }
0xe4: {  	s7 =	sadd.s32 @!p1 $0xFFFFFFE0, s5;
	[sflag:s16] =	ssyncset.done $0x0  }
0xe5: {  	s9 =	simm.s32 @!p1 $0x0;
	s22 =	sadd.s32 @!p1 $0x0, s20;
	[sflag:s16] =	ssyncadd.s32 $0xFFFFC000  }
0xe6: {  	[tilespmem:s9], [sflag:$0x1] =	stream.linear.gather @!p1 [hbm4b:s7+s9], $0x80, $0x38;
	[tilespmem:$0x1D100] =	vst v63  }
0xe7: {  	s30 =	sadd.s32 @!p1 $0x40, s22;
	s7 =	simm.s32 @!p1 $0x200  }
0xe8: {  	[tilespmem:s7], [sflag:$0x1] =	stream.linear.gather @!p1 [hbm4b:s30+s9], $0x80, $0x38;
	[tilespmem:$0x1D100] =	vst v63  }
0xe9: {  	_ =	swait.ge [sflag:s3], $0x80  }
0xea: {  	[sflag:s3] =	ssyncset.done $0x0  }
0xeb: {  	[sflag:s3] =	ssyncadd.s32 $0xFFFFFF80  }
0xec: {  	_ =	swait.ge [sflag:s3], $0x80  }
0xed: {  	[sflag:s3] =	ssyncset.done $0x0  }
0xee: {  	[sflag:s3] =	ssyncadd.s32 $0xFFFFFF80  }
0xef: {  	[tilespmem:s8], [sflag:$0x5] =	stream.indirect.gather [hbm4b:s1+s26], $0x80, s29, s26, $0xb8;
	[tilespmem:$0x1D100] =	vst v63  }
0xf0: {  	_ =	swait.ge [sflag:s18], $0x4000  }
0xf1: {  	[sflag:s18] =	ssyncset.done $0x0  }
0xf2: {  	[sflag:s18] =	ssyncadd.s32 $0xFFFFC000  }
0xf3: {  	[spmem:s2] =	stream.indirect.scatter.add.f32 [tilespmem:s14], [sflag:$0x8], $0x80, s28, s26, $0xb8;
	[tilespmem:$0x1D100] =	vst v63  }
0xf4: {  	_ =	swait.ge [sflag:s19], $0x4000  }
0xf5: {  	[sflag:s19] =	ssyncset.done $0x0  }
0xf6: {  	s7 =	simm.s32 @!p1 $0x80;
	[sflag:s19] =	ssyncadd.s32 $0xFFFFC000  }
0xf7: {  	[tilespmem:s7], [sflag:$0x2] =	stream.linear.gather @!p1 [hbm4b:s5+s9], $0x80, $0x38;
	[tilespmem:$0x1D100] =	vst v63  }
0xf8: {  	s7 =	sadd.s32 @!p1 $0x50, s22;
	s22 =	simm.s32 @!p1 $0x280  }
0xf9: {  	[tilespmem:s22], [sflag:$0x2] =	stream.linear.gather @!p1 [hbm4b:s7+s9], $0x80, $0x38;
	[tilespmem:$0x1D100] =	vst v63  }
0xfa: {  	_ =	swait.ge [sflag:s24], $0x80  }
0xfb: {  	[sflag:s24] =	ssyncset.done $0x0  }
0xfc: {  	[sflag:s24] =	ssyncadd.s32 $0xFFFFFF80  }
0xfd: {  	_ =	swait.ge [sflag:s24], $0x80  }
0xfe: {  	[sflag:s24] =	ssyncset.done $0x0  }
0xff: {  	p2 =	por $0x0, $0x0;
	s30 =	simm.s32 $0x40;
	[sflag:s24] =	ssyncadd.s32 $0xFFFFFF80  }
0x100: {  	[tilespmem:s14], [sflag:$0x6] =	stream.indirect.gather [hbm4b:s1+s26], $0x80, s11, s26, $0xb8;
	[tilespmem:$0x1D100] =	vst v63  }
0x101: {  	s22 =	simm.s32 $0x80;
	s9 =	sadd.s32 $0x80, s5;
	_ =	swait.ge [sflag:s15], $0x4000  }
.LBB2_7:
0x102: {  	s5 =	simm.s32 @!p2 $0x7  }
0x103: {  	[sflag:s15] =	ssyncset.done $0x0;
	s7 =	smov.u32 s22;
	s22 =	sadd.s32 $0x40, s22  }
0x104: {  	p1 =	sne.s32 s22, $0x500;
	[sflag:s15] =	ssyncadd.s32 $0xFFFFC000  }
0x105: {  	[spmem:s2] =	stream.indirect.scatter.add.f32 [tilespmem:s8], [sflag:$0x7], $0x80, s0, s26, $0xb8;
	[tilespmem:$0x1D100] =	vst v63  }
0x106: {  	_ =	swait.ge @!p2 [sflag:s5], $0x4000  }
0x107: {  	s23 =	sadd.s32 $0xFFFFFFA0, s9;
	s10 =	sadd.s32 s30, s20;
	[sflag:s5] =	ssyncset.done @!p2 $0x0  }
0x108: {  	[sflag:s5] =	ssyncadd.s32 @!p2 $0xFFFFC000  }
0x109: {  	[tilespmem:s29], [sflag:$0x3] =	stream.linear.gather [hbm4b:s23+s4], $0x80, $0x38;
	[tilespmem:$0x1D100] =	vst v63  }
0x10a: {  	s5 =	sadd.s32 $0x20, s10  }
0x10b: {  	[tilespmem:s0], [sflag:$0x3] =	stream.linear.gather [hbm4b:s5+s4], $0x80, $0x38;
	[tilespmem:$0x1D100] =	vst v63  }
0x10c: {  	_ =	swait.ge [sflag:s6], $0x80  }
0x10d: {  	[sflag:s6] =	ssyncset.done $0x0  }
0x10e: {  	[sflag:s6] =	ssyncadd.s32 $0xFFFFFF80  }
0x10f: {  	_ =	swait.ge [sflag:s6], $0x80  }
0x110: {  	s5 =	simm.s32 @!p2 $0x6;
	[sflag:s6] =	ssyncset.done $0x0  }
0x111: {  	[sflag:s6] =	ssyncadd.s32 $0xFFFFFF80  }
0x112: {  	[tilespmem:s8], [sflag:$0x5] =	stream.indirect.gather [hbm4b:s1+s26], $0x80, s4, s26, $0xb8;
	[tilespmem:$0x1D100] =	vst v63  }
0x113: {  	s17 =	simm.s32 @!p2 $0x8;
	s23 =	simm.s32 @!p2 $0x4400;
	_ =	swait.ge @!p2 [sflag:s5], $0x4000  }
0x114: {  	s31 =	simm.s32 @!p2 $0x80;
	s21 =	simm.s32 @!p2 $0x380;
	[sflag:s5] =	ssyncset.done @!p2 $0x0  }
0x115: {  	[sflag:s5] =	ssyncadd.s32 @!p2 $0xFFFFC000  }
0x116: {  	[spmem:s2] =	stream.indirect.scatter.add.f32 @!p2 [tilespmem:s23], [sflag:$0x8], $0x80, s21, s31, $0xb8;
	[tilespmem:$0x1D100] =	vst v63  }
0x117: {  	_ =	swait.ge @!p2 [sflag:s17], $0x4000  }
0x118: {  	s5 =	sadd.s32 $0xFFFFFFC0, s9;
	[sflag:s17] =	ssyncset.done @!p2 $0x0  }
0x119: {  	[sflag:s17] =	ssyncadd.s32 @!p2 $0xFFFFC000  }
0x11a: {  	[tilespmem:s11], [sflag:$0x4] =	stream.linear.gather [hbm4b:s5+s4], $0x80, $0x38;
	[tilespmem:$0x1D100] =	vst v63  }
0x11b: {  	s5 =	sadd.s32 $0x30, s10  }
0x11c: {  	[tilespmem:s12], [sflag:$0x4] =	stream.linear.gather [hbm4b:s5+s4], $0x80, $0x38;
	[tilespmem:$0x1D100] =	vst v63  }
0x11d: {  	_ =	swait.ge [sflag:s13], $0x80  }
0x11e: {  	[sflag:s13] =	ssyncset.done $0x0  }
0x11f: {  	[sflag:s13] =	ssyncadd.s32 $0xFFFFFF80  }
0x120: {  	_ =	swait.ge [sflag:s13], $0x80  }
0x121: {  	[sflag:s13] =	ssyncset.done $0x0  }
0x122: {  	[sflag:s13] =	ssyncadd.s32 $0xFFFFFF80  }
0x123: {  	[tilespmem:s14], [sflag:$0x6] =	stream.indirect.gather [hbm4b:s1+s26], $0x80, s26, s26, $0xb8;
	[tilespmem:$0x1D100] =	vst v63  }
0x124: {  	_ =	swait.ge [sflag:s15], $0x4000  }
0x125: {  	[sflag:s15] =	ssyncset.done $0x0  }
0x126: {  	[sflag:s15] =	ssyncadd.s32 $0xFFFFC000  }
0x127: {  	[spmem:s2] =	stream.indirect.scatter.add.f32 [tilespmem:s8], [sflag:$0x7], $0x80, s25, s26, $0xb8;
	[tilespmem:$0x1D100] =	vst v63  }
0x128: {  	p2 =	seq.s32 s30, $0x4C0;
	_ =	swait.ge [sflag:s16], $0x4000  }
0x129: {  	s10 =	simm.s32 @!p2 $0x0;
	s5 =	sadd.s32 @!p2 $0xFFFFFFE0, s9;
	[sflag:s16] =	ssyncset.done $0x0  }
0x12a: {  	s17 =	sadd.s32 @!p2 s30, s20;
	s21 =	simm.s32 @!p2 $0x200;
	[sflag:s16] =	ssyncadd.s32 $0xFFFFC000  }
0x12b: {  	[tilespmem:s10], [sflag:$0x1] =	stream.linear.gather @!p2 [hbm4b:s5+s10], $0x80, $0x38;
	[tilespmem:$0x1D100] =	vst v63  }
0x12c: {  	s30 =	smov.u32 s7;
	s5 =	sadd.s32 @!p2 $0x40, s17;
	s17 =	sadd.s32 @!p2 $0x50, s17  }
0x12d: {  	[tilespmem:s21], [sflag:$0x1] =	stream.linear.gather @!p2 [hbm4b:s5+s10], $0x80, $0x38;
	[tilespmem:$0x1D100] =	vst v63  }
0x12e: {  	_ =	swait.ge [sflag:s3], $0x80  }
0x12f: {  	[sflag:s3] =	ssyncset.done $0x0  }
0x130: {  	[sflag:s3] =	ssyncadd.s32 $0xFFFFFF80  }
0x131: {  	_ =	swait.ge [sflag:s3], $0x80  }
0x132: {  	[sflag:s3] =	ssyncset.done $0x0  }
0x133: {  	[sflag:s3] =	ssyncadd.s32 $0xFFFFFF80  }
0x134: {  	[tilespmem:s8], [sflag:$0x5] =	stream.indirect.gather [hbm4b:s1+s26], $0x80, s29, s26, $0xb8;
	[tilespmem:$0x1D100] =	vst v63  }
0x135: {  	_ =	swait.ge [sflag:s18], $0x4000  }
0x136: {  	[sflag:s18] =	ssyncset.done $0x0  }
0x137: {  	[sflag:s18] =	ssyncadd.s32 $0xFFFFC000  }
0x138: {  	[spmem:s2] =	stream.indirect.scatter.add.f32 [tilespmem:s14], [sflag:$0x8], $0x80, s28, s26, $0xb8;
	[tilespmem:$0x1D100] =	vst v63  }
0x139: {  	_ =	swait.ge [sflag:s19], $0x4000  }
0x13a: {  	s5 =	simm.s32 @!p2 $0x80;
	[sflag:s19] =	ssyncset.done $0x0  }
0x13b: {  	s7 =	simm.s32 @!p2 $0x280;
	[sflag:s19] =	ssyncadd.s32 $0xFFFFC000  }
0x13c: {  	[tilespmem:s5], [sflag:$0x2] =	stream.linear.gather @!p2 [hbm4b:s9+s10], $0x80, $0x38;
	[tilespmem:$0x1D100] =	vst v63  }
0x13d: {  	_ = 	snop  }
0x13e: {  	[tilespmem:s7], [sflag:$0x2] =	stream.linear.gather @!p2 [hbm4b:s17+s10], $0x80, $0x38;
	[tilespmem:$0x1D100] =	vst v63  }
0x13f: {  	_ =	swait.ge [sflag:s24], $0x80  }
0x140: {  	[sflag:s24] =	ssyncset.done $0x0  }
0x141: {  	[sflag:s24] =	ssyncadd.s32 $0xFFFFFF80  }
.Ltmp3:
0x142: {  	_ =	swait.ge [sflag:s24], $0x80;
	(pc) =	sbr.rel @p1 .LBB2_7-.Ltmp3, $4  }
0x143: {  	[sflag:s24] =	ssyncset.done $0x0  }
0x144: {  	[sflag:s24] =	ssyncadd.s32 $0xFFFFFF80  }
0x145: {  	[tilespmem:s14], [sflag:$0x6] =	stream.indirect.gather [hbm4b:s1+s26], $0x80, s11, s26, $0xb8;
	[tilespmem:$0x1D100] =	vst v63  }
0x146: {  	s9 =	sadd.s32 $0x80, s9;
	p2 =	seq.s32 s30, $0x0;
	_ =	swait.ge [sflag:s15], $0x4000  }
0x147: {  	[sflag:s15] =	ssyncset.done $0x0  }
0x148: {  	s5 =	simm.s32 @!p2 $0x7;
	[sflag:s15] =	ssyncadd.s32 $0xFFFFC000  }
0x149: {  	[spmem:s2] =	stream.indirect.scatter.add.f32 [tilespmem:s8], [sflag:$0x7], $0x80, s0, s26, $0xb8;
	[tilespmem:$0x1D100] =	vst v63  }
0x14a: {  	_ =	swait.ge @!p2 [sflag:s5], $0x4000  }
0x14b: {  	[sflag:s5] =	ssyncset.done @!p2 $0x0  }
0x14c: {  	s7 =	sadd.s32 $0xFFFFFFA0, s9;
	s10 =	sadd.s32 s30, s20;
	[sflag:s5] =	ssyncadd.s32 @!p2 $0xFFFFC000  }
0x14d: {  	[tilespmem:s29], [sflag:$0x3] =	stream.linear.gather [hbm4b:s7+s4], $0x80, $0x38;
	[tilespmem:$0x1D100] =	vst v63  }
0x14e: {  	s21 =	sadd.s32 $0x20, s10  }
0x14f: {  	[tilespmem:s0], [sflag:$0x3] =	stream.linear.gather [hbm4b:s21+s4], $0x80, $0x38;
	[tilespmem:$0x1D100] =	vst v63  }
0x150: {  	_ =	swait.ge [sflag:s6], $0x80  }
0x151: {  	[sflag:s6] =	ssyncset.done $0x0  }
0x152: {  	[sflag:s6] =	ssyncadd.s32 $0xFFFFFF80  }
0x153: {  	_ =	swait.ge [sflag:s6], $0x80  }
0x154: {  	[sflag:s6] =	ssyncset.done $0x0  }
0x155: {  	s5 =	simm.s32 @!p2 $0x6;
	[sflag:s6] =	ssyncadd.s32 $0xFFFFFF80  }
0x156: {  	[tilespmem:s8], [sflag:$0x5] =	stream.indirect.gather [hbm4b:s1+s26], $0x80, s4, s26, $0xb8;
	[tilespmem:$0x1D100] =	vst v63  }
0x157: {  	_ =	swait.ge @!p2 [sflag:s5], $0x4000  }
0x158: {  	s17 =	simm.s32 @!p2 $0x80;
	[sflag:s5] =	ssyncset.done @!p2 $0x0  }
0x159: {  	s7 =	simm.s32 @!p2 $0x4400;
	[sflag:s5] =	ssyncadd.s32 @!p2 $0xFFFFC000;
	s5 =	simm.s32 @!p2 $0x380  }
0x15a: {  	[spmem:s2] =	stream.indirect.scatter.add.f32 @!p2 [tilespmem:s7], [sflag:$0x8], $0x80, s5, s17, $0xb8;
	[tilespmem:$0x1D100] =	vst v63  }
0x15b: {  	s5 =	simm.s32 @!p2 $0x8  }
0x15c: {  	_ =	swait.ge @!p2 [sflag:s5], $0x4000  }
0x15d: {  	[sflag:s5] =	ssyncset.done @!p2 $0x0  }
0x15e: {  	s22 =	sadd.s32 $0xFFFFFFC0, s9;
	[sflag:s5] =	ssyncadd.s32 @!p2 $0xFFFFC000  }
0x15f: {  	[tilespmem:s11], [sflag:$0x4] =	stream.linear.gather [hbm4b:s22+s4], $0x80, $0x38;
	[tilespmem:$0x1D100] =	vst v63  }
0x160: {  	s23 =	sadd.s32 $0x30, s10  }
0x161: {  	[tilespmem:s12], [sflag:$0x4] =	stream.linear.gather [hbm4b:s23+s4], $0x80, $0x38;
	[tilespmem:$0x1D100] =	vst v63  }
0x162: {  	_ =	swait.ge [sflag:s13], $0x80  }
0x163: {  	[sflag:s13] =	ssyncset.done $0x0  }
0x164: {  	[sflag:s13] =	ssyncadd.s32 $0xFFFFFF80  }
0x165: {  	_ =	swait.ge [sflag:s13], $0x80  }
0x166: {  	[sflag:s13] =	ssyncset.done $0x0  }
0x167: {  	[sflag:s13] =	ssyncadd.s32 $0xFFFFFF80  }
0x168: {  	[tilespmem:s14], [sflag:$0x6] =	stream.indirect.gather [hbm4b:s1+s26], $0x80, s26, s26, $0xb8;
	[tilespmem:$0x1D100] =	vst v63  }
0x169: {  	_ =	swait.ge [sflag:s15], $0x4000  }
0x16a: {  	[sflag:s15] =	ssyncset.done $0x0  }
0x16b: {  	[sflag:s15] =	ssyncadd.s32 $0xFFFFC000  }
0x16c: {  	[spmem:s2] =	stream.indirect.scatter.add.f32 [tilespmem:s8], [sflag:$0x7], $0x80, s25, s26, $0xb8;
	[tilespmem:$0x1D100] =	vst v63  }
0x16d: {  	p1 =	seq.s32 s30, $0x4C0;
	_ =	swait.ge [sflag:s16], $0x4000  }
0x16e: {  	s10 =	sadd.s32 @!p1 s30, s20;
	[sflag:s16] =	ssyncset.done $0x0  }
0x16f: {  	s7 =	simm.s32 @!p1 $0x0;
	s5 =	sadd.s32 @!p1 $0xFFFFFFE0, s9;
	[sflag:s16] =	ssyncadd.s32 $0xFFFFC000  }
0x170: {  	[tilespmem:s7], [sflag:$0x1] =	stream.linear.gather @!p1 [hbm4b:s5+s7], $0x80, $0x38;
	[tilespmem:$0x1D100] =	vst v63  }
0x171: {  	s17 =	sadd.s32 @!p1 $0x40, s10;
	s5 =	simm.s32 @!p1 $0x200  }
0x172: {  	[tilespmem:s5], [sflag:$0x1] =	stream.linear.gather @!p1 [hbm4b:s17+s7], $0x80, $0x38;
	[tilespmem:$0x1D100] =	vst v63  }
0x173: {  	_ =	swait.ge [sflag:s3], $0x80  }
0x174: {  	[sflag:s3] =	ssyncset.done $0x0  }
0x175: {  	[sflag:s3] =	ssyncadd.s32 $0xFFFFFF80  }
0x176: {  	_ =	swait.ge [sflag:s3], $0x80  }
0x177: {  	[sflag:s3] =	ssyncset.done $0x0  }
0x178: {  	[sflag:s3] =	ssyncadd.s32 $0xFFFFFF80  }
0x179: {  	[tilespmem:s8], [sflag:$0x5] =	stream.indirect.gather [hbm4b:s1+s26], $0x80, s29, s26, $0xb8;
	[tilespmem:$0x1D100] =	vst v63  }
0x17a: {  	_ =	swait.ge [sflag:s18], $0x4000  }
0x17b: {  	[sflag:s18] =	ssyncset.done $0x0  }
0x17c: {  	[sflag:s18] =	ssyncadd.s32 $0xFFFFC000  }
0x17d: {  	[spmem:s2] =	stream.indirect.scatter.add.f32 [tilespmem:s14], [sflag:$0x8], $0x80, s28, s26, $0xb8;
	[tilespmem:$0x1D100] =	vst v63  }
0x17e: {  	_ =	swait.ge [sflag:s19], $0x4000  }
0x17f: {  	[sflag:s19] =	ssyncset.done $0x0  }
0x180: {  	s5 =	simm.s32 @!p1 $0x80;
	[sflag:s19] =	ssyncadd.s32 $0xFFFFC000  }
0x181: {  	[tilespmem:s5], [sflag:$0x2] =	stream.linear.gather @!p1 [hbm4b:s9+s7], $0x80, $0x38;
	[tilespmem:$0x1D100] =	vst v63  }
0x182: {  	s5 =	sadd.s32 @!p1 $0x50, s10;
	s9 =	simm.s32 @!p1 $0x280  }
0x183: {  	[tilespmem:s9], [sflag:$0x2] =	stream.linear.gather @!p1 [hbm4b:s5+s7], $0x80, $0x38;
	[tilespmem:$0x1D100] =	vst v63  }
0x184: {  	_ =	swait.ge [sflag:s24], $0x80  }
0x185: {  	[sflag:s24] =	ssyncset.done $0x0  }
0x186: {  	[sflag:s24] =	ssyncadd.s32 $0xFFFFFF80  }
0x187: {  	_ =	swait.ge [sflag:s24], $0x80  }
0x188: {  	[sflag:s24] =	ssyncset.done $0x0  }
0x189: {  	[sflag:s24] =	ssyncadd.s32 $0xFFFFFF80  }
0x18a: {  	[tilespmem:s14], [sflag:$0x6] =	stream.indirect.gather [hbm4b:s1+s26], $0x80, s11, s26, $0xb8;
	[tilespmem:$0x1D100] =	vst v63  }
0x18b: {  	_ =	swait.ge [sflag:s15], $0x4000  }
0x18c: {  	[sflag:s15] =	ssyncset.done $0x0  }
0x18d: {  	[sflag:s15] =	ssyncadd.s32 $0xFFFFC000  }
0x18e: {  	[spmem:s2] =	stream.indirect.scatter.add.f32 [tilespmem:s8], [sflag:$0x7], $0x80, s0, s26, $0xb8;
	[tilespmem:$0x1D100] =	vst v63  }
0x18f: {  	_ =	swait.ge [sflag:s18], $0x4000  }
0x190: {  	[sflag:s18] =	ssyncset.done $0x0  }
0x191: {  	[sflag:s18] =	ssyncadd.s32 $0xFFFFC000  }
0x192: {  	[spmem:s2] =	stream.indirect.scatter.add.f32 [tilespmem:s14], [sflag:$0x8], $0x80, s12, s26, $0xb8;
	[tilespmem:$0x1D100] =	vst v63  }
0x193: {  	_ =	swait.ge [sflag:s16], $0x4000  }
0x194: {  	[sflag:s16] =	ssyncset.done $0x0  }
0x195: {  	[sflag:s16] =	ssyncadd.s32 $0xFFFFC000  }
0x196: {  	_ =	swait.ge [sflag:s19], $0x4000  }
0x197: {  	[sflag:s19] =	ssyncset.done $0x0  }
0x198: {  	[sflag:s19] =	ssyncadd.s32 $0xFFFFC000  }
0x199: {  	[bflag:$0x0] =	sbarrier.arrive $0xFFFF  }
0x19a: {  	s10 =	rddreg [dreg:$0x15]  }
0x19b: {  	s7 =	rddreg [dreg:$0x1f]  }
0x19c: {  	s9 =	simm.s32 @p0 $0x1FC9;
	s5 =	sadd.s32 @p0 $0x25800, s10;
	s7 =	sshrl.u32 @p0 s7, $0x3  }
0x19d: {  	[hbm:s5], [sflag:s9] =	dma.local @p0 [spmem:s7], $0x1900  }
0x19e: {  	s5 =	simm.s32 @p0 $0x9  }
0x19f: {  	_ =	swait.ge @p0 [sflag:s5], $0x1900  }
0x1a0: {  	[sflag:s5] =	ssyncset.done @p0 $0x0  }
0x1a1: {  	s7 =	rddreg [dreg:$0x8];
	[sflag:s5] =	ssyncadd.s32 @p0 $0xFFFFE700;
	s5 =	stileid.u32  }
0x1a2: {  	s9 =	rddreg [dreg:$0x4];
	s5 =	sshll.u32 @!p0 s5, $0x6  }
0x1a3: {  	s7 =	sadd.s32 @!p0 s7, s10;
	s9 =	sshrl.u32 @!p0 s9, $0x3;
	s5 =	sor.u32 @!p0 $0x1C09, s5  }
0x1a4: {  	[hbm:s7], [sflag:s5] =	dma.local @!p0 [spmem:s9], $0x2800  }
0x1a5: {  	s5 =	simm.s32 @!p0 $0x9  }
0x1a6: {  	_ =	swait.ge @!p0 [sflag:s5], $0x2800  }
0x1a7: {  	s30 =	sld [smem:$0x7F5];
	_ =	sdelay $0x2  }
0x1a8: {  	s31 =	rddreg [dreg:$0x16];
	s9 =	sadd.s32 $0x1, s30  }
0x1a9: {  	p1 =	sne.s32 s9, s31  }
.Ltmp4:
0x1aa: {  	_ = 	snop;
	(pc) =	sbr.rel @p1 .LBB2_1-.Ltmp4, $3  }
0x1ab: {  	_ =	sdelay $0x1  }
0x1ac: {  	[sflag:s5] =	ssyncset.done @!p0 $0x0  }
0x1ad: {  	[sflag:s5] =	ssyncadd.s32 @!p0 $0xFFFFD800  }
0x1ae: {  	_ =	sfence.sel $0x180000  }
0x1af: {  	[bflag:$0x0] =	sbarrier.arrive $0xFFFF  }
0x1b0: {  	_ =	strace $0x9000004A  }
0x1b1: {  	s0 =	stileid.u32;
	[bflag:$0x2] =	sbarrier.arrive $0xFFFF  }
0x1b2: {  	p0 =	sne.s32 s0, $0x0;
	s0 =	rddreg [dreg:$0x3]  }
0x1b3: {  	s0 =	sadd.s32 @!p0 $0x100000, s0  }
0x1b4: {  	[sflag:s0] =	ssyncadd.tile.s32 @!p0 $0x1;
	_ =	shalt  }
.Lfunc_end2:
_tile_overlayer_lowered:
.L_overlay_start_2:
0x1b5: {  	(tag) =	ssettag $0x2  }
0x1b6: {  	s0 =	rddreg [dreg:$0x0];
	s2 =	stileid.u32  }
0x1b7: {  	s1 =	rddreg [dreg:$0x1];
	p0 =	sne.s32 s2, $0x0  }
0x1b8: {  	s3 =	rddreg [dreg:$0x2];
	[bflag:$0x3] =	sbarrier.arrive $0xFFFF;
	s2 =	simm.s32 @!p0 $0x1C09  }
0x1b9: {  	[timem:s3], [sflag:s2] =	dma.local @!p0 [hbm:s0], s1  }
0x1ba: {  	s0 =	simm.s32 @!p0 $0x9  }
0x1bb: {  	_ =	swait.ge @!p0 [sflag:s0], s1  }
0x1bc: {  	s1 =	ssub.s32 @!p0 $0x0, s1;
	[sflag:s0] =	ssyncset.done @!p0 $0x0  }
0x1bd: {  	[sflag:s0] =	ssyncadd.s32 @!p0 s1  }
0x1be: {  	[bflag:$0x3] =	sbarrier.arrive $0xFFFF  }
0x1bf: {  	_ =	shalt  }

// kernel: kernel.13.cloned.1.call-start
scs
__scs_entry_jumppad:
0x0: {  	(pc) =	sbr.rel $0x88, $3  }
0x1: {  	(tag) =	ssettag $0x0;
	lr =	simm.s32 $0x1  }
0x2: {  	[smem:$0x3F99] =	sst lr;
	_ =	strace $0xD0000000  }
0x3: {  	_ = 	snop  }
0x4: {  	_ = 	snop  }
0x5: {  	_ = 	snop  }
0x6: {  	_ = 	snop  }
0x7: {  	_ = 	snop  }
__scs_overlays_trampoline_lowered:
0x8: {  	[smem:$0x3FA8] =	sst s0  }
0x9: {  	[smem:$0x3FA9] =	sst s1  }
0xa: {  	[smem:$0x3FAA] =	sst s2  }
0xb: {  	[smem:$0x3FAB] =	sst s3  }
0xc: {  	[smem:$0x3FAC] =	sst s4  }
0xd: {  	[smem:$0x3FAD] =	sst s5  }
0xe: {  	[smem:$0x3FAE] =	sst s6  }
0xf: {  	[smem:$0x3FAF] =	sst s7  }
0x10: {  	[smem:$0x3FB0] =	sst s8  }
0x11: {  	[smem:$0x3FB1] =	sst s9;
	s0 =	simm.s32 @!p0 $0x0  }
0x12: {  	s1 =	sld [smem:$0x3F97];
	s0 =	simm.s32 @p0 $0x1  }
0x13: {  	[smem:$0x3FB2] =	sst s0;
	s0 =	simm.s32 @!p1 $0x0  }
0x14: {  	s2 =	sld [smem:$0x3F96];
	s0 =	simm.s32 @p1 $0x1  }
0x15: {  	[smem:$0x3FB3] =	sst s0;
	s0 =	simm.s32 @!p2 $0x0  }
0x16: {  	s3 =	sld [smem:$0x3FDB];
	s0 =	simm.s32 @p2 $0x1  }
0x17: {  	s4 =	simm.s32 $0x1BF5;
	[smem:$0x3FB5] =	sst s0  }
0x18: {  	s0 =	sld [smem:$0x3F98];
	_ =	swait.ge [sflag:s4], $0x0  }
0x19: {  	s7 =	sld [smem:$0x3F99]  }
0x1a: {  	s8 =	sadd.s32 $0xFFFFE003, lr  }
0x1b: {  	s9 =	sadd.s32 $0xFFFFFEF7, lr;
	s5 =	simm.s32 $0xFFFFFFFF;
	p2 =	slt.u32 s8, $0xFFFFF086  }
0x1c: {  	p1 =	slt.u32 s9, $0xF7A;
	s5 =	simm.s32 @!p2 $0x0  }
0x1d: {  	s5 =	simm.s32 @p1 $0x1;
	p0 =	seq.s32 s7, s2  }
0x1e: {  	s7 =	smul.u32 @!p0 $0xF7A, s2;
	p2 =	seq.s32 @!p0 s5, $0x0  }
0x1f: {  	s9 =	smul.u32 $0xF7A, s1;
	s8 =	simm.s32 @!p0 $0x1BF5;
	p2 =	por !p2, p0  }
0x20: {  	[sflag:s8] =	ssyncset.s32 @!p0 $0xFFFFF086;
	s6 =	sadd.s32 @!p0 s3, s7;
	s7 =	simm.s32 @!p0 $0x108  }
0x21: {  	s3 =	sadd.s32 s3, s9;
	s6 =	sadd.s32 @!p0 $0x88, s6;
	s7 =	simm.s32 @p2 $0x1082  }
0x22: {  	[simem:s7], [sflag:s8] =	dma.local @!p0 [hbm:s6], $0xF7A  }
0x23: {  	s9 =	sor.u32 $0xD0000000, s2;
	s6 =	simm.s32 $0x108;
	_ =	swait.ge @!p0 [sflag:s8], $0x0  }
0x24: {  	s3 =	sadd.s32 $0x88, s3;
	s6 =	simm.s32 @!p1 $0x1082;
	[sflag:s4] =	ssyncset.s32 $0xFFFFF086  }
0x25: {  	[simem:s6], [sflag:s4] =	dma.local [hbm:s3], $0xF7A  }
0x26: {  	[smem:$0x3F99] =	sst s1;
	(tag) =	ssettag s2;
	_ =	strace s9  }
0x27: {  	s1 =	sld [smem:$0x3FA9]  }
0x28: {  	s2 =	sld [smem:$0x3FAA]  }
0x29: {  	s4 =	sld [smem:$0x3FAC]  }
0x2a: {  	p0 =	seq.s32 s5, $0x0;
	s5 =	sld [smem:$0x3FAD]  }
0x2b: {  	s6 =	sld [smem:$0x3FAE]  }
0x2c: {  	s7 =	sld [smem:$0x3FAF]  }
0x2d: {  	s3 =	simm.s32 $0x108;
	s8 =	sld [smem:$0x3FB0]  }
0x2e: {  	s3 =	simm.s32 @!p0 $0x1082;
	s9 =	sld [smem:$0x3FB1]  }
0x2f: {  	lr =	sadd.s32 s0, s3;
	s0 =	sld [smem:$0x3FA8]  }
0x30: {  	s3 =	sld [smem:$0x3FAB]  }
0x31: {  	[smem:$0x3FB4] =	sst s10  }
0x32: {  	s10 =	sld [smem:$0x3FB2];
	_ =	sdelay $0x3  }
0x33: {  	p0 =	seq.s32 s10, $0x1;
	s10 =	sld [smem:$0x3FB4];
	_ =	sdelay $0x3  }
0x34: {  	[smem:$0x3FB4] =	sst s10  }
0x35: {  	s10 =	sld [smem:$0x3FB3];
	_ =	sdelay $0x3  }
0x36: {  	p1 =	seq.s32 s10, $0x1;
	s10 =	sld [smem:$0x3FB4];
	_ =	sdelay $0x3  }
0x37: {  	[smem:$0x3FB4] =	sst s10  }
0x38: {  	s10 =	sld [smem:$0x3FB5]  }
0x39: {  	_ = 	snop;
	(pc) =	sbr.ind lr, $3  }
0x3a: {  	_ = 	snop  }
0x3b: {  	_ = 	snop  }
0x3c: {  	p2 =	seq.s32 s10, $0x1;
	s10 =	sld [smem:$0x3FB4]  }
0x3d: {  	_ =	shalt  }
0x3e: {  	_ =	shalt  }
0x3f: {  	_ =	shalt  }
0x40: {  	_ =	shalt  }
0x41: {  	_ =	shalt  }
0x42: {  	_ =	shalt  }
0x43: {  	_ =	shalt  }
0x44: {  	_ =	shalt  }
0x45: {  	_ =	shalt  }
0x46: {  	_ =	shalt  }
0x47: {  	_ =	shalt  }
0x48: {  	_ =	shalt  }
0x49: {  	_ =	shalt  }
0x4a: {  	_ =	shalt  }
0x4b: {  	_ =	shalt  }
0x4c: {  	_ =	shalt  }
0x4d: {  	_ =	shalt  }
0x4e: {  	_ =	shalt  }
0x4f: {  	_ =	shalt  }
0x50: {  	_ =	shalt  }
0x51: {  	_ =	shalt  }
0x52: {  	_ =	shalt  }
0x53: {  	_ =	shalt  }
0x54: {  	_ =	shalt  }
0x55: {  	_ =	shalt  }
0x56: {  	_ =	shalt  }
0x57: {  	_ =	shalt  }
0x58: {  	_ =	shalt  }
0x59: {  	_ =	shalt  }
0x5a: {  	_ =	shalt  }
0x5b: {  	_ =	shalt  }
0x5c: {  	_ =	shalt  }
0x5d: {  	_ =	shalt  }
0x5e: {  	_ =	shalt  }
0x5f: {  	_ =	shalt  }
0x60: {  	_ =	shalt  }
0x61: {  	_ =	shalt  }
0x62: {  	_ =	shalt  }
0x63: {  	_ =	shalt  }
0x64: {  	_ =	shalt  }
0x65: {  	_ =	shalt  }
0x66: {  	_ =	shalt  }
0x67: {  	_ =	shalt  }
0x68: {  	_ =	shalt  }
0x69: {  	_ =	shalt  }
0x6a: {  	_ =	shalt  }
0x6b: {  	_ =	shalt  }
0x6c: {  	_ =	shalt  }
0x6d: {  	_ =	shalt  }
0x6e: {  	_ =	shalt  }
0x6f: {  	_ =	shalt  }
0x70: {  	_ =	shalt  }
0x71: {  	_ =	shalt  }
0x72: {  	_ =	shalt  }
0x73: {  	_ =	shalt  }
0x74: {  	_ =	shalt  }
0x75: {  	_ =	shalt  }
0x76: {  	_ =	shalt  }
0x77: {  	_ =	shalt  }
0x78: {  	_ =	shalt  }
0x79: {  	_ =	shalt  }
0x7a: {  	_ =	shalt  }
0x7b: {  	_ =	shalt  }
0x7c: {  	_ =	shalt  }
0x7d: {  	_ =	shalt  }
0x7e: {  	_ =	shalt  }
0x7f: {  	_ =	shalt  }
0x80: {  	_ =	shalt  }
0x81: {  	_ =	shalt  }
0x82: {  	_ =	shalt  }
0x83: {  	_ =	shalt  }
0x84: {  	_ =	shalt  }
0x85: {  	_ =	shalt  }
0x86: {  	_ =	shalt  }
0x87: {  	_ =	shalt  }
.Lfunc_end0:
.L_simem_size_0:
called_computation.2_lowered:
.L_overlay_start_0:
0x88: {  	s2 =	sld [smem:$0x3FD9]  }
0x89: {  	s3 =	sld [smem:$0x3FFE];
	_ =	sdelay $0x1  }
0x8a: {  	s1 =	srdreg.scid  }
0x8b: {  	s0 =	sand.u32 $0x1, s1  }
0x8c: {  	s17 =	sshll.u32 s0, $0xA;
	s2 =	sadd.s32 s3, s2  }
0x8d: {  	s2 =	sadd.s32 s2, s17  }
0x8e: {  	[smem:$0x3FC0] =	sst s2  }
0x8f: {  	_ = 	snop  }
0x90: {  	s2 =	sld [smem:$0x3FD0];
	(tm) =	ssettm $0x1  }
0x91: {  	s18 =	sld [smem:$0x3FFB];
	_ =	sdelay $0x3  }
0x92: {  	_ =	strace s18  }
0x93: {  	s3 =	sld [smem:$0x3FFC];
	_ =	sdelay $0x3  }
0x94: {  	_ =	strace s3  }
0x95: {  	s3 =	sld [smem:$0x3FFD];
	_ =	sdelay $0x3  }
0x96: {  	_ =	strace s3  }
0x97: {  	_ =	strace $0x8FFFFFFF  }
0x98: {  	s19 =	sld [smem:$0x3FDB];
	_ =	sdelay $0x1  }
0x99: {  	s4 =	simm.s32 $_scs_section_size  }
0x9a: {  	s5 =	simm.s32 $_size__tile_overlayer_lowered;
	s6 =	simm.s32 $_tile_overlayer_lowered  }
0x9b: {  	s22 =	simm.s32 $0x1BFF;
	s21 =	sshll.u32 s6, $0x1;
	s3 =	sadd.s32 s4, s19  }
0x9c: {  	s7 =	simm.s32 $0x0;
	s20 =	sshll.u32 s5, $0x1;
	s5 =	sadd.s32 s21, s3  }
0x9d: {  	[timem:s7], [sflag:s22] =	dma.local [hbm:s5], s20  }
0x9e: {  	_ =	swait.ge [sflag:s22], s20  }
0x9f: {  	s4 =	ssub.s32 $0x0, s20;
	[sflag:s22] =	ssyncset.done $0x0  }
0xa0: {  	[sflag:s22] =	ssyncadd.s32 s4;
	_ =	sdelay $0x1  }
0xa1: {  	s23 =	simm.s32 $0x1B8B  }
0xa2: {  	_ =	swait.ge [sflag:s23], $0x1  }
0xa3: {  	[sflag:s23] =	ssyncset.done $0x0  }
0xa4: {  	s25 =	simm.s32 $0x1B8E;
	s24 =	sld [smem:$0x3FFE];
	[sflag:s23] =	ssyncadd.s32 $0xFFFFFFFF  }
0xa5: {  	s26 =	simm.s32 $execute0_lowered;
	[smem:$0x3FD2] =	sst s25  }
0xa6: {  	s5 =	sshll.u32 s26, $0x1;
	_ =	strace $0x8000004C;
	[dreg:$0x1] =	wrdreg $0xFFFFFFFF  }
0xa7: {  	s28 =	simm.s32 $_size_execute0_lowered;
	s3 =	sadd.s32 s3, s5;
	[dreg:$0x0] =	wrdreg $0x0  }
0xa8: {  	s5 =	sshll.u32 s28, $0x1;
	[dreg:$0x2] =	wrdreg s3  }
0xa9: {  	[dreg:$0x3] =	wrdreg s5  }
0xaa: {  	[dreg:$0x4] =	wrdreg $0xC0  }
0xab: {  	_ =	task [dreg:s7], $0x5FFFF  }
0xac: {  	[dreg:$0x1] =	wrdreg $0xFFFFFFFF  }
0xad: {  	[dreg:$0x0] =	wrdreg $0x60  }
0xae: {  	[dreg:$0x2] =	wrdreg s24  }
0xaf: {  	[dreg:$0x3] =	wrdreg s2  }
0xb0: {  	[dreg:$0x4] =	wrdreg $0x98000  }
0xb1: {  	[dreg:$0x5] =	wrdreg $0x9  }
0xb2: {  	_ =	task.clear_ibuf [dreg:s7], $0x6FFFF;
	_ =	strace $0x9000004C  }
0xb3: {  	s29 =	simm.s32 $0x9;
	_ =	strace $0x8000004E  }
0xb4: {  	_ =	swait.ge [sflag:s29], $0x1  }
0xb5: {  	[sflag:s29] =	ssyncadd.s32 $0xFFFFFFFF  }
0xb6: {  	_ =	strace $0x9000004E  }
0xb7: {  	_ =	sfence  }
0xb8: {  	s30 =	sld [smem:$0x0];
	_ =	sdelay $0x2  }
0xb9: {  	s31 =	sshll.u32 s1, $0xD;
	s1 =	sshrl.u32 s1, $0x2  }
0xba: {  	s3 =	sand.u32 $0x4000, s31;
	s1 =	sadd.s32 s1, s30  }
0xbb: {  	s0 =	sor.u32 s3, s0;
	s1 =	sshll.u32 s1, $0x11  }
0xbc: {  	s0 =	sor.u32 s1, s0  }
0xbd: {  	s0 =	sadd.s32 $0x8F2B, s0  }
0xbe: {  	[sflag:s0] =	ssyncadd.remote.s32 $0x1  }
0xbf: {  	_ =	sfence.sel $0xFFFF  }
0xc0: {  	[dreg:$0x0] =	wrdreg $0xFFFFFFFF;
	(pc) =	sbr.abs _section_cstart, $3  }
0xc1: {  	[dreg:$0x1] =	wrdreg $0xFFFFFFFF  }
0xc2: {  	_ =	task.clear_ibuf [dreg:s7], $0x2FFFF;
	_ =	strace $0x9FFFFFFF  }
0xc3: {  	(tm) =	ssettm $0x7FFFFFFF  }
tec
execute0_lowered:
.L_overlay_start_1:
0x0: {  	(tag) =	ssettag $0x1  }
0x1: {  	s0 =	rddreg [dreg:$0x0]  }
0x2: {  	s1 =	rddreg [dreg:$0x1]  }
0x3: {  	s2 =	rddreg [dreg:$0x2]  }
0x4: {  	s3 =	simm.s32 $0x0;
	s4 =	srdreg.scid;
	s12 =	stileid.u32  }
0x5: {  	[smem:$0x7FF] =	sst s3;
	s6 =	sand.u32 $0x1, s4;
	s5 =	smul.u32 $0x50000, s12  }
0x6: {  	s4 =	sadd.s32 $0x60800, s0;
	s10 =	smul.u32 $0x2800, s12;
	s15 =	sadd.s32 $0x12D400, s2  }
0x7: {  	_ =	strace $0x8000004D;
	s7 =	sshll.u32 s6, $0x4;
	s8 =	ssub.s32 $0x2, s6  }
0x8: {  	s6 =	smul.u32 $0x27100, s6;
	s7 =	sadd.s32 s7, s0;
	s0 =	sadd.s32 $0x3600, s0  }
0x9: {  	s30 =	sshrl.u32 s10, $0x7;
	[dreg:$0xc] =	wrdreg s10;
	s10 =	sshrl.u32 s10, $0x3  }
0xa: {  	[dreg:$0x1a] =	wrdreg s15;
	s10 =	sadd.s32 s0, s10  }
0xb: {  	s5 =	sshrl.u32 s5, $0x2;
	s1 =	sadd.s32 s1, s6;
	[dreg:$0x11] =	wrdreg s10  }
0xc: {  	s9 =	sshrl.u32 s8, $0x1;
	s5 =	sadd.s32 s5, s2;
	[dreg:$0x12] =	wrdreg s1  }
0xd: {  	s8 =	ssub.s32 s8, s9;
	s7 =	sadd.s32 $0x56800, s7;
	[dreg:$0x4] =	wrdreg s5  }
0xe: {  	s9 =	sor.u32 $0x1, s30;
	s30 =	sadd.s32 $0x137400, s2;
	[dreg:$0x15] =	wrdreg s7  }
0xf: {  	s16 =	sadd.s32 $0x1400, s5;
	[smem:$0x7FC] =	sst s30  }
0x10: {  	s17 =	sadd.s32 $0x2800, s5;
	[dreg:$0x5] =	wrdreg s16  }
0x11: {  	s18 =	sadd.s32 $0x3C00, s5;
	[dreg:$0x6] =	wrdreg s17  }
0x12: {  	s19 =	sadd.s32 $0x5000, s5;
	[dreg:$0x7] =	wrdreg s18  }
0x13: {  	s20 =	sadd.s32 $0x6400, s5;
	[dreg:$0x8] =	wrdreg s19  }
0x14: {  	s21 =	sadd.s32 $0x7800, s5;
	[dreg:$0x9] =	wrdreg s20  }
0x15: {  	s22 =	sadd.s32 $0x8C00, s5;
	[dreg:$0xa] =	wrdreg s21  }
0x16: {  	s23 =	sadd.s32 $0xA000, s5;
	[dreg:$0xb] =	wrdreg s22  }
0x17: {  	s24 =	sadd.s32 $0xB400, s5;
	[dreg:$0xd] =	wrdreg s23  }
0x18: {  	s25 =	sadd.s32 $0xC800, s5;
	[dreg:$0xe] =	wrdreg s24  }
0x19: {  	s26 =	sadd.s32 $0xDC00, s5;
	[dreg:$0xf] =	wrdreg s25  }
0x1a: {  	s6 =	sadd.s32 $0xF000, s5;
	[dreg:$0x10] =	wrdreg s26  }
0x1b: {  	s13 =	sadd.s32 $0x10400, s5;
	[dreg:$0x14] =	wrdreg s6  }
0x1c: {  	s11 =	smul.u32 $0x500, s12;
	s14 =	sadd.s32 $0x11800, s5;
	[dreg:$0x17] =	wrdreg s13  }
0x1d: {  	s31 =	sshll.u32 s9, $0x4;
	s5 =	sadd.s32 $0x12C00, s5;
	[dreg:$0x18] =	wrdreg s14  }
0x1e: {  	s10 =	sshll.u32 s9, $0x5;
	s1 =	sadd.s32 s0, s31;
	[dreg:$0x19] =	wrdreg s5  }
0x1f: {  	s21 =	sadd.s32 s11, s0;
	s11 =	smax.u32 s8, $0x1;
	[dreg:$0x13] =	wrdreg s1  }
0x20: {  	s28 =	simm.s32 $0x280;
	s0 =	sadd.s32 s10, s7;
	[dreg:$0x16] =	wrdreg s11  }
0x21: {  	s29 =	simm.s32 $0x100;
	s17 =	sadd.s32 $0x12E800, s2;
	[dreg:$0x1c] =	wrdreg s0  }
0x22: {  	p0 =	seq.s32 s12, $0xF;
	s18 =	sadd.s32 $0x12FC00, s2;
	[dreg:$0x1d] =	wrdreg s17  }
0x23: {  	s15 =	simm.s32 $0x5;
	s19 =	sadd.s32 $0x12C000, s2;
	[dreg:$0x1e] =	wrdreg s18  }
0x24: {  	s9 =	simm.s32 $0x0;
	s20 =	sadd.s32 $0x132400, s2;
	[dreg:$0x1f] =	wrdreg s19  }
0x25: {  	s16 =	smul.u32 $0xA00, s12;
	s23 =	sadd.s32 $0x133800, s2;
	[smem:$0x7F6] =	sst s20  }
0x26: {  	s24 =	sadd.s32 $0x134C00, s2;
	s25 =	sadd.s32 $0x131000, s2;
	[smem:$0x7F8] =	sst s23  }
0x27: {  	s26 =	sadd.s32 $0x136000, s2;
	s31 =	sadd.s32 $0x138800, s2;
	[smem:$0x7F9] =	sst s24  }
0x28: {  	s6 =	simm.s32 $0x1;
	s8 =	simm.s32 $0x400;
	[smem:$0x7FA] =	sst s25  }
0x29: {  	s10 =	simm.s32 $0x180;
	s12 =	simm.s32 $0x2;
	[smem:$0x7FB] =	sst s26  }
0x2a: {  	s14 =	simm.s32 $0x4400;
	[smem:$0x7FD] =	sst s31;
	s25 =	simm.s32 $0x200  }
0x2b: {  	s26 =	simm.s32 $0x80;
	s11 =	simm.s32 $0x380;
	s1 =	simm.s32 $0x3  }
0x2c: {  	s18 =	simm.s32 $0x6;
	s20 =	simm.s32 $0x8;
	s22 =	sor.u32 $0xA0, s16  }
0x2d: {  	s24 =	simm.s32 $0x4;
	[dreg:$0x1b] =	wrdreg s16;
	s0 =	sadd.s32 s7, s22  }
0x2e: {  	v0 =	vimm.f32 $0.0e+00;
	s16 =	simm.s32 $0x7;
	[smem:$0x7F7] =	sst s0;
	s0 =	simm.s32 $0x300  }
.LBB2_1:
0x2f: {  	s7 =	simm.s32 $0x70;
	s13 =	simm.s32 $0x3C0  }
.LBB2_2:
0x30: {  	p1 =	sne.s32 s13, $0x4FC0;
	[tilespmem:s7+$0x8400] =	vst v0  }
0x31: {  	[tilespmem:s7+$0x8390] =	vst v0  }
0x32: {  	[tilespmem:s7+$0x83A0] =	vst v0  }
.Ltmp0:
0x33: {  	[tilespmem:s7+$0x83B0] =	vst v0;
	(pc) =	sbr.rel @p1 .LBB2_2-.Ltmp0, $4  }
0x34: {  	[tilespmem:s7+$0x83C0] =	vst v0  }
0x35: {  	[tilespmem:s7+$0x83D0] =	vst v0  }
0x36: {  	[tilespmem:s7+$0x83E0] =	vst v0  }
0x37: {  	[tilespmem:s7+$0x83F0] =	vst v0;
	s7 =	sshra.s32 s13, $0x2;
	s13 =	sadd.s32 $0x200, s13  }
0x38: {  	[tilespmem:s7+$0x8400] =	vst v0  }
0x39: {  	[tilespmem:s7+$0x8390] =	vst v0  }
0x3a: {  	[tilespmem:s7+$0x83A0] =	vst v0  }
.Ltmp1:
0x3b: {  	[tilespmem:s7+$0x83B0] =	vst v0;
	(pc) =	sbr.rel @!p0 .LBB2_4-.Ltmp1, $4  }
0x3c: {  	[tilespmem:s7+$0x83C0] =	vst v0  }
0x3d: {  	[tilespmem:s7+$0x83D0] =	vst v0  }
0x3e: {  	[tilespmem:s7+$0x83E0] =	vst v0  }
0x3f: {  	[smem:$0x7F5] =	sst s9;
	[tilespmem:s7+$0x83F0] =	vst v0  }
0x40: {  	s5 =	rddreg [dreg:$0x1f];
	s7 =	simm.s32 $0x8400;
	s9 =	simm.s32 $0x9  }
0x41: {  	[spmem:s5] =	stream.linear.scatter [tilespmem:s7], [sflag:$0x9], $0x1400, $0x38;
	[tilespmem:$0x1D100] =	vst v63  }
0x42: {  	_ =	swait.ge [sflag:s9], $0x1400  }
0x43: {  	[sflag:s9] =	ssyncset.done $0x0  }
0x44: {  	s23 =	rddreg [dreg:$0x1a];
	[sflag:s9] =	ssyncadd.s32 $0xFFFFEC00  }
0x45: {  	[spmem:s23] =	stream.linear.scatter [tilespmem:s7], [sflag:$0x9], $0x1400, $0x38;
	[tilespmem:$0x1D100] =	vst v63  }
0x46: {  	_ =	swait.ge [sflag:s9], $0x1400  }
0x47: {  	[sflag:s9] =	ssyncset.done $0x0  }
0x48: {  	s30 =	rddreg [dreg:$0x1d];
	[sflag:s9] =	ssyncadd.s32 $0xFFFFEC00  }
0x49: {  	[spmem:s30] =	stream.linear.scatter [tilespmem:s7], [sflag:$0x9], $0x1400, $0x38;
	[tilespmem:$0x1D100] =	vst v63  }
0x4a: {  	_ =	swait.ge [sflag:s9], $0x1400  }
0x4b: {  	[sflag:s9] =	ssyncset.done $0x0  }
0x4c: {  	s31 =	rddreg [dreg:$0x1e];
	[sflag:s9] =	ssyncadd.s32 $0xFFFFEC00  }
0x4d: {  	[spmem:s31] =	stream.linear.scatter [tilespmem:s7], [sflag:$0x9], $0x1400, $0x38;
	[tilespmem:$0x1D100] =	vst v63  }
0x4e: {  	_ =	swait.ge [sflag:s9], $0x1400  }
0x4f: {  	s13 =	sld [smem:$0x7FA]  }
0x50: {  	[sflag:s9] =	ssyncset.done $0x0  }
0x51: {  	[sflag:s9] =	ssyncadd.s32 $0xFFFFEC00  }
0x52: {  	[spmem:s13] =	stream.linear.scatter [tilespmem:s7], [sflag:$0x9], $0x1400, $0x38;
	[tilespmem:$0x1D100] =	vst v63  }
0x53: {  	_ =	swait.ge [sflag:s9], $0x1400  }
0x54: {  	s17 =	sld [smem:$0x7F6]  }
0x55: {  	[sflag:s9] =	ssyncset.done $0x0  }
0x56: {  	[sflag:s9] =	ssyncadd.s32 $0xFFFFEC00  }
0x57: {  	[spmem:s17] =	stream.linear.scatter [tilespmem:s7], [sflag:$0x9], $0x1400, $0x38;
	[tilespmem:$0x1D100] =	vst v63  }
0x58: {  	_ =	swait.ge [sflag:s9], $0x1400  }
0x59: {  	s19 =	sld [smem:$0x7F8]  }
0x5a: {  	[sflag:s9] =	ssyncset.done $0x0  }
0x5b: {  	[sflag:s9] =	ssyncadd.s32 $0xFFFFEC00  }
0x5c: {  	[spmem:s19] =	stream.linear.scatter [tilespmem:s7], [sflag:$0x9], $0x1400, $0x38;
	[tilespmem:$0x1D100] =	vst v63  }
0x5d: {  	_ =	swait.ge [sflag:s9], $0x1400  }
0x5e: {  	s22 =	sld [smem:$0x7F9]  }
0x5f: {  	[sflag:s9] =	ssyncset.done $0x0  }
0x60: {  	[sflag:s9] =	ssyncadd.s32 $0xFFFFEC00  }
0x61: {  	[spmem:s22] =	stream.linear.scatter [tilespmem:s7], [sflag:$0x9], $0x1400, $0x38;
	[tilespmem:$0x1D100] =	vst v63  }
0x62: {  	_ =	swait.ge [sflag:s9], $0x1400  }
0x63: {  	s23 =	sld [smem:$0x7FB]  }
0x64: {  	[sflag:s9] =	ssyncset.done $0x0  }
0x65: {  	[sflag:s9] =	ssyncadd.s32 $0xFFFFEC00  }
0x66: {  	[spmem:s23] =	stream.linear.scatter [tilespmem:s7], [sflag:$0x9], $0x1400, $0x38;
	[tilespmem:$0x1D100] =	vst v63  }
0x67: {  	_ =	swait.ge [sflag:s9], $0x1400  }
0x68: {  	s30 =	sld [smem:$0x7FC]  }
0x69: {  	[sflag:s9] =	ssyncset.done $0x0  }
0x6a: {  	[sflag:s9] =	ssyncadd.s32 $0xFFFFEC00  }
0x6b: {  	[spmem:s30] =	stream.linear.scatter [tilespmem:s7], [sflag:$0x9], $0x1400, $0x38;
	[tilespmem:$0x1D100] =	vst v63  }
0x6c: {  	_ =	swait.ge [sflag:s9], $0x1400  }
0x6d: {  	s31 =	sld [smem:$0x7FD]  }
0x6e: {  	[sflag:s9] =	ssyncset.done $0x0  }
.Ltmp2:
0x6f: {  	[sflag:s9] =	ssyncadd.s32 $0xFFFFEC00;
	(pc) =	sbr.rel .LBB2_6-.Ltmp2, $4  }
0x70: {  	[spmem:s31] =	stream.linear.scatter [tilespmem:s7], [sflag:$0x9], $0x800, $0x38;
	[tilespmem:$0x1D100] =	vst v63  }
0x71: {  	_ =	swait.ge [sflag:s9], $0x800  }
0x72: {  	[sflag:s9] =	ssyncset.done $0x0  }
0x73: {  	[sflag:s9] =	ssyncadd.s32 $0xFFFFF800  }
.LBB2_4:
0x74: {  	s5 =	rddreg [dreg:$0x4];
	s7 =	simm.s32 $0x8400;
	s9 =	simm.s32 $0x9  }
0x75: {  	[spmem:s5] =	stream.linear.scatter [tilespmem:s7], [sflag:$0x9], $0x1400, $0x38;
	[tilespmem:$0x1D100] =	vst v63  }
0x76: {  	_ =	swait.ge [sflag:s9], $0x1400  }
0x77: {  	[sflag:s9] =	ssyncset.done $0x0  }
0x78: {  	s31 =	rddreg [dreg:$0x5];
	[sflag:s9] =	ssyncadd.s32 $0xFFFFEC00  }
0x79: {  	[spmem:s31] =	stream.linear.scatter [tilespmem:s7], [sflag:$0x9], $0x1400, $0x38;
	[tilespmem:$0x1D100] =	vst v63  }
0x7a: {  	_ =	swait.ge [sflag:s9], $0x1400  }
0x7b: {  	[sflag:s9] =	ssyncset.done $0x0  }
0x7c: {  	s13 =	rddreg [dreg:$0x6];
	[sflag:s9] =	ssyncadd.s32 $0xFFFFEC00  }
0x7d: {  	[spmem:s13] =	stream.linear.scatter [tilespmem:s7], [sflag:$0x9], $0x1400, $0x38;
	[tilespmem:$0x1D100] =	vst v63  }
0x7e: {  	_ =	swait.ge [sflag:s9], $0x1400  }
0x7f: {  	[sflag:s9] =	ssyncset.done $0x0  }
0x80: {  	s17 =	rddreg [dreg:$0x7];
	[sflag:s9] =	ssyncadd.s32 $0xFFFFEC00  }
0x81: {  	[spmem:s17] =	stream.linear.scatter [tilespmem:s7], [sflag:$0x9], $0x1400, $0x38;
	[tilespmem:$0x1D100] =	vst v63  }
0x82: {  	_ =	swait.ge [sflag:s9], $0x1400  }
0x83: {  	[sflag:s9] =	ssyncset.done $0x0  }
0x84: {  	s19 =	rddreg [dreg:$0x8];
	[sflag:s9] =	ssyncadd.s32 $0xFFFFEC00  }
0x85: {  	[spmem:s19] =	stream.linear.scatter [tilespmem:s7], [sflag:$0x9], $0x1400, $0x38;
	[tilespmem:$0x1D100] =	vst v63  }
0x86: {  	_ =	swait.ge [sflag:s9], $0x1400  }
0x87: {  	[sflag:s9] =	ssyncset.done $0x0  }
0x88: {  	s22 =	rddreg [dreg:$0x9];
	[sflag:s9] =	ssyncadd.s32 $0xFFFFEC00  }
0x89: {  	[spmem:s22] =	stream.linear.scatter [tilespmem:s7], [sflag:$0x9], $0x1400, $0x38;
	[tilespmem:$0x1D100] =	vst v63  }
0x8a: {  	_ =	swait.ge [sflag:s9], $0x1400  }
0x8b: {  	[sflag:s9] =	ssyncset.done $0x0  }
0x8c: {  	s23 =	rddreg [dreg:$0xa];
	[sflag:s9] =	ssyncadd.s32 $0xFFFFEC00  }
0x8d: {  	[spmem:s23] =	stream.linear.scatter [tilespmem:s7], [sflag:$0x9], $0x1400, $0x38;
	[tilespmem:$0x1D100] =	vst v63  }
0x8e: {  	_ =	swait.ge [sflag:s9], $0x1400  }
0x8f: {  	[sflag:s9] =	ssyncset.done $0x0  }
0x90: {  	s30 =	rddreg [dreg:$0xb];
	[sflag:s9] =	ssyncadd.s32 $0xFFFFEC00  }
0x91: {  	[spmem:s30] =	stream.linear.scatter [tilespmem:s7], [sflag:$0x9], $0x1400, $0x38;
	[tilespmem:$0x1D100] =	vst v63  }
0x92: {  	_ =	swait.ge [sflag:s9], $0x1400  }
0x93: {  	[sflag:s9] =	ssyncset.done $0x0  }
0x94: {  	s31 =	rddreg [dreg:$0xd];
	[sflag:s9] =	ssyncadd.s32 $0xFFFFEC00  }
0x95: {  	[spmem:s31] =	stream.linear.scatter [tilespmem:s7], [sflag:$0x9], $0x1400, $0x38;
	[tilespmem:$0x1D100] =	vst v63  }
0x96: {  	_ =	swait.ge [sflag:s9], $0x1400  }
0x97: {  	[sflag:s9] =	ssyncset.done $0x0  }
0x98: {  	s13 =	rddreg [dreg:$0xe];
	[sflag:s9] =	ssyncadd.s32 $0xFFFFEC00  }
0x99: {  	[spmem:s13] =	stream.linear.scatter [tilespmem:s7], [sflag:$0x9], $0x1400, $0x38;
	[tilespmem:$0x1D100] =	vst v63  }
0x9a: {  	_ =	swait.ge [sflag:s9], $0x1400  }
0x9b: {  	[sflag:s9] =	ssyncset.done $0x0  }
0x9c: {  	s17 =	rddreg [dreg:$0xf];
	[sflag:s9] =	ssyncadd.s32 $0xFFFFEC00  }
0x9d: {  	[spmem:s17] =	stream.linear.scatter [tilespmem:s7], [sflag:$0x9], $0x1400, $0x38;
	[tilespmem:$0x1D100] =	vst v63  }
0x9e: {  	_ =	swait.ge [sflag:s9], $0x1400  }
0x9f: {  	[sflag:s9] =	ssyncset.done $0x0  }
0xa0: {  	s19 =	rddreg [dreg:$0x10];
	[sflag:s9] =	ssyncadd.s32 $0xFFFFEC00  }
0xa1: {  	[spmem:s19] =	stream.linear.scatter [tilespmem:s7], [sflag:$0x9], $0x1400, $0x38;
	[tilespmem:$0x1D100] =	vst v63  }
0xa2: {  	_ =	swait.ge [sflag:s9], $0x1400  }
0xa3: {  	[sflag:s9] =	ssyncset.done $0x0  }
0xa4: {  	s22 =	rddreg [dreg:$0x14];
	[sflag:s9] =	ssyncadd.s32 $0xFFFFEC00  }
0xa5: {  	[spmem:s22] =	stream.linear.scatter [tilespmem:s7], [sflag:$0x9], $0x1400, $0x38;
	[tilespmem:$0x1D100] =	vst v63  }
0xa6: {  	_ =	swait.ge [sflag:s9], $0x1400  }
0xa7: {  	[sflag:s9] =	ssyncset.done $0x0  }
0xa8: {  	s23 =	rddreg [dreg:$0x17];
	[sflag:s9] =	ssyncadd.s32 $0xFFFFEC00  }
0xa9: {  	[spmem:s23] =	stream.linear.scatter [tilespmem:s7], [sflag:$0x9], $0x1400, $0x38;
	[tilespmem:$0x1D100] =	vst v63  }
0xaa: {  	_ =	swait.ge [sflag:s9], $0x1400  }
0xab: {  	[sflag:s9] =	ssyncset.done $0x0  }
0xac: {  	s30 =	rddreg [dreg:$0x18];
	[sflag:s9] =	ssyncadd.s32 $0xFFFFEC00  }
0xad: {  	[spmem:s30] =	stream.linear.scatter [tilespmem:s7], [sflag:$0x9], $0x1400, $0x38;
	[tilespmem:$0x1D100] =	vst v63  }
0xae: {  	_ =	swait.ge [sflag:s9], $0x1400  }
0xaf: {  	[sflag:s9] =	ssyncset.done $0x0  }
0xb0: {  	s31 =	rddreg [dreg:$0x19];
	[sflag:s9] =	ssyncadd.s32 $0xFFFFEC00  }
0xb1: {  	[spmem:s31] =	stream.linear.scatter [tilespmem:s7], [sflag:$0x9], $0x1400, $0x38;
	[tilespmem:$0x1D100] =	vst v63  }
0xb2: {  	_ =	swait.ge [sflag:s9], $0x1400  }
0xb3: {  	[sflag:s9] =	ssyncset.done $0x0  }
0xb4: {  	[sflag:s9] =	ssyncadd.s32 $0xFFFFEC00  }
.LBB2_6:
0xb5: {  	[bflag:$0x0] =	sbarrier.arrive $0xFFFF  }
0xb6: {  	s5 =	rddreg [dreg:$0x15]  }
0xb7: {  	s7 =	rddreg [dreg:$0x1b]  }
0xb8: {  	s13 =	simm.s32 $0x0;
	s7 =	sadd.s32 s7, s5  }
0xb9: {  	[tilespmem:s13], [sflag:$0x1] =	stream.linear.gather [hbm4b:s7+s13], $0x80, $0x38;
	[tilespmem:$0x1D100] =	vst v63  }
0xba: {  	s31 =	rddreg [dreg:$0x11]  }
0xbb: {  	[tilespmem:s25], [sflag:$0x1] =	stream.linear.gather [hbm4b:s31+s13], $0x80, $0x38;
	[tilespmem:$0x1D100] =	vst v63  }
0xbc: {  	p1 =	por $0x1, $0x1;
	s7 =	rddreg [dreg:$0x1c]  }
0xbd: {  	[tilespmem:s26], [sflag:$0x2] =	stream.linear.gather [hbm4b:s7+s13], $0x80, $0x38;
	[tilespmem:$0x1D100] =	vst v63  }
0xbe: {  	s9 =	rddreg [dreg:$0x13];
	s7 =	simm.s32 @!p1 $0x7  }
0xbf: {  	[tilespmem:s28], [sflag:$0x2] =	stream.linear.gather [hbm4b:s9+s13], $0x80, $0x38;
	[tilespmem:$0x1D100] =	vst v63  }
0xc0: {  	_ =	swait.ge @!p1 [sflag:s7], $0x4000  }
0xc1: {  	s5 =	sld [smem:$0x7F7];
	_ =	sdelay $0x1  }
0xc2: {  	[sflag:s7] =	ssyncset.done @!p1 $0x0  }
0xc3: {  	s23 =	sadd.s32 $0x0, s21;
	[sflag:s7] =	ssyncadd.s32 @!p1 $0xFFFFC000;
	s17 =	sadd.s32 $0xFFFFFFA0, s5  }
0xc4: {  	[tilespmem:s29], [sflag:$0x3] =	stream.linear.gather [hbm4b:s17+s3], $0x80, $0x38;
	[tilespmem:$0x1D100] =	vst v63  }
0xc5: {  	s19 =	sadd.s32 $0x20, s23  }
0xc6: {  	[tilespmem:s0], [sflag:$0x3] =	stream.linear.gather [hbm4b:s19+s3], $0x80, $0x38;
	[tilespmem:$0x1D100] =	vst v63  }
0xc7: {  	_ =	swait.ge [sflag:s6], $0x80  }
0xc8: {  	[sflag:s6] =	ssyncset.done $0x0  }
0xc9: {  	[sflag:s6] =	ssyncadd.s32 $0xFFFFFF80  }
0xca: {  	_ =	swait.ge [sflag:s6], $0x80  }
0xcb: {  	[sflag:s6] =	ssyncset.done $0x0  }
0xcc: {  	s7 =	simm.s32 @!p1 $0x6;
	[sflag:s6] =	ssyncadd.s32 $0xFFFFFF80  }
0xcd: {  	[tilespmem:s8], [sflag:$0x5] =	stream.indirect.gather [hbm4b:s4+s26], $0x80, s3, s26, $0xb8;
	[tilespmem:$0x1D100] =	vst v63  }
0xce: {  	_ =	swait.ge @!p1 [sflag:s7], $0x4000  }
0xcf: {  	s30 =	simm.s32 @!p1 $0x80;
	[sflag:s7] =	ssyncset.done @!p1 $0x0  }
0xd0: {  	s13 =	simm.s32 @!p1 $0x4400;
	[sflag:s7] =	ssyncadd.s32 @!p1 $0xFFFFC000;
	s7 =	simm.s32 @!p1 $0x380  }
0xd1: {  	[spmem:s2] =	stream.indirect.scatter.add.f32 @!p1 [tilespmem:s13], [sflag:$0x8], $0x80, s7, s30, $0xb8;
	[tilespmem:$0x1D100] =	vst v63  }
0xd2: {  	s7 =	simm.s32 @!p1 $0x8  }
0xd3: {  	_ =	swait.ge @!p1 [sflag:s7], $0x4000  }
0xd4: {  	[sflag:s7] =	ssyncset.done @!p1 $0x0  }
0xd5: {  	s22 =	sadd.s32 $0xFFFFFFC0, s5;
	[sflag:s7] =	ssyncadd.s32 @!p1 $0xFFFFC000  }
0xd6: {  	[tilespmem:s10], [sflag:$0x4] =	stream.linear.gather [hbm4b:s22+s3], $0x80, $0x38;
	[tilespmem:$0x1D100] =	vst v63  }
0xd7: {  	s31 =	sadd.s32 $0x30, s23  }
0xd8: {  	[tilespmem:s11], [sflag:$0x4] =	stream.linear.gather [hbm4b:s31+s3], $0x80, $0x38;
	[tilespmem:$0x1D100] =	vst v63  }
0xd9: {  	_ =	swait.ge [sflag:s12], $0x80  }
0xda: {  	[sflag:s12] =	ssyncset.done $0x0  }
0xdb: {  	[sflag:s12] =	ssyncadd.s32 $0xFFFFFF80  }
0xdc: {  	_ =	swait.ge [sflag:s12], $0x80  }
0xdd: {  	[sflag:s12] =	ssyncset.done $0x0  }
0xde: {  	[sflag:s12] =	ssyncadd.s32 $0xFFFFFF80  }
0xdf: {  	[tilespmem:s14], [sflag:$0x6] =	stream.indirect.gather [hbm4b:s4+s26], $0x80, s26, s26, $0xb8;
	[tilespmem:$0x1D100] =	vst v63  }
0xe0: {  	_ =	swait.ge [sflag:s15], $0x4000  }
0xe1: {  	[sflag:s15] =	ssyncset.done $0x0  }
0xe2: {  	[sflag:s15] =	ssyncadd.s32 $0xFFFFC000  }
0xe3: {  	[spmem:s2] =	stream.indirect.scatter.add.f32 [tilespmem:s8], [sflag:$0x7], $0x80, s25, s26, $0xb8;
	[tilespmem:$0x1D100] =	vst v63  }
0xe4: {  	p1 =	por $0x0, $0x0;
	_ =	swait.ge [sflag:s16], $0x4000  }
0xe5: {  	s7 =	sadd.s32 @!p1 $0xFFFFFFE0, s5;
	[sflag:s16] =	ssyncset.done $0x0  }
0xe6: {  	s13 =	simm.s32 @!p1 $0x0;
	s23 =	sadd.s32 @!p1 $0x0, s21;
	[sflag:s16] =	ssyncadd.s32 $0xFFFFC000  }
0xe7: {  	[tilespmem:s13], [sflag:$0x1] =	stream.linear.gather @!p1 [hbm4b:s7+s13], $0x80, $0x38;
	[tilespmem:$0x1D100] =	vst v63  }
0xe8: {  	s30 =	sadd.s32 @!p1 $0x40, s23;
	s7 =	simm.s32 @!p1 $0x200  }
0xe9: {  	[tilespmem:s7], [sflag:$0x1] =	stream.linear.gather @!p1 [hbm4b:s30+s13], $0x80, $0x38;
	[tilespmem:$0x1D100] =	vst v63  }
0xea: {  	_ =	swait.ge [sflag:s1], $0x80  }
0xeb: {  	[sflag:s1] =	ssyncset.done $0x0  }
0xec: {  	[sflag:s1] =	ssyncadd.s32 $0xFFFFFF80  }
0xed: {  	_ =	swait.ge [sflag:s1], $0x80  }
0xee: {  	[sflag:s1] =	ssyncset.done $0x0  }
0xef: {  	[sflag:s1] =	ssyncadd.s32 $0xFFFFFF80  }
0xf0: {  	[tilespmem:s8], [sflag:$0x5] =	stream.indirect.gather [hbm4b:s4+s26], $0x80, s29, s26, $0xb8;
	[tilespmem:$0x1D100] =	vst v63  }
0xf1: {  	_ =	swait.ge [sflag:s18], $0x4000  }
0xf2: {  	[sflag:s18] =	ssyncset.done $0x0  }
0xf3: {  	[sflag:s18] =	ssyncadd.s32 $0xFFFFC000  }
0xf4: {  	[spmem:s2] =	stream.indirect.scatter.add.f32 [tilespmem:s14], [sflag:$0x8], $0x80, s28, s26, $0xb8;
	[tilespmem:$0x1D100] =	vst v63  }
0xf5: {  	_ =	swait.ge [sflag:s20], $0x4000  }
0xf6: {  	[sflag:s20] =	ssyncset.done $0x0  }
0xf7: {  	s7 =	simm.s32 @!p1 $0x80;
	[sflag:s20] =	ssyncadd.s32 $0xFFFFC000  }
0xf8: {  	[tilespmem:s7], [sflag:$0x2] =	stream.linear.gather @!p1 [hbm4b:s5+s13], $0x80, $0x38;
	[tilespmem:$0x1D100] =	vst v63  }
0xf9: {  	s7 =	sadd.s32 @!p1 $0x50, s23;
	s23 =	simm.s32 @!p1 $0x280  }
0xfa: {  	[tilespmem:s23], [sflag:$0x2] =	stream.linear.gather @!p1 [hbm4b:s7+s13], $0x80, $0x38;
	[tilespmem:$0x1D100] =	vst v63  }
0xfb: {  	_ =	swait.ge [sflag:s24], $0x80  }
0xfc: {  	[sflag:s24] =	ssyncset.done $0x0  }
0xfd: {  	[sflag:s24] =	ssyncadd.s32 $0xFFFFFF80  }
0xfe: {  	_ =	swait.ge [sflag:s24], $0x80  }
0xff: {  	[sflag:s24] =	ssyncset.done $0x0  }
0x100: {  	p2 =	por $0x0, $0x0;
	s30 =	simm.s32 $0x40;
	[sflag:s24] =	ssyncadd.s32 $0xFFFFFF80  }
0x101: {  	[tilespmem:s14], [sflag:$0x6] =	stream.indirect.gather [hbm4b:s4+s26], $0x80, s10, s26, $0xb8;
	[tilespmem:$0x1D100] =	vst v63  }
0x102: {  	s23 =	simm.s32 $0x80;
	s13 =	sadd.s32 $0x80, s5;
	_ =	swait.ge [sflag:s15], $0x4000  }
.LBB2_7:
0x103: {  	s5 =	simm.s32 @!p2 $0x7  }
0x104: {  	[sflag:s15] =	ssyncset.done $0x0;
	s7 =	smov.u32 s23;
	s23 =	sadd.s32 $0x40, s23  }
0x105: {  	p1 =	sne.s32 s23, $0x500;
	[sflag:s15] =	ssyncadd.s32 $0xFFFFC000  }
0x106: {  	[spmem:s2] =	stream.indirect.scatter.add.f32 [tilespmem:s8], [sflag:$0x7], $0x80, s0, s26, $0xb8;
	[tilespmem:$0x1D100] =	vst v63  }
0x107: {  	_ =	swait.ge @!p2 [sflag:s5], $0x4000  }
0x108: {  	s19 =	sadd.s32 $0xFFFFFFA0, s13;
	s9 =	sadd.s32 s30, s21;
	[sflag:s5] =	ssyncset.done @!p2 $0x0  }
0x109: {  	[sflag:s5] =	ssyncadd.s32 @!p2 $0xFFFFC000  }
0x10a: {  	[tilespmem:s29], [sflag:$0x3] =	stream.linear.gather [hbm4b:s19+s3], $0x80, $0x38;
	[tilespmem:$0x1D100] =	vst v63  }
0x10b: {  	s5 =	sadd.s32 $0x20, s9  }
0x10c: {  	[tilespmem:s0], [sflag:$0x3] =	stream.linear.gather [hbm4b:s5+s3], $0x80, $0x38;
	[tilespmem:$0x1D100] =	vst v63  }
0x10d: {  	_ =	swait.ge [sflag:s6], $0x80  }
0x10e: {  	[sflag:s6] =	ssyncset.done $0x0  }
0x10f: {  	[sflag:s6] =	ssyncadd.s32 $0xFFFFFF80  }
0x110: {  	_ =	swait.ge [sflag:s6], $0x80  }
0x111: {  	s5 =	simm.s32 @!p2 $0x6;
	[sflag:s6] =	ssyncset.done $0x0  }
0x112: {  	[sflag:s6] =	ssyncadd.s32 $0xFFFFFF80  }
0x113: {  	[tilespmem:s8], [sflag:$0x5] =	stream.indirect.gather [hbm4b:s4+s26], $0x80, s3, s26, $0xb8;
	[tilespmem:$0x1D100] =	vst v63  }
0x114: {  	s17 =	simm.s32 @!p2 $0x8;
	s19 =	simm.s32 @!p2 $0x4400;
	_ =	swait.ge @!p2 [sflag:s5], $0x4000  }
0x115: {  	s31 =	simm.s32 @!p2 $0x80;
	s22 =	simm.s32 @!p2 $0x380;
	[sflag:s5] =	ssyncset.done @!p2 $0x0  }
0x116: {  	[sflag:s5] =	ssyncadd.s32 @!p2 $0xFFFFC000  }
0x117: {  	[spmem:s2] =	stream.indirect.scatter.add.f32 @!p2 [tilespmem:s19], [sflag:$0x8], $0x80, s22, s31, $0xb8;
	[tilespmem:$0x1D100] =	vst v63  }
0x118: {  	_ =	swait.ge @!p2 [sflag:s17], $0x4000  }
0x119: {  	s5 =	sadd.s32 $0xFFFFFFC0, s13;
	[sflag:s17] =	ssyncset.done @!p2 $0x0  }
0x11a: {  	[sflag:s17] =	ssyncadd.s32 @!p2 $0xFFFFC000  }
0x11b: {  	[tilespmem:s10], [sflag:$0x4] =	stream.linear.gather [hbm4b:s5+s3], $0x80, $0x38;
	[tilespmem:$0x1D100] =	vst v63  }
0x11c: {  	s5 =	sadd.s32 $0x30, s9  }
0x11d: {  	[tilespmem:s11], [sflag:$0x4] =	stream.linear.gather [hbm4b:s5+s3], $0x80, $0x38;
	[tilespmem:$0x1D100] =	vst v63  }
0x11e: {  	_ =	swait.ge [sflag:s12], $0x80  }
0x11f: {  	[sflag:s12] =	ssyncset.done $0x0  }
0x120: {  	[sflag:s12] =	ssyncadd.s32 $0xFFFFFF80  }
0x121: {  	_ =	swait.ge [sflag:s12], $0x80  }
0x122: {  	[sflag:s12] =	ssyncset.done $0x0  }
0x123: {  	[sflag:s12] =	ssyncadd.s32 $0xFFFFFF80  }
0x124: {  	[tilespmem:s14], [sflag:$0x6] =	stream.indirect.gather [hbm4b:s4+s26], $0x80, s26, s26, $0xb8;
	[tilespmem:$0x1D100] =	vst v63  }
0x125: {  	_ =	swait.ge [sflag:s15], $0x4000  }
0x126: {  	[sflag:s15] =	ssyncset.done $0x0  }
0x127: {  	[sflag:s15] =	ssyncadd.s32 $0xFFFFC000  }
0x128: {  	[spmem:s2] =	stream.indirect.scatter.add.f32 [tilespmem:s8], [sflag:$0x7], $0x80, s25, s26, $0xb8;
	[tilespmem:$0x1D100] =	vst v63  }
0x129: {  	p2 =	seq.s32 s30, $0x4C0;
	_ =	swait.ge [sflag:s16], $0x4000  }
0x12a: {  	s9 =	simm.s32 @!p2 $0x0;
	s5 =	sadd.s32 @!p2 $0xFFFFFFE0, s13;
	[sflag:s16] =	ssyncset.done $0x0  }
0x12b: {  	s17 =	sadd.s32 @!p2 s30, s21;
	s19 =	simm.s32 @!p2 $0x200;
	[sflag:s16] =	ssyncadd.s32 $0xFFFFC000  }
0x12c: {  	[tilespmem:s9], [sflag:$0x1] =	stream.linear.gather @!p2 [hbm4b:s5+s9], $0x80, $0x38;
	[tilespmem:$0x1D100] =	vst v63  }
0x12d: {  	s30 =	smov.u32 s7;
	s5 =	sadd.s32 @!p2 $0x40, s17;
	s17 =	sadd.s32 @!p2 $0x50, s17  }
0x12e: {  	[tilespmem:s19], [sflag:$0x1] =	stream.linear.gather @!p2 [hbm4b:s5+s9], $0x80, $0x38;
	[tilespmem:$0x1D100] =	vst v63  }
0x12f: {  	_ =	swait.ge [sflag:s1], $0x80  }
0x130: {  	[sflag:s1] =	ssyncset.done $0x0  }
0x131: {  	[sflag:s1] =	ssyncadd.s32 $0xFFFFFF80  }
0x132: {  	_ =	swait.ge [sflag:s1], $0x80  }
0x133: {  	[sflag:s1] =	ssyncset.done $0x0  }
0x134: {  	[sflag:s1] =	ssyncadd.s32 $0xFFFFFF80  }
0x135: {  	[tilespmem:s8], [sflag:$0x5] =	stream.indirect.gather [hbm4b:s4+s26], $0x80, s29, s26, $0xb8;
	[tilespmem:$0x1D100] =	vst v63  }
0x136: {  	_ =	swait.ge [sflag:s18], $0x4000  }
0x137: {  	[sflag:s18] =	ssyncset.done $0x0  }
0x138: {  	[sflag:s18] =	ssyncadd.s32 $0xFFFFC000  }
0x139: {  	[spmem:s2] =	stream.indirect.scatter.add.f32 [tilespmem:s14], [sflag:$0x8], $0x80, s28, s26, $0xb8;
	[tilespmem:$0x1D100] =	vst v63  }
0x13a: {  	_ =	swait.ge [sflag:s20], $0x4000  }
0x13b: {  	s5 =	simm.s32 @!p2 $0x80;
	[sflag:s20] =	ssyncset.done $0x0  }
0x13c: {  	s7 =	simm.s32 @!p2 $0x280;
	[sflag:s20] =	ssyncadd.s32 $0xFFFFC000  }
0x13d: {  	[tilespmem:s5], [sflag:$0x2] =	stream.linear.gather @!p2 [hbm4b:s13+s9], $0x80, $0x38;
	[tilespmem:$0x1D100] =	vst v63  }
0x13e: {  	_ = 	snop  }
0x13f: {  	[tilespmem:s7], [sflag:$0x2] =	stream.linear.gather @!p2 [hbm4b:s17+s9], $0x80, $0x38;
	[tilespmem:$0x1D100] =	vst v63  }
0x140: {  	_ =	swait.ge [sflag:s24], $0x80  }
0x141: {  	[sflag:s24] =	ssyncset.done $0x0  }
0x142: {  	[sflag:s24] =	ssyncadd.s32 $0xFFFFFF80  }
.Ltmp3:
0x143: {  	_ =	swait.ge [sflag:s24], $0x80;
	(pc) =	sbr.rel @p1 .LBB2_7-.Ltmp3, $4  }
0x144: {  	[sflag:s24] =	ssyncset.done $0x0  }
0x145: {  	[sflag:s24] =	ssyncadd.s32 $0xFFFFFF80  }
0x146: {  	[tilespmem:s14], [sflag:$0x6] =	stream.indirect.gather [hbm4b:s4+s26], $0x80, s10, s26, $0xb8;
	[tilespmem:$0x1D100] =	vst v63  }
0x147: {  	s13 =	sadd.s32 $0x80, s13;
	p2 =	seq.s32 s30, $0x0;
	_ =	swait.ge [sflag:s15], $0x4000  }
0x148: {  	[sflag:s15] =	ssyncset.done $0x0  }
0x149: {  	s5 =	simm.s32 @!p2 $0x7;
	[sflag:s15] =	ssyncadd.s32 $0xFFFFC000  }
0x14a: {  	[spmem:s2] =	stream.indirect.scatter.add.f32 [tilespmem:s8], [sflag:$0x7], $0x80, s0, s26, $0xb8;
	[tilespmem:$0x1D100] =	vst v63  }
0x14b: {  	_ =	swait.ge @!p2 [sflag:s5], $0x4000  }
0x14c: {  	[sflag:s5] =	ssyncset.done @!p2 $0x0  }
0x14d: {  	s7 =	sadd.s32 $0xFFFFFFA0, s13;
	s9 =	sadd.s32 s30, s21;
	[sflag:s5] =	ssyncadd.s32 @!p2 $0xFFFFC000  }
0x14e: {  	[tilespmem:s29], [sflag:$0x3] =	stream.linear.gather [hbm4b:s7+s3], $0x80, $0x38;
	[tilespmem:$0x1D100] =	vst v63  }
0x14f: {  	s19 =	sadd.s32 $0x20, s9  }
0x150: {  	[tilespmem:s0], [sflag:$0x3] =	stream.linear.gather [hbm4b:s19+s3], $0x80, $0x38;
	[tilespmem:$0x1D100] =	vst v63  }
0x151: {  	_ =	swait.ge [sflag:s6], $0x80  }
0x152: {  	[sflag:s6] =	ssyncset.done $0x0  }
0x153: {  	[sflag:s6] =	ssyncadd.s32 $0xFFFFFF80  }
0x154: {  	_ =	swait.ge [sflag:s6], $0x80  }
0x155: {  	[sflag:s6] =	ssyncset.done $0x0  }
0x156: {  	s5 =	simm.s32 @!p2 $0x6;
	[sflag:s6] =	ssyncadd.s32 $0xFFFFFF80  }
0x157: {  	[tilespmem:s8], [sflag:$0x5] =	stream.indirect.gather [hbm4b:s4+s26], $0x80, s3, s26, $0xb8;
	[tilespmem:$0x1D100] =	vst v63  }
0x158: {  	_ =	swait.ge @!p2 [sflag:s5], $0x4000  }
0x159: {  	s17 =	simm.s32 @!p2 $0x80;
	[sflag:s5] =	ssyncset.done @!p2 $0x0  }
0x15a: {  	s7 =	simm.s32 @!p2 $0x4400;
	[sflag:s5] =	ssyncadd.s32 @!p2 $0xFFFFC000;
	s5 =	simm.s32 @!p2 $0x380  }
0x15b: {  	[spmem:s2] =	stream.indirect.scatter.add.f32 @!p2 [tilespmem:s7], [sflag:$0x8], $0x80, s5, s17, $0xb8;
	[tilespmem:$0x1D100] =	vst v63  }
0x15c: {  	s5 =	simm.s32 @!p2 $0x8  }
0x15d: {  	_ =	swait.ge @!p2 [sflag:s5], $0x4000  }
0x15e: {  	[sflag:s5] =	ssyncset.done @!p2 $0x0  }
0x15f: {  	s22 =	sadd.s32 $0xFFFFFFC0, s13;
	[sflag:s5] =	ssyncadd.s32 @!p2 $0xFFFFC000  }
0x160: {  	[tilespmem:s10], [sflag:$0x4] =	stream.linear.gather [hbm4b:s22+s3], $0x80, $0x38;
	[tilespmem:$0x1D100] =	vst v63  }
0x161: {  	s23 =	sadd.s32 $0x30, s9  }
0x162: {  	[tilespmem:s11], [sflag:$0x4] =	stream.linear.gather [hbm4b:s23+s3], $0x80, $0x38;
	[tilespmem:$0x1D100] =	vst v63  }
0x163: {  	_ =	swait.ge [sflag:s12], $0x80  }
0x164: {  	[sflag:s12] =	ssyncset.done $0x0  }
0x165: {  	[sflag:s12] =	ssyncadd.s32 $0xFFFFFF80  }
0x166: {  	_ =	swait.ge [sflag:s12], $0x80  }
0x167: {  	[sflag:s12] =	ssyncset.done $0x0  }
0x168: {  	[sflag:s12] =	ssyncadd.s32 $0xFFFFFF80  }
0x169: {  	[tilespmem:s14], [sflag:$0x6] =	stream.indirect.gather [hbm4b:s4+s26], $0x80, s26, s26, $0xb8;
	[tilespmem:$0x1D100] =	vst v63  }
0x16a: {  	_ =	swait.ge [sflag:s15], $0x4000  }
0x16b: {  	[sflag:s15] =	ssyncset.done $0x0  }
0x16c: {  	[sflag:s15] =	ssyncadd.s32 $0xFFFFC000  }
0x16d: {  	[spmem:s2] =	stream.indirect.scatter.add.f32 [tilespmem:s8], [sflag:$0x7], $0x80, s25, s26, $0xb8;
	[tilespmem:$0x1D100] =	vst v63  }
0x16e: {  	p1 =	seq.s32 s30, $0x4C0;
	_ =	swait.ge [sflag:s16], $0x4000  }
0x16f: {  	s9 =	sadd.s32 @!p1 s30, s21;
	[sflag:s16] =	ssyncset.done $0x0  }
0x170: {  	s7 =	simm.s32 @!p1 $0x0;
	s5 =	sadd.s32 @!p1 $0xFFFFFFE0, s13;
	[sflag:s16] =	ssyncadd.s32 $0xFFFFC000  }
0x171: {  	[tilespmem:s7], [sflag:$0x1] =	stream.linear.gather @!p1 [hbm4b:s5+s7], $0x80, $0x38;
	[tilespmem:$0x1D100] =	vst v63  }
0x172: {  	s17 =	sadd.s32 @!p1 $0x40, s9;
	s5 =	simm.s32 @!p1 $0x200  }
0x173: {  	[tilespmem:s5], [sflag:$0x1] =	stream.linear.gather @!p1 [hbm4b:s17+s7], $0x80, $0x38;
	[tilespmem:$0x1D100] =	vst v63  }
0x174: {  	_ =	swait.ge [sflag:s1], $0x80  }
0x175: {  	[sflag:s1] =	ssyncset.done $0x0  }
0x176: {  	[sflag:s1] =	ssyncadd.s32 $0xFFFFFF80  }
0x177: {  	_ =	swait.ge [sflag:s1], $0x80  }
0x178: {  	[sflag:s1] =	ssyncset.done $0x0  }
0x179: {  	[sflag:s1] =	ssyncadd.s32 $0xFFFFFF80  }
0x17a: {  	[tilespmem:s8], [sflag:$0x5] =	stream.indirect.gather [hbm4b:s4+s26], $0x80, s29, s26, $0xb8;
	[tilespmem:$0x1D100] =	vst v63  }
0x17b: {  	_ =	swait.ge [sflag:s18], $0x4000  }
0x17c: {  	[sflag:s18] =	ssyncset.done $0x0  }
0x17d: {  	[sflag:s18] =	ssyncadd.s32 $0xFFFFC000  }
0x17e: {  	[spmem:s2] =	stream.indirect.scatter.add.f32 [tilespmem:s14], [sflag:$0x8], $0x80, s28, s26, $0xb8;
	[tilespmem:$0x1D100] =	vst v63  }
0x17f: {  	_ =	swait.ge [sflag:s20], $0x4000  }
0x180: {  	[sflag:s20] =	ssyncset.done $0x0  }
0x181: {  	s5 =	simm.s32 @!p1 $0x80;
	[sflag:s20] =	ssyncadd.s32 $0xFFFFC000  }
0x182: {  	[tilespmem:s5], [sflag:$0x2] =	stream.linear.gather @!p1 [hbm4b:s13+s7], $0x80, $0x38;
	[tilespmem:$0x1D100] =	vst v63  }
0x183: {  	s5 =	sadd.s32 @!p1 $0x50, s9;
	s9 =	simm.s32 @!p1 $0x280  }
0x184: {  	[tilespmem:s9], [sflag:$0x2] =	stream.linear.gather @!p1 [hbm4b:s5+s7], $0x80, $0x38;
	[tilespmem:$0x1D100] =	vst v63  }
0x185: {  	_ =	swait.ge [sflag:s24], $0x80  }
0x186: {  	[sflag:s24] =	ssyncset.done $0x0  }
0x187: {  	[sflag:s24] =	ssyncadd.s32 $0xFFFFFF80  }
0x188: {  	_ =	swait.ge [sflag:s24], $0x80  }
0x189: {  	[sflag:s24] =	ssyncset.done $0x0  }
0x18a: {  	[sflag:s24] =	ssyncadd.s32 $0xFFFFFF80  }
0x18b: {  	[tilespmem:s14], [sflag:$0x6] =	stream.indirect.gather [hbm4b:s4+s26], $0x80, s10, s26, $0xb8;
	[tilespmem:$0x1D100] =	vst v63  }
0x18c: {  	_ =	swait.ge [sflag:s15], $0x4000  }
0x18d: {  	[sflag:s15] =	ssyncset.done $0x0  }
0x18e: {  	[sflag:s15] =	ssyncadd.s32 $0xFFFFC000  }
0x18f: {  	[spmem:s2] =	stream.indirect.scatter.add.f32 [tilespmem:s8], [sflag:$0x7], $0x80, s0, s26, $0xb8;
	[tilespmem:$0x1D100] =	vst v63  }
0x190: {  	_ =	swait.ge [sflag:s18], $0x4000  }
0x191: {  	[sflag:s18] =	ssyncset.done $0x0  }
0x192: {  	[sflag:s18] =	ssyncadd.s32 $0xFFFFC000  }
0x193: {  	[spmem:s2] =	stream.indirect.scatter.add.f32 [tilespmem:s14], [sflag:$0x8], $0x80, s11, s26, $0xb8;
	[tilespmem:$0x1D100] =	vst v63  }
0x194: {  	_ =	swait.ge [sflag:s16], $0x4000  }
0x195: {  	[sflag:s16] =	ssyncset.done $0x0  }
0x196: {  	[sflag:s16] =	ssyncadd.s32 $0xFFFFC000  }
0x197: {  	_ =	swait.ge [sflag:s20], $0x4000  }
0x198: {  	[sflag:s20] =	ssyncset.done $0x0  }
0x199: {  	[sflag:s20] =	ssyncadd.s32 $0xFFFFC000  }
0x19a: {  	[bflag:$0x0] =	sbarrier.arrive $0xFFFF  }
0x19b: {  	s13 =	rddreg [dreg:$0x12]  }
0x19c: {  	s7 =	rddreg [dreg:$0x1f]  }
0x19d: {  	s9 =	simm.s32 @p0 $0x1FC9;
	s5 =	sadd.s32 @p0 $0x25800, s13;
	s7 =	sshrl.u32 @p0 s7, $0x3  }
0x19e: {  	[hbm:s5], [sflag:s9] =	dma.local @p0 [spmem:s7], $0x1900  }
0x19f: {  	s5 =	simm.s32 @p0 $0x9  }
0x1a0: {  	_ =	swait.ge @p0 [sflag:s5], $0x1900  }
0x1a1: {  	[sflag:s5] =	ssyncset.done @p0 $0x0  }
0x1a2: {  	s7 =	rddreg [dreg:$0xc];
	[sflag:s5] =	ssyncadd.s32 @p0 $0xFFFFE700;
	s5 =	stileid.u32  }
0x1a3: {  	s9 =	rddreg [dreg:$0x4];
	s5 =	sshll.u32 @!p0 s5, $0x6  }
0x1a4: {  	s7 =	sadd.s32 @!p0 s7, s13;
	s9 =	sshrl.u32 @!p0 s9, $0x3;
	s5 =	sor.u32 @!p0 $0x1C09, s5  }
0x1a5: {  	[hbm:s7], [sflag:s5] =	dma.local @!p0 [spmem:s9], $0x2800  }
0x1a6: {  	s5 =	simm.s32 @!p0 $0x9  }
0x1a7: {  	_ =	swait.ge @!p0 [sflag:s5], $0x2800  }
0x1a8: {  	s30 =	sld [smem:$0x7F5];
	_ =	sdelay $0x2  }
0x1a9: {  	s31 =	rddreg [dreg:$0x16];
	s9 =	sadd.s32 $0x1, s30  }
0x1aa: {  	p1 =	sne.s32 s9, s31  }
.Ltmp4:
0x1ab: {  	_ = 	snop;
	(pc) =	sbr.rel @p1 .LBB2_1-.Ltmp4, $3  }
0x1ac: {  	_ =	sdelay $0x1  }
0x1ad: {  	[sflag:s5] =	ssyncset.done @!p0 $0x0  }
0x1ae: {  	[sflag:s5] =	ssyncadd.s32 @!p0 $0xFFFFD800  }
0x1af: {  	_ =	sfence.sel $0x180000  }
0x1b0: {  	[bflag:$0x0] =	sbarrier.arrive $0xFFFF  }
0x1b1: {  	_ =	strace $0x9000004D  }
0x1b2: {  	s0 =	stileid.u32;
	[bflag:$0x2] =	sbarrier.arrive $0xFFFF  }
0x1b3: {  	p0 =	sne.s32 s0, $0x0;
	s0 =	rddreg [dreg:$0x3]  }
0x1b4: {  	s0 =	sadd.s32 @!p0 $0x100000, s0  }
0x1b5: {  	[sflag:s0] =	ssyncadd.tile.s32 @!p0 $0x1;
	_ =	shalt  }
.Lfunc_end2:
_tile_overlayer_lowered:
.L_overlay_start_2:
0x1b6: {  	(tag) =	ssettag $0x2  }
0x1b7: {  	s0 =	rddreg [dreg:$0x0];
	s2 =	stileid.u32  }
0x1b8: {  	s1 =	rddreg [dreg:$0x1];
	p0 =	sne.s32 s2, $0x0  }
0x1b9: {  	s3 =	rddreg [dreg:$0x2];
	[bflag:$0x3] =	sbarrier.arrive $0xFFFF;
	s2 =	simm.s32 @!p0 $0x1C09  }
0x1ba: {  	[timem:s3], [sflag:s2] =	dma.local @!p0 [hbm:s0], s1  }
0x1bb: {  	s0 =	simm.s32 @!p0 $0x9  }
0x1bc: {  	_ =	swait.ge @!p0 [sflag:s0], s1  }
0x1bd: {  	s1 =	ssub.s32 @!p0 $0x0, s1;
	[sflag:s0] =	ssyncset.done @!p0 $0x0  }
0x1be: {  	[sflag:s0] =	ssyncadd.s32 @!p0 s1  }
0x1bf: {  	[bflag:$0x3] =	sbarrier.arrive $0xFFFF  }
0x1c0: {  	_ =	shalt  }

// kernel: kernel.7.cloned.1.call-start
scs
__scs_entry_jumppad:
0x0: {  	(pc) =	sbr.rel $0x88, $3  }
0x1: {  	(tag) =	ssettag $0x0;
	lr =	simm.s32 $0x1  }
0x2: {  	[smem:$0x3F99] =	sst lr;
	_ =	strace $0xD0000000  }
0x3: {  	_ = 	snop  }
0x4: {  	_ = 	snop  }
0x5: {  	_ = 	snop  }
0x6: {  	_ = 	snop  }
0x7: {  	_ = 	snop  }
__scs_overlays_trampoline_lowered:
0x8: {  	[smem:$0x3FA8] =	sst s0  }
0x9: {  	[smem:$0x3FA9] =	sst s1  }
0xa: {  	[smem:$0x3FAA] =	sst s2  }
0xb: {  	[smem:$0x3FAB] =	sst s3  }
0xc: {  	[smem:$0x3FAC] =	sst s4  }
0xd: {  	[smem:$0x3FAD] =	sst s5  }
0xe: {  	[smem:$0x3FAE] =	sst s6  }
0xf: {  	[smem:$0x3FAF] =	sst s7  }
0x10: {  	[smem:$0x3FB0] =	sst s8  }
0x11: {  	[smem:$0x3FB1] =	sst s9;
	s0 =	simm.s32 @!p0 $0x0  }
0x12: {  	s1 =	sld [smem:$0x3F97];
	s0 =	simm.s32 @p0 $0x1  }
0x13: {  	[smem:$0x3FB2] =	sst s0;
	s0 =	simm.s32 @!p1 $0x0  }
0x14: {  	s2 =	sld [smem:$0x3F96];
	s0 =	simm.s32 @p1 $0x1  }
0x15: {  	[smem:$0x3FB3] =	sst s0;
	s0 =	simm.s32 @!p2 $0x0  }
0x16: {  	s3 =	sld [smem:$0x3FDB];
	s0 =	simm.s32 @p2 $0x1  }
0x17: {  	s4 =	simm.s32 $0x1BF5;
	[smem:$0x3FB5] =	sst s0  }
0x18: {  	s0 =	sld [smem:$0x3F98];
	_ =	swait.ge [sflag:s4], $0x0  }
0x19: {  	s7 =	sld [smem:$0x3F99]  }
0x1a: {  	s8 =	sadd.s32 $0xFFFFE003, lr  }
0x1b: {  	s9 =	sadd.s32 $0xFFFFFEF7, lr;
	s5 =	simm.s32 $0xFFFFFFFF;
	p2 =	slt.u32 s8, $0xFFFFF086  }
0x1c: {  	p1 =	slt.u32 s9, $0xF7A;
	s5 =	simm.s32 @!p2 $0x0  }
0x1d: {  	s5 =	simm.s32 @p1 $0x1;
	p0 =	seq.s32 s7, s2  }
0x1e: {  	s7 =	smul.u32 @!p0 $0xF7A, s2;
	p2 =	seq.s32 @!p0 s5, $0x0  }
0x1f: {  	s9 =	smul.u32 $0xF7A, s1;
	s8 =	simm.s32 @!p0 $0x1BF5;
	p2 =	por !p2, p0  }
0x20: {  	[sflag:s8] =	ssyncset.s32 @!p0 $0xFFFFF086;
	s6 =	sadd.s32 @!p0 s3, s7;
	s7 =	simm.s32 @!p0 $0x108  }
0x21: {  	s3 =	sadd.s32 s3, s9;
	s6 =	sadd.s32 @!p0 $0x88, s6;
	s7 =	simm.s32 @p2 $0x1082  }
0x22: {  	[simem:s7], [sflag:s8] =	dma.local @!p0 [hbm:s6], $0xF7A  }
0x23: {  	s9 =	sor.u32 $0xD0000000, s2;
	s6 =	simm.s32 $0x108;
	_ =	swait.ge @!p0 [sflag:s8], $0x0  }
0x24: {  	s3 =	sadd.s32 $0x88, s3;
	s6 =	simm.s32 @!p1 $0x1082;
	[sflag:s4] =	ssyncset.s32 $0xFFFFF086  }
0x25: {  	[simem:s6], [sflag:s4] =	dma.local [hbm:s3], $0xF7A  }
0x26: {  	[smem:$0x3F99] =	sst s1;
	(tag) =	ssettag s2;
	_ =	strace s9  }
0x27: {  	s1 =	sld [smem:$0x3FA9]  }
0x28: {  	s2 =	sld [smem:$0x3FAA]  }
0x29: {  	s4 =	sld [smem:$0x3FAC]  }
0x2a: {  	p0 =	seq.s32 s5, $0x0;
	s5 =	sld [smem:$0x3FAD]  }
0x2b: {  	s6 =	sld [smem:$0x3FAE]  }
0x2c: {  	s7 =	sld [smem:$0x3FAF]  }
0x2d: {  	s3 =	simm.s32 $0x108;
	s8 =	sld [smem:$0x3FB0]  }
0x2e: {  	s3 =	simm.s32 @!p0 $0x1082;
	s9 =	sld [smem:$0x3FB1]  }
0x2f: {  	lr =	sadd.s32 s0, s3;
	s0 =	sld [smem:$0x3FA8]  }
0x30: {  	s3 =	sld [smem:$0x3FAB]  }
0x31: {  	[smem:$0x3FB4] =	sst s10  }
0x32: {  	s10 =	sld [smem:$0x3FB2];
	_ =	sdelay $0x3  }
0x33: {  	p0 =	seq.s32 s10, $0x1;
	s10 =	sld [smem:$0x3FB4];
	_ =	sdelay $0x3  }
0x34: {  	[smem:$0x3FB4] =	sst s10  }
0x35: {  	s10 =	sld [smem:$0x3FB3];
	_ =	sdelay $0x3  }
0x36: {  	p1 =	seq.s32 s10, $0x1;
	s10 =	sld [smem:$0x3FB4];
	_ =	sdelay $0x3  }
0x37: {  	[smem:$0x3FB4] =	sst s10  }
0x38: {  	s10 =	sld [smem:$0x3FB5]  }
0x39: {  	_ = 	snop;
	(pc) =	sbr.ind lr, $3  }
0x3a: {  	_ = 	snop  }
0x3b: {  	_ = 	snop  }
0x3c: {  	p2 =	seq.s32 s10, $0x1;
	s10 =	sld [smem:$0x3FB4]  }
0x3d: {  	_ =	shalt  }
0x3e: {  	_ =	shalt  }
0x3f: {  	_ =	shalt  }
0x40: {  	_ =	shalt  }
0x41: {  	_ =	shalt  }
0x42: {  	_ =	shalt  }
0x43: {  	_ =	shalt  }
0x44: {  	_ =	shalt  }
0x45: {  	_ =	shalt  }
0x46: {  	_ =	shalt  }
0x47: {  	_ =	shalt  }
0x48: {  	_ =	shalt  }
0x49: {  	_ =	shalt  }
0x4a: {  	_ =	shalt  }
0x4b: {  	_ =	shalt  }
0x4c: {  	_ =	shalt  }
0x4d: {  	_ =	shalt  }
0x4e: {  	_ =	shalt  }
0x4f: {  	_ =	shalt  }
0x50: {  	_ =	shalt  }
0x51: {  	_ =	shalt  }
0x52: {  	_ =	shalt  }
0x53: {  	_ =	shalt  }
0x54: {  	_ =	shalt  }
0x55: {  	_ =	shalt  }
0x56: {  	_ =	shalt  }
0x57: {  	_ =	shalt  }
0x58: {  	_ =	shalt  }
0x59: {  	_ =	shalt  }
0x5a: {  	_ =	shalt  }
0x5b: {  	_ =	shalt  }
0x5c: {  	_ =	shalt  }
0x5d: {  	_ =	shalt  }
0x5e: {  	_ =	shalt  }
0x5f: {  	_ =	shalt  }
0x60: {  	_ =	shalt  }
0x61: {  	_ =	shalt  }
0x62: {  	_ =	shalt  }
0x63: {  	_ =	shalt  }
0x64: {  	_ =	shalt  }
0x65: {  	_ =	shalt  }
0x66: {  	_ =	shalt  }
0x67: {  	_ =	shalt  }
0x68: {  	_ =	shalt  }
0x69: {  	_ =	shalt  }
0x6a: {  	_ =	shalt  }
0x6b: {  	_ =	shalt  }
0x6c: {  	_ =	shalt  }
0x6d: {  	_ =	shalt  }
0x6e: {  	_ =	shalt  }
0x6f: {  	_ =	shalt  }
0x70: {  	_ =	shalt  }
0x71: {  	_ =	shalt  }
0x72: {  	_ =	shalt  }
0x73: {  	_ =	shalt  }
0x74: {  	_ =	shalt  }
0x75: {  	_ =	shalt  }
0x76: {  	_ =	shalt  }
0x77: {  	_ =	shalt  }
0x78: {  	_ =	shalt  }
0x79: {  	_ =	shalt  }
0x7a: {  	_ =	shalt  }
0x7b: {  	_ =	shalt  }
0x7c: {  	_ =	shalt  }
0x7d: {  	_ =	shalt  }
0x7e: {  	_ =	shalt  }
0x7f: {  	_ =	shalt  }
0x80: {  	_ =	shalt  }
0x81: {  	_ =	shalt  }
0x82: {  	_ =	shalt  }
0x83: {  	_ =	shalt  }
0x84: {  	_ =	shalt  }
0x85: {  	_ =	shalt  }
0x86: {  	_ =	shalt  }
0x87: {  	_ =	shalt  }
.Lfunc_end0:
.L_simem_size_0:
called_computation_lowered:
.L_overlay_start_0:
0x88: {  	s2 =	sld [smem:$0x3FD9]  }
0x89: {  	s3 =	sld [smem:$0x3FFE];
	_ =	sdelay $0x1  }
0x8a: {  	s1 =	srdreg.scid  }
0x8b: {  	s0 =	sand.u32 $0x1, s1  }
0x8c: {  	s16 =	sshll.u32 s0, $0xA;
	s2 =	sadd.s32 s3, s2  }
0x8d: {  	s2 =	sadd.s32 s2, s16  }
0x8e: {  	[smem:$0x3FC0] =	sst s2  }
0x8f: {  	_ = 	snop  }
0x90: {  	(tm) =	ssettm $0x1  }
0x91: {  	s17 =	sld [smem:$0x3FFB];
	_ =	sdelay $0x3  }
0x92: {  	_ =	strace s17  }
0x93: {  	s2 =	sld [smem:$0x3FFC];
	_ =	sdelay $0x3  }
0x94: {  	_ =	strace s2  }
0x95: {  	s2 =	sld [smem:$0x3FFD];
	_ =	sdelay $0x3  }
0x96: {  	_ =	strace s2  }
0x97: {  	_ =	strace $0x8FFFFFFF  }
0x98: {  	s18 =	sld [smem:$0x3FDB];
	_ =	sdelay $0x1  }
0x99: {  	s19 =	simm.s32 $_scs_section_size  }
0x9a: {  	s4 =	simm.s32 $_size__tile_overlayer_lowered;
	s5 =	simm.s32 $_tile_overlayer_lowered  }
0x9b: {  	s22 =	simm.s32 $0x1BFF;
	s21 =	sshll.u32 s5, $0x1;
	s2 =	sadd.s32 s19, s18  }
0x9c: {  	s6 =	simm.s32 $0x0;
	s20 =	sshll.u32 s4, $0x1;
	s4 =	sadd.s32 s21, s2  }
0x9d: {  	[timem:s6], [sflag:s22] =	dma.local [hbm:s4], s20  }
0x9e: {  	_ =	swait.ge [sflag:s22], s20  }
0x9f: {  	s3 =	ssub.s32 $0x0, s20;
	[sflag:s22] =	ssyncset.done $0x0  }
0xa0: {  	[sflag:s22] =	ssyncadd.s32 s3;
	_ =	sdelay $0x1  }
0xa1: {  	s23 =	simm.s32 $0x1B8B  }
0xa2: {  	_ =	swait.ge [sflag:s23], $0x1  }
0xa3: {  	[sflag:s23] =	ssyncset.done $0x0  }
0xa4: {  	s25 =	simm.s32 $0x1B8E;
	s24 =	sld [smem:$0x3FFE];
	[sflag:s23] =	ssyncadd.s32 $0xFFFFFFFF  }
0xa5: {  	s26 =	simm.s32 $execute0_lowered;
	[smem:$0x3FD2] =	sst s25  }
0xa6: {  	s4 =	sshll.u32 s26, $0x1;
	_ =	strace $0x80000046;
	[dreg:$0x1] =	wrdreg $0xFFFFFFFF  }
0xa7: {  	s28 =	simm.s32 $_size_execute0_lowered;
	s2 =	sadd.s32 s2, s4;
	[dreg:$0x0] =	wrdreg $0x0  }
0xa8: {  	s4 =	sshll.u32 s28, $0x1;
	[dreg:$0x2] =	wrdreg s2  }
0xa9: {  	[dreg:$0x3] =	wrdreg s4  }
0xaa: {  	[dreg:$0x4] =	wrdreg $0xC0  }
0xab: {  	_ =	task [dreg:s6], $0x5FFFF  }
0xac: {  	[dreg:$0x1] =	wrdreg $0xFFFFFFFF  }
0xad: {  	[dreg:$0x0] =	wrdreg $0x60  }
0xae: {  	[dreg:$0x2] =	wrdreg s24  }
0xaf: {  	[dreg:$0x3] =	wrdreg $0x58000  }
0xb0: {  	[dreg:$0x4] =	wrdreg $0x9  }
0xb1: {  	_ =	task.clear_ibuf [dreg:s6], $0x5FFFF;
	_ =	strace $0x90000046  }
0xb2: {  	s29 =	simm.s32 $0x9;
	_ =	strace $0x80000048  }
0xb3: {  	_ =	swait.ge [sflag:s29], $0x1  }
0xb4: {  	[sflag:s29] =	ssyncadd.s32 $0xFFFFFFFF  }
0xb5: {  	_ =	strace $0x90000048  }
0xb6: {  	_ =	sfence  }
0xb7: {  	s30 =	sld [smem:$0x0];
	_ =	sdelay $0x2  }
0xb8: {  	s31 =	sshll.u32 s1, $0xD;
	s1 =	sshrl.u32 s1, $0x2  }
0xb9: {  	s3 =	sand.u32 $0x4000, s31;
	s1 =	sadd.s32 s1, s30  }
0xba: {  	s0 =	sor.u32 s3, s0;
	s1 =	sshll.u32 s1, $0x11  }
0xbb: {  	s0 =	sor.u32 s1, s0  }
0xbc: {  	s0 =	sadd.s32 $0x8F2B, s0  }
0xbd: {  	[sflag:s0] =	ssyncadd.remote.s32 $0x1  }
0xbe: {  	_ =	sfence.sel $0xFFFF  }
0xbf: {  	[dreg:$0x0] =	wrdreg $0xFFFFFFFF;
	(pc) =	sbr.abs _section_cstart, $3  }
0xc0: {  	[dreg:$0x1] =	wrdreg $0xFFFFFFFF  }
0xc1: {  	_ =	task.clear_ibuf [dreg:s6], $0x2FFFF;
	_ =	strace $0x9FFFFFFF  }
0xc2: {  	(tm) =	ssettm $0x7FFFFFFF  }
0xc3: {  	_ =	shalt  }
tec
execute0_lowered:
.L_overlay_start_1:
0x0: {  	(tag) =	ssettag $0x1  }
0x1: {  	s0 =	rddreg [dreg:$0x0]  }
0x2: {  	s2 =	rddreg [dreg:$0x1];
	s3 =	simm.s32 $0x0;
	s10 =	stileid.u32  }
0x3: {  	s1 =	srdreg.scid;
	s28 =	simm.s32 $0x280;
	s5 =	smul.u32 $0x50000, s10  }
0x4: {  	s29 =	simm.s32 $0x4;
	s31 =	simm.s32 $0x5;
	[smem:$0x7FF] =	sst s3  }
0x5: {  	s1 =	sand.u32 $0x1, s1;
	s4 =	sadd.s32 $0x3600, s0;
	s5 =	sshrl.u32 s5, $0x2  }
0x6: {  	s25 =	smul.u32 $0x1400, s10;
	p0 =	seq.s32 s10, $0xF;
	s5 =	sadd.s32 s5, s2  }
0x7: {  	_ =	strace $0x80000047;
	s22 =	sadd.s32 $0x1400, s5;
	[dreg:$0xb] =	wrdreg s5  }
0x8: {  	s6 =	smul.u32 $0x27100, s1;
	s8 =	sadd.s32 $0x2800, s5;
	[dreg:$0xc] =	wrdreg s22  }
0x9: {  	s7 =	ssub.s32 $0x2, s1;
	s24 =	sadd.s32 $0x3C00, s5;
	[dreg:$0xd] =	wrdreg s8  }
0xa: {  	s23 =	smul.u32 $0x14000, s1;
	s9 =	sadd.s32 $0x5000, s5;
	[dreg:$0xe] =	wrdreg s24  }
0xb: {  	s1 =	sshll.u32 s1, $0x4;
	s26 =	sadd.s32 $0x6400, s5;
	[dreg:$0xf] =	wrdreg s9  }
0xc: {  	s21 =	sshrl.u32 s7, $0x1;
	s30 =	sadd.s32 $0x7800, s5;
	[dreg:$0x10] =	wrdreg s26  }
0xd: {  	s1 =	sor.u32 s10, s1;
	s11 =	sadd.s32 $0x8C00, s5;
	[dreg:$0x11] =	wrdreg s30  }
0xe: {  	s0 =	sadd.s32 s6, s0;
	s12 =	sadd.s32 $0xA000, s5;
	[dreg:$0x12] =	wrdreg s11  }
0xf: {  	s6 =	ssub.s32 s7, s21;
	s13 =	sadd.s32 $0xB400, s5;
	[dreg:$0x13] =	wrdreg s12  }
0x10: {  	s7 =	sadd.s32 s25, s23;
	s14 =	sadd.s32 $0xC800, s5;
	[dreg:$0x14] =	wrdreg s13  }
0x11: {  	s1 =	smul.u32 $0x1400, s1;
	s16 =	sadd.s32 $0xDC00, s5;
	[dreg:$0x15] =	wrdreg s14  }
0x12: {  	s15 =	sor.u32 $0x200, s7;
	s17 =	sadd.s32 $0xF000, s5;
	[dreg:$0x16] =	wrdreg s16  }
0x13: {  	s18 =	sadd.s32 $0x10400, s5;
	s19 =	sor.u32 $0x180, s7;
	[dreg:$0x17] =	wrdreg s17  }
0x14: {  	s21 =	sor.u32 $0x100, s7;
	s6 =	smax.u32 s6, $0x1;
	[dreg:$0x18] =	wrdreg s18  }
0x15: {  	s23 =	sadd.s32 $0x480, s7;
	s11 =	sadd.s32 $0x11800, s5;
	[smem:$0x7F2] =	sst s6  }
0x16: {  	s25 =	sor.u32 $0x380, s7;
	s5 =	sadd.s32 $0x12C00, s5;
	[dreg:$0x19] =	wrdreg s11  }
0x17: {  	s8 =	sshrl.u32 s15, $0x3;
	s14 =	simm.s32 $0x300;
	[dreg:$0x1a] =	wrdreg s5  }
0x18: {  	s20 =	sshrl.u32 s19, $0x3;
	s15 =	sadd.s32 $0x12C000, s2;
	[dreg:$0xa] =	wrdreg s14  }
0x19: {  	s9 =	sshrl.u32 s21, $0x3;
	s16 =	sadd.s32 $0x400, s7;
	[dreg:$0x1b] =	wrdreg s15  }
0x1a: {  	s24 =	sshrl.u32 s23, $0x3;
	s17 =	sadd.s32 $0x12D400, s2;
	[dreg:$0x1e] =	wrdreg s16  }
0x1b: {  	s30 =	sor.u32 $0x300, s7;
	s18 =	sadd.s32 $0x12E800, s2;
	[dreg:$0x1f] =	wrdreg s17  }
0x1c: {  	s12 =	sor.u32 $0x280, s7;
	s19 =	sadd.s32 $0x12FC00, s2;
	[smem:$0x7F3] =	sst s18  }
0x1d: {  	s1 =	sshrl.u32 s1, $0x3;
	s21 =	sadd.s32 $0x133800, s2;
	[smem:$0x7F4] =	sst s19  }
0x1e: {  	s23 =	sadd.s32 $0x134C00, s2;
	s6 =	simm.s32 $0x6;
	[smem:$0x7F7] =	sst s21  }
0x1f: {  	s7 =	simm.s32 $0x9;
	s8 =	sadd.s32 s8, s4;
	[smem:$0x7F9] =	sst s23  }
0x20: {  	s22 =	sadd.s32 s9, s4;
	s9 =	sshrl.u32 s25, $0x3;
	[dreg:$0x3] =	wrdreg s8  }
0x21: {  	s11 =	sshrl.u32 s30, $0x3;
	s5 =	sadd.s32 $0x8600, s0;
	[dreg:$0x5] =	wrdreg s22  }
0x22: {  	s1 =	sadd.s32 s4, s1;
	s25 =	sadd.s32 $0x137400, s2;
	[dreg:$0x1d] =	wrdreg s5  }
0x23: {  	s0 =	smul.u32 $0x2800, s10;
	s14 =	simm.s32 $0x80;
	[smem:$0x7FB] =	sst s25  }
0x24: {  	s15 =	simm.s32 $0x100;
	s8 =	sadd.s32 s20, s4;
	[dreg:$0x1c] =	wrdreg s1  }
0x25: {  	s16 =	simm.s32 $0x1;
	s26 =	sadd.s32 s9, s4;
	[dreg:$0x4] =	wrdreg s8  }
0x26: {  	s17 =	simm.s32 $0x400;
	s20 =	sadd.s32 $0x132400, s2;
	[dreg:$0x7] =	wrdreg s26  }
0x27: {  	s18 =	simm.s32 $0x180;
	s22 =	sadd.s32 $0x131000, s2;
	[smem:$0x7F6] =	sst s20  }
0x28: {  	s19 =	simm.s32 $0x2;
	s30 =	sadd.s32 $0x10, s1;
	[smem:$0x7F8] =	sst s22  }
0x29: {  	s9 =	sshrl.u32 s12, $0x3;
	s8 =	sadd.s32 s24, s4;
	[smem:$0x7FD] =	sst s30  }
0x2a: {  	s12 =	simm.s32 $0x4400;
	s13 =	sadd.s32 s9, s4;
	[dreg:$0x6] =	wrdreg s8  }
0x2b: {  	s25 =	simm.s32 $0x3;
	s0 =	sadd.s32 @!p0 s0, s5;
	[dreg:$0x9] =	wrdreg s13  }
0x2c: {  	s24 =	sadd.s32 $0x136000, s2;
	s26 =	sadd.s32 $0x138800, s2;
	[smem:$0x7F5] =	sst s0  }
0x2d: {  	s20 =	simm.s32 $0x200;
	s22 =	simm.s32 $0x0;
	[smem:$0x7FA] =	sst s24  }
0x2e: {  	s8 =	sadd.s32 s11, s4;
	[smem:$0x7FC] =	sst s26;
	s13 =	simm.s32 $0x11  }
0x2f: {  	v0 =	vimm.f32 $0.0e+00;
	v1 =	vimm.f32 $1.000000000e+00;
	s0 =	simm.s32 $0x380;
	[dreg:$0x8] =	wrdreg s8;
	s8 =	simm.s32 $0x8  }
.LBB2_1:
0x30: {  	s1 =	simm.s32 $0x70;
	s9 =	simm.s32 $0x3C0  }
.LBB2_2:
0x31: {  	p1 =	sne.s32 s9, $0x4FC0;
	[tilespmem:s1+$0x4400] =	vst v0  }
0x32: {  	[tilespmem:s1+$0x4390] =	vst v0  }
0x33: {  	[tilespmem:s1+$0x43A0] =	vst v0  }
.Ltmp0:
0x34: {  	[tilespmem:s1+$0x43B0] =	vst v0;
	(pc) =	sbr.rel @p1 .LBB2_2-.Ltmp0, $4  }
0x35: {  	[tilespmem:s1+$0x43C0] =	vst v0  }
0x36: {  	[tilespmem:s1+$0x43D0] =	vst v0  }
0x37: {  	[tilespmem:s1+$0x43E0] =	vst v0  }
0x38: {  	[tilespmem:s1+$0x43F0] =	vst v0;
	s1 =	sshra.s32 s9, $0x2;
	s9 =	sadd.s32 $0x200, s9  }
0x39: {  	[tilespmem:s1+$0x4400] =	vst v0  }
0x3a: {  	[tilespmem:s1+$0x4390] =	vst v0  }
0x3b: {  	[tilespmem:s1+$0x43A0] =	vst v0  }
0x3c: {  	[tilespmem:s1+$0x43B0] =	vst v0  }
0x3d: {  	[tilespmem:s1+$0x43C0] =	vst v0  }
0x3e: {  	[tilespmem:s1+$0x43D0] =	vst v0  }
0x3f: {  	[tilespmem:s1+$0x43E0] =	vst v0  }
0x40: {  	[tilespmem:s1+$0x43F0] =	vst v0;
	s1 =	simm.s32 $0x0;
	s9 =	simm.s32 $0x200  }
.LBB2_4:
0x41: {  	p1 =	sne.s32 s9, $0xFE00;
	[tilespmem:s1+$0x470] =	vst v1  }
0x42: {  	[tilespmem:s1+$0x400] =	vst v1  }
0x43: {  	[tilespmem:s1+$0x410] =	vst v1  }
.Ltmp1:
0x44: {  	[tilespmem:s1+$0x420] =	vst v1;
	(pc) =	sbr.rel @p1 .LBB2_4-.Ltmp1, $4  }
0x45: {  	[tilespmem:s1+$0x430] =	vst v1  }
0x46: {  	[tilespmem:s1+$0x440] =	vst v1  }
0x47: {  	[tilespmem:s1+$0x450] =	vst v1  }
0x48: {  	[tilespmem:s1+$0x460] =	vst v1;
	s1 =	sshra.s32 s9, $0x2;
	s9 =	sadd.s32 $0x200, s9  }
0x49: {  	[tilespmem:s1+$0x470] =	vst v1  }
0x4a: {  	[tilespmem:s1+$0x400] =	vst v1  }
0x4b: {  	[tilespmem:s1+$0x410] =	vst v1  }
.Ltmp2:
0x4c: {  	[tilespmem:s1+$0x420] =	vst v1;
	(pc) =	sbr.rel @!p0 .LBB2_6-.Ltmp2, $4  }
0x4d: {  	[tilespmem:s1+$0x430] =	vst v1  }
0x4e: {  	[tilespmem:s1+$0x440] =	vst v1  }
0x4f: {  	[tilespmem:s1+$0x450] =	vst v1  }
0x50: {  	[tilespmem:s1+$0x460] =	vst v1  }
0x51: {  	s1 =	rddreg [dreg:$0x1b]  }
0x52: {  	[spmem:s1] =	stream.linear.scatter [tilespmem:s12], [sflag:$0x11], $0x1400, $0x38;
	[tilespmem:$0x19100] =	vst v63  }
0x53: {  	_ =	swait.ge [sflag:s13], $0x1400  }
0x54: {  	[sflag:s13] =	ssyncset.done $0x0  }
0x55: {  	s30 =	rddreg [dreg:$0x1f];
	[sflag:s13] =	ssyncadd.s32 $0xFFFFEC00  }
0x56: {  	[spmem:s30] =	stream.linear.scatter [tilespmem:s12], [sflag:$0x11], $0x1400, $0x38;
	[tilespmem:$0x19100] =	vst v63  }
0x57: {  	_ =	swait.ge [sflag:s13], $0x1400  }
0x58: {  	s5 =	sld [smem:$0x7F3]  }
0x59: {  	[sflag:s13] =	ssyncset.done $0x0  }
0x5a: {  	[sflag:s13] =	ssyncadd.s32 $0xFFFFEC00  }
0x5b: {  	[spmem:s5] =	stream.linear.scatter [tilespmem:s12], [sflag:$0x11], $0x1400, $0x38;
	[tilespmem:$0x19100] =	vst v63  }
0x5c: {  	_ =	swait.ge [sflag:s13], $0x1400  }
0x5d: {  	s9 =	sld [smem:$0x7F4]  }
0x5e: {  	[sflag:s13] =	ssyncset.done $0x0  }
0x5f: {  	[sflag:s13] =	ssyncadd.s32 $0xFFFFEC00  }
0x60: {  	[spmem:s9] =	stream.linear.scatter [tilespmem:s12], [sflag:$0x11], $0x1400, $0x38;
	[tilespmem:$0x19100] =	vst v63  }
0x61: {  	_ =	swait.ge [sflag:s13], $0x1400  }
0x62: {  	s10 =	sld [smem:$0x7F8]  }
0x63: {  	[sflag:s13] =	ssyncset.done $0x0  }
0x64: {  	[sflag:s13] =	ssyncadd.s32 $0xFFFFEC00  }
0x65: {  	[spmem:s10] =	stream.linear.scatter [tilespmem:s12], [sflag:$0x11], $0x1400, $0x38;
	[tilespmem:$0x19100] =	vst v63  }
0x66: {  	_ =	swait.ge [sflag:s13], $0x1400  }
0x67: {  	s11 =	sld [smem:$0x7F6]  }
0x68: {  	[sflag:s13] =	ssyncset.done $0x0  }
0x69: {  	[sflag:s13] =	ssyncadd.s32 $0xFFFFEC00  }
0x6a: {  	[spmem:s11] =	stream.linear.scatter [tilespmem:s12], [sflag:$0x11], $0x1400, $0x38;
	[tilespmem:$0x19100] =	vst v63  }
0x6b: {  	_ =	swait.ge [sflag:s13], $0x1400  }
0x6c: {  	s21 =	sld [smem:$0x7F7]  }
0x6d: {  	[sflag:s13] =	ssyncset.done $0x0  }
0x6e: {  	[sflag:s13] =	ssyncadd.s32 $0xFFFFEC00  }
0x6f: {  	[spmem:s21] =	stream.linear.scatter [tilespmem:s12], [sflag:$0x11], $0x1400, $0x38;
	[tilespmem:$0x19100] =	vst v63  }
0x70: {  	_ =	swait.ge [sflag:s13], $0x1400  }
0x71: {  	s23 =	sld [smem:$0x7F9]  }
0x72: {  	[sflag:s13] =	ssyncset.done $0x0  }
0x73: {  	[sflag:s13] =	ssyncadd.s32 $0xFFFFEC00  }
0x74: {  	[spmem:s23] =	stream.linear.scatter [tilespmem:s12], [sflag:$0x11], $0x1400, $0x38;
	[tilespmem:$0x19100] =	vst v63  }
0x75: {  	_ =	swait.ge [sflag:s13], $0x1400  }
0x76: {  	s24 =	sld [smem:$0x7FA]  }
0x77: {  	[sflag:s13] =	ssyncset.done $0x0  }
0x78: {  	[sflag:s13] =	ssyncadd.s32 $0xFFFFEC00  }
0x79: {  	[spmem:s24] =	stream.linear.scatter [tilespmem:s12], [sflag:$0x11], $0x1400, $0x38;
	[tilespmem:$0x19100] =	vst v63  }
0x7a: {  	_ =	swait.ge [sflag:s13], $0x1400  }
0x7b: {  	s26 =	sld [smem:$0x7FB]  }
0x7c: {  	[sflag:s13] =	ssyncset.done $0x0  }
0x7d: {  	[sflag:s13] =	ssyncadd.s32 $0xFFFFEC00  }
0x7e: {  	[spmem:s26] =	stream.linear.scatter [tilespmem:s12], [sflag:$0x11], $0x1400, $0x38;
	[tilespmem:$0x19100] =	vst v63  }
0x7f: {  	_ =	swait.ge [sflag:s13], $0x1400  }
0x80: {  	s30 =	sld [smem:$0x7FC]  }
0x81: {  	[sflag:s13] =	ssyncset.done $0x0  }
.Ltmp3:
0x82: {  	[sflag:s13] =	ssyncadd.s32 $0xFFFFEC00;
	(pc) =	sbr.rel .LBB2_8-.Ltmp3, $4  }
0x83: {  	[spmem:s30] =	stream.linear.scatter [tilespmem:s12], [sflag:$0x11], $0x800, $0x38;
	[tilespmem:$0x19100] =	vst v63  }
0x84: {  	_ =	swait.ge [sflag:s13], $0x800  }
0x85: {  	[sflag:s13] =	ssyncset.done $0x0  }
0x86: {  	[sflag:s13] =	ssyncadd.s32 $0xFFFFF800  }
.LBB2_6:
0x87: {  	s1 =	rddreg [dreg:$0xb]  }
0x88: {  	[spmem:s1] =	stream.linear.scatter [tilespmem:s12], [sflag:$0x11], $0x1400, $0x38;
	[tilespmem:$0x19100] =	vst v63  }
0x89: {  	_ =	swait.ge [sflag:s13], $0x1400  }
0x8a: {  	[sflag:s13] =	ssyncset.done $0x0  }
0x8b: {  	s11 =	rddreg [dreg:$0xc];
	[sflag:s13] =	ssyncadd.s32 $0xFFFFEC00  }
0x8c: {  	[spmem:s11] =	stream.linear.scatter [tilespmem:s12], [sflag:$0x11], $0x1400, $0x38;
	[tilespmem:$0x19100] =	vst v63  }
0x8d: {  	_ =	swait.ge [sflag:s13], $0x1400  }
0x8e: {  	[sflag:s13] =	ssyncset.done $0x0  }
0x8f: {  	s21 =	rddreg [dreg:$0xd];
	[sflag:s13] =	ssyncadd.s32 $0xFFFFEC00  }
0x90: {  	[spmem:s21] =	stream.linear.scatter [tilespmem:s12], [sflag:$0x11], $0x1400, $0x38;
	[tilespmem:$0x19100] =	vst v63  }
0x91: {  	_ =	swait.ge [sflag:s13], $0x1400  }
0x92: {  	[sflag:s13] =	ssyncset.done $0x0  }
0x93: {  	s23 =	rddreg [dreg:$0xe];
	[sflag:s13] =	ssyncadd.s32 $0xFFFFEC00  }
0x94: {  	[spmem:s23] =	stream.linear.scatter [tilespmem:s12], [sflag:$0x11], $0x1400, $0x38;
	[tilespmem:$0x19100] =	vst v63  }
0x95: {  	_ =	swait.ge [sflag:s13], $0x1400  }
0x96: {  	[sflag:s13] =	ssyncset.done $0x0  }
0x97: {  	s24 =	rddreg [dreg:$0xf];
	[sflag:s13] =	ssyncadd.s32 $0xFFFFEC00  }
0x98: {  	[spmem:s24] =	stream.linear.scatter [tilespmem:s12], [sflag:$0x11], $0x1400, $0x38;
	[tilespmem:$0x19100] =	vst v63  }
0x99: {  	_ =	swait.ge [sflag:s13], $0x1400  }
0x9a: {  	[sflag:s13] =	ssyncset.done $0x0  }
0x9b: {  	s26 =	rddreg [dreg:$0x10];
	[sflag:s13] =	ssyncadd.s32 $0xFFFFEC00  }
0x9c: {  	[spmem:s26] =	stream.linear.scatter [tilespmem:s12], [sflag:$0x11], $0x1400, $0x38;
	[tilespmem:$0x19100] =	vst v63  }
0x9d: {  	_ =	swait.ge [sflag:s13], $0x1400  }
0x9e: {  	[sflag:s13] =	ssyncset.done $0x0  }
0x9f: {  	s30 =	rddreg [dreg:$0x11];
	[sflag:s13] =	ssyncadd.s32 $0xFFFFEC00  }
0xa0: {  	[spmem:s30] =	stream.linear.scatter [tilespmem:s12], [sflag:$0x11], $0x1400, $0x38;
	[tilespmem:$0x19100] =	vst v63  }
0xa1: {  	_ =	swait.ge [sflag:s13], $0x1400  }
0xa2: {  	[sflag:s13] =	ssyncset.done $0x0  }
0xa3: {  	s5 =	rddreg [dreg:$0x12];
	[sflag:s13] =	ssyncadd.s32 $0xFFFFEC00  }
0xa4: {  	[spmem:s5] =	stream.linear.scatter [tilespmem:s12], [sflag:$0x11], $0x1400, $0x38;
	[tilespmem:$0x19100] =	vst v63  }
0xa5: {  	_ =	swait.ge [sflag:s13], $0x1400  }
0xa6: {  	[sflag:s13] =	ssyncset.done $0x0  }
0xa7: {  	s9 =	rddreg [dreg:$0x13];
	[sflag:s13] =	ssyncadd.s32 $0xFFFFEC00  }
0xa8: {  	[spmem:s9] =	stream.linear.scatter [tilespmem:s12], [sflag:$0x11], $0x1400, $0x38;
	[tilespmem:$0x19100] =	vst v63  }
0xa9: {  	_ =	swait.ge [sflag:s13], $0x1400  }
0xaa: {  	[sflag:s13] =	ssyncset.done $0x0  }
0xab: {  	s10 =	rddreg [dreg:$0x14];
	[sflag:s13] =	ssyncadd.s32 $0xFFFFEC00  }
0xac: {  	[spmem:s10] =	stream.linear.scatter [tilespmem:s12], [sflag:$0x11], $0x1400, $0x38;
	[tilespmem:$0x19100] =	vst v63  }
0xad: {  	_ =	swait.ge [sflag:s13], $0x1400  }
0xae: {  	[sflag:s13] =	ssyncset.done $0x0  }
0xaf: {  	s11 =	rddreg [dreg:$0x15];
	[sflag:s13] =	ssyncadd.s32 $0xFFFFEC00  }
0xb0: {  	[spmem:s11] =	stream.linear.scatter [tilespmem:s12], [sflag:$0x11], $0x1400, $0x38;
	[tilespmem:$0x19100] =	vst v63  }
0xb1: {  	_ =	swait.ge [sflag:s13], $0x1400  }
0xb2: {  	[sflag:s13] =	ssyncset.done $0x0  }
0xb3: {  	s21 =	rddreg [dreg:$0x16];
	[sflag:s13] =	ssyncadd.s32 $0xFFFFEC00  }
0xb4: {  	[spmem:s21] =	stream.linear.scatter [tilespmem:s12], [sflag:$0x11], $0x1400, $0x38;
	[tilespmem:$0x19100] =	vst v63  }
0xb5: {  	_ =	swait.ge [sflag:s13], $0x1400  }
0xb6: {  	[sflag:s13] =	ssyncset.done $0x0  }
0xb7: {  	s23 =	rddreg [dreg:$0x17];
	[sflag:s13] =	ssyncadd.s32 $0xFFFFEC00  }
0xb8: {  	[spmem:s23] =	stream.linear.scatter [tilespmem:s12], [sflag:$0x11], $0x1400, $0x38;
	[tilespmem:$0x19100] =	vst v63  }
0xb9: {  	_ =	swait.ge [sflag:s13], $0x1400  }
0xba: {  	[sflag:s13] =	ssyncset.done $0x0  }
0xbb: {  	s24 =	rddreg [dreg:$0x18];
	[sflag:s13] =	ssyncadd.s32 $0xFFFFEC00  }
0xbc: {  	[spmem:s24] =	stream.linear.scatter [tilespmem:s12], [sflag:$0x11], $0x1400, $0x38;
	[tilespmem:$0x19100] =	vst v63  }
0xbd: {  	_ =	swait.ge [sflag:s13], $0x1400  }
0xbe: {  	[sflag:s13] =	ssyncset.done $0x0  }
0xbf: {  	s26 =	rddreg [dreg:$0x19];
	[sflag:s13] =	ssyncadd.s32 $0xFFFFEC00  }
0xc0: {  	[spmem:s26] =	stream.linear.scatter [tilespmem:s12], [sflag:$0x11], $0x1400, $0x38;
	[tilespmem:$0x19100] =	vst v63  }
0xc1: {  	_ =	swait.ge [sflag:s13], $0x1400  }
0xc2: {  	[sflag:s13] =	ssyncset.done $0x0  }
0xc3: {  	s30 =	rddreg [dreg:$0x1a];
	[sflag:s13] =	ssyncadd.s32 $0xFFFFEC00  }
0xc4: {  	[spmem:s30] =	stream.linear.scatter [tilespmem:s12], [sflag:$0x11], $0x1400, $0x38;
	[tilespmem:$0x19100] =	vst v63  }
0xc5: {  	_ =	swait.ge [sflag:s13], $0x1400  }
0xc6: {  	[sflag:s13] =	ssyncset.done $0x0  }
0xc7: {  	[sflag:s13] =	ssyncadd.s32 $0xFFFFEC00  }
.LBB2_8:
0xc8: {  	[bflag:$0x0] =	sbarrier.arrive $0xFFFF  }
0xc9: {  	s5 =	rddreg [dreg:$0x1c]  }
0xca: {  	s1 =	simm.s32 $0x0;
	s23 =	sld [smem:$0x7FD]  }
0xcb: {  	[tilespmem:s1], [sflag:$0x1] =	stream.linear.gather [hbm4b:s5+s1], $0x80, $0x38;
	[tilespmem:$0x19100] =	vst v63  }
0xcc: {  	p1 =	por $0x1, $0x1  }
0xcd: {  	[tilespmem:s14], [sflag:$0x2] =	stream.linear.gather [hbm4b:s23+s1], $0x80, $0x38;
	[tilespmem:$0x19100] =	vst v63  }
0xce: {  	s1 =	simm.s32 @!p1 $0xB  }
0xcf: {  	_ =	swait.ge @!p1 [sflag:s1], $0x4000  }
0xd0: {  	s9 =	rddreg [dreg:$0x5];
	[sflag:s1] =	ssyncset.done @!p1 $0x0  }
0xd1: {  	[sflag:s1] =	ssyncadd.s32 @!p1 $0xFFFFC000;
	s24 =	sadd.s32 $0x0, s9  }
0xd2: {  	[tilespmem:s15], [sflag:$0x3] =	stream.linear.gather [hbm4b:s24+s3], $0x80, $0x38;
	[tilespmem:$0x19100] =	vst v63  }
0xd3: {  	_ =	swait.ge [sflag:s16], $0x80  }
0xd4: {  	[sflag:s16] =	ssyncset.done $0x0  }
0xd5: {  	s1 =	simm.s32 @!p1 $0xC;
	[sflag:s16] =	ssyncadd.s32 $0xFFFFFF80  }
0xd6: {  	[spmem:s2] =	stream.indirect.scatter.add.f32 [tilespmem:s17], [sflag:$0x9], $0x80, s3, s14, $0xb8;
	[tilespmem:$0x19100] =	vst v63  }
0xd7: {  	_ =	swait.ge @!p1 [sflag:s1], $0x4000  }
0xd8: {  	s26 =	rddreg [dreg:$0x4];
	[sflag:s1] =	ssyncset.done @!p1 $0x0  }
0xd9: {  	[sflag:s1] =	ssyncadd.s32 @!p1 $0xFFFFC000;
	s30 =	sadd.s32 $0x0, s26  }
0xda: {  	[tilespmem:s18], [sflag:$0x4] =	stream.linear.gather [hbm4b:s30+s3], $0x80, $0x38;
	[tilespmem:$0x19100] =	vst v63  }
0xdb: {  	_ =	swait.ge [sflag:s19], $0x80  }
0xdc: {  	p2 =	por $0x1, $0x1;
	[sflag:s19] =	ssyncset.done $0x0  }
0xdd: {  	s1 =	simm.s32 @!p2 $0xD;
	[sflag:s19] =	ssyncadd.s32 $0xFFFFFF80  }
0xde: {  	[spmem:s2] =	stream.indirect.scatter.add.f32 [tilespmem:s17], [sflag:$0xA], $0x80, s14, s14, $0xb8;
	[tilespmem:$0x19100] =	vst v63  }
0xdf: {  	_ =	swait.ge @!p2 [sflag:s1], $0x4000  }
0xe0: {  	s5 =	rddreg [dreg:$0x3];
	[sflag:s1] =	ssyncset.done @!p2 $0x0  }
0xe1: {  	[sflag:s1] =	ssyncadd.s32 @!p2 $0xFFFFC000;
	s10 =	sadd.s32 $0x0, s5  }
0xe2: {  	[tilespmem:s20], [sflag:$0x5] =	stream.linear.gather [hbm4b:s10+s3], $0x80, $0x38;
	[tilespmem:$0x19100] =	vst v63  }
0xe3: {  	_ =	swait.ge [sflag:s25], $0x80  }
0xe4: {  	p2 =	por $0x1, $0x1;
	[sflag:s25] =	ssyncset.done $0x0  }
0xe5: {  	s1 =	simm.s32 @!p2 $0xE;
	[sflag:s25] =	ssyncadd.s32 $0xFFFFFF80  }
0xe6: {  	[spmem:s2] =	stream.indirect.scatter.add.f32 [tilespmem:s17], [sflag:$0xB], $0x80, s15, s14, $0xb8;
	[tilespmem:$0x19100] =	vst v63  }
0xe7: {  	_ =	swait.ge @!p2 [sflag:s1], $0x4000  }
0xe8: {  	s11 =	rddreg [dreg:$0x9];
	[sflag:s1] =	ssyncset.done @!p2 $0x0  }
0xe9: {  	[sflag:s1] =	ssyncadd.s32 @!p2 $0xFFFFC000;
	s21 =	sadd.s32 $0x0, s11  }
0xea: {  	[tilespmem:s28], [sflag:$0x6] =	stream.linear.gather [hbm4b:s21+s3], $0x80, $0x38;
	[tilespmem:$0x19100] =	vst v63  }
0xeb: {  	_ =	swait.ge [sflag:s29], $0x80  }
0xec: {  	p2 =	por $0x1, $0x1;
	[sflag:s29] =	ssyncset.done $0x0  }
0xed: {  	s1 =	simm.s32 @!p2 $0xF;
	[sflag:s29] =	ssyncadd.s32 $0xFFFFFF80  }
0xee: {  	[spmem:s2] =	stream.indirect.scatter.add.f32 [tilespmem:s17], [sflag:$0xC], $0x80, s18, s14, $0xb8;
	[tilespmem:$0x19100] =	vst v63  }
0xef: {  	_ =	swait.ge @!p2 [sflag:s1], $0x4000  }
0xf0: {  	s23 =	rddreg [dreg:$0x8];
	[sflag:s1] =	ssyncset.done @!p2 $0x0  }
0xf1: {  	s10 =	rddreg [dreg:$0xa];
	[sflag:s1] =	ssyncadd.s32 @!p2 $0xFFFFC000;
	s24 =	sadd.s32 $0x0, s23  }
0xf2: {  	[tilespmem:s10], [sflag:$0x7] =	stream.linear.gather [hbm4b:s24+s3], $0x80, $0x38;
	[tilespmem:$0x19100] =	vst v63  }
0xf3: {  	_ =	swait.ge [sflag:s31], $0x80  }
0xf4: {  	[sflag:s31] =	ssyncset.done $0x0  }
0xf5: {  	s1 =	simm.s32 @!p1 $0x10;
	[sflag:s31] =	ssyncadd.s32 $0xFFFFFF80  }
0xf6: {  	[spmem:s2] =	stream.indirect.scatter.add.f32 [tilespmem:s17], [sflag:$0xD], $0x80, s20, s14, $0xb8;
	[tilespmem:$0x19100] =	vst v63  }
0xf7: {  	_ =	swait.ge @!p1 [sflag:s1], $0x4000  }
0xf8: {  	s26 =	rddreg [dreg:$0x7];
	[sflag:s1] =	ssyncset.done @!p1 $0x0  }
0xf9: {  	[sflag:s1] =	ssyncadd.s32 @!p1 $0xFFFFC000;
	s30 =	sadd.s32 $0x0, s26  }
0xfa: {  	[tilespmem:s0], [sflag:$0x8] =	stream.linear.gather [hbm4b:s30+s3], $0x80, $0x38;
	[tilespmem:$0x19100] =	vst v63  }
0xfb: {  	_ =	swait.ge [sflag:s6], $0x80  }
0xfc: {  	[sflag:s6] =	ssyncset.done $0x0  }
0xfd: {  	[sflag:s6] =	ssyncadd.s32 $0xFFFFFF80  }
0xfe: {  	[spmem:s2] =	stream.indirect.scatter.add.f32 [tilespmem:s17], [sflag:$0xE], $0x80, s28, s14, $0xb8;
	[tilespmem:$0x19100] =	vst v63  }
0xff: {  	_ =	swait.ge [sflag:s7], $0x4000  }
0x100: {  	p1 =	por $0x0, $0x0;
	[sflag:s7] =	ssyncset.done $0x0  }
0x101: {  	s1 =	simm.s32 @p1 $0x7;
	[sflag:s7] =	ssyncadd.s32 $0xFFFFC000  }
0x102: {  	_ =	swait.ge @p1 [sflag:s1], $0x80  }
0x103: {  	s9 =	simm.s32 @p1 $0x400;
	s10 =	simm.s32 @p1 $0x80;
	[sflag:s1] =	ssyncset.done @p1 $0x0  }
0x104: {  	s21 =	simm.s32 @p1 $0x300;
	[sflag:s1] =	ssyncadd.s32 @p1 $0xFFFFFF80;
	s1 =	simm.s32 @p1 $0xA  }
0x105: {  	[spmem:s2] =	stream.indirect.scatter.add.f32 @p1 [tilespmem:s9], [sflag:$0xF], $0x80, s21, s10, $0xb8;
	[tilespmem:$0x19100] =	vst v63  }
0x106: {  	s5 =	rddreg [dreg:$0x1e];
	_ =	swait.ge @p1 [sflag:s1], $0x4000  }
0x107: {  	s9 =	sshrl.u32 @!p1 s5, $0x3;
	s10 =	simm.s32 @!p1 $0x0;
	[sflag:s1] =	ssyncset.done @p1 $0x0  }
0x108: {  	s9 =	sadd.s32 @!p1 s4, s9;
	[sflag:s1] =	ssyncadd.s32 @p1 $0xFFFFC000;
	s1 =	simm.s32 @!p1 $0x7  }
0x109: {  	[tilespmem:s10], [sflag:$0x1] =	stream.linear.gather @!p1 [hbm4b:s9+s10], $0x80, $0x38;
	[tilespmem:$0x19100] =	vst v63  }
0x10a: {  	_ =	swait.ge @!p1 [sflag:s1], $0x80  }
0x10b: {  	s21 =	simm.s32 @!p1 $0x80;
	[sflag:s1] =	ssyncset.done @!p1 $0x0  }
0x10c: {  	s9 =	simm.s32 @!p1 $0x400;
	[sflag:s1] =	ssyncadd.s32 @!p1 $0xFFFFFF80;
	s1 =	simm.s32 @!p1 $0x300  }
0x10d: {  	[spmem:s2] =	stream.indirect.scatter.add.f32 @!p1 [tilespmem:s9], [sflag:$0xF], $0x80, s1, s21, $0xb8;
	[tilespmem:$0x19100] =	vst v63  }
0x10e: {  	s1 =	simm.s32 @!p1 $0xA  }
0x10f: {  	_ =	swait.ge @!p1 [sflag:s1], $0x4000  }
0x110: {  	s9 =	rddreg [dreg:$0x6];
	[sflag:s1] =	ssyncset.done @!p1 $0x0  }
0x111: {  	[sflag:s1] =	ssyncadd.s32 @!p1 $0xFFFFC000;
	s1 =	sadd.s32 @!p1 $0x0, s9  }
0x112: {  	[tilespmem:s21], [sflag:$0x2] =	stream.linear.gather @!p1 [hbm4b:s1+s10], $0x80, $0x38;
	[tilespmem:$0x19100] =	vst v63  }
0x113: {  	s23 =	simm.s32 $0x80;
	s9 =	simm.s32 $0xC;
	s10 =	simm.s32 $0x100  }
0x114: {  	s21 =	sadd.s32 $0x400, s5;
	p1 =	por $0x0, $0x0;
	_ =	swait.ge [sflag:s8], $0x80  }
.LBB2_9:
0x115: {  	[sflag:s8] =	ssyncset.done $0x0  }
0x116: {  	s26 =	simm.s32 @!p1 $0xB;
	[sflag:s8] =	ssyncadd.s32 $0xFFFFFF80  }
0x117: {  	[spmem:s2] =	stream.indirect.scatter.add.f32 [tilespmem:s17], [sflag:$0x10], $0x80, s0, s14, $0xb8;
	[tilespmem:$0x19100] =	vst v63  }
0x118: {  	_ =	swait.ge @!p1 [sflag:s26], $0x4000  }
0x119: {  	[sflag:s26] =	ssyncset.done @!p1 $0x0;
	s30 =	rddreg [dreg:$0x5]  }
0x11a: {  	[sflag:s26] =	ssyncadd.s32 @!p1 $0xFFFFC000;
	s11 =	sadd.s32 s23, s30  }
0x11b: {  	[tilespmem:s15], [sflag:$0x3] =	stream.linear.gather [hbm4b:s11+s3], $0x80, $0x38;
	[tilespmem:$0x19100] =	vst v63  }
0x11c: {  	_ =	swait.ge [sflag:s16], $0x80  }
0x11d: {  	[sflag:s16] =	ssyncset.done $0x0  }
0x11e: {  	s26 =	simm.s32 @!p1 $0xC;
	[sflag:s16] =	ssyncadd.s32 $0xFFFFFF80  }
0x11f: {  	[spmem:s2] =	stream.indirect.scatter.add.f32 [tilespmem:s17], [sflag:$0x9], $0x80, s3, s14, $0xb8;
	[tilespmem:$0x19100] =	vst v63  }
0x120: {  	_ =	swait.ge @!p1 [sflag:s26], $0x4000  }
0x121: {  	[sflag:s26] =	ssyncset.done @!p1 $0x0;
	s24 =	rddreg [dreg:$0x4]  }
0x122: {  	[sflag:s26] =	ssyncadd.s32 @!p1 $0xFFFFC000;
	s30 =	sadd.s32 s23, s24  }
0x123: {  	[tilespmem:s18], [sflag:$0x4] =	stream.linear.gather [hbm4b:s30+s3], $0x80, $0x38;
	[tilespmem:$0x19100] =	vst v63  }
0x124: {  	s5 =	sadd.s32 $0xFFFFFFFE, s9;
	_ =	swait.ge [sflag:s19], $0x80  }
0x125: {  	p3 =	slt.u32 s5, $0x6;
	[sflag:s19] =	ssyncset.done $0x0  }
0x126: {  	s26 =	simm.s32 @!p3 $0xD;
	[sflag:s19] =	ssyncadd.s32 $0xFFFFFF80  }
0x127: {  	[spmem:s2] =	stream.indirect.scatter.add.f32 [tilespmem:s17], [sflag:$0xA], $0x80, s14, s14, $0xb8;
	[tilespmem:$0x19100] =	vst v63  }
0x128: {  	_ =	swait.ge @!p3 [sflag:s26], $0x4000  }
0x129: {  	[sflag:s26] =	ssyncset.done @!p3 $0x0;
	s11 =	rddreg [dreg:$0x3]  }
0x12a: {  	[sflag:s26] =	ssyncadd.s32 @!p3 $0xFFFFC000;
	s24 =	sadd.s32 s23, s11  }
0x12b: {  	[tilespmem:s20], [sflag:$0x5] =	stream.linear.gather [hbm4b:s24+s3], $0x80, $0x38;
	[tilespmem:$0x19100] =	vst v63  }
0x12c: {  	s30 =	sadd.s32 $0xFFFFFFFF, s9;
	_ =	swait.ge [sflag:s25], $0x80  }
0x12d: {  	p3 =	slt.u32 s30, $0x6;
	[sflag:s25] =	ssyncset.done $0x0  }
0x12e: {  	s26 =	simm.s32 @!p3 $0xE;
	[sflag:s25] =	ssyncadd.s32 $0xFFFFFF80  }
0x12f: {  	[spmem:s2] =	stream.indirect.scatter.add.f32 [tilespmem:s17], [sflag:$0xB], $0x80, s15, s14, $0xb8;
	[tilespmem:$0x19100] =	vst v63  }
0x130: {  	_ =	swait.ge @!p3 [sflag:s26], $0x4000  }
0x131: {  	s5 =	rddreg [dreg:$0x9];
	[sflag:s26] =	ssyncset.done @!p3 $0x0  }
0x132: {  	[sflag:s26] =	ssyncadd.s32 @!p3 $0xFFFFC000;
	s11 =	sadd.s32 s23, s5  }
0x133: {  	[tilespmem:s28], [sflag:$0x6] =	stream.linear.gather [hbm4b:s11+s3], $0x80, $0x38;
	[tilespmem:$0x19100] =	vst v63  }
0x134: {  	_ =	swait.ge [sflag:s29], $0x80  }
0x135: {  	p3 =	slt.u32 s9, $0x6;
	[sflag:s29] =	ssyncset.done $0x0  }
0x136: {  	s26 =	simm.s32 @!p3 $0xF;
	[sflag:s29] =	ssyncadd.s32 $0xFFFFFF80  }
0x137: {  	[spmem:s2] =	stream.indirect.scatter.add.f32 [tilespmem:s17], [sflag:$0xC], $0x80, s18, s14, $0xb8;
	[tilespmem:$0x19100] =	vst v63  }
0x138: {  	_ =	swait.ge @!p3 [sflag:s26], $0x4000  }
0x139: {  	s24 =	rddreg [dreg:$0x8];
	[sflag:s26] =	ssyncset.done @!p3 $0x0  }
0x13a: {  	s11 =	rddreg [dreg:$0xa];
	[sflag:s26] =	ssyncadd.s32 @!p3 $0xFFFFC000;
	s5 =	sadd.s32 s23, s24  }
0x13b: {  	[tilespmem:s11], [sflag:$0x7] =	stream.linear.gather [hbm4b:s5+s3], $0x80, $0x38;
	[tilespmem:$0x19100] =	vst v63  }
0x13c: {  	_ =	swait.ge [sflag:s31], $0x80  }
0x13d: {  	[sflag:s31] =	ssyncset.done $0x0  }
0x13e: {  	s11 =	simm.s32 @!p1 $0x10;
	[sflag:s31] =	ssyncadd.s32 $0xFFFFFF80  }
0x13f: {  	[spmem:s2] =	stream.indirect.scatter.add.f32 [tilespmem:s17], [sflag:$0xD], $0x80, s20, s14, $0xb8;
	[tilespmem:$0x19100] =	vst v63  }
0x140: {  	_ =	swait.ge @!p1 [sflag:s11], $0x4000  }
0x141: {  	[sflag:s11] =	ssyncset.done @!p1 $0x0;
	s24 =	rddreg [dreg:$0x7]  }
0x142: {  	[sflag:s11] =	ssyncadd.s32 @!p1 $0xFFFFC000;
	s30 =	sadd.s32 s23, s24  }
0x143: {  	[tilespmem:s0], [sflag:$0x8] =	stream.linear.gather [hbm4b:s30+s3], $0x80, $0x38;
	[tilespmem:$0x19100] =	vst v63  }
0x144: {  	_ =	swait.ge [sflag:s6], $0x80  }
0x145: {  	[sflag:s6] =	ssyncset.done $0x0  }
0x146: {  	[sflag:s6] =	ssyncadd.s32 $0xFFFFFF80  }
0x147: {  	[spmem:s2] =	stream.indirect.scatter.add.f32 [tilespmem:s17], [sflag:$0xE], $0x80, s28, s14, $0xb8;
	[tilespmem:$0x19100] =	vst v63  }
0x148: {  	_ =	swait.ge [sflag:s7], $0x4000  }
0x149: {  	p1 =	seq.s32 s23, $0x200;
	[sflag:s7] =	ssyncset.done $0x0  }
0x14a: {  	s11 =	simm.s32 @p1 $0x7;
	[sflag:s7] =	ssyncadd.s32 $0xFFFFC000  }
0x14b: {  	_ =	swait.ge @p1 [sflag:s11], $0x80  }
0x14c: {  	s30 =	simm.s32 @p1 $0x400;
	s5 =	simm.s32 @p1 $0x80;
	[sflag:s11] =	ssyncset.done @p1 $0x0  }
0x14d: {  	s24 =	simm.s32 @p1 $0x300;
	[sflag:s11] =	ssyncadd.s32 @p1 $0xFFFFFF80;
	s11 =	simm.s32 @p1 $0xA  }
0x14e: {  	[spmem:s2] =	stream.indirect.scatter.add.f32 @p1 [tilespmem:s30], [sflag:$0xF], $0x80, s24, s5, $0xb8;
	[tilespmem:$0x19100] =	vst v63  }
0x14f: {  	s1 =	smov.u32 s10;
	s26 =	sshrl.u32 @!p1 s21, $0x3;
	_ =	swait.ge @p1 [sflag:s11], $0x4000  }
0x150: {  	s10 =	sadd.s32 $0x80, s10;
	s26 =	sadd.s32 @!p1 s4, s26;
	[sflag:s11] =	ssyncset.done @p1 $0x0  }
0x151: {  	s5 =	simm.s32 @!p1 $0x0;
	[sflag:s11] =	ssyncadd.s32 @p1 $0xFFFFC000;
	s11 =	simm.s32 @!p1 $0x7  }
0x152: {  	[tilespmem:s5], [sflag:$0x1] =	stream.linear.gather @!p1 [hbm4b:s26+s5], $0x80, $0x38;
	[tilespmem:$0x19100] =	vst v63  }
0x153: {  	p2 =	sne.s32 s10, $0x280;
	_ =	swait.ge @!p1 [sflag:s11], $0x80  }
0x154: {  	s24 =	simm.s32 @!p1 $0x400;
	s30 =	simm.s32 @!p1 $0x300;
	[sflag:s11] =	ssyncset.done @!p1 $0x0  }
0x155: {  	s26 =	simm.s32 @!p1 $0x80;
	[sflag:s11] =	ssyncadd.s32 @!p1 $0xFFFFFF80;
	s11 =	simm.s32 @!p1 $0xA  }
0x156: {  	[spmem:s2] =	stream.indirect.scatter.add.f32 @!p1 [tilespmem:s24], [sflag:$0xF], $0x80, s30, s26, $0xb8;
	[tilespmem:$0x19100] =	vst v63  }
.Ltmp4:
0x157: {  	_ =	swait.ge @!p1 [sflag:s11], $0x4000;
	(pc) =	sbr.rel @p2 .LBB2_9-.Ltmp4, $4  }
0x158: {  	s9 =	sadd.s32 $0x8, s9;
	s24 =	rddreg [dreg:$0x6];
	[sflag:s11] =	ssyncset.done @!p1 $0x0  }
0x159: {  	[sflag:s11] =	ssyncadd.s32 @!p1 $0xFFFFC000;
	s11 =	sadd.s32 @!p1 s23, s24;
	s23 =	smov.u32 s1  }
0x15a: {  	[tilespmem:s26], [sflag:$0x2] =	stream.linear.gather @!p1 [hbm4b:s11+s5], $0x80, $0x38;
	[tilespmem:$0x19100] =	vst v63  }
0x15b: {  	s21 =	sadd.s32 $0x400, s21;
	p1 =	seq.s32 s23, $0x0;
	_ =	swait.ge [sflag:s8], $0x80  }
0x15c: {  	[sflag:s8] =	ssyncset.done $0x0  }
0x15d: {  	s1 =	simm.s32 @!p1 $0xB;
	[sflag:s8] =	ssyncadd.s32 $0xFFFFFF80  }
0x15e: {  	[spmem:s2] =	stream.indirect.scatter.add.f32 [tilespmem:s17], [sflag:$0x10], $0x80, s0, s14, $0xb8;
	[tilespmem:$0x19100] =	vst v63  }
0x15f: {  	_ =	swait.ge @!p1 [sflag:s1], $0x4000  }
0x160: {  	s5 =	rddreg [dreg:$0x5];
	[sflag:s1] =	ssyncset.done @!p1 $0x0  }
0x161: {  	[sflag:s1] =	ssyncadd.s32 @!p1 $0xFFFFC000;
	s26 =	sadd.s32 s23, s5  }
0x162: {  	[tilespmem:s15], [sflag:$0x3] =	stream.linear.gather [hbm4b:s26+s3], $0x80, $0x38;
	[tilespmem:$0x19100] =	vst v63  }
0x163: {  	_ =	swait.ge [sflag:s16], $0x80  }
0x164: {  	[sflag:s16] =	ssyncset.done $0x0  }
0x165: {  	s1 =	simm.s32 @!p1 $0xC;
	[sflag:s16] =	ssyncadd.s32 $0xFFFFFF80  }
0x166: {  	[spmem:s2] =	stream.indirect.scatter.add.f32 [tilespmem:s17], [sflag:$0x9], $0x80, s3, s14, $0xb8;
	[tilespmem:$0x19100] =	vst v63  }
0x167: {  	_ =	swait.ge @!p1 [sflag:s1], $0x4000  }
0x168: {  	s30 =	rddreg [dreg:$0x4];
	[sflag:s1] =	ssyncset.done @!p1 $0x0  }
0x169: {  	[sflag:s1] =	ssyncadd.s32 @!p1 $0xFFFFC000;
	s5 =	sadd.s32 s23, s30  }
0x16a: {  	[tilespmem:s18], [sflag:$0x4] =	stream.linear.gather [hbm4b:s5+s3], $0x80, $0x38;
	[tilespmem:$0x19100] =	vst v63  }
0x16b: {  	s10 =	sadd.s32 $0xFFFFFFFE, s9;
	_ =	swait.ge [sflag:s19], $0x80  }
0x16c: {  	p2 =	slt.u32 s10, $0x6;
	[sflag:s19] =	ssyncset.done $0x0  }
0x16d: {  	s1 =	simm.s32 @!p2 $0xD;
	[sflag:s19] =	ssyncadd.s32 $0xFFFFFF80  }
0x16e: {  	[spmem:s2] =	stream.indirect.scatter.add.f32 [tilespmem:s17], [sflag:$0xA], $0x80, s14, s14, $0xb8;
	[tilespmem:$0x19100] =	vst v63  }
0x16f: {  	_ =	swait.ge @!p2 [sflag:s1], $0x4000  }
0x170: {  	s11 =	rddreg [dreg:$0x3];
	[sflag:s1] =	ssyncset.done @!p2 $0x0  }
0x171: {  	[sflag:s1] =	ssyncadd.s32 @!p2 $0xFFFFC000;
	s24 =	sadd.s32 s23, s11  }
0x172: {  	[tilespmem:s20], [sflag:$0x5] =	stream.linear.gather [hbm4b:s24+s3], $0x80, $0x38;
	[tilespmem:$0x19100] =	vst v63  }
0x173: {  	s26 =	sadd.s32 $0xFFFFFFFF, s9;
	_ =	swait.ge [sflag:s25], $0x80  }
0x174: {  	p2 =	slt.u32 s26, $0x6;
	[sflag:s25] =	ssyncset.done $0x0  }
0x175: {  	s1 =	simm.s32 @!p2 $0xE;
	[sflag:s25] =	ssyncadd.s32 $0xFFFFFF80  }
0x176: {  	[spmem:s2] =	stream.indirect.scatter.add.f32 [tilespmem:s17], [sflag:$0xB], $0x80, s15, s14, $0xb8;
	[tilespmem:$0x19100] =	vst v63  }
0x177: {  	_ =	swait.ge @!p2 [sflag:s1], $0x4000  }
0x178: {  	s30 =	rddreg [dreg:$0x9];
	[sflag:s1] =	ssyncset.done @!p2 $0x0  }
0x179: {  	[sflag:s1] =	ssyncadd.s32 @!p2 $0xFFFFC000;
	s10 =	sadd.s32 s23, s30  }
0x17a: {  	[tilespmem:s28], [sflag:$0x6] =	stream.linear.gather [hbm4b:s10+s3], $0x80, $0x38;
	[tilespmem:$0x19100] =	vst v63  }
0x17b: {  	_ =	swait.ge [sflag:s29], $0x80  }
0x17c: {  	p2 =	slt.u32 s9, $0x6;
	[sflag:s29] =	ssyncset.done $0x0  }
0x17d: {  	s1 =	simm.s32 @!p2 $0xF;
	[sflag:s29] =	ssyncadd.s32 $0xFFFFFF80  }
0x17e: {  	[spmem:s2] =	stream.indirect.scatter.add.f32 [tilespmem:s17], [sflag:$0xC], $0x80, s18, s14, $0xb8;
	[tilespmem:$0x19100] =	vst v63  }
0x17f: {  	_ =	swait.ge @!p2 [sflag:s1], $0x4000  }
0x180: {  	s11 =	rddreg [dreg:$0x8];
	[sflag:s1] =	ssyncset.done @!p2 $0x0  }
0x181: {  	s24 =	rddreg [dreg:$0xa];
	[sflag:s1] =	ssyncadd.s32 @!p2 $0xFFFFC000;
	s26 =	sadd.s32 s23, s11  }
0x182: {  	[tilespmem:s24], [sflag:$0x7] =	stream.linear.gather [hbm4b:s26+s3], $0x80, $0x38;
	[tilespmem:$0x19100] =	vst v63  }
0x183: {  	_ =	swait.ge [sflag:s31], $0x80  }
0x184: {  	[sflag:s31] =	ssyncset.done $0x0  }
0x185: {  	s1 =	simm.s32 @!p1 $0x10;
	[sflag:s31] =	ssyncadd.s32 $0xFFFFFF80  }
0x186: {  	[spmem:s2] =	stream.indirect.scatter.add.f32 [tilespmem:s17], [sflag:$0xD], $0x80, s20, s14, $0xb8;
	[tilespmem:$0x19100] =	vst v63  }
0x187: {  	_ =	swait.ge @!p1 [sflag:s1], $0x4000  }
0x188: {  	s30 =	rddreg [dreg:$0x7];
	[sflag:s1] =	ssyncset.done @!p1 $0x0  }
0x189: {  	[sflag:s1] =	ssyncadd.s32 @!p1 $0xFFFFC000;
	s9 =	sadd.s32 s23, s30  }
0x18a: {  	[tilespmem:s0], [sflag:$0x8] =	stream.linear.gather [hbm4b:s9+s3], $0x80, $0x38;
	[tilespmem:$0x19100] =	vst v63  }
0x18b: {  	_ =	swait.ge [sflag:s6], $0x80  }
0x18c: {  	[sflag:s6] =	ssyncset.done $0x0  }
0x18d: {  	[sflag:s6] =	ssyncadd.s32 $0xFFFFFF80  }
0x18e: {  	[spmem:s2] =	stream.indirect.scatter.add.f32 [tilespmem:s17], [sflag:$0xE], $0x80, s28, s14, $0xb8;
	[tilespmem:$0x19100] =	vst v63  }
0x18f: {  	_ =	swait.ge [sflag:s7], $0x4000  }
0x190: {  	p1 =	seq.s32 s23, $0x200;
	[sflag:s7] =	ssyncset.done $0x0  }
0x191: {  	s1 =	simm.s32 @p1 $0x7;
	[sflag:s7] =	ssyncadd.s32 $0xFFFFC000  }
0x192: {  	_ =	swait.ge @p1 [sflag:s1], $0x80  }
0x193: {  	s5 =	simm.s32 @p1 $0x400;
	[sflag:s1] =	ssyncset.done @p1 $0x0  }
0x194: {  	s9 =	simm.s32 @p1 $0x80;
	[sflag:s1] =	ssyncadd.s32 @p1 $0xFFFFFF80;
	s1 =	simm.s32 @p1 $0x300  }
0x195: {  	[spmem:s2] =	stream.indirect.scatter.add.f32 @p1 [tilespmem:s5], [sflag:$0xF], $0x80, s1, s9, $0xb8;
	[tilespmem:$0x19100] =	vst v63  }
0x196: {  	s1 =	simm.s32 @p1 $0xA  }
0x197: {  	_ =	swait.ge @p1 [sflag:s1], $0x4000  }
0x198: {  	s5 =	sshrl.u32 @!p1 s21, $0x3;
	s9 =	simm.s32 @!p1 $0x0;
	[sflag:s1] =	ssyncset.done @p1 $0x0  }
0x199: {  	s5 =	sadd.s32 @!p1 s4, s5;
	[sflag:s1] =	ssyncadd.s32 @p1 $0xFFFFC000;
	s1 =	simm.s32 @!p1 $0x7  }
0x19a: {  	[tilespmem:s9], [sflag:$0x1] =	stream.linear.gather @!p1 [hbm4b:s5+s9], $0x80, $0x38;
	[tilespmem:$0x19100] =	vst v63  }
0x19b: {  	_ =	swait.ge @!p1 [sflag:s1], $0x80  }
0x19c: {  	s10 =	simm.s32 @!p1 $0x80;
	[sflag:s1] =	ssyncset.done @!p1 $0x0  }
0x19d: {  	s5 =	simm.s32 @!p1 $0x400;
	[sflag:s1] =	ssyncadd.s32 @!p1 $0xFFFFFF80;
	s1 =	simm.s32 @!p1 $0x300  }
0x19e: {  	[spmem:s2] =	stream.indirect.scatter.add.f32 @!p1 [tilespmem:s5], [sflag:$0xF], $0x80, s1, s10, $0xb8;
	[tilespmem:$0x19100] =	vst v63  }
0x19f: {  	s1 =	simm.s32 @!p1 $0xA  }
0x1a0: {  	_ =	swait.ge @!p1 [sflag:s1], $0x4000  }
0x1a1: {  	s5 =	rddreg [dreg:$0x6];
	[sflag:s1] =	ssyncset.done @!p1 $0x0  }
0x1a2: {  	[sflag:s1] =	ssyncadd.s32 @!p1 $0xFFFFC000;
	s1 =	sadd.s32 @!p1 s23, s5  }
0x1a3: {  	[tilespmem:s10], [sflag:$0x2] =	stream.linear.gather @!p1 [hbm4b:s1+s9], $0x80, $0x38;
	[tilespmem:$0x19100] =	vst v63  }
0x1a4: {  	_ =	swait.ge [sflag:s8], $0x80  }
0x1a5: {  	[sflag:s8] =	ssyncset.done $0x0  }
0x1a6: {  	s10 =	simm.s32 $0xB;
	[sflag:s8] =	ssyncadd.s32 $0xFFFFFF80  }
0x1a7: {  	[spmem:s2] =	stream.indirect.scatter.add.f32 [tilespmem:s17], [sflag:$0x10], $0x80, s0, s14, $0xb8;
	[tilespmem:$0x19100] =	vst v63  }
0x1a8: {  	_ =	swait.ge [sflag:s10], $0x4000  }
0x1a9: {  	[sflag:s10] =	ssyncset.done $0x0  }
0x1aa: {  	s11 =	simm.s32 $0xC;
	[sflag:s10] =	ssyncadd.s32 $0xFFFFC000  }
0x1ab: {  	_ =	swait.ge [sflag:s11], $0x4000  }
0x1ac: {  	[sflag:s11] =	ssyncset.done $0x0  }
0x1ad: {  	s21 =	simm.s32 $0xD;
	[sflag:s11] =	ssyncadd.s32 $0xFFFFC000  }
0x1ae: {  	_ =	swait.ge [sflag:s21], $0x4000  }
0x1af: {  	[sflag:s21] =	ssyncset.done $0x0  }
0x1b0: {  	s23 =	simm.s32 $0xE;
	[sflag:s21] =	ssyncadd.s32 $0xFFFFC000  }
0x1b1: {  	_ =	swait.ge [sflag:s23], $0x4000  }
0x1b2: {  	[sflag:s23] =	ssyncset.done $0x0  }
0x1b3: {  	s24 =	simm.s32 $0xF;
	[sflag:s23] =	ssyncadd.s32 $0xFFFFC000  }
0x1b4: {  	_ =	swait.ge [sflag:s24], $0x4000  }
0x1b5: {  	[sflag:s24] =	ssyncset.done $0x0  }
0x1b6: {  	s26 =	simm.s32 $0x10;
	[sflag:s24] =	ssyncadd.s32 $0xFFFFC000  }
0x1b7: {  	_ =	swait.ge [sflag:s26], $0x4000  }
0x1b8: {  	[sflag:s26] =	ssyncset.done $0x0  }
0x1b9: {  	[sflag:s26] =	ssyncadd.s32 $0xFFFFC000  }
0x1ba: {  	[bflag:$0x0] =	sbarrier.arrive $0xFFFF  }
0x1bb: {  	s1 =	rddreg [dreg:$0x1d]  }
0x1bc: {  	s5 =	rddreg [dreg:$0x1b]  }
0x1bd: {  	s9 =	simm.s32 @p0 $0x1FD1;
	s1 =	sadd.s32 @p0 $0x25800, s1;
	s5 =	sshrl.u32 @p0 s5, $0x3  }
0x1be: {  	[hbm:s1], [sflag:s9] =	dma.local @p0 [spmem:s5], $0x1900  }
0x1bf: {  	s1 =	simm.s32 @p0 $0x11  }
0x1c0: {  	s5 =	stileid.u32;
	_ =	swait.ge @p0 [sflag:s1], $0x1900  }
0x1c1: {  	s5 =	sshll.u32 @!p0 s5, $0x6;
	[sflag:s1] =	ssyncset.done @p0 $0x0;
	s9 =	sld [smem:$0x7F5]  }
0x1c2: {  	[sflag:s1] =	ssyncadd.s32 @p0 $0xFFFFE700;
	s1 =	sor.u32 @!p0 $0x1C11, s5;
	s5 =	rddreg [dreg:$0xb]  }
0x1c3: {  	s5 =	sshrl.u32 @!p0 s5, $0x3  }
0x1c4: {  	[hbm:s9], [sflag:s1] =	dma.local @!p0 [spmem:s5], $0x2800  }
0x1c5: {  	s1 =	simm.s32 @!p0 $0x11  }
0x1c6: {  	_ =	swait.ge @!p0 [sflag:s1], $0x2800  }
0x1c7: {  	s30 =	sld [smem:$0x7F2];
	_ =	sdelay $0x1  }
0x1c8: {  	s22 =	sadd.s32 $0x1, s22  }
0x1c9: {  	p1 =	sne.s32 s22, s30  }
.Ltmp5:
0x1ca: {  	_ = 	snop;
	(pc) =	sbr.rel @p1 .LBB2_1-.Ltmp5, $3  }
0x1cb: {  	_ =	sdelay $0x1  }
0x1cc: {  	[sflag:s1] =	ssyncset.done @!p0 $0x0  }
0x1cd: {  	[sflag:s1] =	ssyncadd.s32 @!p0 $0xFFFFD800  }
0x1ce: {  	_ =	sfence.sel $0x180000  }
0x1cf: {  	[bflag:$0x0] =	sbarrier.arrive $0xFFFF  }
0x1d0: {  	_ =	strace $0x90000047  }
0x1d1: {  	s0 =	stileid.u32;
	[bflag:$0x2] =	sbarrier.arrive $0xFFFF  }
0x1d2: {  	p0 =	sne.s32 s0, $0x0;
	s0 =	rddreg [dreg:$0x2]  }
0x1d3: {  	s0 =	sadd.s32 @!p0 $0x100000, s0  }
0x1d4: {  	[sflag:s0] =	ssyncadd.tile.s32 @!p0 $0x1;
	_ =	shalt  }
.Lfunc_end2:
_tile_overlayer_lowered:
.L_overlay_start_2:
0x1d5: {  	(tag) =	ssettag $0x2  }
0x1d6: {  	s0 =	rddreg [dreg:$0x0];
	s2 =	stileid.u32  }
0x1d7: {  	s1 =	rddreg [dreg:$0x1];
	p0 =	sne.s32 s2, $0x0  }
0x1d8: {  	s3 =	rddreg [dreg:$0x2];
	[bflag:$0x3] =	sbarrier.arrive $0xFFFF;
	s2 =	simm.s32 @!p0 $0x1C11  }
0x1d9: {  	[timem:s3], [sflag:s2] =	dma.local @!p0 [hbm:s0], s1  }
0x1da: {  	s0 =	simm.s32 @!p0 $0x11  }
0x1db: {  	_ =	swait.ge @!p0 [sflag:s0], s1  }
0x1dc: {  	s1 =	ssub.s32 @!p0 $0x0, s1;
	[sflag:s0] =	ssyncset.done @!p0 $0x0  }
0x1dd: {  	[sflag:s0] =	ssyncadd.s32 @!p0 s1  }
0x1de: {  	[bflag:$0x3] =	sbarrier.arrive $0xFFFF  }
0x1df: {  	_ =	shalt  }

</sc_bundles>
